<compile_context>
chip_gen: v7x
topology: tpu7x:2x2x1
jax: 0.10.2.dev20260603
libtpu: 0.0.44.dev20260713+nightly
codegen_flags: <defaults>
</compile_context>

<pallas_src>
import functools
import jax
import jax.numpy as jnp
from jax import lax
from jax.experimental import pallas as pl
from jax.experimental.pallas import tpu as pltpu
from jax.experimental.pallas import tpu_sc as plsc

N = 10000
E = 320000
DIN = 128
H = 128
DE = 16

NC = 2
NS = 16
NW = NC * NS
CH = 80
SB = 25
ROWS = E // CH
_RSQRT_H = 1.0 / (128.0 ** 0.5)



def _proj_body(x_ref, w_ref, b_ref, t_ref, skip_ref):
    p = (
        jnp.dot(x_ref[...], w_ref[...], preferred_element_type=jnp.float32)
        + b_ref[...]
    )
    t_ref[0] = p[:, 0:H]
    t_ref[1] = p[:, H:2 * H]
    t_ref[2] = p[:, 2 * H:3 * H]
    skip_ref[...] = p[:, 3 * H:4 * H]


def _proj(x, w, b, bm):
    n = x.shape[0]
    return pl.pallas_call(
        _proj_body,
        grid=(n // bm,),
        in_specs=[
            pl.BlockSpec((bm, DIN), lambda i: (i, 0)),
            pl.BlockSpec((DIN, 4 * H), lambda i: (0, 0)),
            pl.BlockSpec((1, 4 * H), lambda i: (0, 0)),
        ],
        out_specs=[
            pl.BlockSpec((3, bm, H), lambda i: (0, i, 0)),
            pl.BlockSpec((bm, H), lambda i: (i, 0)),
        ],
        out_shape=[
            jax.ShapeDtypeStruct((3, n, H), jnp.float32),
            jax.ShapeDtypeStruct((n, H), jnp.float32),
        ],
    )(x, w, b.reshape(1, 4 * H))


def _norm_proj_body(a_ref, den_ref, skip_ref, w_ref, b_ref, o_ref, h_ref):
    num = a_ref[...]
    den = den_ref[...]
    h = jnp.maximum(num / (den + 1e-16) + skip_ref[...], 0.0)
    h_ref[...] = h
    o = jnp.dot(h, w_ref[...], preferred_element_type=jnp.float32) + b_ref[...]
    o_ref[0] = o[:, 0:H]
    o_ref[1] = o[:, H:2 * H]


def _norm_proj(slabs, den, skip, w, b, bm):
    n = skip.shape[0]
    dout = w.shape[1]
    return pl.pallas_call(
        _norm_proj_body,
        grid=(n // bm,),
        in_specs=[
            pl.BlockSpec((bm, H), lambda i: (i, 0)),
            pl.BlockSpec((bm, 1), lambda i: (i, 0)),
            pl.BlockSpec((bm, H), lambda i: (i, 0)),
            pl.BlockSpec((H, dout), lambda i: (0, 0)),
            pl.BlockSpec((1, dout), lambda i: (0, 0)),
        ],
        out_specs=[
            pl.BlockSpec((2, bm, H), lambda i: (0, i, 0)),
            pl.BlockSpec((bm, H), lambda i: (i, 0)),
        ],
        out_shape=[
            jax.ShapeDtypeStruct((2, n, H), jnp.float32),
            jax.ShapeDtypeStruct((n, H), jnp.float32),
        ],
    )(slabs, den, skip, w, b.reshape(1, dout))


def _fin_body(s_ref, den_ref, xl_ref, xr_ref, att_ref, bg_ref, o_ref):
    xl = xl_ref[...]
    s = xl + xr_ref[...]
    s = jnp.where(s > 0, s, 0.2 * s)
    eself = jnp.exp(jnp.sum(s * att_ref[...], axis=-1, keepdims=True))
    num = s_ref[...] + eself * xl
    den = den_ref[...] + eself + 1e-16
    o_ref[...] = num / den + bg_ref[...]


def _finalize(slabs, den, xl, xr, att, bg, bm):
    n = xl.shape[0]
    return pl.pallas_call(
        _fin_body,
        grid=(n // bm,),
        in_specs=[
            pl.BlockSpec((bm, H), lambda i: (i, 0)),
            pl.BlockSpec((bm, 1), lambda i: (i, 0)),
            pl.BlockSpec((bm, H), lambda i: (i, 0)),
            pl.BlockSpec((bm, H), lambda i: (i, 0)),
            pl.BlockSpec((1, H), lambda i: (0, 0)),
            pl.BlockSpec((1, H), lambda i: (0, 0)),
        ],
        out_specs=pl.BlockSpec((bm, H), lambda i: (i, 0)),
        out_shape=jax.ShapeDtypeStruct((n, H), jnp.float32),
    )(slabs, den, xl, xr, att.reshape(1, H), bg.reshape(1, H))


def _mlp_body(ea_ref, w1_ref, b1_ref, g_ref, be_ref, w2_ref, b2_ref, o_ref):
    he = (
        jnp.dot(ea_ref[...], w1_ref[...], preferred_element_type=jnp.float32)
        + b1_ref[...]
    )
    mu = jnp.mean(he, axis=-1, keepdims=True)
    var = jnp.mean((he - mu) ** 2, axis=-1, keepdims=True)
    he = (he - mu) * jax.lax.rsqrt(var + 1e-5) * g_ref[...] + be_ref[...]
    he = jnp.maximum(he, 0.0)
    o_ref[...] = (
        jnp.dot(he, w2_ref[...], preferred_element_type=jnp.float32)
        + b2_ref[...]
    )


def _edge_mlp(ea, w1, b1, gamma, beta, w2, b2, bm):
    e = ea.shape[0]
    return pl.pallas_call(
        _mlp_body,
        grid=(e // bm,),
        in_specs=[
            pl.BlockSpec((bm, DE), lambda i: (i, 0)),
            pl.BlockSpec((DE, H), lambda i: (0, 0)),
            pl.BlockSpec((1, H), lambda i: (0, 0)),
            pl.BlockSpec((1, H), lambda i: (0, 0)),
            pl.BlockSpec((1, H), lambda i: (0, 0)),
            pl.BlockSpec((H, H), lambda i: (0, 0)),
            pl.BlockSpec((1, H), lambda i: (0, 0)),
        ],
        out_specs=pl.BlockSpec((bm, H), lambda i: (i, 0)),
        out_shape=jax.ShapeDtypeStruct((e, H), jnp.float32),
    )(ea, w1, b1.reshape(1, H), gamma.reshape(1, H), beta.reshape(1, H),
      w2, b2.reshape(1, H))



_N_STRIPE = 624
_N_REM = N - NS * _N_STRIPE
DR = 80
N2 = N + DR


def _mk_sc_attn(mode):
    mesh = plsc.VectorSubcoreMesh(
        core_axis_name="c", subcore_axis_name="s", num_cores=NC,
        num_subcores=NS,
    )

    @functools.partial(
        pl.kernel,
        out_type=jax.ShapeDtypeStruct((NC, N2, H), jnp.float32),
        mesh=mesh,
        scratch_types=[
            pltpu.VMEM((SB, 2, CH), jnp.int32),
            pltpu.VMEM((CH,), jnp.int32),
            pltpu.VMEM((CH,), jnp.int32),
            pltpu.VMEM((CH,), jnp.int32),
            pltpu.VMEM((2 * CH,), jnp.int32),
            pltpu.VMEM((CH, H), jnp.float32),
            pltpu.VMEM((CH, H), jnp.float32),
            pltpu.VMEM((2 * CH, H), jnp.float32),
            pltpu.VMEM((H,), jnp.float32),
            pltpu.VMEM_SHARED((N2, H), jnp.float32),
            pltpu.SemaphoreType.DMA,
            pltpu.SemaphoreType.DMA,
            pltpu.SemaphoreType.DMA,
        ],
    )
    def sc_attn(edges, tbl, attv, out,
                idxb, aidx, vidx, bidx, scidx, abuf, bbuf, obuf, attbuf,
                slab, sem_a, sem_b, sem_v):
        c = lax.axis_index("c")
        s = lax.axis_index("s")
        w = s * NC + c

        lanes = lax.iota(jnp.int32, 16)
        ng = CH // 16

        def zrow(i, _):
            for j in range(8):
                obuf[i, pl.ds(16 * j, 16)] = jnp.zeros((16,), jnp.float32)
            return 0
        lax.fori_loop(0, 2 * CH, zrow, 0)

        for t in range(_N_STRIPE // (2 * CH)):
            pltpu.sync_copy(
                obuf, slab.at[pl.ds(s * _N_STRIPE + t * 2 * CH, 2 * CH)])
        _rem = _N_STRIPE % (2 * CH)
        if _rem:
            pltpu.sync_copy(
                obuf.at[pl.ds(0, _rem)],
                slab.at[pl.ds(s * _N_STRIPE + _N_STRIPE - _rem, _rem)])

        @pl.when(s < (N2 - NS * _N_STRIPE) // 8)
        def _():
            pltpu.sync_copy(obuf.at[pl.ds(0, 8)],
                            slab.at[pl.ds(NS * _N_STRIPE + 8 * s, 8)])

        pltpu.sync_copy(attv, attbuf)
        plsc.subcore_barrier()

        attregs = [attbuf[pl.ds(16 * j, 16)] for j in range(8)]

        _gdn = lax.GatherDimensionNumbers(
            offset_dims=(), collapsed_slice_dims=(0,), start_index_map=(0,))

        def _shuf(vec, idx):
            return lax.gather(
                vec, idx[:, None], _gdn, (1,),
                mode=lax.GatherScatterMode.PROMISE_IN_BOUNDS)

        def _allsum(vec):
            for kk in (8, 4, 2, 1):
                vec = vec + _shuf(vec, lanes ^ kk)
            return vec

        nch = ROWS // NW
        base = w * nch

        def do_sb(t, _):
            pltpu.sync_copy(edges.at[pl.ds(base + SB * t, SB)], idxb)
            lax.fori_loop(0, SB, do_row, 0)
            return 0

        def do_row(i, _):
            for g in range(ng):
                sv = idxb[i, 0, pl.ds(16 * g, 16)]
                dv = idxb[i, 1, pl.ds(16 * g, 16)]
                if mode == "l1":
                    aidx[pl.ds(16 * g, 16)] = sv + N
                    vidx[pl.ds(16 * g, 16)] = sv + 2 * N
                    bidx[pl.ds(16 * g, 16)] = dv
                else:
                    aidx[pl.ds(16 * g, 16)] = sv
                    bidx[pl.ds(16 * g, 16)] = dv + N
                scidx[pl.ds(16 * g, 16)] = dv
                scidx[pl.ds(CH + 16 * g, 16)] = (
                    lax.shift_right_logical(dv, 7) + N)
            da = pltpu.async_copy(tbl.at[aidx], abuf, sem_a)
            db = pltpu.async_copy(tbl.at[bidx], bbuf, sem_b)
            if mode == "l1":
                dv_ = pltpu.async_copy(tbl.at[vidx],
                                       obuf.at[pl.ds(0, CH)], sem_v)
            da.wait()
            db.wait()
            if mode == "l1":
                dv_.wait()

            @plsc.parallel_loop(0, CH, unroll=2)
            def _edge(e):
                if mode == "l1":
                    acc = jnp.zeros((16,), jnp.float32)
                    for j in range(8):
                        a = abuf[e, pl.ds(16 * j, 16)]
                        b = bbuf[e, pl.ds(16 * j, 16)]
                        acc = acc + a * b
                    ex = jnp.exp(_allsum(acc) * _RSQRT_H)
                    for j in range(8):
                        v = obuf[e, pl.ds(16 * j, 16)]
                        obuf[e, pl.ds(16 * j, 16)] = v * ex
                else:
                    acc = jnp.zeros((16,), jnp.float32)
                    pay = []
                    for j in range(8):
                        a = abuf[e, pl.ds(16 * j, 16)]
                        pay.append(a)
                        t = a + bbuf[e, pl.ds(16 * j, 16)]
                        t = jnp.where(t > 0, t, 0.2 * t)
                        acc = acc + t * attregs[j]
                    ex = jnp.exp(_allsum(acc))
                    for j in range(8):
                        obuf[e, pl.ds(16 * j, 16)] = pay[j] * ex
                dvec = idxb[i, 1, pl.ds((e // 16) * 16, 16)]
                dlo = _shuf(dvec, jnp.full((16,), e % 16, jnp.int32)) & 127
                for j in range(8):
                    obuf[CH + e, pl.ds(16 * j, 16)] = jnp.where(
                        lanes + 16 * j == dlo, ex, 0.0)

            pltpu.sync_copy(obuf, slab.at[scidx], add=True)
            return 0

        lax.fori_loop(0, nch // SB, do_sb, 0)

        plsc.subcore_barrier()
        pltpu.sync_copy(slab.at[pl.ds(s * _N_STRIPE, _N_STRIPE)],
                        out.at[c].at[pl.ds(s * _N_STRIPE, _N_STRIPE)])

        @pl.when(s < (N2 - NS * _N_STRIPE) // 8)
        def _():
            pltpu.sync_copy(slab.at[pl.ds(NS * _N_STRIPE + 8 * s, 8)],
                            out.at[c].at[pl.ds(NS * _N_STRIPE + 8 * s, 8)])

    return sc_attn


_sc_attn_l1 = _mk_sc_attn("l1")
_sc_attn_l2 = _mk_sc_attn("l2")



def kernel(x, edge_index, edge_attr, Wq, bq, Wk, bk, Wv, bv, Wskip, bskip,
           Wl, bl, Wr, br, att, bg, W1, b1, gamma, beta, W2, b2):
    edges = jnp.stack(
        [edge_index[0].reshape(ROWS, CH), edge_index[1].reshape(ROWS, CH)],
        axis=1)

    wcat = jnp.concatenate([Wq, Wk, Wv, Wskip], axis=1)
    bcat = jnp.concatenate([bq, bk, bv, bskip], axis=0)
    qkv, skip = _proj(x, wcat, bcat, bm=1000)
    tbl1 = qkv.reshape(3 * N, H)

    slabs1 = _sc_attn_l1(edges, tbl1, att)
    acc1 = slabs1[0] + slabs1[1]
    den1 = acc1[N:].reshape(-1)[0:N].reshape(N, 1)

    wlr = jnp.concatenate([Wl, Wr], axis=1)
    blr = jnp.concatenate([bl, br], axis=0)
    xlr, h = _norm_proj(acc1[0:N], den1, skip, wlr, blr, bm=1000)
    xl = xlr[0]
    xr = xlr[1]
    tbl2 = jnp.concatenate(
        [xlr.reshape(2 * N, H), jnp.zeros((N, H), jnp.float32)], axis=0)

    slabs2 = _sc_attn_l2(edges, tbl2, att)
    acc2 = slabs2[0] + slabs2[1]
    den2 = acc2[N:].reshape(-1)[0:N].reshape(N, 1)

    z = _finalize(acc2[0:N], den2, xl, xr, att, bg, bm=1000)

    ef = _edge_mlp(edge_attr, W1, b1, gamma, beta, W2, b2, bm=2000)
    return (z, ef)

# --- scband reference (transcript-rebuilt; emitter-appended) ---
"""Pipeline reference for scband-advanced-qkdlink-predictor-71416716198331 (READ-ONLY COPY).

The authoritative reference and input builder live on the scoring server;
editing this copy changes nothing except your own understanding.
"""

import jax, jax.numpy as jnp
import numpy as np

N = 10000
E = 320000
DIN = 128
H = 128
DE = 16


def _glorot(k, shape):
    fan = shape[0] + shape[1]
    return jax.random.normal(k, shape, dtype=jnp.float32) * jnp.sqrt(2.0 / fan)


def setup_inputs(seed: int = 0):
    key = jax.random.key(seed)
    ks = jax.random.split(key, 24)
    inp = {}
    inp["x"] = jax.random.normal(ks[0], (N, DIN), dtype=jnp.float32)
    inp["edge_index"] = jax.random.randint(ks[1], (2, E), 0, N, dtype=jnp.int32)
    inp["edge_attr"] = jax.random.normal(ks[2], (E, DE), dtype=jnp.float32)
    # TransformerConv (heads=1, concat=True, root_weight=True)
    inp["Wq"] = _glorot(ks[3], (DIN, H)); inp["bq"] = jnp.zeros((H,), jnp.float32)
    inp["Wk"] = _glorot(ks[4], (DIN, H)); inp["bk"] = jnp.zeros((H,), jnp.float32)
    inp["Wv"] = _glorot(ks[5], (DIN, H)); inp["bv"] = jnp.zeros((H,), jnp.float32)
    inp["Wskip"] = _glorot(ks[6], (DIN, H)); inp["bskip"] = jnp.zeros((H,), jnp.float32)
    # GATv2Conv (heads=1, add_self_loops=True, share_weights=False)
    inp["Wl"] = _glorot(ks[7], (H, H)); inp["bl"] = jnp.zeros((H,), jnp.float32)
    inp["Wr"] = _glorot(ks[8], (H, H)); inp["br"] = jnp.zeros((H,), jnp.float32)
    inp["att"] = jax.random.normal(ks[9], (H,), dtype=jnp.float32) * 0.1
    inp["bg"] = jnp.zeros((H,), jnp.float32)
    # edge MLP: Linear -> LayerNorm -> ReLU -> (Dropout, inference no-op) -> Linear
    inp["W1"] = _glorot(ks[10], (DE, H)); inp["b1"] = jnp.zeros((H,), jnp.float32)
    inp["gamma"] = jnp.ones((H,), jnp.float32); inp["beta"] = jnp.zeros((H,), jnp.float32)
    inp["W2"] = _glorot(ks[11], (H, H)); inp["b2"] = jnp.zeros((H,), jnp.float32)
    return inp


def _segment_softmax(scores, seg, n):
    m = jax.ops.segment_max(scores, seg, num_segments=n)
    m = jnp.where(jnp.isfinite(m), m, 0.0)
    ex = jnp.exp(scores - m[seg])
    s = jax.ops.segment_sum(ex, seg, num_segments=n)
    return ex / (s[seg] + 1e-16)


def reference(x, edge_index, edge_attr, Wq, bq, Wk, bk, Wv, bv, Wskip, bskip,
              Wl, bl, Wr, br, att, bg, W1, b1, gamma, beta, W2, b2):
    src = edge_index[0]
    dst = edge_index[1]
    # --- TransformerConv ---
    q = x @ Wq + bq
    k = x @ Wk + bk
    v = x @ Wv + bv
    logits = jnp.sum(q[dst] * k[src], axis=-1) / jnp.sqrt(jnp.float32(H))
    alpha = _segment_softmax(logits, dst, N)
    h = jax.ops.segment_sum(alpha[:, None] * v[src], dst, num_segments=N)
    h = h + x @ Wskip + bskip
    h = jax.nn.relu(h)
    # --- GATv2Conv (with self loops) ---
    loop = jnp.arange(N, dtype=src.dtype)
    s2 = jnp.concatenate([src, loop])
    d2 = jnp.concatenate([dst, loop])
    xl = h @ Wl + bl
    xr = h @ Wr + br
    e = jax.nn.leaky_relu(xl[s2] + xr[d2], negative_slope=0.2) @ att
    a2 = _segment_softmax(e, d2, N)
    z = jax.ops.segment_sum(a2[:, None] * xl[s2], d2, num_segments=N) + bg
    # --- edge MLP ---
    he = edge_attr @ W1 + b1
    mu = jnp.mean(he, axis=-1, keepdims=True)
    var = jnp.var(he, axis=-1, keepdims=True)
    he = (he - mu) / jnp.sqrt(var + 1e-5) * gamma + beta
    he = jax.nn.relu(he)
    ef = he @ W2 + b2
    return (z, ef)

if __name__ == "__main__":
    import jax
    _d = setup_inputs()
    print(jax.jit(kernel)(*tuple(_d.values())))

</pallas_src>

<mosaic_0001>
#map = affine_map<(d0, d1) -> (0, 0, 0)>
#map1 = affine_map<(d0, d1) -> (0, 0)>
#map2 = affine_map<(d0, d1) -> (0)>
module attributes {stable_mosaic.version = 14 : i64} {
  func.func @sc_attn(%arg0: i32, %arg1: i32, %arg2: memref<4000x2x80xi32, #tpu.memory_space<hbm>>, %arg3: memref<30000x128xf32, #tpu.memory_space<hbm>>, %arg4: memref<128xf32, #tpu.memory_space<hbm>>, %arg5: memref<2x10080x128xf32, #tpu.memory_space<hbm>>, %arg6: memref<25x2x80xi32, #tpu.memory_space<vmem>>, %arg7: memref<80xi32, #tpu.memory_space<vmem>>, %arg8: memref<80xi32, #tpu.memory_space<vmem>>, %arg9: memref<80xi32, #tpu.memory_space<vmem>>, %arg10: memref<160xi32, #tpu.memory_space<vmem>>, %arg11: memref<80x128xf32, #tpu.memory_space<vmem>>, %arg12: memref<80x128xf32, #tpu.memory_space<vmem>>, %arg13: memref<160x128xf32, #tpu.memory_space<vmem>>, %arg14: memref<128xf32, #tpu.memory_space<vmem>>, %arg15: memref<10080x128xf32, #tpu.memory_space<vmem_shared>>, %arg16: memref<!tpu.dma_semaphore, #tpu.memory_space<semaphore_mem>>, %arg17: memref<!tpu.dma_semaphore, #tpu.memory_space<semaphore_mem>>, %arg18: memref<!tpu.dma_semaphore, #tpu.memory_space<semaphore_mem>>) attributes {dimension_semantics = [#tpu.dimension_semantics<core_parallel>, #tpu.dimension_semantics<subcore_parallel>], iteration_bounds = array<i64: 2, 16>, scalar_prefetch = 0 : i64, scratch_operands = 13 : i64, tpu.core_type = #tpu.core_type<sc_vector_subcore>, window_params = [{transform_indices = #map}, {transform_indices = #map1}, {transform_indices = #map2}, {transform_indices = #map}]} {
    %mul3A = arith.constant 2 : i32
    %mul3A_0 = arith.muli %arg1, %mul3A : i32
    %add3A = arith.addi %mul3A_0, %arg0 : i32
    %iota3A = tpu.iota {dimensions = array<i32: 0>} : vector<16xi32>
    %scan3A = arith.constant 0 : i32
    %scan3A_1 = arith.constant 0 : i32
    %scan3A_2 = arith.constant 160 : i32
    %scan3A_3 = arith.addi %scan3A_1, %scan3A_2 : i32
    %scan3A_4 = arith.constant 1 : i32
    %scan3A_5 = scf.for %scan3A_68 = %scan3A_1 to %scan3A_3 step %scan3A_4 iter_args(%scan3A_69 = %scan3A) -> (i32)  : i32 {
      %broadcast_in_dim3A = arith.constant 0.000000e+00 : f32
      %broadcast_in_dim3A_70 = vector.broadcast %broadcast_in_dim3A : f32 to vector<16xf32>
      %swap3A = arith.index_cast %scan3A_68 : i32 to index
      %swap3A_71 = arith.constant 0 : index
      %swap3A_72 = tpu.vector_load %arg13[%swap3A, %swap3A_71] {strides = array<i32>} : memref<160x128xf32, #tpu.memory_space<vmem>>, vector<1x16xf32>,
      %swap3A_73 = vector.shape_cast %swap3A_72 : vector<1x16xf32> to vector<16xf32>
      %swap3A_74 = vector.shape_cast %broadcast_in_dim3A_70 : vector<16xf32> to vector<1x16xf32>
      tpu.vector_store %arg13[%swap3A, %swap3A_71], %swap3A_74 {strides = array<i32>} : memref<160x128xf32, #tpu.memory_space<vmem>>, vector<1x16xf32>,
      %broadcast_in_dim3A_75 = arith.constant 0.000000e+00 : f32
      %broadcast_in_dim3A_76 = vector.broadcast %broadcast_in_dim3A_75 : f32 to vector<16xf32>
      %swap3A_77 = arith.index_cast %scan3A_68 : i32 to index
      %swap3A_78 = arith.constant 16 : index
      %swap3A_79 = tpu.vector_load %arg13[%swap3A_77, %swap3A_78] {strides = array<i32>} : memref<160x128xf32, #tpu.memory_space<vmem>>, vector<1x16xf32>,
      %swap3A_80 = vector.shape_cast %swap3A_79 : vector<1x16xf32> to vector<16xf32>
      %swap3A_81 = vector.shape_cast %broadcast_in_dim3A_76 : vector<16xf32> to vector<1x16xf32>
      tpu.vector_store %arg13[%swap3A_77, %swap3A_78], %swap3A_81 {strides = array<i32>} : memref<160x128xf32, #tpu.memory_space<vmem>>, vector<1x16xf32>,
      %broadcast_in_dim3A_82 = arith.constant 0.000000e+00 : f32
      %broadcast_in_dim3A_83 = vector.broadcast %broadcast_in_dim3A_82 : f32 to vector<16xf32>
      %swap3A_84 = arith.index_cast %scan3A_68 : i32 to index
      %swap3A_85 = arith.constant 32 : index
      %swap3A_86 = tpu.vector_load %arg13[%swap3A_84, %swap3A_85] {strides = array<i32>} : memref<160x128xf32, #tpu.memory_space<vmem>>, vector<1x16xf32>,
      %swap3A_87 = vector.shape_cast %swap3A_86 : vector<1x16xf32> to vector<16xf32>
      %swap3A_88 = vector.shape_cast %broadcast_in_dim3A_83 : vector<16xf32> to vector<1x16xf32>
      tpu.vector_store %arg13[%swap3A_84, %swap3A_85], %swap3A_88 {strides = array<i32>} : memref<160x128xf32, #tpu.memory_space<vmem>>, vector<1x16xf32>,
      %broadcast_in_dim3A_89 = arith.constant 0.000000e+00 : f32
      %broadcast_in_dim3A_90 = vector.broadcast %broadcast_in_dim3A_89 : f32 to vector<16xf32>
      %swap3A_91 = arith.index_cast %scan3A_68 : i32 to index
      %swap3A_92 = arith.constant 48 : index
      %swap3A_93 = tpu.vector_load %arg13[%swap3A_91, %swap3A_92] {strides = array<i32>} : memref<160x128xf32, #tpu.memory_space<vmem>>, vector<1x16xf32>,
      %swap3A_94 = vector.shape_cast %swap3A_93 : vector<1x16xf32> to vector<16xf32>
      %swap3A_95 = vector.shape_cast %broadcast_in_dim3A_90 : vector<16xf32> to vector<1x16xf32>
      tpu.vector_store %arg13[%swap3A_91, %swap3A_92], %swap3A_95 {strides = array<i32>} : memref<160x128xf32, #tpu.memory_space<vmem>>, vector<1x16xf32>,
      %broadcast_in_dim3A_96 = arith.constant 0.000000e+00 : f32
      %broadcast_in_dim3A_97 = vector.broadcast %broadcast_in_dim3A_96 : f32 to vector<16xf32>
      %swap3A_98 = arith.index_cast %scan3A_68 : i32 to index
      %swap3A_99 = arith.constant 64 : index
      %swap3A_100 = tpu.vector_load %arg13[%swap3A_98, %swap3A_99] {strides = array<i32>} : memref<160x128xf32, #tpu.memory_space<vmem>>, vector<1x16xf32>,
      %swap3A_101 = vector.shape_cast %swap3A_100 : vector<1x16xf32> to vector<16xf32>
      %swap3A_102 = vector.shape_cast %broadcast_in_dim3A_97 : vector<16xf32> to vector<1x16xf32>
      tpu.vector_store %arg13[%swap3A_98, %swap3A_99], %swap3A_102 {strides = array<i32>} : memref<160x128xf32, #tpu.memory_space<vmem>>, vector<1x16xf32>,
      %broadcast_in_dim3A_103 = arith.constant 0.000000e+00 : f32
      %broadcast_in_dim3A_104 = vector.broadcast %broadcast_in_dim3A_103 : f32 to vector<16xf32>
      %swap3A_105 = arith.index_cast %scan3A_68 : i32 to index
      %swap3A_106 = arith.constant 80 : index
      %swap3A_107 = tpu.vector_load %arg13[%swap3A_105, %swap3A_106] {strides = array<i32>} : memref<160x128xf32, #tpu.memory_space<vmem>>, vector<1x16xf32>,
      %swap3A_108 = vector.shape_cast %swap3A_107 : vector<1x16xf32> to vector<16xf32>
      %swap3A_109 = vector.shape_cast %broadcast_in_dim3A_104 : vector<16xf32> to vector<1x16xf32>
      tpu.vector_store %arg13[%swap3A_105, %swap3A_106], %swap3A_109 {strides = array<i32>} : memref<160x128xf32, #tpu.memory_space<vmem>>, vector<1x16xf32>,
      %broadcast_in_dim3A_110 = arith.constant 0.000000e+00 : f32
      %broadcast_in_dim3A_111 = vector.broadcast %broadcast_in_dim3A_110 : f32 to vector<16xf32>
      %swap3A_112 = arith.index_cast %scan3A_68 : i32 to index
      %swap3A_113 = arith.constant 96 : index
      %swap3A_114 = tpu.vector_load %arg13[%swap3A_112, %swap3A_113] {strides = array<i32>} : memref<160x128xf32, #tpu.memory_space<vmem>>, vector<1x16xf32>,
      %swap3A_115 = vector.shape_cast %swap3A_114 : vector<1x16xf32> to vector<16xf32>
      %swap3A_116 = vector.shape_cast %broadcast_in_dim3A_111 : vector<16xf32> to vector<1x16xf32>
      tpu.vector_store %arg13[%swap3A_112, %swap3A_113], %swap3A_116 {strides = array<i32>} : memref<160x128xf32, #tpu.memory_space<vmem>>, vector<1x16xf32>,
      %broadcast_in_dim3A_117 = arith.constant 0.000000e+00 : f32
      %broadcast_in_dim3A_118 = vector.broadcast %broadcast_in_dim3A_117 : f32 to vector<16xf32>
      %swap3A_119 = arith.index_cast %scan3A_68 : i32 to index
      %swap3A_120 = arith.constant 112 : index
      %swap3A_121 = tpu.vector_load %arg13[%swap3A_119, %swap3A_120] {strides = array<i32>} : memref<160x128xf32, #tpu.memory_space<vmem>>, vector<1x16xf32>,
      %swap3A_122 = vector.shape_cast %swap3A_121 : vector<1x16xf32> to vector<16xf32>
      %swap3A_123 = vector.shape_cast %broadcast_in_dim3A_118 : vector<16xf32> to vector<1x16xf32>
      tpu.vector_store %arg13[%swap3A_119, %swap3A_120], %swap3A_123 {strides = array<i32>} : memref<160x128xf32, #tpu.memory_space<vmem>>, vector<1x16xf32>,
      %scan3A_124 = arith.constant 0 : i32
      scf.yield %scan3A_124 : i32
    }
    %scan3A_6 = arith.constant 160 : i32
    %mul3A_7 = arith.constant 624 : i32
    %mul3A_8 = arith.muli %arg1, %mul3A_7 : i32
    %add3A_9 = arith.constant 0 : i32
    %add3A_10 = arith.addi %mul3A_8, %add3A_9 : i32
    "tpu.region"() ({
      %run_scoped3A = tpu.sem_alloc : memref<!tpu.dma_semaphore, #tpu.memory_space<semaphore_mem>>
      %dma_start3A = arith.constant 0 : i32
      %dma_start3A_68 = tpu.memref_slice %arg15[%add3A_10, %dma_start3A] : memref<10080x128xf32, #tpu.memory_space<vmem_shared>> -> memref<160x128xf32, #tpu.memory_space<vmem_shared>>
      %dma_start3A_69 = arith.constant 0 : i32
      %dma_start3A_70 = tpu.memref_slice %arg15[%add3A_10, %dma_start3A_69] : memref<10080x128xf32, #tpu.memory_space<vmem_shared>> -> memref<160x128xf32, #tpu.memory_space<vmem_shared>>
      tpu.enqueue_dma source(%arg13 : memref<160x128xf32, #tpu.memory_space<vmem>>) target(%dma_start3A_70 : memref<160x128xf32, #tpu.memory_space<vmem_shared>>) target_semaphore(%run_scoped3A : memref<!tpu.dma_semaphore, #tpu.memory_space<semaphore_mem>>)
      %dma_wait3A = arith.constant 0 : i32
      %dma_wait3A_71 = tpu.memref_slice %arg15[%add3A_10, %dma_wait3A] : memref<10080x128xf32, #tpu.memory_space<vmem_shared>> -> memref<160x128xf32, #tpu.memory_space<vmem_shared>>
      %dma_wait3A_72 = arith.constant 0 : i32
      %dma_wait3A_73 = tpu.memref_slice %arg15[%add3A_10, %dma_wait3A_72] : memref<10080x128xf32, #tpu.memory_space<vmem_shared>> -> memref<160x128xf32, #tpu.memory_space<vmem_shared>>
      tpu.wait_dma2 semaphore(%run_scoped3A : memref<!tpu.dma_semaphore, #tpu.memory_space<semaphore_mem>>) src(%arg13 : memref<160x128xf32, #tpu.memory_space<vmem>>) dst(%dma_wait3A_73 : memref<160x128xf32, #tpu.memory_space<vmem_shared>>)
      tpu.yield
    }) : () -> ()
    %mul3A_11 = arith.constant 624 : i32
    %mul3A_12 = arith.muli %arg1, %mul3A_11 : i32
    %add3A_13 = arith.constant 160 : i32
    %add3A_14 = arith.addi %mul3A_12, %add3A_13 : i32
    "tpu.region"() ({
      %run_scoped3A = tpu.sem_alloc : memref<!tpu.dma_semaphore, #tpu.memory_space<semaphore_mem>>
      %dma_start3A = arith.constant 0 : i32
      %dma_start3A_68 = tpu.memref_slice %arg15[%add3A_14, %dma_start3A] : memref<10080x128xf32, #tpu.memory_space<vmem_shared>> -> memref<160x128xf32, #tpu.memory_space<vmem_shared>>
      %dma_start3A_69 = arith.constant 0 : i32
      %dma_start3A_70 = tpu.memref_slice %arg15[%add3A_14, %dma_start3A_69] : memref<10080x128xf32, #tpu.memory_space<vmem_shared>> -> memref<160x128xf32, #tpu.memory_space<vmem_shared>>
      tpu.enqueue_dma source(%arg13 : memref<160x128xf32, #tpu.memory_space<vmem>>) target(%dma_start3A_70 : memref<160x128xf32, #tpu.memory_space<vmem_shared>>) target_semaphore(%run_scoped3A : memref<!tpu.dma_semaphore, #tpu.memory_space<semaphore_mem>>)
      %dma_wait3A = arith.constant 0 : i32
      %dma_wait3A_71 = tpu.memref_slice %arg15[%add3A_14, %dma_wait3A] : memref<10080x128xf32, #tpu.memory_space<vmem_shared>> -> memref<160x128xf32, #tpu.memory_space<vmem_shared>>
      %dma_wait3A_72 = arith.constant 0 : i32
      %dma_wait3A_73 = tpu.memref_slice %arg15[%add3A_14, %dma_wait3A_72] : memref<10080x128xf32, #tpu.memory_space<vmem_shared>> -> memref<160x128xf32, #tpu.memory_space<vmem_shared>>
      tpu.wait_dma2 semaphore(%run_scoped3A : memref<!tpu.dma_semaphore, #tpu.memory_space<semaphore_mem>>) src(%arg13 : memref<160x128xf32, #tpu.memory_space<vmem>>) dst(%dma_wait3A_73 : memref<160x128xf32, #tpu.memory_space<vmem_shared>>)
      tpu.yield
    }) : () -> ()
    %mul3A_15 = arith.constant 624 : i32
    %mul3A_16 = arith.muli %arg1, %mul3A_15 : i32
    %add3A_17 = arith.constant 320 : i32
    %add3A_18 = arith.addi %mul3A_16, %add3A_17 : i32
    "tpu.region"() ({
      %run_scoped3A = tpu.sem_alloc : memref<!tpu.dma_semaphore, #tpu.memory_space<semaphore_mem>>
      %dma_start3A = arith.constant 0 : i32
      %dma_start3A_68 = tpu.memref_slice %arg15[%add3A_18, %dma_start3A] : memref<10080x128xf32, #tpu.memory_space<vmem_shared>> -> memref<160x128xf32, #tpu.memory_space<vmem_shared>>
      %dma_start3A_69 = arith.constant 0 : i32
      %dma_start3A_70 = tpu.memref_slice %arg15[%add3A_18, %dma_start3A_69] : memref<10080x128xf32, #tpu.memory_space<vmem_shared>> -> memref<160x128xf32, #tpu.memory_space<vmem_shared>>
      tpu.enqueue_dma source(%arg13 : memref<160x128xf32, #tpu.memory_space<vmem>>) target(%dma_start3A_70 : memref<160x128xf32, #tpu.memory_space<vmem_shared>>) target_semaphore(%run_scoped3A : memref<!tpu.dma_semaphore, #tpu.memory_space<semaphore_mem>>)
      %dma_wait3A = arith.constant 0 : i32
      %dma_wait3A_71 = tpu.memref_slice %arg15[%add3A_18, %dma_wait3A] : memref<10080x128xf32, #tpu.memory_space<vmem_shared>> -> memref<160x128xf32, #tpu.memory_space<vmem_shared>>
      %dma_wait3A_72 = arith.constant 0 : i32
      %dma_wait3A_73 = tpu.memref_slice %arg15[%add3A_18, %dma_wait3A_72] : memref<10080x128xf32, #tpu.memory_space<vmem_shared>> -> memref<160x128xf32, #tpu.memory_space<vmem_shared>>
      tpu.wait_dma2 semaphore(%run_scoped3A : memref<!tpu.dma_semaphore, #tpu.memory_space<semaphore_mem>>) src(%arg13 : memref<160x128xf32, #tpu.memory_space<vmem>>) dst(%dma_wait3A_73 : memref<160x128xf32, #tpu.memory_space<vmem_shared>>)
      tpu.yield
    }) : () -> ()
    %mul3A_19 = arith.constant 624 : i32
    %mul3A_20 = arith.muli %arg1, %mul3A_19 : i32
    %add3A_21 = arith.constant 624 : i32
    %add3A_22 = arith.addi %mul3A_20, %add3A_21 : i32
    %sub3A = arith.constant 144 : i32
    %sub3A_23 = arith.subi %add3A_22, %sub3A : i32
    "tpu.region"() ({
      %run_scoped3A = tpu.sem_alloc : memref<!tpu.dma_semaphore, #tpu.memory_space<semaphore_mem>>
      %dma_start3A = arith.constant 0 : i32
      %dma_start3A_68 = arith.constant 0 : i32
      %dma_start3A_69 = tpu.memref_slice %arg13[%dma_start3A, %dma_start3A_68] : memref<160x128xf32, #tpu.memory_space<vmem>> -> memref<144x128xf32, #tpu.memory_space<vmem>>
      %dma_start3A_70 = arith.constant 0 : i32
      %dma_start3A_71 = tpu.memref_slice %arg15[%sub3A_23, %dma_start3A_70] : memref<10080x128xf32, #tpu.memory_space<vmem_shared>> -> memref<144x128xf32, #tpu.memory_space<vmem_shared>>
      %dma_start3A_72 = arith.constant 0 : i32
      %dma_start3A_73 = tpu.memref_slice %arg15[%sub3A_23, %dma_start3A_72] : memref<10080x128xf32, #tpu.memory_space<vmem_shared>> -> memref<144x128xf32, #tpu.memory_space<vmem_shared>>
      %dma_start3A_74 = arith.constant 0 : i32
      %dma_start3A_75 = arith.constant 0 : i32
      %dma_start3A_76 = tpu.memref_slice %arg13[%dma_start3A_74, %dma_start3A_75] : memref<160x128xf32, #tpu.memory_space<vmem>> -> memref<144x128xf32, #tpu.memory_space<vmem>>
      tpu.enqueue_dma source(%dma_start3A_76 : memref<144x128xf32, #tpu.memory_space<vmem>>) target(%dma_start3A_73 : memref<144x128xf32, #tpu.memory_space<vmem_shared>>) target_semaphore(%run_scoped3A : memref<!tpu.dma_semaphore, #tpu.memory_space<semaphore_mem>>)
      %dma_wait3A = arith.constant 0 : i32
      %dma_wait3A_77 = arith.constant 0 : i32
      %dma_wait3A_78 = tpu.memref_slice %arg13[%dma_wait3A, %dma_wait3A_77] : memref<160x128xf32, #tpu.memory_space<vmem>> -> memref<144x128xf32, #tpu.memory_space<vmem>>
      %dma_wait3A_79 = arith.constant 0 : i32
      %dma_wait3A_80 = tpu.memref_slice %arg15[%sub3A_23, %dma_wait3A_79] : memref<10080x128xf32, #tpu.memory_space<vmem_shared>> -> memref<144x128xf32, #tpu.memory_space<vmem_shared>>
      %dma_wait3A_81 = arith.constant 0 : i32
      %dma_wait3A_82 = tpu.memref_slice %arg15[%sub3A_23, %dma_wait3A_81] : memref<10080x128xf32, #tpu.memory_space<vmem_shared>> -> memref<144x128xf32, #tpu.memory_space<vmem_shared>>
      %dma_wait3A_83 = arith.constant 0 : i32
      %dma_wait3A_84 = arith.constant 0 : i32
      %dma_wait3A_85 = tpu.memref_slice %arg13[%dma_wait3A_83, %dma_wait3A_84] : memref<160x128xf32, #tpu.memory_space<vmem>> -> memref<144x128xf32, #tpu.memory_space<vmem>>
      tpu.wait_dma2 semaphore(%run_scoped3A : memref<!tpu.dma_semaphore, #tpu.memory_space<semaphore_mem>>) src(%dma_wait3A_85 : memref<144x128xf32, #tpu.memory_space<vmem>>) dst(%dma_wait3A_82 : memref<144x128xf32, #tpu.memory_space<vmem_shared>>)
      tpu.yield
    }) : () -> ()
    %lt3A = arith.constant 12 : i32
    %lt3A_24 = arith.cmpi slt, %arg1, %lt3A : i32
    %convert_element_type3A = arith.extui %lt3A_24 : i1 to i32
    %cond3A = arith.constant 0 : i32
    %cond3A_25 = arith.cmpi ne, %convert_element_type3A, %cond3A : i32
    scf.if %cond3A_25 {
      %mul3A_68 = arith.constant 8 : i32
      %mul3A_69 = arith.muli %mul3A_68, %arg1 : i32
      %add3A_70 = arith.constant 9984 : i32
      %add3A_71 = arith.addi %add3A_70, %mul3A_69 : i32
      "tpu.region"() ({
        %run_scoped3A = tpu.sem_alloc : memref<!tpu.dma_semaphore, #tpu.memory_space<semaphore_mem>>
        %dma_start3A = arith.constant 0 : i32
        %dma_start3A_72 = arith.constant 0 : i32
        %dma_start3A_73 = tpu.memref_slice %arg13[%dma_start3A, %dma_start3A_72] : memref<160x128xf32, #tpu.memory_space<vmem>> -> memref<8x128xf32, #tpu.memory_space<vmem>>
        %dma_start3A_74 = arith.constant 0 : i32
        %dma_start3A_75 = tpu.memref_slice %arg15[%add3A_71, %dma_start3A_74] : memref<10080x128xf32, #tpu.memory_space<vmem_shared>> -> memref<8x128xf32, #tpu.memory_space<vmem_shared>>
        %dma_start3A_76 = arith.constant 0 : i32
        %dma_start3A_77 = tpu.memref_slice %arg15[%add3A_71, %dma_start3A_76] : memref<10080x128xf32, #tpu.memory_space<vmem_shared>> -> memref<8x128xf32, #tpu.memory_space<vmem_shared>>
        %dma_start3A_78 = arith.constant 0 : i32
        %dma_start3A_79 = arith.constant 0 : i32
        %dma_start3A_80 = tpu.memref_slice %arg13[%dma_start3A_78, %dma_start3A_79] : memref<160x128xf32, #tpu.memory_space<vmem>> -> memref<8x128xf32, #tpu.memory_space<vmem>>
        tpu.enqueue_dma source(%dma_start3A_80 : memref<8x128xf32, #tpu.memory_space<vmem>>) target(%dma_start3A_77 : memref<8x128xf32, #tpu.memory_space<vmem_shared>>) target_semaphore(%run_scoped3A : memref<!tpu.dma_semaphore, #tpu.memory_space<semaphore_mem>>)
        %dma_wait3A = arith.constant 0 : i32
        %dma_wait3A_81 = arith.constant 0 : i32
        %dma_wait3A_82 = tpu.memref_slice %arg13[%dma_wait3A, %dma_wait3A_81] : memref<160x128xf32, #tpu.memory_space<vmem>> -> memref<8x128xf32, #tpu.memory_space<vmem>>
        %dma_wait3A_83 = arith.constant 0 : i32
        %dma_wait3A_84 = tpu.memref_slice %arg15[%add3A_71, %dma_wait3A_83] : memref<10080x128xf32, #tpu.memory_space<vmem_shared>> -> memref<8x128xf32, #tpu.memory_space<vmem_shared>>
        %dma_wait3A_85 = arith.constant 0 : i32
        %dma_wait3A_86 = tpu.memref_slice %arg15[%add3A_71, %dma_wait3A_85] : memref<10080x128xf32, #tpu.memory_space<vmem_shared>> -> memref<8x128xf32, #tpu.memory_space<vmem_shared>>
        %dma_wait3A_87 = arith.constant 0 : i32
        %dma_wait3A_88 = arith.constant 0 : i32
        %dma_wait3A_89 = tpu.memref_slice %arg13[%dma_wait3A_87, %dma_wait3A_88] : memref<160x128xf32, #tpu.memory_space<vmem>> -> memref<8x128xf32, #tpu.memory_space<vmem>>
        tpu.wait_dma2 semaphore(%run_scoped3A : memref<!tpu.dma_semaphore, #tpu.memory_space<semaphore_mem>>) src(%dma_wait3A_89 : memref<8x128xf32, #tpu.memory_space<vmem>>) dst(%dma_wait3A_86 : memref<8x128xf32, #tpu.memory_space<vmem_shared>>)
        tpu.yield
      }) : () -> ()
    } else {
    }
    "tpu.region"() ({
      %run_scoped3A = tpu.sem_alloc : memref<!tpu.dma_semaphore, #tpu.memory_space<semaphore_mem>>
      tpu.enqueue_dma source(%arg4 : memref<128xf32, #tpu.memory_space<hbm>>) target(%arg14 : memref<128xf32, #tpu.memory_space<vmem>>) target_semaphore(%run_scoped3A : memref<!tpu.dma_semaphore, #tpu.memory_space<semaphore_mem>>)
      tpu.wait_dma2 semaphore(%run_scoped3A : memref<!tpu.dma_semaphore, #tpu.memory_space<semaphore_mem>>) src(%arg4 : memref<128xf32, #tpu.memory_space<hbm>>) dst(%arg14 : memref<128xf32, #tpu.memory_space<vmem>>)
      tpu.yield
    }) : () -> ()
    %barrier3A = arith.constant 0 : index
    tpu.barrier barrier_id(%barrier3A)
    %get3A = arith.constant 0 : index
    %get3A_26 = tpu.vector_load %arg14[%get3A] {strides = array<i32>} : memref<128xf32, #tpu.memory_space<vmem>>, vector<16xf32>,
    %get3A_27 = vector.shape_cast %get3A_26 : vector<16xf32> to vector<16xf32>
    %get3A_28 = arith.constant 16 : index
    %get3A_29 = tpu.vector_load %arg14[%get3A_28] {strides = array<i32>} : memref<128xf32, #tpu.memory_space<vmem>>, vector<16xf32>,
    %get3A_30 = vector.shape_cast %get3A_29 : vector<16xf32> to vector<16xf32>
    %get3A_31 = arith.constant 32 : index
    %get3A_32 = tpu.vector_load %arg14[%get3A_31] {strides = array<i32>} : memref<128xf32, #tpu.memory_space<vmem>>, vector<16xf32>,
    %get3A_33 = vector.shape_cast %get3A_32 : vector<16xf32> to vector<16xf32>
    %get3A_34 = arith.constant 48 : index
    %get3A_35 = tpu.vector_load %arg14[%get3A_34] {strides = array<i32>} : memref<128xf32, #tpu.memory_space<vmem>>, vector<16xf32>,
    %get3A_36 = vector.shape_cast %get3A_35 : vector<16xf32> to vector<16xf32>
    %get3A_37 = arith.constant 64 : index
    %get3A_38 = tpu.vector_load %arg14[%get3A_37] {strides = array<i32>} : memref<128xf32, #tpu.memory_space<vmem>>, vector<16xf32>,
    %get3A_39 = vector.shape_cast %get3A_38 : vector<16xf32> to vector<16xf32>
    %get3A_40 = arith.constant 80 : index
    %get3A_41 = tpu.vector_load %arg14[%get3A_40] {strides = array<i32>} : memref<128xf32, #tpu.memory_space<vmem>>, vector<16xf32>,
    %get3A_42 = vector.shape_cast %get3A_41 : vector<16xf32> to vector<16xf32>
    %get3A_43 = arith.constant 96 : index
    %get3A_44 = tpu.vector_load %arg14[%get3A_43] {strides = array<i32>} : memref<128xf32, #tpu.memory_space<vmem>>, vector<16xf32>,
    %get3A_45 = vector.shape_cast %get3A_44 : vector<16xf32> to vector<16xf32>
    %get3A_46 = arith.constant 112 : index
    %get3A_47 = tpu.vector_load %arg14[%get3A_46] {strides = array<i32>} : memref<128xf32, #tpu.memory_space<vmem>>, vector<16xf32>,
    %get3A_48 = vector.shape_cast %get3A_47 : vector<16xf32> to vector<16xf32>
    %mul3A_49 = arith.constant 125 : i32
    %mul3A_50 = arith.muli %add3A, %mul3A_49 : i32
    %scan3A_51 = arith.constant 0 : i32
    %scan3A_52 = arith.constant 0 : i32
    %scan3A_53 = arith.constant 5 : i32
    %scan3A_54 = arith.addi %scan3A_52, %scan3A_53 : i32
    %scan3A_55 = arith.constant 1 : i32
    %scan3A_56 = scf.for %scan3A_68 = %scan3A_52 to %scan3A_54 step %scan3A_55 iter_args(%scan3A_69 = %scan3A_51) -> (i32)  : i32 {
      %mul3A_70 = arith.constant 25 : i32
      %mul3A_71 = arith.muli %mul3A_70, %scan3A_68 : i32
      %add3A_72 = arith.addi %mul3A_50, %mul3A_71 : i32
      "tpu.region"() ({
        %run_scoped3A = tpu.sem_alloc : memref<!tpu.dma_semaphore, #tpu.memory_space<semaphore_mem>>
        %dma_start3A = arith.constant 0 : i32
        %dma_start3A_81 = arith.constant 0 : i32
        %dma_start3A_82 = tpu.memref_slice %arg2[%add3A_72, %dma_start3A, %dma_start3A_81] : memref<4000x2x80xi32, #tpu.memory_space<hbm>> -> memref<25x2x80xi32, #tpu.memory_space<hbm>>
        %dma_start3A_83 = arith.constant 0 : i32
        %dma_start3A_84 = arith.constant 0 : i32
        %dma_start3A_85 = tpu.memref_slice %arg2[%add3A_72, %dma_start3A_83, %dma_start3A_84] : memref<4000x2x80xi32, #tpu.memory_space<hbm>> -> memref<25x2x80xi32, #tpu.memory_space<hbm>>
        tpu.enqueue_dma source(%dma_start3A_85 : memref<25x2x80xi32, #tpu.memory_space<hbm>>) target(%arg6 : memref<25x2x80xi32, #tpu.memory_space<vmem>>) target_semaphore(%run_scoped3A : memref<!tpu.dma_semaphore, #tpu.memory_space<semaphore_mem>>)
        %dma_wait3A = arith.constant 0 : i32
        %dma_wait3A_86 = arith.constant 0 : i32
        %dma_wait3A_87 = tpu.memref_slice %arg2[%add3A_72, %dma_wait3A, %dma_wait3A_86] : memref<4000x2x80xi32, #tpu.memory_space<hbm>> -> memref<25x2x80xi32, #tpu.memory_space<hbm>>
        %dma_wait3A_88 = arith.constant 0 : i32
        %dma_wait3A_89 = arith.constant 0 : i32
        %dma_wait3A_90 = tpu.memref_slice %arg2[%add3A_72, %dma_wait3A_88, %dma_wait3A_89] : memref<4000x2x80xi32, #tpu.memory_space<hbm>> -> memref<25x2x80xi32, #tpu.memory_space<hbm>>
        tpu.wait_dma2 semaphore(%run_scoped3A : memref<!tpu.dma_semaphore, #tpu.memory_space<semaphore_mem>>) src(%dma_wait3A_90 : memref<25x2x80xi32, #tpu.memory_space<hbm>>) dst(%arg6 : memref<25x2x80xi32, #tpu.memory_space<vmem>>)
        tpu.yield
      }) : () -> ()
      %scan3A_73 = arith.constant 0 : i32
      %scan3A_74 = arith.constant 0 : i32
      %scan3A_75 = arith.constant 25 : i32
      %scan3A_76 = arith.addi %scan3A_74, %scan3A_75 : i32
      %scan3A_77 = arith.constant 1 : i32
      %scan3A_78 = scf.for %scan3A_81 = %scan3A_74 to %scan3A_76 step %scan3A_77 iter_args(%scan3A_82 = %scan3A_73) -> (i32)  : i32 {
        %get3A_83 = arith.constant 0 : i32
        %get3A_84 = arith.index_cast %scan3A_81 : i32 to index
        %get3A_85 = arith.index_cast %get3A_83 : i32 to index
        %get3A_86 = arith.constant 0 : index
        %get3A_87 = tpu.vector_load %arg6[%get3A_84, %get3A_85, %get3A_86] {strides = array<i32>} : memref<25x2x80xi32, #tpu.memory_space<vmem>>, vector<1x1x16xi32>,
        %get3A_88 = vector.shape_cast %get3A_87 : vector<1x1x16xi32> to vector<16xi32>
        %get3A_89 = arith.constant 1 : i32
        %get3A_90 = arith.index_cast %scan3A_81 : i32 to index
        %get3A_91 = arith.index_cast %get3A_89 : i32 to index
        %get3A_92 = arith.constant 0 : index
        %get3A_93 = tpu.vector_load %arg6[%get3A_90, %get3A_91, %get3A_92] {strides = array<i32>} : memref<25x2x80xi32, #tpu.memory_space<vmem>>, vector<1x1x16xi32>,
        %get3A_94 = vector.shape_cast %get3A_93 : vector<1x1x16xi32> to vector<16xi32>
        %add3A_95 = arith.constant 10000 : i32
        %add3A_96 = vector.broadcast %add3A_95 : i32 to vector<16xi32>
        %add3A_97 = arith.addi %get3A_88, %add3A_96 : vector<16xi32>
        %swap3A = arith.constant 0 : index
        %swap3A_98 = tpu.vector_load %arg7[%swap3A] {strides = array<i32>} : memref<80xi32, #tpu.memory_space<vmem>>, vector<16xi32>,
        %swap3A_99 = vector.shape_cast %swap3A_98 : vector<16xi32> to vector<16xi32>
        %swap3A_100 = vector.shape_cast %add3A_97 : vector<16xi32> to vector<16xi32>
        tpu.vector_store %arg7[%swap3A], %swap3A_100 {strides = array<i32>} : memref<80xi32, #tpu.memory_space<vmem>>, vector<16xi32>,
        %add3A_101 = arith.constant 20000 : i32
        %add3A_102 = vector.broadcast %add3A_101 : i32 to vector<16xi32>
        %add3A_103 = arith.addi %get3A_88, %add3A_102 : vector<16xi32>
        %swap3A_104 = arith.constant 0 : index
        %swap3A_105 = tpu.vector_load %arg8[%swap3A_104] {strides = array<i32>} : memref<80xi32, #tpu.memory_space<vmem>>, vector<16xi32>,
        %swap3A_106 = vector.shape_cast %swap3A_105 : vector<16xi32> to vector<16xi32>
        %swap3A_107 = vector.shape_cast %add3A_103 : vector<16xi32> to vector<16xi32>
        tpu.vector_store %arg8[%swap3A_104], %swap3A_107 {strides = array<i32>} : memref<80xi32, #tpu.memory_space<vmem>>, vector<16xi32>,
        %swap3A_108 = arith.constant 0 : index
        %swap3A_109 = tpu.vector_load %arg9[%swap3A_108] {strides = array<i32>} : memref<80xi32, #tpu.memory_space<vmem>>, vector<16xi32>,
        %swap3A_110 = vector.shape_cast %swap3A_109 : vector<16xi32> to vector<16xi32>
        %swap3A_111 = vector.shape_cast %get3A_94 : vector<16xi32> to vector<16xi32>
        tpu.vector_store %arg9[%swap3A_108], %swap3A_111 {strides = array<i32>} : memref<80xi32, #tpu.memory_space<vmem>>, vector<16xi32>,
        %swap3A_112 = arith.constant 0 : index
        %swap3A_113 = tpu.vector_load %arg10[%swap3A_112] {strides = array<i32>} : memref<160xi32, #tpu.memory_space<vmem>>, vector<16xi32>,
        %swap3A_114 = vector.shape_cast %swap3A_113 : vector<16xi32> to vector<16xi32>
        %swap3A_115 = vector.shape_cast %get3A_94 : vector<16xi32> to vector<16xi32>
        tpu.vector_store %arg10[%swap3A_112], %swap3A_115 {strides = array<i32>} : memref<160xi32, #tpu.memory_space<vmem>>, vector<16xi32>,
        %shift_right_logical3A = arith.constant 7 : i32
        %shift_right_logical3A_116 = vector.broadcast %shift_right_logical3A : i32 to vector<16xi32>
        %shift_right_logical3A_117 = arith.shrui %get3A_94, %shift_right_logical3A_116 : vector<16xi32>
        %add3A_118 = arith.constant 10000 : i32
        %add3A_119 = vector.broadcast %add3A_118 : i32 to vector<16xi32>
        %add3A_120 = arith.addi %shift_right_logical3A_117, %add3A_119 : vector<16xi32>
        %swap3A_121 = arith.constant 80 : index
        %swap3A_122 = tpu.vector_load %arg10[%swap3A_121] {strides = array<i32>} : memref<160xi32, #tpu.memory_space<vmem>>, vector<16xi32>,
        %swap3A_123 = vector.shape_cast %swap3A_122 : vector<16xi32> to vector<16xi32>
        %swap3A_124 = vector.shape_cast %add3A_120 : vector<16xi32> to vector<16xi32>
        tpu.vector_store %arg10[%swap3A_121], %swap3A_124 {strides = array<i32>} : memref<160xi32, #tpu.memory_space<vmem>>, vector<16xi32>,
        %get3A_125 = arith.constant 0 : i32
        %get3A_126 = arith.index_cast %scan3A_81 : i32 to index
        %get3A_127 = arith.index_cast %get3A_125 : i32 to index
        %get3A_128 = arith.constant 16 : index
        %get3A_129 = tpu.vector_load %arg6[%get3A_126, %get3A_127, %get3A_128] {strides = array<i32>} : memref<25x2x80xi32, #tpu.memory_space<vmem>>, vector<1x1x16xi32>,
        %get3A_130 = vector.shape_cast %get3A_129 : vector<1x1x16xi32> to vector<16xi32>
        %get3A_131 = arith.constant 1 : i32
        %get3A_132 = arith.index_cast %scan3A_81 : i32 to index
        %get3A_133 = arith.index_cast %get3A_131 : i32 to index
        %get3A_134 = arith.constant 16 : index
        %get3A_135 = tpu.vector_load %arg6[%get3A_132, %get3A_133, %get3A_134] {strides = array<i32>} : memref<25x2x80xi32, #tpu.memory_space<vmem>>, vector<1x1x16xi32>,
        %get3A_136 = vector.shape_cast %get3A_135 : vector<1x1x16xi32> to vector<16xi32>
        %add3A_137 = arith.constant 10000 : i32
        %add3A_138 = vector.broadcast %add3A_137 : i32 to vector<16xi32>
        %add3A_139 = arith.addi %get3A_130, %add3A_138 : vector<16xi32>
        %swap3A_140 = arith.constant 16 : index
        %swap3A_141 = tpu.vector_load %arg7[%swap3A_140] {strides = array<i32>} : memref<80xi32, #tpu.memory_space<vmem>>, vector<16xi32>,
        %swap3A_142 = vector.shape_cast %swap3A_141 : vector<16xi32> to vector<16xi32>
        %swap3A_143 = vector.shape_cast %add3A_139 : vector<16xi32> to vector<16xi32>
        tpu.vector_store %arg7[%swap3A_140], %swap3A_143 {strides = array<i32>} : memref<80xi32, #tpu.memory_space<vmem>>, vector<16xi32>,
        %add3A_144 = arith.constant 20000 : i32
        %add3A_145 = vector.broadcast %add3A_144 : i32 to vector<16xi32>
        %add3A_146 = arith.addi %get3A_130, %add3A_145 : vector<16xi32>
        %swap3A_147 = arith.constant 16 : index
        %swap3A_148 = tpu.vector_load %arg8[%swap3A_147] {strides = array<i32>} : memref<80xi32, #tpu.memory_space<vmem>>, vector<16xi32>,
        %swap3A_149 = vector.shape_cast %swap3A_148 : vector<16xi32> to vector<16xi32>
        %swap3A_150 = vector.shape_cast %add3A_146 : vector<16xi32> to vector<16xi32>
        tpu.vector_store %arg8[%swap3A_147], %swap3A_150 {strides = array<i32>} : memref<80xi32, #tpu.memory_space<vmem>>, vector<16xi32>,
        %swap3A_151 = arith.constant 16 : index
        %swap3A_152 = tpu.vector_load %arg9[%swap3A_151] {strides = array<i32>} : memref<80xi32, #tpu.memory_space<vmem>>, vector<16xi32>,
        %swap3A_153 = vector.shape_cast %swap3A_152 : vector<16xi32> to vector<16xi32>
        %swap3A_154 = vector.shape_cast %get3A_136 : vector<16xi32> to vector<16xi32>
        tpu.vector_store %arg9[%swap3A_151], %swap3A_154 {strides = array<i32>} : memref<80xi32, #tpu.memory_space<vmem>>, vector<16xi32>,
        %swap3A_155 = arith.constant 16 : index
        %swap3A_156 = tpu.vector_load %arg10[%swap3A_155] {strides = array<i32>} : memref<160xi32, #tpu.memory_space<vmem>>, vector<16xi32>,
        %swap3A_157 = vector.shape_cast %swap3A_156 : vector<16xi32> to vector<16xi32>
        %swap3A_158 = vector.shape_cast %get3A_136 : vector<16xi32> to vector<16xi32>
        tpu.vector_store %arg10[%swap3A_155], %swap3A_158 {strides = array<i32>} : memref<160xi32, #tpu.memory_space<vmem>>, vector<16xi32>,
        %shift_right_logical3A_159 = arith.constant 7 : i32
        %shift_right_logical3A_160 = vector.broadcast %shift_right_logical3A_159 : i32 to vector<16xi32>
        %shift_right_logical3A_161 = arith.shrui %get3A_136, %shift_right_logical3A_160 : vector<16xi32>
        %add3A_162 = arith.constant 10000 : i32
        %add3A_163 = vector.broadcast %add3A_162 : i32 to vector<16xi32>
        %add3A_164 = arith.addi %shift_right_logical3A_161, %add3A_163 : vector<16xi32>
        %swap3A_165 = arith.constant 96 : index
        %swap3A_166 = tpu.vector_load %arg10[%swap3A_165] {strides = array<i32>} : memref<160xi32, #tpu.memory_space<vmem>>, vector<16xi32>,
        %swap3A_167 = vector.shape_cast %swap3A_166 : vector<16xi32> to vector<16xi32>
        %swap3A_168 = vector.shape_cast %add3A_164 : vector<16xi32> to vector<16xi32>
        tpu.vector_store %arg10[%swap3A_165], %swap3A_168 {strides = array<i32>} : memref<160xi32, #tpu.memory_space<vmem>>, vector<16xi32>,
        %get3A_169 = arith.constant 0 : i32
        %get3A_170 = arith.index_cast %scan3A_81 : i32 to index
        %get3A_171 = arith.index_cast %get3A_169 : i32 to index
        %get3A_172 = arith.constant 32 : index
        %get3A_173 = tpu.vector_load %arg6[%get3A_170, %get3A_171, %get3A_172] {strides = array<i32>} : memref<25x2x80xi32, #tpu.memory_space<vmem>>, vector<1x1x16xi32>,
        %get3A_174 = vector.shape_cast %get3A_173 : vector<1x1x16xi32> to vector<16xi32>
        %get3A_175 = arith.constant 1 : i32
        %get3A_176 = arith.index_cast %scan3A_81 : i32 to index
        %get3A_177 = arith.index_cast %get3A_175 : i32 to index
        %get3A_178 = arith.constant 32 : index
        %get3A_179 = tpu.vector_load %arg6[%get3A_176, %get3A_177, %get3A_178] {strides = array<i32>} : memref<25x2x80xi32, #tpu.memory_space<vmem>>, vector<1x1x16xi32>,
        %get3A_180 = vector.shape_cast %get3A_179 : vector<1x1x16xi32> to vector<16xi32>
        %add3A_181 = arith.constant 10000 : i32
        %add3A_182 = vector.broadcast %add3A_181 : i32 to vector<16xi32>
        %add3A_183 = arith.addi %get3A_174, %add3A_182 : vector<16xi32>
        %swap3A_184 = arith.constant 32 : index
        %swap3A_185 = tpu.vector_load %arg7[%swap3A_184] {strides = array<i32>} : memref<80xi32, #tpu.memory_space<vmem>>, vector<16xi32>,
        %swap3A_186 = vector.shape_cast %swap3A_185 : vector<16xi32> to vector<16xi32>
        %swap3A_187 = vector.shape_cast %add3A_183 : vector<16xi32> to vector<16xi32>
        tpu.vector_store %arg7[%swap3A_184], %swap3A_187 {strides = array<i32>} : memref<80xi32, #tpu.memory_space<vmem>>, vector<16xi32>,
        %add3A_188 = arith.constant 20000 : i32
        %add3A_189 = vector.broadcast %add3A_188 : i32 to vector<16xi32>
        %add3A_190 = arith.addi %get3A_174, %add3A_189 : vector<16xi32>
        %swap3A_191 = arith.constant 32 : index
        %swap3A_192 = tpu.vector_load %arg8[%swap3A_191] {strides = array<i32>} : memref<80xi32, #tpu.memory_space<vmem>>, vector<16xi32>,
        %swap3A_193 = vector.shape_cast %swap3A_192 : vector<16xi32> to vector<16xi32>
        %swap3A_194 = vector.shape_cast %add3A_190 : vector<16xi32> to vector<16xi32>
        tpu.vector_store %arg8[%swap3A_191], %swap3A_194 {strides = array<i32>} : memref<80xi32, #tpu.memory_space<vmem>>, vector<16xi32>,
        %swap3A_195 = arith.constant 32 : index
        %swap3A_196 = tpu.vector_load %arg9[%swap3A_195] {strides = array<i32>} : memref<80xi32, #tpu.memory_space<vmem>>, vector<16xi32>,
        %swap3A_197 = vector.shape_cast %swap3A_196 : vector<16xi32> to vector<16xi32>
        %swap3A_198 = vector.shape_cast %get3A_180 : vector<16xi32> to vector<16xi32>
        tpu.vector_store %arg9[%swap3A_195], %swap3A_198 {strides = array<i32>} : memref<80xi32, #tpu.memory_space<vmem>>, vector<16xi32>,
        %swap3A_199 = arith.constant 32 : index
        %swap3A_200 = tpu.vector_load %arg10[%swap3A_199] {strides = array<i32>} : memref<160xi32, #tpu.memory_space<vmem>>, vector<16xi32>,
        %swap3A_201 = vector.shape_cast %swap3A_200 : vector<16xi32> to vector<16xi32>
        %swap3A_202 = vector.shape_cast %get3A_180 : vector<16xi32> to vector<16xi32>
        tpu.vector_store %arg10[%swap3A_199], %swap3A_202 {strides = array<i32>} : memref<160xi32, #tpu.memory_space<vmem>>, vector<16xi32>,
        %shift_right_logical3A_203 = arith.constant 7 : i32
        %shift_right_logical3A_204 = vector.broadcast %shift_right_logical3A_203 : i32 to vector<16xi32>
        %shift_right_logical3A_205 = arith.shrui %get3A_180, %shift_right_logical3A_204 : vector<16xi32>
        %add3A_206 = arith.constant 10000 : i32
        %add3A_207 = vector.broadcast %add3A_206 : i32 to vector<16xi32>
        %add3A_208 = arith.addi %shift_right_logical3A_205, %add3A_207 : vector<16xi32>
        %swap3A_209 = arith.constant 112 : index
        %swap3A_210 = tpu.vector_load %arg10[%swap3A_209] {strides = array<i32>} : memref<160xi32, #tpu.memory_space<vmem>>, vector<16xi32>,
        %swap3A_211 = vector.shape_cast %swap3A_210 : vector<16xi32> to vector<16xi32>
        %swap3A_212 = vector.shape_cast %add3A_208 : vector<16xi32> to vector<16xi32>
        tpu.vector_store %arg10[%swap3A_209], %swap3A_212 {strides = array<i32>} : memref<160xi32, #tpu.memory_space<vmem>>, vector<16xi32>,
        %get3A_213 = arith.constant 0 : i32
        %get3A_214 = arith.index_cast %scan3A_81 : i32 to index
        %get3A_215 = arith.index_cast %get3A_213 : i32 to index
        %get3A_216 = arith.constant 48 : index
        %get3A_217 = tpu.vector_load %arg6[%get3A_214, %get3A_215, %get3A_216] {strides = array<i32>} : memref<25x2x80xi32, #tpu.memory_space<vmem>>, vector<1x1x16xi32>,
        %get3A_218 = vector.shape_cast %get3A_217 : vector<1x1x16xi32> to vector<16xi32>
        %get3A_219 = arith.constant 1 : i32
        %get3A_220 = arith.index_cast %scan3A_81 : i32 to index
        %get3A_221 = arith.index_cast %get3A_219 : i32 to index
        %get3A_222 = arith.constant 48 : index
        %get3A_223 = tpu.vector_load %arg6[%get3A_220, %get3A_221, %get3A_222] {strides = array<i32>} : memref<25x2x80xi32, #tpu.memory_space<vmem>>, vector<1x1x16xi32>,
        %get3A_224 = vector.shape_cast %get3A_223 : vector<1x1x16xi32> to vector<16xi32>
        %add3A_225 = arith.constant 10000 : i32
        %add3A_226 = vector.broadcast %add3A_225 : i32 to vector<16xi32>
        %add3A_227 = arith.addi %get3A_218, %add3A_226 : vector<16xi32>
        %swap3A_228 = arith.constant 48 : index
        %swap3A_229 = tpu.vector_load %arg7[%swap3A_228] {strides = array<i32>} : memref<80xi32, #tpu.memory_space<vmem>>, vector<16xi32>,
        %swap3A_230 = vector.shape_cast %swap3A_229 : vector<16xi32> to vector<16xi32>
        %swap3A_231 = vector.shape_cast %add3A_227 : vector<16xi32> to vector<16xi32>
        tpu.vector_store %arg7[%swap3A_228], %swap3A_231 {strides = array<i32>} : memref<80xi32, #tpu.memory_space<vmem>>, vector<16xi32>,
        %add3A_232 = arith.constant 20000 : i32
        %add3A_233 = vector.broadcast %add3A_232 : i32 to vector<16xi32>
        %add3A_234 = arith.addi %get3A_218, %add3A_233 : vector<16xi32>
        %swap3A_235 = arith.constant 48 : index
        %swap3A_236 = tpu.vector_load %arg8[%swap3A_235] {strides = array<i32>} : memref<80xi32, #tpu.memory_space<vmem>>, vector<16xi32>,
        %swap3A_237 = vector.shape_cast %swap3A_236 : vector<16xi32> to vector<16xi32>
        %swap3A_238 = vector.shape_cast %add3A_234 : vector<16xi32> to vector<16xi32>
        tpu.vector_store %arg8[%swap3A_235], %swap3A_238 {strides = array<i32>} : memref<80xi32, #tpu.memory_space<vmem>>, vector<16xi32>,
        %swap3A_239 = arith.constant 48 : index
        %swap3A_240 = tpu.vector_load %arg9[%swap3A_239] {strides = array<i32>} : memref<80xi32, #tpu.memory_space<vmem>>, vector<16xi32>,
        %swap3A_241 = vector.shape_cast %swap3A_240 : vector<16xi32> to vector<16xi32>
        %swap3A_242 = vector.shape_cast %get3A_224 : vector<16xi32> to vector<16xi32>
        tpu.vector_store %arg9[%swap3A_239], %swap3A_242 {strides = array<i32>} : memref<80xi32, #tpu.memory_space<vmem>>, vector<16xi32>,
        %swap3A_243 = arith.constant 48 : index
        %swap3A_244 = tpu.vector_load %arg10[%swap3A_243] {strides = array<i32>} : memref<160xi32, #tpu.memory_space<vmem>>, vector<16xi32>,
        %swap3A_245 = vector.shape_cast %swap3A_244 : vector<16xi32> to vector<16xi32>
        %swap3A_246 = vector.shape_cast %get3A_224 : vector<16xi32> to vector<16xi32>
        tpu.vector_store %arg10[%swap3A_243], %swap3A_246 {strides = array<i32>} : memref<160xi32, #tpu.memory_space<vmem>>, vector<16xi32>,
        %shift_right_logical3A_247 = arith.constant 7 : i32
        %shift_right_logical3A_248 = vector.broadcast %shift_right_logical3A_247 : i32 to vector<16xi32>
        %shift_right_logical3A_249 = arith.shrui %get3A_224, %shift_right_logical3A_248 : vector<16xi32>
        %add3A_250 = arith.constant 10000 : i32
        %add3A_251 = vector.broadcast %add3A_250 : i32 to vector<16xi32>
        %add3A_252 = arith.addi %shift_right_logical3A_249, %add3A_251 : vector<16xi32>
        %swap3A_253 = arith.constant 128 : index
        %swap3A_254 = tpu.vector_load %arg10[%swap3A_253] {strides = array<i32>} : memref<160xi32, #tpu.memory_space<vmem>>, vector<16xi32>,
        %swap3A_255 = vector.shape_cast %swap3A_254 : vector<16xi32> to vector<16xi32>
        %swap3A_256 = vector.shape_cast %add3A_252 : vector<16xi32> to vector<16xi32>
        tpu.vector_store %arg10[%swap3A_253], %swap3A_256 {strides = array<i32>} : memref<160xi32, #tpu.memory_space<vmem>>, vector<16xi32>,
        %get3A_257 = arith.constant 0 : i32
        %get3A_258 = arith.index_cast %scan3A_81 : i32 to index
        %get3A_259 = arith.index_cast %get3A_257 : i32 to index
        %get3A_260 = arith.constant 64 : index
        %get3A_261 = tpu.vector_load %arg6[%get3A_258, %get3A_259, %get3A_260] {strides = array<i32>} : memref<25x2x80xi32, #tpu.memory_space<vmem>>, vector<1x1x16xi32>,
        %get3A_262 = vector.shape_cast %get3A_261 : vector<1x1x16xi32> to vector<16xi32>
        %get3A_263 = arith.constant 1 : i32
        %get3A_264 = arith.index_cast %scan3A_81 : i32 to index
        %get3A_265 = arith.index_cast %get3A_263 : i32 to index
        %get3A_266 = arith.constant 64 : index
        %get3A_267 = tpu.vector_load %arg6[%get3A_264, %get3A_265, %get3A_266] {strides = array<i32>} : memref<25x2x80xi32, #tpu.memory_space<vmem>>, vector<1x1x16xi32>,
        %get3A_268 = vector.shape_cast %get3A_267 : vector<1x1x16xi32> to vector<16xi32>
        %add3A_269 = arith.constant 10000 : i32
        %add3A_270 = vector.broadcast %add3A_269 : i32 to vector<16xi32>
        %add3A_271 = arith.addi %get3A_262, %add3A_270 : vector<16xi32>
        %swap3A_272 = arith.constant 64 : index
        %swap3A_273 = tpu.vector_load %arg7[%swap3A_272] {strides = array<i32>} : memref<80xi32, #tpu.memory_space<vmem>>, vector<16xi32>,
        %swap3A_274 = vector.shape_cast %swap3A_273 : vector<16xi32> to vector<16xi32>
        %swap3A_275 = vector.shape_cast %add3A_271 : vector<16xi32> to vector<16xi32>
        tpu.vector_store %arg7[%swap3A_272], %swap3A_275 {strides = array<i32>} : memref<80xi32, #tpu.memory_space<vmem>>, vector<16xi32>,
        %add3A_276 = arith.constant 20000 : i32
        %add3A_277 = vector.broadcast %add3A_276 : i32 to vector<16xi32>
        %add3A_278 = arith.addi %get3A_262, %add3A_277 : vector<16xi32>
        %swap3A_279 = arith.constant 64 : index
        %swap3A_280 = tpu.vector_load %arg8[%swap3A_279] {strides = array<i32>} : memref<80xi32, #tpu.memory_space<vmem>>, vector<16xi32>,
        %swap3A_281 = vector.shape_cast %swap3A_280 : vector<16xi32> to vector<16xi32>
        %swap3A_282 = vector.shape_cast %add3A_278 : vector<16xi32> to vector<16xi32>
        tpu.vector_store %arg8[%swap3A_279], %swap3A_282 {strides = array<i32>} : memref<80xi32, #tpu.memory_space<vmem>>, vector<16xi32>,
        %swap3A_283 = arith.constant 64 : index
        %swap3A_284 = tpu.vector_load %arg9[%swap3A_283] {strides = array<i32>} : memref<80xi32, #tpu.memory_space<vmem>>, vector<16xi32>,
        %swap3A_285 = vector.shape_cast %swap3A_284 : vector<16xi32> to vector<16xi32>
        %swap3A_286 = vector.shape_cast %get3A_268 : vector<16xi32> to vector<16xi32>
        tpu.vector_store %arg9[%swap3A_283], %swap3A_286 {strides = array<i32>} : memref<80xi32, #tpu.memory_space<vmem>>, vector<16xi32>,
        %swap3A_287 = arith.constant 64 : index
        %swap3A_288 = tpu.vector_load %arg10[%swap3A_287] {strides = array<i32>} : memref<160xi32, #tpu.memory_space<vmem>>, vector<16xi32>,
        %swap3A_289 = vector.shape_cast %swap3A_288 : vector<16xi32> to vector<16xi32>
        %swap3A_290 = vector.shape_cast %get3A_268 : vector<16xi32> to vector<16xi32>
        tpu.vector_store %arg10[%swap3A_287], %swap3A_290 {strides = array<i32>} : memref<160xi32, #tpu.memory_space<vmem>>, vector<16xi32>,
        %shift_right_logical3A_291 = arith.constant 7 : i32
        %shift_right_logical3A_292 = vector.broadcast %shift_right_logical3A_291 : i32 to vector<16xi32>
        %shift_right_logical3A_293 = arith.shrui %get3A_268, %shift_right_logical3A_292 : vector<16xi32>
        %add3A_294 = arith.constant 10000 : i32
        %add3A_295 = vector.broadcast %add3A_294 : i32 to vector<16xi32>
        %add3A_296 = arith.addi %shift_right_logical3A_293, %add3A_295 : vector<16xi32>
        %swap3A_297 = arith.constant 144 : index
        %swap3A_298 = tpu.vector_load %arg10[%swap3A_297] {strides = array<i32>} : memref<160xi32, #tpu.memory_space<vmem>>, vector<16xi32>,
        %swap3A_299 = vector.shape_cast %swap3A_298 : vector<16xi32> to vector<16xi32>
        %swap3A_300 = vector.shape_cast %add3A_296 : vector<16xi32> to vector<16xi32>
        tpu.vector_store %arg10[%swap3A_297], %swap3A_300 {strides = array<i32>} : memref<160xi32, #tpu.memory_space<vmem>>, vector<16xi32>,
        %dma_start3A = arith.constant 0 : i32
        %dma_start3A_301 = arith.constant 0 : i32
        %dma_start3A_302 = tpu.memref_slice %arg3[%dma_start3A, %dma_start3A_301] : memref<30000x128xf32, #tpu.memory_space<hbm>> -> memref<30000x128xf32, #tpu.memory_space<hbm>>
        tpu.enqueue_indirect_dma source(%dma_start3A_302 : memref<30000x128xf32, #tpu.memory_space<hbm>>) target(%arg11 : memref<80x128xf32, #tpu.memory_space<vmem>>) offsets(%arg7 : memref<80xi32, #tpu.memory_space<vmem>>) semaphore(%arg16 : memref<!tpu.dma_semaphore, #tpu.memory_space<semaphore_mem>>)
        %dma_start3A_303 = arith.constant 0 : i32
        %dma_start3A_304 = arith.constant 0 : i32
        %dma_start3A_305 = tpu.memref_slice %arg3[%dma_start3A_303, %dma_start3A_304] : memref<30000x128xf32, #tpu.memory_space<hbm>> -> memref<30000x128xf32, #tpu.memory_space<hbm>>
        tpu.enqueue_indirect_dma source(%dma_start3A_305 : memref<30000x128xf32, #tpu.memory_space<hbm>>) target(%arg12 : memref<80x128xf32, #tpu.memory_space<vmem>>) offsets(%arg9 : memref<80xi32, #tpu.memory_space<vmem>>) semaphore(%arg17 : memref<!tpu.dma_semaphore, #tpu.memory_space<semaphore_mem>>)
        %dma_start3A_306 = arith.constant 0 : i32
        %dma_start3A_307 = arith.constant 0 : i32
        %dma_start3A_308 = tpu.memref_slice %arg13[%dma_start3A_306, %dma_start3A_307] : memref<160x128xf32, #tpu.memory_space<vmem>> -> memref<80x128xf32, #tpu.memory_space<vmem>>
        %dma_start3A_309 = arith.constant 0 : i32
        %dma_start3A_310 = arith.constant 0 : i32
        %dma_start3A_311 = tpu.memref_slice %arg3[%dma_start3A_309, %dma_start3A_310] : memref<30000x128xf32, #tpu.memory_space<hbm>> -> memref<30000x128xf32, #tpu.memory_space<hbm>>
        tpu.enqueue_indirect_dma source(%dma_start3A_311 : memref<30000x128xf32, #tpu.memory_space<hbm>>) target(%dma_start3A_308 : memref<80x128xf32, #tpu.memory_space<vmem>>) offsets(%arg8 : memref<80xi32, #tpu.memory_space<vmem>>) semaphore(%arg18 : memref<!tpu.dma_semaphore, #tpu.memory_space<semaphore_mem>>)
        %dma_wait3A = arith.constant 0 : i32
        %dma_wait3A_312 = arith.constant 0 : i32
        %dma_wait3A_313 = tpu.memref_slice %arg3[%dma_wait3A, %dma_wait3A_312] : memref<30000x128xf32, #tpu.memory_space<hbm>> -> memref<30000x128xf32, #tpu.memory_space<hbm>>
        tpu.wait_indirect_dma semaphore(%arg16 : memref<!tpu.dma_semaphore, #tpu.memory_space<semaphore_mem>>) src(%dma_wait3A_313 : memref<30000x128xf32, #tpu.memory_space<hbm>>) dst(%arg11 : memref<80x128xf32, #tpu.memory_space<vmem>>)
        %dma_wait3A_314 = arith.constant 0 : i32
        %dma_wait3A_315 = arith.constant 0 : i32
        %dma_wait3A_316 = tpu.memref_slice %arg3[%dma_wait3A_314, %dma_wait3A_315] : memref<30000x128xf32, #tpu.memory_space<hbm>> -> memref<30000x128xf32, #tpu.memory_space<hbm>>
        tpu.wait_indirect_dma semaphore(%arg17 : memref<!tpu.dma_semaphore, #tpu.memory_space<semaphore_mem>>) src(%dma_wait3A_316 : memref<30000x128xf32, #tpu.memory_space<hbm>>) dst(%arg12 : memref<80x128xf32, #tpu.memory_space<vmem>>)
        %dma_wait3A_317 = arith.constant 0 : i32
        %dma_wait3A_318 = arith.constant 0 : i32
        %dma_wait3A_319 = tpu.memref_slice %arg13[%dma_wait3A_317, %dma_wait3A_318] : memref<160x128xf32, #tpu.memory_space<vmem>> -> memref<80x128xf32, #tpu.memory_space<vmem>>
        %dma_wait3A_320 = arith.constant 0 : i32
        %dma_wait3A_321 = arith.constant 0 : i32
        %dma_wait3A_322 = tpu.memref_slice %arg3[%dma_wait3A_320, %dma_wait3A_321] : memref<30000x128xf32, #tpu.memory_space<hbm>> -> memref<30000x128xf32, #tpu.memory_space<hbm>>
        tpu.wait_indirect_dma semaphore(%arg18 : memref<!tpu.dma_semaphore, #tpu.memory_space<semaphore_mem>>) src(%dma_wait3A_322 : memref<30000x128xf32, #tpu.memory_space<hbm>>) dst(%dma_wait3A_319 : memref<80x128xf32, #tpu.memory_space<vmem>>)
        %parallel_loop3A = arith.constant 0 : i32
        %parallel_loop3A_323 = arith.constant 80 : i32
        %parallel_loop3A_324 = arith.constant 1 : i32
        scf.for %parallel_loop3A_326 = %parallel_loop3A to %parallel_loop3A_323 step %parallel_loop3A_324  : i32 {
          %parallel_loop3A_327 = arith.constant 0.000000e+00 : f32
          %parallel_loop3A_328 = vector.broadcast %parallel_loop3A_327 : f32 to vector<16xf32>
          %parallel_loop3A_329 = arith.index_cast %parallel_loop3A_326 : i32 to index
          %parallel_loop3A_330 = arith.constant 0 : index
          %parallel_loop3A_331 = tpu.vector_load %arg11[%parallel_loop3A_329, %parallel_loop3A_330] {strides = array<i32>} : memref<80x128xf32, #tpu.memory_space<vmem>>, vector<1x16xf32>,
          %parallel_loop3A_332 = vector.shape_cast %parallel_loop3A_331 : vector<1x16xf32> to vector<16xf32>
          %parallel_loop3A_333 = arith.index_cast %parallel_loop3A_326 : i32 to index
          %parallel_loop3A_334 = arith.constant 0 : index
          %parallel_loop3A_335 = tpu.vector_load %arg12[%parallel_loop3A_333, %parallel_loop3A_334] {strides = array<i32>} : memref<80x128xf32, #tpu.memory_space<vmem>>, vector<1x16xf32>,
          %parallel_loop3A_336 = vector.shape_cast %parallel_loop3A_335 : vector<1x16xf32> to vector<16xf32>
          %parallel_loop3A_337 = arith.mulf %parallel_loop3A_332, %parallel_loop3A_336 : vector<16xf32>
          %parallel_loop3A_338 = arith.addf %parallel_loop3A_328, %parallel_loop3A_337 : vector<16xf32>
          %parallel_loop3A_339 = arith.index_cast %parallel_loop3A_326 : i32 to index
          %parallel_loop3A_340 = arith.constant 16 : index
          %parallel_loop3A_341 = tpu.vector_load %arg11[%parallel_loop3A_339, %parallel_loop3A_340] {strides = array<i32>} : memref<80x128xf32, #tpu.memory_space<vmem>>, vector<1x16xf32>,
          %parallel_loop3A_342 = vector.shape_cast %parallel_loop3A_341 : vector<1x16xf32> to vector<16xf32>
          %parallel_loop3A_343 = arith.index_cast %parallel_loop3A_326 : i32 to index
          %parallel_loop3A_344 = arith.constant 16 : index
          %parallel_loop3A_345 = tpu.vector_load %arg12[%parallel_loop3A_343, %parallel_loop3A_344] {strides = array<i32>} : memref<80x128xf32, #tpu.memory_space<vmem>>, vector<1x16xf32>,
          %parallel_loop3A_346 = vector.shape_cast %parallel_loop3A_345 : vector<1x16xf32> to vector<16xf32>
          %parallel_loop3A_347 = arith.mulf %parallel_loop3A_342, %parallel_loop3A_346 : vector<16xf32>
          %parallel_loop3A_348 = arith.addf %parallel_loop3A_338, %parallel_loop3A_347 : vector<16xf32>
          %parallel_loop3A_349 = arith.index_cast %parallel_loop3A_326 : i32 to index
          %parallel_loop3A_350 = arith.constant 32 : index
          %parallel_loop3A_351 = tpu.vector_load %arg11[%parallel_loop3A_349, %parallel_loop3A_350] {strides = array<i32>} : memref<80x128xf32, #tpu.memory_space<vmem>>, vector<1x16xf32>,
          %parallel_loop3A_352 = vector.shape_cast %parallel_loop3A_351 : vector<1x16xf32> to vector<16xf32>
          %parallel_loop3A_353 = arith.index_cast %parallel_loop3A_326 : i32 to index
          %parallel_loop3A_354 = arith.constant 32 : index
          %parallel_loop3A_355 = tpu.vector_load %arg12[%parallel_loop3A_353, %parallel_loop3A_354] {strides = array<i32>} : memref<80x128xf32, #tpu.memory_space<vmem>>, vector<1x16xf32>,
          %parallel_loop3A_356 = vector.shape_cast %parallel_loop3A_355 : vector<1x16xf32> to vector<16xf32>
          %parallel_loop3A_357 = arith.mulf %parallel_loop3A_352, %parallel_loop3A_356 : vector<16xf32>
          %parallel_loop3A_358 = arith.addf %parallel_loop3A_348, %parallel_loop3A_357 : vector<16xf32>
          %parallel_loop3A_359 = arith.index_cast %parallel_loop3A_326 : i32 to index
          %parallel_loop3A_360 = arith.constant 48 : index
          %parallel_loop3A_361 = tpu.vector_load %arg11[%parallel_loop3A_359, %parallel_loop3A_360] {strides = array<i32>} : memref<80x128xf32, #tpu.memory_space<vmem>>, vector<1x16xf32>,
          %parallel_loop3A_362 = vector.shape_cast %parallel_loop3A_361 : vector<1x16xf32> to vector<16xf32>
          %parallel_loop3A_363 = arith.index_cast %parallel_loop3A_326 : i32 to index
          %parallel_loop3A_364 = arith.constant 48 : index
          %parallel_loop3A_365 = tpu.vector_load %arg12[%parallel_loop3A_363, %parallel_loop3A_364] {strides = array<i32>} : memref<80x128xf32, #tpu.memory_space<vmem>>, vector<1x16xf32>,
          %parallel_loop3A_366 = vector.shape_cast %parallel_loop3A_365 : vector<1x16xf32> to vector<16xf32>
          %parallel_loop3A_367 = arith.mulf %parallel_loop3A_362, %parallel_loop3A_366 : vector<16xf32>
          %parallel_loop3A_368 = arith.addf %parallel_loop3A_358, %parallel_loop3A_367 : vector<16xf32>
          %parallel_loop3A_369 = arith.index_cast %parallel_loop3A_326 : i32 to index
          %parallel_loop3A_370 = arith.constant 64 : index
          %parallel_loop3A_371 = tpu.vector_load %arg11[%parallel_loop3A_369, %parallel_loop3A_370] {strides = array<i32>} : memref<80x128xf32, #tpu.memory_space<vmem>>, vector<1x16xf32>,
          %parallel_loop3A_372 = vector.shape_cast %parallel_loop3A_371 : vector<1x16xf32> to vector<16xf32>
          %parallel_loop3A_373 = arith.index_cast %parallel_loop3A_326 : i32 to index
          %parallel_loop3A_374 = arith.constant 64 : index
          %parallel_loop3A_375 = tpu.vector_load %arg12[%parallel_loop3A_373, %parallel_loop3A_374] {strides = array<i32>} : memref<80x128xf32, #tpu.memory_space<vmem>>, vector<1x16xf32>,
          %parallel_loop3A_376 = vector.shape_cast %parallel_loop3A_375 : vector<1x16xf32> to vector<16xf32>
          %parallel_loop3A_377 = arith.mulf %parallel_loop3A_372, %parallel_loop3A_376 : vector<16xf32>
          %parallel_loop3A_378 = arith.addf %parallel_loop3A_368, %parallel_loop3A_377 : vector<16xf32>
          %parallel_loop3A_379 = arith.index_cast %parallel_loop3A_326 : i32 to index
          %parallel_loop3A_380 = arith.constant 80 : index
          %parallel_loop3A_381 = tpu.vector_load %arg11[%parallel_loop3A_379, %parallel_loop3A_380] {strides = array<i32>} : memref<80x128xf32, #tpu.memory_space<vmem>>, vector<1x16xf32>,
          %parallel_loop3A_382 = vector.shape_cast %parallel_loop3A_381 : vector<1x16xf32> to vector<16xf32>
          %parallel_loop3A_383 = arith.index_cast %parallel_loop3A_326 : i32 to index
          %parallel_loop3A_384 = arith.constant 80 : index
          %parallel_loop3A_385 = tpu.vector_load %arg12[%parallel_loop3A_383, %parallel_loop3A_384] {strides = array<i32>} : memref<80x128xf32, #tpu.memory_space<vmem>>, vector<1x16xf32>,
          %parallel_loop3A_386 = vector.shape_cast %parallel_loop3A_385 : vector<1x16xf32> to vector<16xf32>
          %parallel_loop3A_387 = arith.mulf %parallel_loop3A_382, %parallel_loop3A_386 : vector<16xf32>
          %parallel_loop3A_388 = arith.addf %parallel_loop3A_378, %parallel_loop3A_387 : vector<16xf32>
          %parallel_loop3A_389 = arith.index_cast %parallel_loop3A_326 : i32 to index
          %parallel_loop3A_390 = arith.constant 96 : index
          %parallel_loop3A_391 = tpu.vector_load %arg11[%parallel_loop3A_389, %parallel_loop3A_390] {strides = array<i32>} : memref<80x128xf32, #tpu.memory_space<vmem>>, vector<1x16xf32>,
          %parallel_loop3A_392 = vector.shape_cast %parallel_loop3A_391 : vector<1x16xf32> to vector<16xf32>
          %parallel_loop3A_393 = arith.index_cast %parallel_loop3A_326 : i32 to index
          %parallel_loop3A_394 = arith.constant 96 : index
          %parallel_loop3A_395 = tpu.vector_load %arg12[%parallel_loop3A_393, %parallel_loop3A_394] {strides = array<i32>} : memref<80x128xf32, #tpu.memory_space<vmem>>, vector<1x16xf32>,
          %parallel_loop3A_396 = vector.shape_cast %parallel_loop3A_395 : vector<1x16xf32> to vector<16xf32>
          %parallel_loop3A_397 = arith.mulf %parallel_loop3A_392, %parallel_loop3A_396 : vector<16xf32>
          %parallel_loop3A_398 = arith.addf %parallel_loop3A_388, %parallel_loop3A_397 : vector<16xf32>
          %parallel_loop3A_399 = arith.index_cast %parallel_loop3A_326 : i32 to index
          %parallel_loop3A_400 = arith.constant 112 : index
          %parallel_loop3A_401 = tpu.vector_load %arg11[%parallel_loop3A_399, %parallel_loop3A_400] {strides = array<i32>} : memref<80x128xf32, #tpu.memory_space<vmem>>, vector<1x16xf32>,
          %parallel_loop3A_402 = vector.shape_cast %parallel_loop3A_401 : vector<1x16xf32> to vector<16xf32>
          %parallel_loop3A_403 = arith.index_cast %parallel_loop3A_326 : i32 to index
          %parallel_loop3A_404 = arith.constant 112 : index
          %parallel_loop3A_405 = tpu.vector_load %arg12[%parallel_loop3A_403, %parallel_loop3A_404] {strides = array<i32>} : memref<80x128xf32, #tpu.memory_space<vmem>>, vector<1x16xf32>,
          %parallel_loop3A_406 = vector.shape_cast %parallel_loop3A_405 : vector<1x16xf32> to vector<16xf32>
          %parallel_loop3A_407 = arith.mulf %parallel_loop3A_402, %parallel_loop3A_406 : vector<16xf32>
          %parallel_loop3A_408 = arith.addf %parallel_loop3A_398, %parallel_loop3A_407 : vector<16xf32>
          %parallel_loop3A_409 = arith.constant 8 : i32
          %parallel_loop3A_410 = vector.broadcast %parallel_loop3A_409 : i32 to vector<16xi32>
          %parallel_loop3A_411 = arith.xori %iota3A, %parallel_loop3A_410 : vector<16xi32>
          %parallel_loop3A_412 = vector.shape_cast %parallel_loop3A_411 : vector<16xi32> to vector<16x1xi32>
          %parallel_loop3A_413 = vector.shape_cast %parallel_loop3A_412 : vector<16x1xi32> to vector<16xi32>
          %parallel_loop3A_414 = tpu.dynamic_gather %parallel_loop3A_408[%parallel_loop3A_413] in [0] : vector<16xf32>, vector<16xi32> -> vector<16xf32>
          %parallel_loop3A_415 = arith.addf %parallel_loop3A_408, %parallel_loop3A_414 : vector<16xf32>
          %parallel_loop3A_416 = arith.constant 4 : i32
          %parallel_loop3A_417 = vector.broadcast %parallel_loop3A_416 : i32 to vector<16xi32>
          %parallel_loop3A_418 = arith.xori %iota3A, %parallel_loop3A_417 : vector<16xi32>
          %parallel_loop3A_419 = vector.shape_cast %parallel_loop3A_418 : vector<16xi32> to vector<16x1xi32>
          %parallel_loop3A_420 = vector.shape_cast %parallel_loop3A_419 : vector<16x1xi32> to vector<16xi32>
          %parallel_loop3A_421 = tpu.dynamic_gather %parallel_loop3A_415[%parallel_loop3A_420] in [0] : vector<16xf32>, vector<16xi32> -> vector<16xf32>
          %parallel_loop3A_422 = arith.addf %parallel_loop3A_415, %parallel_loop3A_421 : vector<16xf32>
          %parallel_loop3A_423 = arith.constant 2 : i32
          %parallel_loop3A_424 = vector.broadcast %parallel_loop3A_423 : i32 to vector<16xi32>
          %parallel_loop3A_425 = arith.xori %iota3A, %parallel_loop3A_424 : vector<16xi32>
          %parallel_loop3A_426 = vector.shape_cast %parallel_loop3A_425 : vector<16xi32> to vector<16x1xi32>
          %parallel_loop3A_427 = vector.shape_cast %parallel_loop3A_426 : vector<16x1xi32> to vector<16xi32>
          %parallel_loop3A_428 = tpu.dynamic_gather %parallel_loop3A_422[%parallel_loop3A_427] in [0] : vector<16xf32>, vector<16xi32> -> vector<16xf32>
          %parallel_loop3A_429 = arith.addf %parallel_loop3A_422, %parallel_loop3A_428 : vector<16xf32>
          %parallel_loop3A_430 = arith.constant 1 : i32
          %parallel_loop3A_431 = vector.broadcast %parallel_loop3A_430 : i32 to vector<16xi32>
          %parallel_loop3A_432 = arith.xori %iota3A, %parallel_loop3A_431 : vector<16xi32>
          %parallel_loop3A_433 = vector.shape_cast %parallel_loop3A_432 : vector<16xi32> to vector<16x1xi32>
          %parallel_loop3A_434 = vector.shape_cast %parallel_loop3A_433 : vector<16x1xi32> to vector<16xi32>
          %parallel_loop3A_435 = tpu.dynamic_gather %parallel_loop3A_429[%parallel_loop3A_434] in [0] : vector<16xf32>, vector<16xi32> -> vector<16xf32>
          %parallel_loop3A_436 = arith.addf %parallel_loop3A_429, %parallel_loop3A_435 : vector<16xf32>
          %parallel_loop3A_437 = arith.constant 0.0883883461 : f32
          %parallel_loop3A_438 = vector.broadcast %parallel_loop3A_437 : f32 to vector<16xf32>
          %parallel_loop3A_439 = arith.mulf %parallel_loop3A_436, %parallel_loop3A_438 : vector<16xf32>
          %parallel_loop3A_440 = math.exp %parallel_loop3A_439 : vector<16xf32>
          %parallel_loop3A_441 = arith.index_cast %parallel_loop3A_326 : i32 to index
          %parallel_loop3A_442 = arith.constant 0 : index
          %parallel_loop3A_443 = tpu.vector_load %arg13[%parallel_loop3A_441, %parallel_loop3A_442] {strides = array<i32>} : memref<160x128xf32, #tpu.memory_space<vmem>>, vector<1x16xf32>,
          %parallel_loop3A_444 = vector.shape_cast %parallel_loop3A_443 : vector<1x16xf32> to vector<16xf32>
          %parallel_loop3A_445 = arith.mulf %parallel_loop3A_444, %parallel_loop3A_440 : vector<16xf32>
          %parallel_loop3A_446 = arith.index_cast %parallel_loop3A_326 : i32 to index
          %parallel_loop3A_447 = arith.constant 0 : index
          %parallel_loop3A_448 = tpu.vector_load %arg13[%parallel_loop3A_446, %parallel_loop3A_447] {strides = array<i32>} : memref<160x128xf32, #tpu.memory_space<vmem>>, vector<1x16xf32>,
          %parallel_loop3A_449 = vector.shape_cast %parallel_loop3A_448 : vector<1x16xf32> to vector<16xf32>
          %parallel_loop3A_450 = vector.shape_cast %parallel_loop3A_445 : vector<16xf32> to vector<1x16xf32>
          tpu.vector_store %arg13[%parallel_loop3A_446, %parallel_loop3A_447], %parallel_loop3A_450 {strides = array<i32>} : memref<160x128xf32, #tpu.memory_space<vmem>>, vector<1x16xf32>,
          %parallel_loop3A_451 = arith.index_cast %parallel_loop3A_326 : i32 to index
          %parallel_loop3A_452 = arith.constant 16 : index
          %parallel_loop3A_453 = tpu.vector_load %arg13[%parallel_loop3A_451, %parallel_loop3A_452] {strides = array<i32>} : memref<160x128xf32, #tpu.memory_space<vmem>>, vector<1x16xf32>,
          %parallel_loop3A_454 = vector.shape_cast %parallel_loop3A_453 : vector<1x16xf32> to vector<16xf32>
          %parallel_loop3A_455 = arith.mulf %parallel_loop3A_454, %parallel_loop3A_440 : vector<16xf32>
          %parallel_loop3A_456 = arith.index_cast %parallel_loop3A_326 : i32 to index
          %parallel_loop3A_457 = arith.constant 16 : index
          %parallel_loop3A_458 = tpu.vector_load %arg13[%parallel_loop3A_456, %parallel_loop3A_457] {strides = array<i32>} : memref<160x128xf32, #tpu.memory_space<vmem>>, vector<1x16xf32>,
          %parallel_loop3A_459 = vector.shape_cast %parallel_loop3A_458 : vector<1x16xf32> to vector<16xf32>
          %parallel_loop3A_460 = vector.shape_cast %parallel_loop3A_455 : vector<16xf32> to vector<1x16xf32>
          tpu.vector_store %arg13[%parallel_loop3A_456, %parallel_loop3A_457], %parallel_loop3A_460 {strides = array<i32>} : memref<160x128xf32, #tpu.memory_space<vmem>>, vector<1x16xf32>,
          %parallel_loop3A_461 = arith.index_cast %parallel_loop3A_326 : i32 to index
          %parallel_loop3A_462 = arith.constant 32 : index
          %parallel_loop3A_463 = tpu.vector_load %arg13[%parallel_loop3A_461, %parallel_loop3A_462] {strides = array<i32>} : memref<160x128xf32, #tpu.memory_space<vmem>>, vector<1x16xf32>,
          %parallel_loop3A_464 = vector.shape_cast %parallel_loop3A_463 : vector<1x16xf32> to vector<16xf32>
          %parallel_loop3A_465 = arith.mulf %parallel_loop3A_464, %parallel_loop3A_440 : vector<16xf32>
          %parallel_loop3A_466 = arith.index_cast %parallel_loop3A_326 : i32 to index
          %parallel_loop3A_467 = arith.constant 32 : index
          %parallel_loop3A_468 = tpu.vector_load %arg13[%parallel_loop3A_466, %parallel_loop3A_467] {strides = array<i32>} : memref<160x128xf32, #tpu.memory_space<vmem>>, vector<1x16xf32>,
          %parallel_loop3A_469 = vector.shape_cast %parallel_loop3A_468 : vector<1x16xf32> to vector<16xf32>
          %parallel_loop3A_470 = vector.shape_cast %parallel_loop3A_465 : vector<16xf32> to vector<1x16xf32>
          tpu.vector_store %arg13[%parallel_loop3A_466, %parallel_loop3A_467], %parallel_loop3A_470 {strides = array<i32>} : memref<160x128xf32, #tpu.memory_space<vmem>>, vector<1x16xf32>,
          %parallel_loop3A_471 = arith.index_cast %parallel_loop3A_326 : i32 to index
          %parallel_loop3A_472 = arith.constant 48 : index
          %parallel_loop3A_473 = tpu.vector_load %arg13[%parallel_loop3A_471, %parallel_loop3A_472] {strides = array<i32>} : memref<160x128xf32, #tpu.memory_space<vmem>>, vector<1x16xf32>,
          %parallel_loop3A_474 = vector.shape_cast %parallel_loop3A_473 : vector<1x16xf32> to vector<16xf32>
          %parallel_loop3A_475 = arith.mulf %parallel_loop3A_474, %parallel_loop3A_440 : vector<16xf32>
          %parallel_loop3A_476 = arith.index_cast %parallel_loop3A_326 : i32 to index
          %parallel_loop3A_477 = arith.constant 48 : index
          %parallel_loop3A_478 = tpu.vector_load %arg13[%parallel_loop3A_476, %parallel_loop3A_477] {strides = array<i32>} : memref<160x128xf32, #tpu.memory_space<vmem>>, vector<1x16xf32>,
          %parallel_loop3A_479 = vector.shape_cast %parallel_loop3A_478 : vector<1x16xf32> to vector<16xf32>
          %parallel_loop3A_480 = vector.shape_cast %parallel_loop3A_475 : vector<16xf32> to vector<1x16xf32>
          tpu.vector_store %arg13[%parallel_loop3A_476, %parallel_loop3A_477], %parallel_loop3A_480 {strides = array<i32>} : memref<160x128xf32, #tpu.memory_space<vmem>>, vector<1x16xf32>,
          %parallel_loop3A_481 = arith.index_cast %parallel_loop3A_326 : i32 to index
          %parallel_loop3A_482 = arith.constant 64 : index
          %parallel_loop3A_483 = tpu.vector_load %arg13[%parallel_loop3A_481, %parallel_loop3A_482] {strides = array<i32>} : memref<160x128xf32, #tpu.memory_space<vmem>>, vector<1x16xf32>,
          %parallel_loop3A_484 = vector.shape_cast %parallel_loop3A_483 : vector<1x16xf32> to vector<16xf32>
          %parallel_loop3A_485 = arith.mulf %parallel_loop3A_484, %parallel_loop3A_440 : vector<16xf32>
          %parallel_loop3A_486 = arith.index_cast %parallel_loop3A_326 : i32 to index
          %parallel_loop3A_487 = arith.constant 64 : index
          %parallel_loop3A_488 = tpu.vector_load %arg13[%parallel_loop3A_486, %parallel_loop3A_487] {strides = array<i32>} : memref<160x128xf32, #tpu.memory_space<vmem>>, vector<1x16xf32>,
          %parallel_loop3A_489 = vector.shape_cast %parallel_loop3A_488 : vector<1x16xf32> to vector<16xf32>
          %parallel_loop3A_490 = vector.shape_cast %parallel_loop3A_485 : vector<16xf32> to vector<1x16xf32>
          tpu.vector_store %arg13[%parallel_loop3A_486, %parallel_loop3A_487], %parallel_loop3A_490 {strides = array<i32>} : memref<160x128xf32, #tpu.memory_space<vmem>>, vector<1x16xf32>,
          %parallel_loop3A_491 = arith.index_cast %parallel_loop3A_326 : i32 to index
          %parallel_loop3A_492 = arith.constant 80 : index
          %parallel_loop3A_493 = tpu.vector_load %arg13[%parallel_loop3A_491, %parallel_loop3A_492] {strides = array<i32>} : memref<160x128xf32, #tpu.memory_space<vmem>>, vector<1x16xf32>,
          %parallel_loop3A_494 = vector.shape_cast %parallel_loop3A_493 : vector<1x16xf32> to vector<16xf32>
          %parallel_loop3A_495 = arith.mulf %parallel_loop3A_494, %parallel_loop3A_440 : vector<16xf32>
          %parallel_loop3A_496 = arith.index_cast %parallel_loop3A_326 : i32 to index
          %parallel_loop3A_497 = arith.constant 80 : index
          %parallel_loop3A_498 = tpu.vector_load %arg13[%parallel_loop3A_496, %parallel_loop3A_497] {strides = array<i32>} : memref<160x128xf32, #tpu.memory_space<vmem>>, vector<1x16xf32>,
          %parallel_loop3A_499 = vector.shape_cast %parallel_loop3A_498 : vector<1x16xf32> to vector<16xf32>
          %parallel_loop3A_500 = vector.shape_cast %parallel_loop3A_495 : vector<16xf32> to vector<1x16xf32>
          tpu.vector_store %arg13[%parallel_loop3A_496, %parallel_loop3A_497], %parallel_loop3A_500 {strides = array<i32>} : memref<160x128xf32, #tpu.memory_space<vmem>>, vector<1x16xf32>,
          %parallel_loop3A_501 = arith.index_cast %parallel_loop3A_326 : i32 to index
          %parallel_loop3A_502 = arith.constant 96 : index
          %parallel_loop3A_503 = tpu.vector_load %arg13[%parallel_loop3A_501, %parallel_loop3A_502] {strides = array<i32>} : memref<160x128xf32, #tpu.memory_space<vmem>>, vector<1x16xf32>,
          %parallel_loop3A_504 = vector.shape_cast %parallel_loop3A_503 : vector<1x16xf32> to vector<16xf32>
          %parallel_loop3A_505 = arith.mulf %parallel_loop3A_504, %parallel_loop3A_440 : vector<16xf32>
          %parallel_loop3A_506 = arith.index_cast %parallel_loop3A_326 : i32 to index
          %parallel_loop3A_507 = arith.constant 96 : index
          %parallel_loop3A_508 = tpu.vector_load %arg13[%parallel_loop3A_506, %parallel_loop3A_507] {strides = array<i32>} : memref<160x128xf32, #tpu.memory_space<vmem>>, vector<1x16xf32>,
          %parallel_loop3A_509 = vector.shape_cast %parallel_loop3A_508 : vector<1x16xf32> to vector<16xf32>
          %parallel_loop3A_510 = vector.shape_cast %parallel_loop3A_505 : vector<16xf32> to vector<1x16xf32>
          tpu.vector_store %arg13[%parallel_loop3A_506, %parallel_loop3A_507], %parallel_loop3A_510 {strides = array<i32>} : memref<160x128xf32, #tpu.memory_space<vmem>>, vector<1x16xf32>,
          %parallel_loop3A_511 = arith.index_cast %parallel_loop3A_326 : i32 to index
          %parallel_loop3A_512 = arith.constant 112 : index
          %parallel_loop3A_513 = tpu.vector_load %arg13[%parallel_loop3A_511, %parallel_loop3A_512] {strides = array<i32>} : memref<160x128xf32, #tpu.memory_space<vmem>>, vector<1x16xf32>,
          %parallel_loop3A_514 = vector.shape_cast %parallel_loop3A_513 : vector<1x16xf32> to vector<16xf32>
          %parallel_loop3A_515 = arith.mulf %parallel_loop3A_514, %parallel_loop3A_440 : vector<16xf32>
          %parallel_loop3A_516 = arith.index_cast %parallel_loop3A_326 : i32 to index
          %parallel_loop3A_517 = arith.constant 112 : index
          %parallel_loop3A_518 = tpu.vector_load %arg13[%parallel_loop3A_516, %parallel_loop3A_517] {strides = array<i32>} : memref<160x128xf32, #tpu.memory_space<vmem>>, vector<1x16xf32>,
          %parallel_loop3A_519 = vector.shape_cast %parallel_loop3A_518 : vector<1x16xf32> to vector<16xf32>
          %parallel_loop3A_520 = vector.shape_cast %parallel_loop3A_515 : vector<16xf32> to vector<1x16xf32>
          tpu.vector_store %arg13[%parallel_loop3A_516, %parallel_loop3A_517], %parallel_loop3A_520 {strides = array<i32>} : memref<160x128xf32, #tpu.memory_space<vmem>>, vector<1x16xf32>,
          %parallel_loop3A_521 = arith.constant 16 : i32
          %parallel_loop3A_522 = arith.divsi %parallel_loop3A_326, %parallel_loop3A_521 : i32
          %parallel_loop3A_523 = arith.constant 0 : i32
          %parallel_loop3A_524 = arith.cmpi sgt, %parallel_loop3A_326, %parallel_loop3A_523 : i32
          %parallel_loop3A_525 = arith.extui %parallel_loop3A_524 : i1 to i32
          %parallel_loop3A_526 = arith.constant 0 : i32
          %parallel_loop3A_527 = arith.cmpi slt, %parallel_loop3A_326, %parallel_loop3A_526 : i32
          %parallel_loop3A_528 = arith.extui %parallel_loop3A_527 : i1 to i32
          %parallel_loop3A_529 = arith.subi %parallel_loop3A_525, %parallel_loop3A_528 : i32
          %parallel_loop3A_530 = arith.constant 0 : i32
          %parallel_loop3A_531 = arith.cmpi sgt, %parallel_loop3A_521, %parallel_loop3A_530 : i32
          %parallel_loop3A_532 = arith.extui %parallel_loop3A_531 : i1 to i32
          %parallel_loop3A_533 = arith.constant 0 : i32
          %parallel_loop3A_534 = arith.cmpi slt, %parallel_loop3A_521, %parallel_loop3A_533 : i32
          %parallel_loop3A_535 = arith.extui %parallel_loop3A_534 : i1 to i32
          %parallel_loop3A_536 = arith.subi %parallel_loop3A_532, %parallel_loop3A_535 : i32
          %parallel_loop3A_537 = arith.cmpi ne, %parallel_loop3A_529, %parallel_loop3A_536 : i32
          %parallel_loop3A_538 = arith.remsi %parallel_loop3A_326, %parallel_loop3A_521 : i32
          %parallel_loop3A_539 = arith.constant 0 : i32
          %parallel_loop3A_540 = arith.cmpi ne, %parallel_loop3A_538, %parallel_loop3A_539 : i32
          %parallel_loop3A_541 = arith.andi %parallel_loop3A_537, %parallel_loop3A_540 : i1
          %parallel_loop3A_542 = arith.constant 1 : i32
          %parallel_loop3A_543 = arith.subi %parallel_loop3A_522, %parallel_loop3A_542 : i32
          %parallel_loop3A_544 = arith.select %parallel_loop3A_541, %parallel_loop3A_543, %parallel_loop3A_522 : i32
          %parallel_loop3A_545 = arith.constant 16 : i32
          %parallel_loop3A_546 = arith.muli %parallel_loop3A_544, %parallel_loop3A_545 : i32
          %parallel_loop3A_547 = arith.constant 1 : i32
          %parallel_loop3A_548 = arith.index_cast %scan3A_81 : i32 to index
          %parallel_loop3A_549 = arith.index_cast %parallel_loop3A_547 : i32 to index
          %parallel_loop3A_550 = arith.index_cast %parallel_loop3A_546 : i32 to index
          %parallel_loop3A_551 = tpu.vector_load %arg6[%parallel_loop3A_548, %parallel_loop3A_549, %parallel_loop3A_550] {strides = array<i32>} : memref<25x2x80xi32, #tpu.memory_space<vmem>>, vector<1x1x16xi32>,
          %parallel_loop3A_552 = vector.shape_cast %parallel_loop3A_551 : vector<1x1x16xi32> to vector<16xi32>
          %parallel_loop3A_553 = arith.constant 16 : i32
          %parallel_loop3A_554 = arith.constant 0 : i32
          %parallel_loop3A_555 = arith.cmpi eq, %parallel_loop3A_553, %parallel_loop3A_554 : i32
          %parallel_loop3A_556 = arith.constant 1 : i32
          %parallel_loop3A_557 = arith.select %parallel_loop3A_555, %parallel_loop3A_556, %parallel_loop3A_553 : i32
          %parallel_loop3A_558 = arith.remsi %parallel_loop3A_326, %parallel_loop3A_557 : i32
          %parallel_loop3A_559 = arith.constant 0 : i32
          %parallel_loop3A_560 = arith.cmpi ne, %parallel_loop3A_558, %parallel_loop3A_559 : i32
          %parallel_loop3A_561 = arith.constant 0 : i32
          %parallel_loop3A_562 = arith.cmpi slt, %parallel_loop3A_558, %parallel_loop3A_561 : i32
          %parallel_loop3A_563 = arith.constant 0 : i32
          %parallel_loop3A_564 = arith.cmpi slt, %parallel_loop3A_557, %parallel_loop3A_563 : i32
          %parallel_loop3A_565 = arith.xori %parallel_loop3A_562, %parallel_loop3A_564 : i1
          %parallel_loop3A_566 = arith.andi %parallel_loop3A_565, %parallel_loop3A_560 : i1
          %parallel_loop3A_567 = arith.addi %parallel_loop3A_558, %parallel_loop3A_557 : i32
          %parallel_loop3A_568 = arith.select %parallel_loop3A_566, %parallel_loop3A_567, %parallel_loop3A_558 : i32
          %parallel_loop3A_569 = vector.broadcast %parallel_loop3A_568 : i32 to vector<16xi32>
          %parallel_loop3A_570 = vector.shape_cast %parallel_loop3A_569 : vector<16xi32> to vector<16x1xi32>
          %parallel_loop3A_571 = vector.shape_cast %parallel_loop3A_570 : vector<16x1xi32> to vector<16xi32>
          %parallel_loop3A_572 = tpu.dynamic_gather %parallel_loop3A_552[%parallel_loop3A_571] in [0] : vector<16xi32>, vector<16xi32> -> vector<16xi32>
          %parallel_loop3A_573 = arith.constant 127 : i32
          %parallel_loop3A_574 = vector.broadcast %parallel_loop3A_573 : i32 to vector<16xi32>
          %parallel_loop3A_575 = arith.andi %parallel_loop3A_572, %parallel_loop3A_574 : vector<16xi32>
          %parallel_loop3A_576 = arith.constant 0 : i32
          %parallel_loop3A_577 = vector.broadcast %parallel_loop3A_576 : i32 to vector<16xi32>
          %parallel_loop3A_578 = arith.addi %iota3A, %parallel_loop3A_577 : vector<16xi32>
          %parallel_loop3A_579 = arith.cmpi eq, %parallel_loop3A_578, %parallel_loop3A_575 : vector<16xi32>
          %parallel_loop3A_580 = arith.constant 0.000000e+00 : f32
          %parallel_loop3A_581 = vector.broadcast %parallel_loop3A_580 : f32 to vector<16xf32>
          %parallel_loop3A_582 = arith.select %parallel_loop3A_579, %parallel_loop3A_440, %parallel_loop3A_581 : vector<16xi1>, vector<16xf32>
          %parallel_loop3A_583 = arith.constant 80 : i32
          %parallel_loop3A_584 = arith.addi %parallel_loop3A_583, %parallel_loop3A_326 : i32
          %parallel_loop3A_585 = arith.index_cast %parallel_loop3A_584 : i32 to index
          %parallel_loop3A_586 = arith.constant 0 : index
          %parallel_loop3A_587 = tpu.vector_load %arg13[%parallel_loop3A_585, %parallel_loop3A_586] {strides = array<i32>} : memref<160x128xf32, #tpu.memory_space<vmem>>, vector<1x16xf32>,
          %parallel_loop3A_588 = vector.shape_cast %parallel_loop3A_587 : vector<1x16xf32> to vector<16xf32>
          %parallel_loop3A_589 = vector.shape_cast %parallel_loop3A_582 : vector<16xf32> to vector<1x16xf32>
          tpu.vector_store %arg13[%parallel_loop3A_585, %parallel_loop3A_586], %parallel_loop3A_589 {strides = array<i32>} : memref<160x128xf32, #tpu.memory_space<vmem>>, vector<1x16xf32>,
          %parallel_loop3A_590 = arith.constant 16 : i32
          %parallel_loop3A_591 = vector.broadcast %parallel_loop3A_590 : i32 to vector<16xi32>
          %parallel_loop3A_592 = arith.addi %iota3A, %parallel_loop3A_591 : vector<16xi32>
          %parallel_loop3A_593 = arith.cmpi eq, %parallel_loop3A_592, %parallel_loop3A_575 : vector<16xi32>
          %parallel_loop3A_594 = arith.constant 0.000000e+00 : f32
          %parallel_loop3A_595 = vector.broadcast %parallel_loop3A_594 : f32 to vector<16xf32>
          %parallel_loop3A_596 = arith.select %parallel_loop3A_593, %parallel_loop3A_440, %parallel_loop3A_595 : vector<16xi1>, vector<16xf32>
          %parallel_loop3A_597 = arith.constant 80 : i32
          %parallel_loop3A_598 = arith.addi %parallel_loop3A_597, %parallel_loop3A_326 : i32
          %parallel_loop3A_599 = arith.index_cast %parallel_loop3A_598 : i32 to index
          %parallel_loop3A_600 = arith.constant 16 : index
          %parallel_loop3A_601 = tpu.vector_load %arg13[%parallel_loop3A_599, %parallel_loop3A_600] {strides = array<i32>} : memref<160x128xf32, #tpu.memory_space<vmem>>, vector<1x16xf32>,
          %parallel_loop3A_602 = vector.shape_cast %parallel_loop3A_601 : vector<1x16xf32> to vector<16xf32>
          %parallel_loop3A_603 = vector.shape_cast %parallel_loop3A_596 : vector<16xf32> to vector<1x16xf32>
          tpu.vector_store %arg13[%parallel_loop3A_599, %parallel_loop3A_600], %parallel_loop3A_603 {strides = array<i32>} : memref<160x128xf32, #tpu.memory_space<vmem>>, vector<1x16xf32>,
          %parallel_loop3A_604 = arith.constant 32 : i32
          %parallel_loop3A_605 = vector.broadcast %parallel_loop3A_604 : i32 to vector<16xi32>
          %parallel_loop3A_606 = arith.addi %iota3A, %parallel_loop3A_605 : vector<16xi32>
          %parallel_loop3A_607 = arith.cmpi eq, %parallel_loop3A_606, %parallel_loop3A_575 : vector<16xi32>
          %parallel_loop3A_608 = arith.constant 0.000000e+00 : f32
          %parallel_loop3A_609 = vector.broadcast %parallel_loop3A_608 : f32 to vector<16xf32>
          %parallel_loop3A_610 = arith.select %parallel_loop3A_607, %parallel_loop3A_440, %parallel_loop3A_609 : vector<16xi1>, vector<16xf32>
          %parallel_loop3A_611 = arith.constant 80 : i32
          %parallel_loop3A_612 = arith.addi %parallel_loop3A_611, %parallel_loop3A_326 : i32
          %parallel_loop3A_613 = arith.index_cast %parallel_loop3A_612 : i32 to index
          %parallel_loop3A_614 = arith.constant 32 : index
          %parallel_loop3A_615 = tpu.vector_load %arg13[%parallel_loop3A_613, %parallel_loop3A_614] {strides = array<i32>} : memref<160x128xf32, #tpu.memory_space<vmem>>, vector<1x16xf32>,
          %parallel_loop3A_616 = vector.shape_cast %parallel_loop3A_615 : vector<1x16xf32> to vector<16xf32>
          %parallel_loop3A_617 = vector.shape_cast %parallel_loop3A_610 : vector<16xf32> to vector<1x16xf32>
          tpu.vector_store %arg13[%parallel_loop3A_613, %parallel_loop3A_614], %parallel_loop3A_617 {strides = array<i32>} : memref<160x128xf32, #tpu.memory_space<vmem>>, vector<1x16xf32>,
          %parallel_loop3A_618 = arith.constant 48 : i32
          %parallel_loop3A_619 = vector.broadcast %parallel_loop3A_618 : i32 to vector<16xi32>
          %parallel_loop3A_620 = arith.addi %iota3A, %parallel_loop3A_619 : vector<16xi32>
          %parallel_loop3A_621 = arith.cmpi eq, %parallel_loop3A_620, %parallel_loop3A_575 : vector<16xi32>
          %parallel_loop3A_622 = arith.constant 0.000000e+00 : f32
          %parallel_loop3A_623 = vector.broadcast %parallel_loop3A_622 : f32 to vector<16xf32>
          %parallel_loop3A_624 = arith.select %parallel_loop3A_621, %parallel_loop3A_440, %parallel_loop3A_623 : vector<16xi1>, vector<16xf32>
          %parallel_loop3A_625 = arith.constant 80 : i32
          %parallel_loop3A_626 = arith.addi %parallel_loop3A_625, %parallel_loop3A_326 : i32
          %parallel_loop3A_627 = arith.index_cast %parallel_loop3A_626 : i32 to index
          %parallel_loop3A_628 = arith.constant 48 : index
          %parallel_loop3A_629 = tpu.vector_load %arg13[%parallel_loop3A_627, %parallel_loop3A_628] {strides = array<i32>} : memref<160x128xf32, #tpu.memory_space<vmem>>, vector<1x16xf32>,
          %parallel_loop3A_630 = vector.shape_cast %parallel_loop3A_629 : vector<1x16xf32> to vector<16xf32>
          %parallel_loop3A_631 = vector.shape_cast %parallel_loop3A_624 : vector<16xf32> to vector<1x16xf32>
          tpu.vector_store %arg13[%parallel_loop3A_627, %parallel_loop3A_628], %parallel_loop3A_631 {strides = array<i32>} : memref<160x128xf32, #tpu.memory_space<vmem>>, vector<1x16xf32>,
          %parallel_loop3A_632 = arith.constant 64 : i32
          %parallel_loop3A_633 = vector.broadcast %parallel_loop3A_632 : i32 to vector<16xi32>
          %parallel_loop3A_634 = arith.addi %iota3A, %parallel_loop3A_633 : vector<16xi32>
          %parallel_loop3A_635 = arith.cmpi eq, %parallel_loop3A_634, %parallel_loop3A_575 : vector<16xi32>
          %parallel_loop3A_636 = arith.constant 0.000000e+00 : f32
          %parallel_loop3A_637 = vector.broadcast %parallel_loop3A_636 : f32 to vector<16xf32>
          %parallel_loop3A_638 = arith.select %parallel_loop3A_635, %parallel_loop3A_440, %parallel_loop3A_637 : vector<16xi1>, vector<16xf32>
          %parallel_loop3A_639 = arith.constant 80 : i32
          %parallel_loop3A_640 = arith.addi %parallel_loop3A_639, %parallel_loop3A_326 : i32
          %parallel_loop3A_641 = arith.index_cast %parallel_loop3A_640 : i32 to index
          %parallel_loop3A_642 = arith.constant 64 : index
          %parallel_loop3A_643 = tpu.vector_load %arg13[%parallel_loop3A_641, %parallel_loop3A_642] {strides = array<i32>} : memref<160x128xf32, #tpu.memory_space<vmem>>, vector<1x16xf32>,
          %parallel_loop3A_644 = vector.shape_cast %parallel_loop3A_643 : vector<1x16xf32> to vector<16xf32>
          %parallel_loop3A_645 = vector.shape_cast %parallel_loop3A_638 : vector<16xf32> to vector<1x16xf32>
          tpu.vector_store %arg13[%parallel_loop3A_641, %parallel_loop3A_642], %parallel_loop3A_645 {strides = array<i32>} : memref<160x128xf32, #tpu.memory_space<vmem>>, vector<1x16xf32>,
          %parallel_loop3A_646 = arith.constant 80 : i32
          %parallel_loop3A_647 = vector.broadcast %parallel_loop3A_646 : i32 to vector<16xi32>
          %parallel_loop3A_648 = arith.addi %iota3A, %parallel_loop3A_647 : vector<16xi32>
          %parallel_loop3A_649 = arith.cmpi eq, %parallel_loop3A_648, %parallel_loop3A_575 : vector<16xi32>
          %parallel_loop3A_650 = arith.constant 0.000000e+00 : f32
          %parallel_loop3A_651 = vector.broadcast %parallel_loop3A_650 : f32 to vector<16xf32>
          %parallel_loop3A_652 = arith.select %parallel_loop3A_649, %parallel_loop3A_440, %parallel_loop3A_651 : vector<16xi1>, vector<16xf32>
          %parallel_loop3A_653 = arith.constant 80 : i32
          %parallel_loop3A_654 = arith.addi %parallel_loop3A_653, %parallel_loop3A_326 : i32
          %parallel_loop3A_655 = arith.index_cast %parallel_loop3A_654 : i32 to index
          %parallel_loop3A_656 = arith.constant 80 : index
          %parallel_loop3A_657 = tpu.vector_load %arg13[%parallel_loop3A_655, %parallel_loop3A_656] {strides = array<i32>} : memref<160x128xf32, #tpu.memory_space<vmem>>, vector<1x16xf32>,
          %parallel_loop3A_658 = vector.shape_cast %parallel_loop3A_657 : vector<1x16xf32> to vector<16xf32>
          %parallel_loop3A_659 = vector.shape_cast %parallel_loop3A_652 : vector<16xf32> to vector<1x16xf32>
          tpu.vector_store %arg13[%parallel_loop3A_655, %parallel_loop3A_656], %parallel_loop3A_659 {strides = array<i32>} : memref<160x128xf32, #tpu.memory_space<vmem>>, vector<1x16xf32>,
          %parallel_loop3A_660 = arith.constant 96 : i32
          %parallel_loop3A_661 = vector.broadcast %parallel_loop3A_660 : i32 to vector<16xi32>
          %parallel_loop3A_662 = arith.addi %iota3A, %parallel_loop3A_661 : vector<16xi32>
          %parallel_loop3A_663 = arith.cmpi eq, %parallel_loop3A_662, %parallel_loop3A_575 : vector<16xi32>
          %parallel_loop3A_664 = arith.constant 0.000000e+00 : f32
          %parallel_loop3A_665 = vector.broadcast %parallel_loop3A_664 : f32 to vector<16xf32>
          %parallel_loop3A_666 = arith.select %parallel_loop3A_663, %parallel_loop3A_440, %parallel_loop3A_665 : vector<16xi1>, vector<16xf32>
          %parallel_loop3A_667 = arith.constant 80 : i32
          %parallel_loop3A_668 = arith.addi %parallel_loop3A_667, %parallel_loop3A_326 : i32
          %parallel_loop3A_669 = arith.index_cast %parallel_loop3A_668 : i32 to index
          %parallel_loop3A_670 = arith.constant 96 : index
          %parallel_loop3A_671 = tpu.vector_load %arg13[%parallel_loop3A_669, %parallel_loop3A_670] {strides = array<i32>} : memref<160x128xf32, #tpu.memory_space<vmem>>, vector<1x16xf32>,
          %parallel_loop3A_672 = vector.shape_cast %parallel_loop3A_671 : vector<1x16xf32> to vector<16xf32>
          %parallel_loop3A_673 = vector.shape_cast %parallel_loop3A_666 : vector<16xf32> to vector<1x16xf32>
          tpu.vector_store %arg13[%parallel_loop3A_669, %parallel_loop3A_670], %parallel_loop3A_673 {strides = array<i32>} : memref<160x128xf32, #tpu.memory_space<vmem>>, vector<1x16xf32>,
          %parallel_loop3A_674 = arith.constant 112 : i32
          %parallel_loop3A_675 = vector.broadcast %parallel_loop3A_674 : i32 to vector<16xi32>
          %parallel_loop3A_676 = arith.addi %iota3A, %parallel_loop3A_675 : vector<16xi32>
          %parallel_loop3A_677 = arith.cmpi eq, %parallel_loop3A_676, %parallel_loop3A_575 : vector<16xi32>
          %parallel_loop3A_678 = arith.constant 0.000000e+00 : f32
          %parallel_loop3A_679 = vector.broadcast %parallel_loop3A_678 : f32 to vector<16xf32>
          %parallel_loop3A_680 = arith.select %parallel_loop3A_677, %parallel_loop3A_440, %parallel_loop3A_679 : vector<16xi1>, vector<16xf32>
          %parallel_loop3A_681 = arith.constant 80 : i32
          %parallel_loop3A_682 = arith.addi %parallel_loop3A_681, %parallel_loop3A_326 : i32
          %parallel_loop3A_683 = arith.index_cast %parallel_loop3A_682 : i32 to index
          %parallel_loop3A_684 = arith.constant 112 : index
          %parallel_loop3A_685 = tpu.vector_load %arg13[%parallel_loop3A_683, %parallel_loop3A_684] {strides = array<i32>} : memref<160x128xf32, #tpu.memory_space<vmem>>, vector<1x16xf32>,
          %parallel_loop3A_686 = vector.shape_cast %parallel_loop3A_685 : vector<1x16xf32> to vector<16xf32>
          %parallel_loop3A_687 = vector.shape_cast %parallel_loop3A_680 : vector<16xf32> to vector<1x16xf32>
          tpu.vector_store %arg13[%parallel_loop3A_683, %parallel_loop3A_684], %parallel_loop3A_687 {strides = array<i32>} : memref<160x128xf32, #tpu.memory_space<vmem>>, vector<1x16xf32>,
        } {sc.loop_unroll_factor = 2 : i64, sc.parallel_access}
        "tpu.region"() ({
          %run_scoped3A = tpu.sem_alloc : memref<!tpu.dma_semaphore, #tpu.memory_space<semaphore_mem>>
          %dma_start3A_326 = arith.constant 0 : i32
          %dma_start3A_327 = arith.constant 0 : i32
          %dma_start3A_328 = tpu.memref_slice %arg15[%dma_start3A_326, %dma_start3A_327] : memref<10080x128xf32, #tpu.memory_space<vmem_shared>> -> memref<10080x128xf32, #tpu.memory_space<vmem_shared>>
          tpu.enqueue_indirect_dma source(%arg13 : memref<160x128xf32, #tpu.memory_space<vmem>>) target(%dma_start3A_328 : memref<10080x128xf32, #tpu.memory_space<vmem_shared>>) offsets(%arg10 : memref<160xi32, #tpu.memory_space<vmem>>) semaphore(%run_scoped3A : memref<!tpu.dma_semaphore, #tpu.memory_space<semaphore_mem>>) {add = true}
          %dma_wait3A_329 = arith.constant 0 : i32
          %dma_wait3A_330 = arith.constant 0 : i32
          %dma_wait3A_331 = tpu.memref_slice %arg15[%dma_wait3A_329, %dma_wait3A_330] : memref<10080x128xf32, #tpu.memory_space<vmem_shared>> -> memref<10080x128xf32, #tpu.memory_space<vmem_shared>>
          tpu.wait_indirect_dma semaphore(%run_scoped3A : memref<!tpu.dma_semaphore, #tpu.memory_space<semaphore_mem>>) src(%arg13 : memref<160x128xf32, #tpu.memory_space<vmem>>) dst(%dma_wait3A_331 : memref<10080x128xf32, #tpu.memory_space<vmem_shared>>)
          tpu.yield
        }) : () -> ()
        %scan3A_325 = arith.constant 0 : i32
        scf.yield %scan3A_325 : i32
      }
      %scan3A_79 = arith.constant 25 : i32
      %scan3A_80 = arith.constant 0 : i32
      scf.yield %scan3A_80 : i32
    }
    %scan3A_57 = arith.constant 5 : i32
    %barrier3A_58 = arith.constant 0 : index
    tpu.barrier barrier_id(%barrier3A_58)
    %mul3A_59 = arith.constant 624 : i32
    %mul3A_60 = arith.muli %arg1, %mul3A_59 : i32
    %mul3A_61 = arith.constant 624 : i32
    %mul3A_62 = arith.muli %arg1, %mul3A_61 : i32
    "tpu.region"() ({
      %run_scoped3A = tpu.sem_alloc : memref<!tpu.dma_semaphore, #tpu.memory_space<semaphore_mem>>
      %dma_start3A = arith.constant 0 : i32
      %dma_start3A_68 = arith.constant 0 : i32
      %dma_start3A_69 = tpu.memref_slice %arg5[%arg0, %dma_start3A, %dma_start3A_68] : memref<2x10080x128xf32, #tpu.memory_space<hbm>> -> memref<1x10080x128xf32, #tpu.memory_space<hbm>>
      %dma_start3A_70 = tpu.memref_squeeze %dma_start3A_69 : memref<1x10080x128xf32, #tpu.memory_space<hbm>> -> memref<10080x128xf32, #tpu.memory_space<hbm>>
      %dma_start3A_71 = arith.constant 0 : i32
      %dma_start3A_72 = tpu.memref_slice %dma_start3A_70[%mul3A_62, %dma_start3A_71] : memref<10080x128xf32, #tpu.memory_space<hbm>> -> memref<624x128xf32, #tpu.memory_space<hbm>>
      %dma_start3A_73 = arith.constant 0 : i32
      %dma_start3A_74 = tpu.memref_slice %arg15[%mul3A_60, %dma_start3A_73] : memref<10080x128xf32, #tpu.memory_space<vmem_shared>> -> memref<624x128xf32, #tpu.memory_space<vmem_shared>>
      tpu.enqueue_dma source(%dma_start3A_74 : memref<624x128xf32, #tpu.memory_space<vmem_shared>>) target(%dma_start3A_72 : memref<624x128xf32, #tpu.memory_space<hbm>>) target_semaphore(%run_scoped3A : memref<!tpu.dma_semaphore, #tpu.memory_space<semaphore_mem>>)
      %dma_wait3A = arith.constant 0 : i32
      %dma_wait3A_75 = arith.constant 0 : i32
      %dma_wait3A_76 = tpu.memref_slice %arg5[%arg0, %dma_wait3A, %dma_wait3A_75] : memref<2x10080x128xf32, #tpu.memory_space<hbm>> -> memref<1x10080x128xf32, #tpu.memory_space<hbm>>
      %dma_wait3A_77 = tpu.memref_squeeze %dma_wait3A_76 : memref<1x10080x128xf32, #tpu.memory_space<hbm>> -> memref<10080x128xf32, #tpu.memory_space<hbm>>
      %dma_wait3A_78 = arith.constant 0 : i32
      %dma_wait3A_79 = tpu.memref_slice %dma_wait3A_77[%mul3A_62, %dma_wait3A_78] : memref<10080x128xf32, #tpu.memory_space<hbm>> -> memref<624x128xf32, #tpu.memory_space<hbm>>
      %dma_wait3A_80 = arith.constant 0 : i32
      %dma_wait3A_81 = tpu.memref_slice %arg15[%mul3A_60, %dma_wait3A_80] : memref<10080x128xf32, #tpu.memory_space<vmem_shared>> -> memref<624x128xf32, #tpu.memory_space<vmem_shared>>
      tpu.wait_dma2 semaphore(%run_scoped3A : memref<!tpu.dma_semaphore, #tpu.memory_space<semaphore_mem>>) src(%dma_wait3A_81 : memref<624x128xf32, #tpu.memory_space<vmem_shared>>) dst(%dma_wait3A_79 : memref<624x128xf32, #tpu.memory_space<hbm>>)
      tpu.yield
    }) : () -> ()
    %lt3A_63 = arith.constant 12 : i32
    %lt3A_64 = arith.cmpi slt, %arg1, %lt3A_63 : i32
    %convert_element_type3A_65 = arith.extui %lt3A_64 : i1 to i32
    %cond3A_66 = arith.constant 0 : i32
    %cond3A_67 = arith.cmpi ne, %convert_element_type3A_65, %cond3A_66 : i32
    scf.if %cond3A_67 {
      %mul3A_68 = arith.constant 8 : i32
      %mul3A_69 = arith.muli %mul3A_68, %arg1 : i32
      %add3A_70 = arith.constant 9984 : i32
      %add3A_71 = arith.addi %add3A_70, %mul3A_69 : i32
      %mul3A_72 = arith.constant 8 : i32
      %mul3A_73 = arith.muli %mul3A_72, %arg1 : i32
      %add3A_74 = arith.constant 9984 : i32
      %add3A_75 = arith.addi %add3A_74, %mul3A_73 : i32
      "tpu.region"() ({
        %run_scoped3A = tpu.sem_alloc : memref<!tpu.dma_semaphore, #tpu.memory_space<semaphore_mem>>
        %dma_start3A = arith.constant 0 : i32
        %dma_start3A_76 = arith.constant 0 : i32
        %dma_start3A_77 = tpu.memref_slice %arg5[%arg0, %dma_start3A, %dma_start3A_76] : memref<2x10080x128xf32, #tpu.memory_space<hbm>> -> memref<1x10080x128xf32, #tpu.memory_space<hbm>>
        %dma_start3A_78 = tpu.memref_squeeze %dma_start3A_77 : memref<1x10080x128xf32, #tpu.memory_space<hbm>> -> memref<10080x128xf32, #tpu.memory_space<hbm>>
        %dma_start3A_79 = arith.constant 0 : i32
        %dma_start3A_80 = tpu.memref_slice %dma_start3A_78[%add3A_75, %dma_start3A_79] : memref<10080x128xf32, #tpu.memory_space<hbm>> -> memref<8x128xf32, #tpu.memory_space<hbm>>
        %dma_start3A_81 = arith.constant 0 : i32
        %dma_start3A_82 = tpu.memref_slice %arg15[%add3A_71, %dma_start3A_81] : memref<10080x128xf32, #tpu.memory_space<vmem_shared>> -> memref<8x128xf32, #tpu.memory_space<vmem_shared>>
        tpu.enqueue_dma source(%dma_start3A_82 : memref<8x128xf32, #tpu.memory_space<vmem_shared>>) target(%dma_start3A_80 : memref<8x128xf32, #tpu.memory_space<hbm>>) target_semaphore(%run_scoped3A : memref<!tpu.dma_semaphore, #tpu.memory_space<semaphore_mem>>)
        %dma_wait3A = arith.constant 0 : i32
        %dma_wait3A_83 = arith.constant 0 : i32
        %dma_wait3A_84 = tpu.memref_slice %arg5[%arg0, %dma_wait3A, %dma_wait3A_83] : memref<2x10080x128xf32, #tpu.memory_space<hbm>> -> memref<1x10080x128xf32, #tpu.memory_space<hbm>>
        %dma_wait3A_85 = tpu.memref_squeeze %dma_wait3A_84 : memref<1x10080x128xf32, #tpu.memory_space<hbm>> -> memref<10080x128xf32, #tpu.memory_space<hbm>>
        %dma_wait3A_86 = arith.constant 0 : i32
        %dma_wait3A_87 = tpu.memref_slice %dma_wait3A_85[%add3A_75, %dma_wait3A_86] : memref<10080x128xf32, #tpu.memory_space<hbm>> -> memref<8x128xf32, #tpu.memory_space<hbm>>
        %dma_wait3A_88 = arith.constant 0 : i32
        %dma_wait3A_89 = tpu.memref_slice %arg15[%add3A_71, %dma_wait3A_88] : memref<10080x128xf32, #tpu.memory_space<vmem_shared>> -> memref<8x128xf32, #tpu.memory_space<vmem_shared>>
        tpu.wait_dma2 semaphore(%run_scoped3A : memref<!tpu.dma_semaphore, #tpu.memory_space<semaphore_mem>>) src(%dma_wait3A_89 : memref<8x128xf32, #tpu.memory_space<vmem_shared>>) dst(%dma_wait3A_87 : memref<8x128xf32, #tpu.memory_space<hbm>>)
        tpu.yield
      }) : () -> ()
    } else {
    }
    return
  }
}

#map = affine_map<(d0, d1) -> (0, 0, 0)>
#map1 = affine_map<(d0, d1) -> (0, 0)>
#map2 = affine_map<(d0, d1) -> (0)>
module attributes {stable_mosaic.version = 14 : i64} {
  func.func @sc_attn(%arg0: i32, %arg1: i32, %arg2: memref<4000x2x80xi32, #tpu.memory_space<hbm>>, %arg3: memref<30000x128xf32, #tpu.memory_space<hbm>>, %arg4: memref<128xf32, #tpu.memory_space<hbm>>, %arg5: memref<2x10080x128xf32, #tpu.memory_space<hbm>>, %arg6: memref<25x2x80xi32, #tpu.memory_space<vmem>>, %arg7: memref<80xi32, #tpu.memory_space<vmem>>, %arg8: memref<80xi32, #tpu.memory_space<vmem>>, %arg9: memref<80xi32, #tpu.memory_space<vmem>>, %arg10: memref<160xi32, #tpu.memory_space<vmem>>, %arg11: memref<80x128xf32, #tpu.memory_space<vmem>>, %arg12: memref<80x128xf32, #tpu.memory_space<vmem>>, %arg13: memref<160x128xf32, #tpu.memory_space<vmem>>, %arg14: memref<128xf32, #tpu.memory_space<vmem>>, %arg15: memref<10080x128xf32, #tpu.memory_space<vmem_shared>>, %arg16: memref<!tpu.dma_semaphore, #tpu.memory_space<semaphore_mem>>, %arg17: memref<!tpu.dma_semaphore, #tpu.memory_space<semaphore_mem>>, %arg18: memref<!tpu.dma_semaphore, #tpu.memory_space<semaphore_mem>>) attributes {dimension_semantics = [#tpu.dimension_semantics<core_parallel>, #tpu.dimension_semantics<subcore_parallel>], iteration_bounds = array<i64: 2, 16>, scalar_prefetch = 0 : i64, scratch_operands = 13 : i64, tpu.core_type = #tpu.core_type<sc_vector_subcore>, window_params = [{transform_indices = #map}, {transform_indices = #map1}, {transform_indices = #map2}, {transform_indices = #map}]} {
    %mul3A = arith.constant 2 : i32
    %mul3A_0 = arith.muli %arg1, %mul3A : i32
    %add3A = arith.addi %mul3A_0, %arg0 : i32
    %iota3A = tpu.iota {dimensions = array<i32: 0>} : vector<16xi32>
    %scan3A = arith.constant 0 : i32
    %scan3A_1 = arith.constant 0 : i32
    %scan3A_2 = arith.constant 160 : i32
    %scan3A_3 = arith.addi %scan3A_1, %scan3A_2 : i32
    %scan3A_4 = arith.constant 1 : i32
    %scan3A_5 = scf.for %scan3A_68 = %scan3A_1 to %scan3A_3 step %scan3A_4 iter_args(%scan3A_69 = %scan3A) -> (i32)  : i32 {
      %broadcast_in_dim3A = arith.constant 0.000000e+00 : f32
      %broadcast_in_dim3A_70 = vector.broadcast %broadcast_in_dim3A : f32 to vector<16xf32>
      %swap3A = arith.index_cast %scan3A_68 : i32 to index
      %swap3A_71 = arith.constant 0 : index
      %swap3A_72 = tpu.vector_load %arg13[%swap3A, %swap3A_71] {strides = array<i32>} : memref<160x128xf32, #tpu.memory_space<vmem>>, vector<1x16xf32>,
      %swap3A_73 = vector.shape_cast %swap3A_72 : vector<1x16xf32> to vector<16xf32>
      %swap3A_74 = vector.shape_cast %broadcast_in_dim3A_70 : vector<16xf32> to vector<1x16xf32>
      tpu.vector_store %arg13[%swap3A, %swap3A_71], %swap3A_74 {strides = array<i32>} : memref<160x128xf32, #tpu.memory_space<vmem>>, vector<1x16xf32>,
      %broadcast_in_dim3A_75 = arith.constant 0.000000e+00 : f32
      %broadcast_in_dim3A_76 = vector.broadcast %broadcast_in_dim3A_75 : f32 to vector<16xf32>
      %swap3A_77 = arith.index_cast %scan3A_68 : i32 to index
      %swap3A_78 = arith.constant 16 : index
      %swap3A_79 = tpu.vector_load %arg13[%swap3A_77, %swap3A_78] {strides = array<i32>} : memref<160x128xf32, #tpu.memory_space<vmem>>, vector<1x16xf32>,
      %swap3A_80 = vector.shape_cast %swap3A_79 : vector<1x16xf32> to vector<16xf32>
      %swap3A_81 = vector.shape_cast %broadcast_in_dim3A_76 : vector<16xf32> to vector<1x16xf32>
      tpu.vector_store %arg13[%swap3A_77, %swap3A_78], %swap3A_81 {strides = array<i32>} : memref<160x128xf32, #tpu.memory_space<vmem>>, vector<1x16xf32>,
      %broadcast_in_dim3A_82 = arith.constant 0.000000e+00 : f32
      %broadcast_in_dim3A_83 = vector.broadcast %broadcast_in_dim3A_82 : f32 to vector<16xf32>
      %swap3A_84 = arith.index_cast %scan3A_68 : i32 to index
      %swap3A_85 = arith.constant 32 : index
      %swap3A_86 = tpu.vector_load %arg13[%swap3A_84, %swap3A_85] {strides = array<i32>} : memref<160x128xf32, #tpu.memory_space<vmem>>, vector<1x16xf32>,
      %swap3A_87 = vector.shape_cast %swap3A_86 : vector<1x16xf32> to vector<16xf32>
      %swap3A_88 = vector.shape_cast %broadcast_in_dim3A_83 : vector<16xf32> to vector<1x16xf32>
      tpu.vector_store %arg13[%swap3A_84, %swap3A_85], %swap3A_88 {strides = array<i32>} : memref<160x128xf32, #tpu.memory_space<vmem>>, vector<1x16xf32>,
      %broadcast_in_dim3A_89 = arith.constant 0.000000e+00 : f32
      %broadcast_in_dim3A_90 = vector.broadcast %broadcast_in_dim3A_89 : f32 to vector<16xf32>
      %swap3A_91 = arith.index_cast %scan3A_68 : i32 to index
      %swap3A_92 = arith.constant 48 : index
      %swap3A_93 = tpu.vector_load %arg13[%swap3A_91, %swap3A_92] {strides = array<i32>} : memref<160x128xf32, #tpu.memory_space<vmem>>, vector<1x16xf32>,
      %swap3A_94 = vector.shape_cast %swap3A_93 : vector<1x16xf32> to vector<16xf32>
      %swap3A_95 = vector.shape_cast %broadcast_in_dim3A_90 : vector<16xf32> to vector<1x16xf32>
      tpu.vector_store %arg13[%swap3A_91, %swap3A_92], %swap3A_95 {strides = array<i32>} : memref<160x128xf32, #tpu.memory_space<vmem>>, vector<1x16xf32>,
      %broadcast_in_dim3A_96 = arith.constant 0.000000e+00 : f32
      %broadcast_in_dim3A_97 = vector.broadcast %broadcast_in_dim3A_96 : f32 to vector<16xf32>
      %swap3A_98 = arith.index_cast %scan3A_68 : i32 to index
      %swap3A_99 = arith.constant 64 : index
      %swap3A_100 = tpu.vector_load %arg13[%swap3A_98, %swap3A_99] {strides = array<i32>} : memref<160x128xf32, #tpu.memory_space<vmem>>, vector<1x16xf32>,
      %swap3A_101 = vector.shape_cast %swap3A_100 : vector<1x16xf32> to vector<16xf32>
      %swap3A_102 = vector.shape_cast %broadcast_in_dim3A_97 : vector<16xf32> to vector<1x16xf32>
      tpu.vector_store %arg13[%swap3A_98, %swap3A_99], %swap3A_102 {strides = array<i32>} : memref<160x128xf32, #tpu.memory_space<vmem>>, vector<1x16xf32>,
      %broadcast_in_dim3A_103 = arith.constant 0.000000e+00 : f32
      %broadcast_in_dim3A_104 = vector.broadcast %broadcast_in_dim3A_103 : f32 to vector<16xf32>
      %swap3A_105 = arith.index_cast %scan3A_68 : i32 to index
      %swap3A_106 = arith.constant 80 : index
      %swap3A_107 = tpu.vector_load %arg13[%swap3A_105, %swap3A_106] {strides = array<i32>} : memref<160x128xf32, #tpu.memory_space<vmem>>, vector<1x16xf32>,
      %swap3A_108 = vector.shape_cast %swap3A_107 : vector<1x16xf32> to vector<16xf32>
      %swap3A_109 = vector.shape_cast %broadcast_in_dim3A_104 : vector<16xf32> to vector<1x16xf32>
      tpu.vector_store %arg13[%swap3A_105, %swap3A_106], %swap3A_109 {strides = array<i32>} : memref<160x128xf32, #tpu.memory_space<vmem>>, vector<1x16xf32>,
      %broadcast_in_dim3A_110 = arith.constant 0.000000e+00 : f32
      %broadcast_in_dim3A_111 = vector.broadcast %broadcast_in_dim3A_110 : f32 to vector<16xf32>
      %swap3A_112 = arith.index_cast %scan3A_68 : i32 to index
      %swap3A_113 = arith.constant 96 : index
      %swap3A_114 = tpu.vector_load %arg13[%swap3A_112, %swap3A_113] {strides = array<i32>} : memref<160x128xf32, #tpu.memory_space<vmem>>, vector<1x16xf32>,
      %swap3A_115 = vector.shape_cast %swap3A_114 : vector<1x16xf32> to vector<16xf32>
      %swap3A_116 = vector.shape_cast %broadcast_in_dim3A_111 : vector<16xf32> to vector<1x16xf32>
      tpu.vector_store %arg13[%swap3A_112, %swap3A_113], %swap3A_116 {strides = array<i32>} : memref<160x128xf32, #tpu.memory_space<vmem>>, vector<1x16xf32>,
      %broadcast_in_dim3A_117 = arith.constant 0.000000e+00 : f32
      %broadcast_in_dim3A_118 = vector.broadcast %broadcast_in_dim3A_117 : f32 to vector<16xf32>
      %swap3A_119 = arith.index_cast %scan3A_68 : i32 to index
      %swap3A_120 = arith.constant 112 : index
      %swap3A_121 = tpu.vector_load %arg13[%swap3A_119, %swap3A_120] {strides = array<i32>} : memref<160x128xf32, #tpu.memory_space<vmem>>, vector<1x16xf32>,
      %swap3A_122 = vector.shape_cast %swap3A_121 : vector<1x16xf32> to vector<16xf32>
      %swap3A_123 = vector.shape_cast %broadcast_in_dim3A_118 : vector<16xf32> to vector<1x16xf32>
      tpu.vector_store %arg13[%swap3A_119, %swap3A_120], %swap3A_123 {strides = array<i32>} : memref<160x128xf32, #tpu.memory_space<vmem>>, vector<1x16xf32>,
      %scan3A_124 = arith.constant 0 : i32
      scf.yield %scan3A_124 : i32
    }
    %scan3A_6 = arith.constant 160 : i32
    %mul3A_7 = arith.constant 624 : i32
    %mul3A_8 = arith.muli %arg1, %mul3A_7 : i32
    %add3A_9 = arith.constant 0 : i32
    %add3A_10 = arith.addi %mul3A_8, %add3A_9 : i32
    "tpu.region"() ({
      %run_scoped3A = tpu.sem_alloc : memref<!tpu.dma_semaphore, #tpu.memory_space<semaphore_mem>>
      %dma_start3A = arith.constant 0 : i32
      %dma_start3A_68 = tpu.memref_slice %arg15[%add3A_10, %dma_start3A] : memref<10080x128xf32, #tpu.memory_space<vmem_shared>> -> memref<160x128xf32, #tpu.memory_space<vmem_shared>>
      %dma_start3A_69 = arith.constant 0 : i32
      %dma_start3A_70 = tpu.memref_slice %arg15[%add3A_10, %dma_start3A_69] : memref<10080x128xf32, #tpu.memory_space<vmem_shared>> -> memref<160x128xf32, #tpu.memory_space<vmem_shared>>
      tpu.enqueue_dma source(%arg13 : memref<160x128xf32, #tpu.memory_space<vmem>>) target(%dma_start3A_70 : memref<160x128xf32, #tpu.memory_space<vmem_shared>>) target_semaphore(%run_scoped3A : memref<!tpu.dma_semaphore, #tpu.memory_space<semaphore_mem>>)
      %dma_wait3A = arith.constant 0 : i32
      %dma_wait3A_71 = tpu.memref_slice %arg15[%add3A_10, %dma_wait3A] : memref<10080x128xf32, #tpu.memory_space<vmem_shared>> -> memref<160x128xf32, #tpu.memory_space<vmem_shared>>
      %dma_wait3A_72 = arith.constant 0 : i32
      %dma_wait3A_73 = tpu.memref_slice %arg15[%add3A_10, %dma_wait3A_72] : memref<10080x128xf32, #tpu.memory_space<vmem_shared>> -> memref<160x128xf32, #tpu.memory_space<vmem_shared>>
      tpu.wait_dma2 semaphore(%run_scoped3A : memref<!tpu.dma_semaphore, #tpu.memory_space<semaphore_mem>>) src(%arg13 : memref<160x128xf32, #tpu.memory_space<vmem>>) dst(%dma_wait3A_73 : memref<160x128xf32, #tpu.memory_space<vmem_shared>>)
      tpu.yield
    }) : () -> ()
    %mul3A_11 = arith.constant 624 : i32
    %mul3A_12 = arith.muli %arg1, %mul3A_11 : i32
    %add3A_13 = arith.constant 160 : i32
    %add3A_14 = arith.addi %mul3A_12, %add3A_13 : i32
    "tpu.region"() ({
      %run_scoped3A = tpu.sem_alloc : memref<!tpu.dma_semaphore, #tpu.memory_space<semaphore_mem>>
      %dma_start3A = arith.constant 0 : i32
      %dma_start3A_68 = tpu.memref_slice %arg15[%add3A_14, %dma_start3A] : memref<10080x128xf32, #tpu.memory_space<vmem_shared>> -> memref<160x128xf32, #tpu.memory_space<vmem_shared>>
      %dma_start3A_69 = arith.constant 0 : i32
      %dma_start3A_70 = tpu.memref_slice %arg15[%add3A_14, %dma_start3A_69] : memref<10080x128xf32, #tpu.memory_space<vmem_shared>> -> memref<160x128xf32, #tpu.memory_space<vmem_shared>>
      tpu.enqueue_dma source(%arg13 : memref<160x128xf32, #tpu.memory_space<vmem>>) target(%dma_start3A_70 : memref<160x128xf32, #tpu.memory_space<vmem_shared>>) target_semaphore(%run_scoped3A : memref<!tpu.dma_semaphore, #tpu.memory_space<semaphore_mem>>)
      %dma_wait3A = arith.constant 0 : i32
      %dma_wait3A_71 = tpu.memref_slice %arg15[%add3A_14, %dma_wait3A] : memref<10080x128xf32, #tpu.memory_space<vmem_shared>> -> memref<160x128xf32, #tpu.memory_space<vmem_shared>>
      %dma_wait3A_72 = arith.constant 0 : i32
      %dma_wait3A_73 = tpu.memref_slice %arg15[%add3A_14, %dma_wait3A_72] : memref<10080x128xf32, #tpu.memory_space<vmem_shared>> -> memref<160x128xf32, #tpu.memory_space<vmem_shared>>
      tpu.wait_dma2 semaphore(%run_scoped3A : memref<!tpu.dma_semaphore, #tpu.memory_space<semaphore_mem>>) src(%arg13 : memref<160x128xf32, #tpu.memory_space<vmem>>) dst(%dma_wait3A_73 : memref<160x128xf32, #tpu.memory_space<vmem_shared>>)
      tpu.yield
    }) : () -> ()
    %mul3A_15 = arith.constant 624 : i32
    %mul3A_16 = arith.muli %arg1, %mul3A_15 : i32
    %add3A_17 = arith.constant 320 : i32
    %add3A_18 = arith.addi %mul3A_16, %add3A_17 : i32
    "tpu.region"() ({
      %run_scoped3A = tpu.sem_alloc : memref<!tpu.dma_semaphore, #tpu.memory_space<semaphore_mem>>
      %dma_start3A = arith.constant 0 : i32
      %dma_start3A_68 = tpu.memref_slice %arg15[%add3A_18, %dma_start3A] : memref<10080x128xf32, #tpu.memory_space<vmem_shared>> -> memref<160x128xf32, #tpu.memory_space<vmem_shared>>
      %dma_start3A_69 = arith.constant 0 : i32
      %dma_start3A_70 = tpu.memref_slice %arg15[%add3A_18, %dma_start3A_69] : memref<10080x128xf32, #tpu.memory_space<vmem_shared>> -> memref<160x128xf32, #tpu.memory_space<vmem_shared>>
      tpu.enqueue_dma source(%arg13 : memref<160x128xf32, #tpu.memory_space<vmem>>) target(%dma_start3A_70 : memref<160x128xf32, #tpu.memory_space<vmem_shared>>) target_semaphore(%run_scoped3A : memref<!tpu.dma_semaphore, #tpu.memory_space<semaphore_mem>>)
      %dma_wait3A = arith.constant 0 : i32
      %dma_wait3A_71 = tpu.memref_slice %arg15[%add3A_18, %dma_wait3A] : memref<10080x128xf32, #tpu.memory_space<vmem_shared>> -> memref<160x128xf32, #tpu.memory_space<vmem_shared>>
      %dma_wait3A_72 = arith.constant 0 : i32
      %dma_wait3A_73 = tpu.memref_slice %arg15[%add3A_18, %dma_wait3A_72] : memref<10080x128xf32, #tpu.memory_space<vmem_shared>> -> memref<160x128xf32, #tpu.memory_space<vmem_shared>>
      tpu.wait_dma2 semaphore(%run_scoped3A : memref<!tpu.dma_semaphore, #tpu.memory_space<semaphore_mem>>) src(%arg13 : memref<160x128xf32, #tpu.memory_space<vmem>>) dst(%dma_wait3A_73 : memref<160x128xf32, #tpu.memory_space<vmem_shared>>)
      tpu.yield
    }) : () -> ()
    %mul3A_19 = arith.constant 624 : i32
    %mul3A_20 = arith.muli %arg1, %mul3A_19 : i32
    %add3A_21 = arith.constant 624 : i32
    %add3A_22 = arith.addi %mul3A_20, %add3A_21 : i32
    %sub3A = arith.constant 144 : i32
    %sub3A_23 = arith.subi %add3A_22, %sub3A : i32
    "tpu.region"() ({
      %run_scoped3A = tpu.sem_alloc : memref<!tpu.dma_semaphore, #tpu.memory_space<semaphore_mem>>
      %dma_start3A = arith.constant 0 : i32
      %dma_start3A_68 = arith.constant 0 : i32
      %dma_start3A_69 = tpu.memref_slice %arg13[%dma_start3A, %dma_start3A_68] : memref<160x128xf32, #tpu.memory_space<vmem>> -> memref<144x128xf32, #tpu.memory_space<vmem>>
      %dma_start3A_70 = arith.constant 0 : i32
      %dma_start3A_71 = tpu.memref_slice %arg15[%sub3A_23, %dma_start3A_70] : memref<10080x128xf32, #tpu.memory_space<vmem_shared>> -> memref<144x128xf32, #tpu.memory_space<vmem_shared>>
      %dma_start3A_72 = arith.constant 0 : i32
      %dma_start3A_73 = tpu.memref_slice %arg15[%sub3A_23, %dma_start3A_72] : memref<10080x128xf32, #tpu.memory_space<vmem_shared>> -> memref<144x128xf32, #tpu.memory_space<vmem_shared>>
      %dma_start3A_74 = arith.constant 0 : i32
      %dma_start3A_75 = arith.constant 0 : i32
      %dma_start3A_76 = tpu.memref_slice %arg13[%dma_start3A_74, %dma_start3A_75] : memref<160x128xf32, #tpu.memory_space<vmem>> -> memref<144x128xf32, #tpu.memory_space<vmem>>
      tpu.enqueue_dma source(%dma_start3A_76 : memref<144x128xf32, #tpu.memory_space<vmem>>) target(%dma_start3A_73 : memref<144x128xf32, #tpu.memory_space<vmem_shared>>) target_semaphore(%run_scoped3A : memref<!tpu.dma_semaphore, #tpu.memory_space<semaphore_mem>>)
      %dma_wait3A = arith.constant 0 : i32
      %dma_wait3A_77 = arith.constant 0 : i32
      %dma_wait3A_78 = tpu.memref_slice %arg13[%dma_wait3A, %dma_wait3A_77] : memref<160x128xf32, #tpu.memory_space<vmem>> -> memref<144x128xf32, #tpu.memory_space<vmem>>
      %dma_wait3A_79 = arith.constant 0 : i32
      %dma_wait3A_80 = tpu.memref_slice %arg15[%sub3A_23, %dma_wait3A_79] : memref<10080x128xf32, #tpu.memory_space<vmem_shared>> -> memref<144x128xf32, #tpu.memory_space<vmem_shared>>
      %dma_wait3A_81 = arith.constant 0 : i32
      %dma_wait3A_82 = tpu.memref_slice %arg15[%sub3A_23, %dma_wait3A_81] : memref<10080x128xf32, #tpu.memory_space<vmem_shared>> -> memref<144x128xf32, #tpu.memory_space<vmem_shared>>
      %dma_wait3A_83 = arith.constant 0 : i32
      %dma_wait3A_84 = arith.constant 0 : i32
      %dma_wait3A_85 = tpu.memref_slice %arg13[%dma_wait3A_83, %dma_wait3A_84] : memref<160x128xf32, #tpu.memory_space<vmem>> -> memref<144x128xf32, #tpu.memory_space<vmem>>
      tpu.wait_dma2 semaphore(%run_scoped3A : memref<!tpu.dma_semaphore, #tpu.memory_space<semaphore_mem>>) src(%dma_wait3A_85 : memref<144x128xf32, #tpu.memory_space<vmem>>) dst(%dma_wait3A_82 : memref<144x128xf32, #tpu.memory_space<vmem_shared>>)
      tpu.yield
    }) : () -> ()
    %lt3A = arith.constant 12 : i32
    %lt3A_24 = arith.cmpi slt, %arg1, %lt3A : i32
    %convert_element_type3A = arith.extui %lt3A_24 : i1 to i32
    %cond3A = arith.constant 0 : i32
    %cond3A_25 = arith.cmpi ne, %convert_element_type3A, %cond3A : i32
    scf.if %cond3A_25 {
      %mul3A_68 = arith.constant 8 : i32
      %mul3A_69 = arith.muli %mul3A_68, %arg1 : i32
      %add3A_70 = arith.constant 9984 : i32
      %add3A_71 = arith.addi %add3A_70, %mul3A_69 : i32
      "tpu.region"() ({
        %run_scoped3A = tpu.sem_alloc : memref<!tpu.dma_semaphore, #tpu.memory_space<semaphore_mem>>
        %dma_start3A = arith.constant 0 : i32
        %dma_start3A_72 = arith.constant 0 : i32
        %dma_start3A_73 = tpu.memref_slice %arg13[%dma_start3A, %dma_start3A_72] : memref<160x128xf32, #tpu.memory_space<vmem>> -> memref<8x128xf32, #tpu.memory_space<vmem>>
        %dma_start3A_74 = arith.constant 0 : i32
        %dma_start3A_75 = tpu.memref_slice %arg15[%add3A_71, %dma_start3A_74] : memref<10080x128xf32, #tpu.memory_space<vmem_shared>> -> memref<8x128xf32, #tpu.memory_space<vmem_shared>>
        %dma_start3A_76 = arith.constant 0 : i32
        %dma_start3A_77 = tpu.memref_slice %arg15[%add3A_71, %dma_start3A_76] : memref<10080x128xf32, #tpu.memory_space<vmem_shared>> -> memref<8x128xf32, #tpu.memory_space<vmem_shared>>
        %dma_start3A_78 = arith.constant 0 : i32
        %dma_start3A_79 = arith.constant 0 : i32
        %dma_start3A_80 = tpu.memref_slice %arg13[%dma_start3A_78, %dma_start3A_79] : memref<160x128xf32, #tpu.memory_space<vmem>> -> memref<8x128xf32, #tpu.memory_space<vmem>>
        tpu.enqueue_dma source(%dma_start3A_80 : memref<8x128xf32, #tpu.memory_space<vmem>>) target(%dma_start3A_77 : memref<8x128xf32, #tpu.memory_space<vmem_shared>>) target_semaphore(%run_scoped3A : memref<!tpu.dma_semaphore, #tpu.memory_space<semaphore_mem>>)
        %dma_wait3A = arith.constant 0 : i32
        %dma_wait3A_81 = arith.constant 0 : i32
        %dma_wait3A_82 = tpu.memref_slice %arg13[%dma_wait3A, %dma_wait3A_81] : memref<160x128xf32, #tpu.memory_space<vmem>> -> memref<8x128xf32, #tpu.memory_space<vmem>>
        %dma_wait3A_83 = arith.constant 0 : i32
        %dma_wait3A_84 = tpu.memref_slice %arg15[%add3A_71, %dma_wait3A_83] : memref<10080x128xf32, #tpu.memory_space<vmem_shared>> -> memref<8x128xf32, #tpu.memory_space<vmem_shared>>
        %dma_wait3A_85 = arith.constant 0 : i32
        %dma_wait3A_86 = tpu.memref_slice %arg15[%add3A_71, %dma_wait3A_85] : memref<10080x128xf32, #tpu.memory_space<vmem_shared>> -> memref<8x128xf32, #tpu.memory_space<vmem_shared>>
        %dma_wait3A_87 = arith.constant 0 : i32
        %dma_wait3A_88 = arith.constant 0 : i32
        %dma_wait3A_89 = tpu.memref_slice %arg13[%dma_wait3A_87, %dma_wait3A_88] : memref<160x128xf32, #tpu.memory_space<vmem>> -> memref<8x128xf32, #tpu.memory_space<vmem>>
        tpu.wait_dma2 semaphore(%run_scoped3A : memref<!tpu.dma_semaphore, #tpu.memory_space<semaphore_mem>>) src(%dma_wait3A_89 : memref<8x128xf32, #tpu.memory_space<vmem>>) dst(%dma_wait3A_86 : memref<8x128xf32, #tpu.memory_space<vmem_shared>>)
        tpu.yield
      }) : () -> ()
    } else {
    }
    "tpu.region"() ({
      %run_scoped3A = tpu.sem_alloc : memref<!tpu.dma_semaphore, #tpu.memory_space<semaphore_mem>>
      tpu.enqueue_dma source(%arg4 : memref<128xf32, #tpu.memory_space<hbm>>) target(%arg14 : memref<128xf32, #tpu.memory_space<vmem>>) target_semaphore(%run_scoped3A : memref<!tpu.dma_semaphore, #tpu.memory_space<semaphore_mem>>)
      tpu.wait_dma2 semaphore(%run_scoped3A : memref<!tpu.dma_semaphore, #tpu.memory_space<semaphore_mem>>) src(%arg4 : memref<128xf32, #tpu.memory_space<hbm>>) dst(%arg14 : memref<128xf32, #tpu.memory_space<vmem>>)
      tpu.yield
    }) : () -> ()
    %barrier3A = arith.constant 0 : index
    tpu.barrier barrier_id(%barrier3A)
    %get3A = arith.constant 0 : index
    %get3A_26 = tpu.vector_load %arg14[%get3A] {strides = array<i32>} : memref<128xf32, #tpu.memory_space<vmem>>, vector<16xf32>,
    %get3A_27 = vector.shape_cast %get3A_26 : vector<16xf32> to vector<16xf32>
    %get3A_28 = arith.constant 16 : index
    %get3A_29 = tpu.vector_load %arg14[%get3A_28] {strides = array<i32>} : memref<128xf32, #tpu.memory_space<vmem>>, vector<16xf32>,
    %get3A_30 = vector.shape_cast %get3A_29 : vector<16xf32> to vector<16xf32>
    %get3A_31 = arith.constant 32 : index
    %get3A_32 = tpu.vector_load %arg14[%get3A_31] {strides = array<i32>} : memref<128xf32, #tpu.memory_space<vmem>>, vector<16xf32>,
    %get3A_33 = vector.shape_cast %get3A_32 : vector<16xf32> to vector<16xf32>
    %get3A_34 = arith.constant 48 : index
    %get3A_35 = tpu.vector_load %arg14[%get3A_34] {strides = array<i32>} : memref<128xf32, #tpu.memory_space<vmem>>, vector<16xf32>,
    %get3A_36 = vector.shape_cast %get3A_35 : vector<16xf32> to vector<16xf32>
    %get3A_37 = arith.constant 64 : index
    %get3A_38 = tpu.vector_load %arg14[%get3A_37] {strides = array<i32>} : memref<128xf32, #tpu.memory_space<vmem>>, vector<16xf32>,
    %get3A_39 = vector.shape_cast %get3A_38 : vector<16xf32> to vector<16xf32>
    %get3A_40 = arith.constant 80 : index
    %get3A_41 = tpu.vector_load %arg14[%get3A_40] {strides = array<i32>} : memref<128xf32, #tpu.memory_space<vmem>>, vector<16xf32>,
    %get3A_42 = vector.shape_cast %get3A_41 : vector<16xf32> to vector<16xf32>
    %get3A_43 = arith.constant 96 : index
    %get3A_44 = tpu.vector_load %arg14[%get3A_43] {strides = array<i32>} : memref<128xf32, #tpu.memory_space<vmem>>, vector<16xf32>,
    %get3A_45 = vector.shape_cast %get3A_44 : vector<16xf32> to vector<16xf32>
    %get3A_46 = arith.constant 112 : index
    %get3A_47 = tpu.vector_load %arg14[%get3A_46] {strides = array<i32>} : memref<128xf32, #tpu.memory_space<vmem>>, vector<16xf32>,
    %get3A_48 = vector.shape_cast %get3A_47 : vector<16xf32> to vector<16xf32>
    %mul3A_49 = arith.constant 125 : i32
    %mul3A_50 = arith.muli %add3A, %mul3A_49 : i32
    %scan3A_51 = arith.constant 0 : i32
    %scan3A_52 = arith.constant 0 : i32
    %scan3A_53 = arith.constant 5 : i32
    %scan3A_54 = arith.addi %scan3A_52, %scan3A_53 : i32
    %scan3A_55 = arith.constant 1 : i32
    %scan3A_56 = scf.for %scan3A_68 = %scan3A_52 to %scan3A_54 step %scan3A_55 iter_args(%scan3A_69 = %scan3A_51) -> (i32)  : i32 {
      %mul3A_70 = arith.constant 25 : i32
      %mul3A_71 = arith.muli %mul3A_70, %scan3A_68 : i32
      %add3A_72 = arith.addi %mul3A_50, %mul3A_71 : i32
      "tpu.region"() ({
        %run_scoped3A = tpu.sem_alloc : memref<!tpu.dma_semaphore, #tpu.memory_space<semaphore_mem>>
        %dma_start3A = arith.constant 0 : i32
        %dma_start3A_81 = arith.constant 0 : i32
        %dma_start3A_82 = tpu.memref_slice %arg2[%add3A_72, %dma_start3A, %dma_start3A_81] : memref<4000x2x80xi32, #tpu.memory_space<hbm>> -> memref<25x2x80xi32, #tpu.memory_space<hbm>>
        %dma_start3A_83 = arith.constant 0 : i32
        %dma_start3A_84 = arith.constant 0 : i32
        %dma_start3A_85 = tpu.memref_slice %arg2[%add3A_72, %dma_start3A_83, %dma_start3A_84] : memref<4000x2x80xi32, #tpu.memory_space<hbm>> -> memref<25x2x80xi32, #tpu.memory_space<hbm>>
        tpu.enqueue_dma source(%dma_start3A_85 : memref<25x2x80xi32, #tpu.memory_space<hbm>>) target(%arg6 : memref<25x2x80xi32, #tpu.memory_space<vmem>>) target_semaphore(%run_scoped3A : memref<!tpu.dma_semaphore, #tpu.memory_space<semaphore_mem>>)
        %dma_wait3A = arith.constant 0 : i32
        %dma_wait3A_86 = arith.constant 0 : i32
        %dma_wait3A_87 = tpu.memref_slice %arg2[%add3A_72, %dma_wait3A, %dma_wait3A_86] : memref<4000x2x80xi32, #tpu.memory_space<hbm>> -> memref<25x2x80xi32, #tpu.memory_space<hbm>>
        %dma_wait3A_88 = arith.constant 0 : i32
        %dma_wait3A_89 = arith.constant 0 : i32
        %dma_wait3A_90 = tpu.memref_slice %arg2[%add3A_72, %dma_wait3A_88, %dma_wait3A_89] : memref<4000x2x80xi32, #tpu.memory_space<hbm>> -> memref<25x2x80xi32, #tpu.memory_space<hbm>>
        tpu.wait_dma2 semaphore(%run_scoped3A : memref<!tpu.dma_semaphore, #tpu.memory_space<semaphore_mem>>) src(%dma_wait3A_90 : memref<25x2x80xi32, #tpu.memory_space<hbm>>) dst(%arg6 : memref<25x2x80xi32, #tpu.memory_space<vmem>>)
        tpu.yield
      }) : () -> ()
      %scan3A_73 = arith.constant 0 : i32
      %scan3A_74 = arith.constant 0 : i32
      %scan3A_75 = arith.constant 25 : i32
      %scan3A_76 = arith.addi %scan3A_74, %scan3A_75 : i32
      %scan3A_77 = arith.constant 1 : i32
      %scan3A_78 = scf.for %scan3A_81 = %scan3A_74 to %scan3A_76 step %scan3A_77 iter_args(%scan3A_82 = %scan3A_73) -> (i32)  : i32 {
        %get3A_83 = arith.constant 0 : i32
        %get3A_84 = arith.index_cast %scan3A_81 : i32 to index
        %get3A_85 = arith.index_cast %get3A_83 : i32 to index
        %get3A_86 = arith.constant 0 : index
        %get3A_87 = tpu.vector_load %arg6[%get3A_84, %get3A_85, %get3A_86] {strides = array<i32>} : memref<25x2x80xi32, #tpu.memory_space<vmem>>, vector<1x1x16xi32>,
        %get3A_88 = vector.shape_cast %get3A_87 : vector<1x1x16xi32> to vector<16xi32>
        %get3A_89 = arith.constant 1 : i32
        %get3A_90 = arith.index_cast %scan3A_81 : i32 to index
        %get3A_91 = arith.index_cast %get3A_89 : i32 to index
        %get3A_92 = arith.constant 0 : index
        %get3A_93 = tpu.vector_load %arg6[%get3A_90, %get3A_91, %get3A_92] {strides = array<i32>} : memref<25x2x80xi32, #tpu.memory_space<vmem>>, vector<1x1x16xi32>,
        %get3A_94 = vector.shape_cast %get3A_93 : vector<1x1x16xi32> to vector<16xi32>
        %swap3A = arith.constant 0 : index
        %swap3A_95 = tpu.vector_load %arg7[%swap3A] {strides = array<i32>} : memref<80xi32, #tpu.memory_space<vmem>>, vector<16xi32>,
        %swap3A_96 = vector.shape_cast %swap3A_95 : vector<16xi32> to vector<16xi32>
        %swap3A_97 = vector.shape_cast %get3A_88 : vector<16xi32> to vector<16xi32>
        tpu.vector_store %arg7[%swap3A], %swap3A_97 {strides = array<i32>} : memref<80xi32, #tpu.memory_space<vmem>>, vector<16xi32>,
        %add3A_98 = arith.constant 10000 : i32
        %add3A_99 = vector.broadcast %add3A_98 : i32 to vector<16xi32>
        %add3A_100 = arith.addi %get3A_94, %add3A_99 : vector<16xi32>
        %swap3A_101 = arith.constant 0 : index
        %swap3A_102 = tpu.vector_load %arg9[%swap3A_101] {strides = array<i32>} : memref<80xi32, #tpu.memory_space<vmem>>, vector<16xi32>,
        %swap3A_103 = vector.shape_cast %swap3A_102 : vector<16xi32> to vector<16xi32>
        %swap3A_104 = vector.shape_cast %add3A_100 : vector<16xi32> to vector<16xi32>
        tpu.vector_store %arg9[%swap3A_101], %swap3A_104 {strides = array<i32>} : memref<80xi32, #tpu.memory_space<vmem>>, vector<16xi32>,
        %swap3A_105 = arith.constant 0 : index
        %swap3A_106 = tpu.vector_load %arg10[%swap3A_105] {strides = array<i32>} : memref<160xi32, #tpu.memory_space<vmem>>, vector<16xi32>,
        %swap3A_107 = vector.shape_cast %swap3A_106 : vector<16xi32> to vector<16xi32>
        %swap3A_108 = vector.shape_cast %get3A_94 : vector<16xi32> to vector<16xi32>
        tpu.vector_store %arg10[%swap3A_105], %swap3A_108 {strides = array<i32>} : memref<160xi32, #tpu.memory_space<vmem>>, vector<16xi32>,
        %shift_right_logical3A = arith.constant 7 : i32
        %shift_right_logical3A_109 = vector.broadcast %shift_right_logical3A : i32 to vector<16xi32>
        %shift_right_logical3A_110 = arith.shrui %get3A_94, %shift_right_logical3A_109 : vector<16xi32>
        %add3A_111 = arith.constant 10000 : i32
        %add3A_112 = vector.broadcast %add3A_111 : i32 to vector<16xi32>
        %add3A_113 = arith.addi %shift_right_logical3A_110, %add3A_112 : vector<16xi32>
        %swap3A_114 = arith.constant 80 : index
        %swap3A_115 = tpu.vector_load %arg10[%swap3A_114] {strides = array<i32>} : memref<160xi32, #tpu.memory_space<vmem>>, vector<16xi32>,
        %swap3A_116 = vector.shape_cast %swap3A_115 : vector<16xi32> to vector<16xi32>
        %swap3A_117 = vector.shape_cast %add3A_113 : vector<16xi32> to vector<16xi32>
        tpu.vector_store %arg10[%swap3A_114], %swap3A_117 {strides = array<i32>} : memref<160xi32, #tpu.memory_space<vmem>>, vector<16xi32>,
        %get3A_118 = arith.constant 0 : i32
        %get3A_119 = arith.index_cast %scan3A_81 : i32 to index
        %get3A_120 = arith.index_cast %get3A_118 : i32 to index
        %get3A_121 = arith.constant 16 : index
        %get3A_122 = tpu.vector_load %arg6[%get3A_119, %get3A_120, %get3A_121] {strides = array<i32>} : memref<25x2x80xi32, #tpu.memory_space<vmem>>, vector<1x1x16xi32>,
        %get3A_123 = vector.shape_cast %get3A_122 : vector<1x1x16xi32> to vector<16xi32>
        %get3A_124 = arith.constant 1 : i32
        %get3A_125 = arith.index_cast %scan3A_81 : i32 to index
        %get3A_126 = arith.index_cast %get3A_124 : i32 to index
        %get3A_127 = arith.constant 16 : index
        %get3A_128 = tpu.vector_load %arg6[%get3A_125, %get3A_126, %get3A_127] {strides = array<i32>} : memref<25x2x80xi32, #tpu.memory_space<vmem>>, vector<1x1x16xi32>,
        %get3A_129 = vector.shape_cast %get3A_128 : vector<1x1x16xi32> to vector<16xi32>
        %swap3A_130 = arith.constant 16 : index
        %swap3A_131 = tpu.vector_load %arg7[%swap3A_130] {strides = array<i32>} : memref<80xi32, #tpu.memory_space<vmem>>, vector<16xi32>,
        %swap3A_132 = vector.shape_cast %swap3A_131 : vector<16xi32> to vector<16xi32>
        %swap3A_133 = vector.shape_cast %get3A_123 : vector<16xi32> to vector<16xi32>
        tpu.vector_store %arg7[%swap3A_130], %swap3A_133 {strides = array<i32>} : memref<80xi32, #tpu.memory_space<vmem>>, vector<16xi32>,
        %add3A_134 = arith.constant 10000 : i32
        %add3A_135 = vector.broadcast %add3A_134 : i32 to vector<16xi32>
        %add3A_136 = arith.addi %get3A_129, %add3A_135 : vector<16xi32>
        %swap3A_137 = arith.constant 16 : index
        %swap3A_138 = tpu.vector_load %arg9[%swap3A_137] {strides = array<i32>} : memref<80xi32, #tpu.memory_space<vmem>>, vector<16xi32>,
        %swap3A_139 = vector.shape_cast %swap3A_138 : vector<16xi32> to vector<16xi32>
        %swap3A_140 = vector.shape_cast %add3A_136 : vector<16xi32> to vector<16xi32>
        tpu.vector_store %arg9[%swap3A_137], %swap3A_140 {strides = array<i32>} : memref<80xi32, #tpu.memory_space<vmem>>, vector<16xi32>,
        %swap3A_141 = arith.constant 16 : index
        %swap3A_142 = tpu.vector_load %arg10[%swap3A_141] {strides = array<i32>} : memref<160xi32, #tpu.memory_space<vmem>>, vector<16xi32>,
        %swap3A_143 = vector.shape_cast %swap3A_142 : vector<16xi32> to vector<16xi32>
        %swap3A_144 = vector.shape_cast %get3A_129 : vector<16xi32> to vector<16xi32>
        tpu.vector_store %arg10[%swap3A_141], %swap3A_144 {strides = array<i32>} : memref<160xi32, #tpu.memory_space<vmem>>, vector<16xi32>,
        %shift_right_logical3A_145 = arith.constant 7 : i32
        %shift_right_logical3A_146 = vector.broadcast %shift_right_logical3A_145 : i32 to vector<16xi32>
        %shift_right_logical3A_147 = arith.shrui %get3A_129, %shift_right_logical3A_146 : vector<16xi32>
        %add3A_148 = arith.constant 10000 : i32
        %add3A_149 = vector.broadcast %add3A_148 : i32 to vector<16xi32>
        %add3A_150 = arith.addi %shift_right_logical3A_147, %add3A_149 : vector<16xi32>
        %swap3A_151 = arith.constant 96 : index
        %swap3A_152 = tpu.vector_load %arg10[%swap3A_151] {strides = array<i32>} : memref<160xi32, #tpu.memory_space<vmem>>, vector<16xi32>,
        %swap3A_153 = vector.shape_cast %swap3A_152 : vector<16xi32> to vector<16xi32>
        %swap3A_154 = vector.shape_cast %add3A_150 : vector<16xi32> to vector<16xi32>
        tpu.vector_store %arg10[%swap3A_151], %swap3A_154 {strides = array<i32>} : memref<160xi32, #tpu.memory_space<vmem>>, vector<16xi32>,
        %get3A_155 = arith.constant 0 : i32
        %get3A_156 = arith.index_cast %scan3A_81 : i32 to index
        %get3A_157 = arith.index_cast %get3A_155 : i32 to index
        %get3A_158 = arith.constant 32 : index
        %get3A_159 = tpu.vector_load %arg6[%get3A_156, %get3A_157, %get3A_158] {strides = array<i32>} : memref<25x2x80xi32, #tpu.memory_space<vmem>>, vector<1x1x16xi32>,
        %get3A_160 = vector.shape_cast %get3A_159 : vector<1x1x16xi32> to vector<16xi32>
        %get3A_161 = arith.constant 1 : i32
        %get3A_162 = arith.index_cast %scan3A_81 : i32 to index
        %get3A_163 = arith.index_cast %get3A_161 : i32 to index
        %get3A_164 = arith.constant 32 : index
        %get3A_165 = tpu.vector_load %arg6[%get3A_162, %get3A_163, %get3A_164] {strides = array<i32>} : memref<25x2x80xi32, #tpu.memory_space<vmem>>, vector<1x1x16xi32>,
        %get3A_166 = vector.shape_cast %get3A_165 : vector<1x1x16xi32> to vector<16xi32>
        %swap3A_167 = arith.constant 32 : index
        %swap3A_168 = tpu.vector_load %arg7[%swap3A_167] {strides = array<i32>} : memref<80xi32, #tpu.memory_space<vmem>>, vector<16xi32>,
        %swap3A_169 = vector.shape_cast %swap3A_168 : vector<16xi32> to vector<16xi32>
        %swap3A_170 = vector.shape_cast %get3A_160 : vector<16xi32> to vector<16xi32>
        tpu.vector_store %arg7[%swap3A_167], %swap3A_170 {strides = array<i32>} : memref<80xi32, #tpu.memory_space<vmem>>, vector<16xi32>,
        %add3A_171 = arith.constant 10000 : i32
        %add3A_172 = vector.broadcast %add3A_171 : i32 to vector<16xi32>
        %add3A_173 = arith.addi %get3A_166, %add3A_172 : vector<16xi32>
        %swap3A_174 = arith.constant 32 : index
        %swap3A_175 = tpu.vector_load %arg9[%swap3A_174] {strides = array<i32>} : memref<80xi32, #tpu.memory_space<vmem>>, vector<16xi32>,
        %swap3A_176 = vector.shape_cast %swap3A_175 : vector<16xi32> to vector<16xi32>
        %swap3A_177 = vector.shape_cast %add3A_173 : vector<16xi32> to vector<16xi32>
        tpu.vector_store %arg9[%swap3A_174], %swap3A_177 {strides = array<i32>} : memref<80xi32, #tpu.memory_space<vmem>>, vector<16xi32>,
        %swap3A_178 = arith.constant 32 : index
        %swap3A_179 = tpu.vector_load %arg10[%swap3A_178] {strides = array<i32>} : memref<160xi32, #tpu.memory_space<vmem>>, vector<16xi32>,
        %swap3A_180 = vector.shape_cast %swap3A_179 : vector<16xi32> to vector<16xi32>
        %swap3A_181 = vector.shape_cast %get3A_166 : vector<16xi32> to vector<16xi32>
        tpu.vector_store %arg10[%swap3A_178], %swap3A_181 {strides = array<i32>} : memref<160xi32, #tpu.memory_space<vmem>>, vector<16xi32>,
        %shift_right_logical3A_182 = arith.constant 7 : i32
        %shift_right_logical3A_183 = vector.broadcast %shift_right_logical3A_182 : i32 to vector<16xi32>
        %shift_right_logical3A_184 = arith.shrui %get3A_166, %shift_right_logical3A_183 : vector<16xi32>
        %add3A_185 = arith.constant 10000 : i32
        %add3A_186 = vector.broadcast %add3A_185 : i32 to vector<16xi32>
        %add3A_187 = arith.addi %shift_right_logical3A_184, %add3A_186 : vector<16xi32>
        %swap3A_188 = arith.constant 112 : index
        %swap3A_189 = tpu.vector_load %arg10[%swap3A_188] {strides = array<i32>} : memref<160xi32, #tpu.memory_space<vmem>>, vector<16xi32>,
        %swap3A_190 = vector.shape_cast %swap3A_189 : vector<16xi32> to vector<16xi32>
        %swap3A_191 = vector.shape_cast %add3A_187 : vector<16xi32> to vector<16xi32>
        tpu.vector_store %arg10[%swap3A_188], %swap3A_191 {strides = array<i32>} : memref<160xi32, #tpu.memory_space<vmem>>, vector<16xi32>,
        %get3A_192 = arith.constant 0 : i32
        %get3A_193 = arith.index_cast %scan3A_81 : i32 to index
        %get3A_194 = arith.index_cast %get3A_192 : i32 to index
        %get3A_195 = arith.constant 48 : index
        %get3A_196 = tpu.vector_load %arg6[%get3A_193, %get3A_194, %get3A_195] {strides = array<i32>} : memref<25x2x80xi32, #tpu.memory_space<vmem>>, vector<1x1x16xi32>,
        %get3A_197 = vector.shape_cast %get3A_196 : vector<1x1x16xi32> to vector<16xi32>
        %get3A_198 = arith.constant 1 : i32
        %get3A_199 = arith.index_cast %scan3A_81 : i32 to index
        %get3A_200 = arith.index_cast %get3A_198 : i32 to index
        %get3A_201 = arith.constant 48 : index
        %get3A_202 = tpu.vector_load %arg6[%get3A_199, %get3A_200, %get3A_201] {strides = array<i32>} : memref<25x2x80xi32, #tpu.memory_space<vmem>>, vector<1x1x16xi32>,
        %get3A_203 = vector.shape_cast %get3A_202 : vector<1x1x16xi32> to vector<16xi32>
        %swap3A_204 = arith.constant 48 : index
        %swap3A_205 = tpu.vector_load %arg7[%swap3A_204] {strides = array<i32>} : memref<80xi32, #tpu.memory_space<vmem>>, vector<16xi32>,
        %swap3A_206 = vector.shape_cast %swap3A_205 : vector<16xi32> to vector<16xi32>
        %swap3A_207 = vector.shape_cast %get3A_197 : vector<16xi32> to vector<16xi32>
        tpu.vector_store %arg7[%swap3A_204], %swap3A_207 {strides = array<i32>} : memref<80xi32, #tpu.memory_space<vmem>>, vector<16xi32>,
        %add3A_208 = arith.constant 10000 : i32
        %add3A_209 = vector.broadcast %add3A_208 : i32 to vector<16xi32>
        %add3A_210 = arith.addi %get3A_203, %add3A_209 : vector<16xi32>
        %swap3A_211 = arith.constant 48 : index
        %swap3A_212 = tpu.vector_load %arg9[%swap3A_211] {strides = array<i32>} : memref<80xi32, #tpu.memory_space<vmem>>, vector<16xi32>,
        %swap3A_213 = vector.shape_cast %swap3A_212 : vector<16xi32> to vector<16xi32>
        %swap3A_214 = vector.shape_cast %add3A_210 : vector<16xi32> to vector<16xi32>
        tpu.vector_store %arg9[%swap3A_211], %swap3A_214 {strides = array<i32>} : memref<80xi32, #tpu.memory_space<vmem>>, vector<16xi32>,
        %swap3A_215 = arith.constant 48 : index
        %swap3A_216 = tpu.vector_load %arg10[%swap3A_215] {strides = array<i32>} : memref<160xi32, #tpu.memory_space<vmem>>, vector<16xi32>,
        %swap3A_217 = vector.shape_cast %swap3A_216 : vector<16xi32> to vector<16xi32>
        %swap3A_218 = vector.shape_cast %get3A_203 : vector<16xi32> to vector<16xi32>
        tpu.vector_store %arg10[%swap3A_215], %swap3A_218 {strides = array<i32>} : memref<160xi32, #tpu.memory_space<vmem>>, vector<16xi32>,
        %shift_right_logical3A_219 = arith.constant 7 : i32
        %shift_right_logical3A_220 = vector.broadcast %shift_right_logical3A_219 : i32 to vector<16xi32>
        %shift_right_logical3A_221 = arith.shrui %get3A_203, %shift_right_logical3A_220 : vector<16xi32>
        %add3A_222 = arith.constant 10000 : i32
        %add3A_223 = vector.broadcast %add3A_222 : i32 to vector<16xi32>
        %add3A_224 = arith.addi %shift_right_logical3A_221, %add3A_223 : vector<16xi32>
        %swap3A_225 = arith.constant 128 : index
        %swap3A_226 = tpu.vector_load %arg10[%swap3A_225] {strides = array<i32>} : memref<160xi32, #tpu.memory_space<vmem>>, vector<16xi32>,
        %swap3A_227 = vector.shape_cast %swap3A_226 : vector<16xi32> to vector<16xi32>
        %swap3A_228 = vector.shape_cast %add3A_224 : vector<16xi32> to vector<16xi32>
        tpu.vector_store %arg10[%swap3A_225], %swap3A_228 {strides = array<i32>} : memref<160xi32, #tpu.memory_space<vmem>>, vector<16xi32>,
        %get3A_229 = arith.constant 0 : i32
        %get3A_230 = arith.index_cast %scan3A_81 : i32 to index
        %get3A_231 = arith.index_cast %get3A_229 : i32 to index
        %get3A_232 = arith.constant 64 : index
        %get3A_233 = tpu.vector_load %arg6[%get3A_230, %get3A_231, %get3A_232] {strides = array<i32>} : memref<25x2x80xi32, #tpu.memory_space<vmem>>, vector<1x1x16xi32>,
        %get3A_234 = vector.shape_cast %get3A_233 : vector<1x1x16xi32> to vector<16xi32>
        %get3A_235 = arith.constant 1 : i32
        %get3A_236 = arith.index_cast %scan3A_81 : i32 to index
        %get3A_237 = arith.index_cast %get3A_235 : i32 to index
        %get3A_238 = arith.constant 64 : index
        %get3A_239 = tpu.vector_load %arg6[%get3A_236, %get3A_237, %get3A_238] {strides = array<i32>} : memref<25x2x80xi32, #tpu.memory_space<vmem>>, vector<1x1x16xi32>,
        %get3A_240 = vector.shape_cast %get3A_239 : vector<1x1x16xi32> to vector<16xi32>
        %swap3A_241 = arith.constant 64 : index
        %swap3A_242 = tpu.vector_load %arg7[%swap3A_241] {strides = array<i32>} : memref<80xi32, #tpu.memory_space<vmem>>, vector<16xi32>,
        %swap3A_243 = vector.shape_cast %swap3A_242 : vector<16xi32> to vector<16xi32>
        %swap3A_244 = vector.shape_cast %get3A_234 : vector<16xi32> to vector<16xi32>
        tpu.vector_store %arg7[%swap3A_241], %swap3A_244 {strides = array<i32>} : memref<80xi32, #tpu.memory_space<vmem>>, vector<16xi32>,
        %add3A_245 = arith.constant 10000 : i32
        %add3A_246 = vector.broadcast %add3A_245 : i32 to vector<16xi32>
        %add3A_247 = arith.addi %get3A_240, %add3A_246 : vector<16xi32>
        %swap3A_248 = arith.constant 64 : index
        %swap3A_249 = tpu.vector_load %arg9[%swap3A_248] {strides = array<i32>} : memref<80xi32, #tpu.memory_space<vmem>>, vector<16xi32>,
        %swap3A_250 = vector.shape_cast %swap3A_249 : vector<16xi32> to vector<16xi32>
        %swap3A_251 = vector.shape_cast %add3A_247 : vector<16xi32> to vector<16xi32>
        tpu.vector_store %arg9[%swap3A_248], %swap3A_251 {strides = array<i32>} : memref<80xi32, #tpu.memory_space<vmem>>, vector<16xi32>,
        %swap3A_252 = arith.constant 64 : index
        %swap3A_253 = tpu.vector_load %arg10[%swap3A_252] {strides = array<i32>} : memref<160xi32, #tpu.memory_space<vmem>>, vector<16xi32>,
        %swap3A_254 = vector.shape_cast %swap3A_253 : vector<16xi32> to vector<16xi32>
        %swap3A_255 = vector.shape_cast %get3A_240 : vector<16xi32> to vector<16xi32>
        tpu.vector_store %arg10[%swap3A_252], %swap3A_255 {strides = array<i32>} : memref<160xi32, #tpu.memory_space<vmem>>, vector<16xi32>,
        %shift_right_logical3A_256 = arith.constant 7 : i32
        %shift_right_logical3A_257 = vector.broadcast %shift_right_logical3A_256 : i32 to vector<16xi32>
        %shift_right_logical3A_258 = arith.shrui %get3A_240, %shift_right_logical3A_257 : vector<16xi32>
        %add3A_259 = arith.constant 10000 : i32
        %add3A_260 = vector.broadcast %add3A_259 : i32 to vector<16xi32>
        %add3A_261 = arith.addi %shift_right_logical3A_258, %add3A_260 : vector<16xi32>
        %swap3A_262 = arith.constant 144 : index
        %swap3A_263 = tpu.vector_load %arg10[%swap3A_262] {strides = array<i32>} : memref<160xi32, #tpu.memory_space<vmem>>, vector<16xi32>,
        %swap3A_264 = vector.shape_cast %swap3A_263 : vector<16xi32> to vector<16xi32>
        %swap3A_265 = vector.shape_cast %add3A_261 : vector<16xi32> to vector<16xi32>
        tpu.vector_store %arg10[%swap3A_262], %swap3A_265 {strides = array<i32>} : memref<160xi32, #tpu.memory_space<vmem>>, vector<16xi32>,
        %dma_start3A = arith.constant 0 : i32
        %dma_start3A_266 = arith.constant 0 : i32
        %dma_start3A_267 = tpu.memref_slice %arg3[%dma_start3A, %dma_start3A_266] : memref<30000x128xf32, #tpu.memory_space<hbm>> -> memref<30000x128xf32, #tpu.memory_space<hbm>>
        tpu.enqueue_indirect_dma source(%dma_start3A_267 : memref<30000x128xf32, #tpu.memory_space<hbm>>) target(%arg11 : memref<80x128xf32, #tpu.memory_space<vmem>>) offsets(%arg7 : memref<80xi32, #tpu.memory_space<vmem>>) semaphore(%arg16 : memref<!tpu.dma_semaphore, #tpu.memory_space<semaphore_mem>>)
        %dma_start3A_268 = arith.constant 0 : i32
        %dma_start3A_269 = arith.constant 0 : i32
        %dma_start3A_270 = tpu.memref_slice %arg3[%dma_start3A_268, %dma_start3A_269] : memref<30000x128xf32, #tpu.memory_space<hbm>> -> memref<30000x128xf32, #tpu.memory_space<hbm>>
        tpu.enqueue_indirect_dma source(%dma_start3A_270 : memref<30000x128xf32, #tpu.memory_space<hbm>>) target(%arg12 : memref<80x128xf32, #tpu.memory_space<vmem>>) offsets(%arg9 : memref<80xi32, #tpu.memory_space<vmem>>) semaphore(%arg17 : memref<!tpu.dma_semaphore, #tpu.memory_space<semaphore_mem>>)
        %dma_wait3A = arith.constant 0 : i32
        %dma_wait3A_271 = arith.constant 0 : i32
        %dma_wait3A_272 = tpu.memref_slice %arg3[%dma_wait3A, %dma_wait3A_271] : memref<30000x128xf32, #tpu.memory_space<hbm>> -> memref<30000x128xf32, #tpu.memory_space<hbm>>
        tpu.wait_indirect_dma semaphore(%arg16 : memref<!tpu.dma_semaphore, #tpu.memory_space<semaphore_mem>>) src(%dma_wait3A_272 : memref<30000x128xf32, #tpu.memory_space<hbm>>) dst(%arg11 : memref<80x128xf32, #tpu.memory_space<vmem>>)
        %dma_wait3A_273 = arith.constant 0 : i32
        %dma_wait3A_274 = arith.constant 0 : i32
        %dma_wait3A_275 = tpu.memref_slice %arg3[%dma_wait3A_273, %dma_wait3A_274] : memref<30000x128xf32, #tpu.memory_space<hbm>> -> memref<30000x128xf32, #tpu.memory_space<hbm>>
        tpu.wait_indirect_dma semaphore(%arg17 : memref<!tpu.dma_semaphore, #tpu.memory_space<semaphore_mem>>) src(%dma_wait3A_275 : memref<30000x128xf32, #tpu.memory_space<hbm>>) dst(%arg12 : memref<80x128xf32, #tpu.memory_space<vmem>>)
        %parallel_loop3A = arith.constant 0 : i32
        %parallel_loop3A_276 = arith.constant 80 : i32
        %parallel_loop3A_277 = arith.constant 1 : i32
        scf.for %parallel_loop3A_279 = %parallel_loop3A to %parallel_loop3A_276 step %parallel_loop3A_277  : i32 {
          %parallel_loop3A_280 = arith.constant 0.000000e+00 : f32
          %parallel_loop3A_281 = vector.broadcast %parallel_loop3A_280 : f32 to vector<16xf32>
          %parallel_loop3A_282 = arith.index_cast %parallel_loop3A_279 : i32 to index
          %parallel_loop3A_283 = arith.constant 0 : index
          %parallel_loop3A_284 = tpu.vector_load %arg11[%parallel_loop3A_282, %parallel_loop3A_283] {strides = array<i32>} : memref<80x128xf32, #tpu.memory_space<vmem>>, vector<1x16xf32>,
          %parallel_loop3A_285 = vector.shape_cast %parallel_loop3A_284 : vector<1x16xf32> to vector<16xf32>
          %parallel_loop3A_286 = arith.index_cast %parallel_loop3A_279 : i32 to index
          %parallel_loop3A_287 = arith.constant 0 : index
          %parallel_loop3A_288 = tpu.vector_load %arg12[%parallel_loop3A_286, %parallel_loop3A_287] {strides = array<i32>} : memref<80x128xf32, #tpu.memory_space<vmem>>, vector<1x16xf32>,
          %parallel_loop3A_289 = vector.shape_cast %parallel_loop3A_288 : vector<1x16xf32> to vector<16xf32>
          %parallel_loop3A_290 = arith.addf %parallel_loop3A_285, %parallel_loop3A_289 : vector<16xf32>
          %parallel_loop3A_291 = arith.constant 0.000000e+00 : f32
          %parallel_loop3A_292 = vector.broadcast %parallel_loop3A_291 : f32 to vector<16xf32>
          %parallel_loop3A_293 = arith.cmpf ogt, %parallel_loop3A_290, %parallel_loop3A_292 : vector<16xf32>
          %parallel_loop3A_294 = arith.constant 2.000000e-01 : f32
          %parallel_loop3A_295 = vector.broadcast %parallel_loop3A_294 : f32 to vector<16xf32>
          %parallel_loop3A_296 = arith.mulf %parallel_loop3A_295, %parallel_loop3A_290 : vector<16xf32>
          %parallel_loop3A_297 = arith.select %parallel_loop3A_293, %parallel_loop3A_290, %parallel_loop3A_296 : vector<16xi1>, vector<16xf32>
          %parallel_loop3A_298 = arith.mulf %parallel_loop3A_297, %get3A_27 : vector<16xf32>
          %parallel_loop3A_299 = arith.addf %parallel_loop3A_281, %parallel_loop3A_298 : vector<16xf32>
          %parallel_loop3A_300 = arith.index_cast %parallel_loop3A_279 : i32 to index
          %parallel_loop3A_301 = arith.constant 16 : index
          %parallel_loop3A_302 = tpu.vector_load %arg11[%parallel_loop3A_300, %parallel_loop3A_301] {strides = array<i32>} : memref<80x128xf32, #tpu.memory_space<vmem>>, vector<1x16xf32>,
          %parallel_loop3A_303 = vector.shape_cast %parallel_loop3A_302 : vector<1x16xf32> to vector<16xf32>
          %parallel_loop3A_304 = arith.index_cast %parallel_loop3A_279 : i32 to index
          %parallel_loop3A_305 = arith.constant 16 : index
          %parallel_loop3A_306 = tpu.vector_load %arg12[%parallel_loop3A_304, %parallel_loop3A_305] {strides = array<i32>} : memref<80x128xf32, #tpu.memory_space<vmem>>, vector<1x16xf32>,
          %parallel_loop3A_307 = vector.shape_cast %parallel_loop3A_306 : vector<1x16xf32> to vector<16xf32>
          %parallel_loop3A_308 = arith.addf %parallel_loop3A_303, %parallel_loop3A_307 : vector<16xf32>
          %parallel_loop3A_309 = arith.constant 0.000000e+00 : f32
          %parallel_loop3A_310 = vector.broadcast %parallel_loop3A_309 : f32 to vector<16xf32>
          %parallel_loop3A_311 = arith.cmpf ogt, %parallel_loop3A_308, %parallel_loop3A_310 : vector<16xf32>
          %parallel_loop3A_312 = arith.constant 2.000000e-01 : f32
          %parallel_loop3A_313 = vector.broadcast %parallel_loop3A_312 : f32 to vector<16xf32>
          %parallel_loop3A_314 = arith.mulf %parallel_loop3A_313, %parallel_loop3A_308 : vector<16xf32>
          %parallel_loop3A_315 = arith.select %parallel_loop3A_311, %parallel_loop3A_308, %parallel_loop3A_314 : vector<16xi1>, vector<16xf32>
          %parallel_loop3A_316 = arith.mulf %parallel_loop3A_315, %get3A_30 : vector<16xf32>
          %parallel_loop3A_317 = arith.addf %parallel_loop3A_299, %parallel_loop3A_316 : vector<16xf32>
          %parallel_loop3A_318 = arith.index_cast %parallel_loop3A_279 : i32 to index
          %parallel_loop3A_319 = arith.constant 32 : index
          %parallel_loop3A_320 = tpu.vector_load %arg11[%parallel_loop3A_318, %parallel_loop3A_319] {strides = array<i32>} : memref<80x128xf32, #tpu.memory_space<vmem>>, vector<1x16xf32>,
          %parallel_loop3A_321 = vector.shape_cast %parallel_loop3A_320 : vector<1x16xf32> to vector<16xf32>
          %parallel_loop3A_322 = arith.index_cast %parallel_loop3A_279 : i32 to index
          %parallel_loop3A_323 = arith.constant 32 : index
          %parallel_loop3A_324 = tpu.vector_load %arg12[%parallel_loop3A_322, %parallel_loop3A_323] {strides = array<i32>} : memref<80x128xf32, #tpu.memory_space<vmem>>, vector<1x16xf32>,
          %parallel_loop3A_325 = vector.shape_cast %parallel_loop3A_324 : vector<1x16xf32> to vector<16xf32>
          %parallel_loop3A_326 = arith.addf %parallel_loop3A_321, %parallel_loop3A_325 : vector<16xf32>
          %parallel_loop3A_327 = arith.constant 0.000000e+00 : f32
          %parallel_loop3A_328 = vector.broadcast %parallel_loop3A_327 : f32 to vector<16xf32>
          %parallel_loop3A_329 = arith.cmpf ogt, %parallel_loop3A_326, %parallel_loop3A_328 : vector<16xf32>
          %parallel_loop3A_330 = arith.constant 2.000000e-01 : f32
          %parallel_loop3A_331 = vector.broadcast %parallel_loop3A_330 : f32 to vector<16xf32>
          %parallel_loop3A_332 = arith.mulf %parallel_loop3A_331, %parallel_loop3A_326 : vector<16xf32>
          %parallel_loop3A_333 = arith.select %parallel_loop3A_329, %parallel_loop3A_326, %parallel_loop3A_332 : vector<16xi1>, vector<16xf32>
          %parallel_loop3A_334 = arith.mulf %parallel_loop3A_333, %get3A_33 : vector<16xf32>
          %parallel_loop3A_335 = arith.addf %parallel_loop3A_317, %parallel_loop3A_334 : vector<16xf32>
          %parallel_loop3A_336 = arith.index_cast %parallel_loop3A_279 : i32 to index
          %parallel_loop3A_337 = arith.constant 48 : index
          %parallel_loop3A_338 = tpu.vector_load %arg11[%parallel_loop3A_336, %parallel_loop3A_337] {strides = array<i32>} : memref<80x128xf32, #tpu.memory_space<vmem>>, vector<1x16xf32>,
          %parallel_loop3A_339 = vector.shape_cast %parallel_loop3A_338 : vector<1x16xf32> to vector<16xf32>
          %parallel_loop3A_340 = arith.index_cast %parallel_loop3A_279 : i32 to index
          %parallel_loop3A_341 = arith.constant 48 : index
          %parallel_loop3A_342 = tpu.vector_load %arg12[%parallel_loop3A_340, %parallel_loop3A_341] {strides = array<i32>} : memref<80x128xf32, #tpu.memory_space<vmem>>, vector<1x16xf32>,
          %parallel_loop3A_343 = vector.shape_cast %parallel_loop3A_342 : vector<1x16xf32> to vector<16xf32>
          %parallel_loop3A_344 = arith.addf %parallel_loop3A_339, %parallel_loop3A_343 : vector<16xf32>
          %parallel_loop3A_345 = arith.constant 0.000000e+00 : f32
          %parallel_loop3A_346 = vector.broadcast %parallel_loop3A_345 : f32 to vector<16xf32>
          %parallel_loop3A_347 = arith.cmpf ogt, %parallel_loop3A_344, %parallel_loop3A_346 : vector<16xf32>
          %parallel_loop3A_348 = arith.constant 2.000000e-01 : f32
          %parallel_loop3A_349 = vector.broadcast %parallel_loop3A_348 : f32 to vector<16xf32>
          %parallel_loop3A_350 = arith.mulf %parallel_loop3A_349, %parallel_loop3A_344 : vector<16xf32>
          %parallel_loop3A_351 = arith.select %parallel_loop3A_347, %parallel_loop3A_344, %parallel_loop3A_350 : vector<16xi1>, vector<16xf32>
          %parallel_loop3A_352 = arith.mulf %parallel_loop3A_351, %get3A_36 : vector<16xf32>
          %parallel_loop3A_353 = arith.addf %parallel_loop3A_335, %parallel_loop3A_352 : vector<16xf32>
          %parallel_loop3A_354 = arith.index_cast %parallel_loop3A_279 : i32 to index
          %parallel_loop3A_355 = arith.constant 64 : index
          %parallel_loop3A_356 = tpu.vector_load %arg11[%parallel_loop3A_354, %parallel_loop3A_355] {strides = array<i32>} : memref<80x128xf32, #tpu.memory_space<vmem>>, vector<1x16xf32>,
          %parallel_loop3A_357 = vector.shape_cast %parallel_loop3A_356 : vector<1x16xf32> to vector<16xf32>
          %parallel_loop3A_358 = arith.index_cast %parallel_loop3A_279 : i32 to index
          %parallel_loop3A_359 = arith.constant 64 : index
          %parallel_loop3A_360 = tpu.vector_load %arg12[%parallel_loop3A_358, %parallel_loop3A_359] {strides = array<i32>} : memref<80x128xf32, #tpu.memory_space<vmem>>, vector<1x16xf32>,
          %parallel_loop3A_361 = vector.shape_cast %parallel_loop3A_360 : vector<1x16xf32> to vector<16xf32>
          %parallel_loop3A_362 = arith.addf %parallel_loop3A_357, %parallel_loop3A_361 : vector<16xf32>
          %parallel_loop3A_363 = arith.constant 0.000000e+00 : f32
          %parallel_loop3A_364 = vector.broadcast %parallel_loop3A_363 : f32 to vector<16xf32>
          %parallel_loop3A_365 = arith.cmpf ogt, %parallel_loop3A_362, %parallel_loop3A_364 : vector<16xf32>
          %parallel_loop3A_366 = arith.constant 2.000000e-01 : f32
          %parallel_loop3A_367 = vector.broadcast %parallel_loop3A_366 : f32 to vector<16xf32>
          %parallel_loop3A_368 = arith.mulf %parallel_loop3A_367, %parallel_loop3A_362 : vector<16xf32>
          %parallel_loop3A_369 = arith.select %parallel_loop3A_365, %parallel_loop3A_362, %parallel_loop3A_368 : vector<16xi1>, vector<16xf32>
          %parallel_loop3A_370 = arith.mulf %parallel_loop3A_369, %get3A_39 : vector<16xf32>
          %parallel_loop3A_371 = arith.addf %parallel_loop3A_353, %parallel_loop3A_370 : vector<16xf32>
          %parallel_loop3A_372 = arith.index_cast %parallel_loop3A_279 : i32 to index
          %parallel_loop3A_373 = arith.constant 80 : index
          %parallel_loop3A_374 = tpu.vector_load %arg11[%parallel_loop3A_372, %parallel_loop3A_373] {strides = array<i32>} : memref<80x128xf32, #tpu.memory_space<vmem>>, vector<1x16xf32>,
          %parallel_loop3A_375 = vector.shape_cast %parallel_loop3A_374 : vector<1x16xf32> to vector<16xf32>
          %parallel_loop3A_376 = arith.index_cast %parallel_loop3A_279 : i32 to index
          %parallel_loop3A_377 = arith.constant 80 : index
          %parallel_loop3A_378 = tpu.vector_load %arg12[%parallel_loop3A_376, %parallel_loop3A_377] {strides = array<i32>} : memref<80x128xf32, #tpu.memory_space<vmem>>, vector<1x16xf32>,
          %parallel_loop3A_379 = vector.shape_cast %parallel_loop3A_378 : vector<1x16xf32> to vector<16xf32>
          %parallel_loop3A_380 = arith.addf %parallel_loop3A_375, %parallel_loop3A_379 : vector<16xf32>
          %parallel_loop3A_381 = arith.constant 0.000000e+00 : f32
          %parallel_loop3A_382 = vector.broadcast %parallel_loop3A_381 : f32 to vector<16xf32>
          %parallel_loop3A_383 = arith.cmpf ogt, %parallel_loop3A_380, %parallel_loop3A_382 : vector<16xf32>
          %parallel_loop3A_384 = arith.constant 2.000000e-01 : f32
          %parallel_loop3A_385 = vector.broadcast %parallel_loop3A_384 : f32 to vector<16xf32>
          %parallel_loop3A_386 = arith.mulf %parallel_loop3A_385, %parallel_loop3A_380 : vector<16xf32>
          %parallel_loop3A_387 = arith.select %parallel_loop3A_383, %parallel_loop3A_380, %parallel_loop3A_386 : vector<16xi1>, vector<16xf32>
          %parallel_loop3A_388 = arith.mulf %parallel_loop3A_387, %get3A_42 : vector<16xf32>
          %parallel_loop3A_389 = arith.addf %parallel_loop3A_371, %parallel_loop3A_388 : vector<16xf32>
          %parallel_loop3A_390 = arith.index_cast %parallel_loop3A_279 : i32 to index
          %parallel_loop3A_391 = arith.constant 96 : index
          %parallel_loop3A_392 = tpu.vector_load %arg11[%parallel_loop3A_390, %parallel_loop3A_391] {strides = array<i32>} : memref<80x128xf32, #tpu.memory_space<vmem>>, vector<1x16xf32>,
          %parallel_loop3A_393 = vector.shape_cast %parallel_loop3A_392 : vector<1x16xf32> to vector<16xf32>
          %parallel_loop3A_394 = arith.index_cast %parallel_loop3A_279 : i32 to index
          %parallel_loop3A_395 = arith.constant 96 : index
          %parallel_loop3A_396 = tpu.vector_load %arg12[%parallel_loop3A_394, %parallel_loop3A_395] {strides = array<i32>} : memref<80x128xf32, #tpu.memory_space<vmem>>, vector<1x16xf32>,
          %parallel_loop3A_397 = vector.shape_cast %parallel_loop3A_396 : vector<1x16xf32> to vector<16xf32>
          %parallel_loop3A_398 = arith.addf %parallel_loop3A_393, %parallel_loop3A_397 : vector<16xf32>
          %parallel_loop3A_399 = arith.constant 0.000000e+00 : f32
          %parallel_loop3A_400 = vector.broadcast %parallel_loop3A_399 : f32 to vector<16xf32>
          %parallel_loop3A_401 = arith.cmpf ogt, %parallel_loop3A_398, %parallel_loop3A_400 : vector<16xf32>
          %parallel_loop3A_402 = arith.constant 2.000000e-01 : f32
          %parallel_loop3A_403 = vector.broadcast %parallel_loop3A_402 : f32 to vector<16xf32>
          %parallel_loop3A_404 = arith.mulf %parallel_loop3A_403, %parallel_loop3A_398 : vector<16xf32>
          %parallel_loop3A_405 = arith.select %parallel_loop3A_401, %parallel_loop3A_398, %parallel_loop3A_404 : vector<16xi1>, vector<16xf32>
          %parallel_loop3A_406 = arith.mulf %parallel_loop3A_405, %get3A_45 : vector<16xf32>
          %parallel_loop3A_407 = arith.addf %parallel_loop3A_389, %parallel_loop3A_406 : vector<16xf32>
          %parallel_loop3A_408 = arith.index_cast %parallel_loop3A_279 : i32 to index
          %parallel_loop3A_409 = arith.constant 112 : index
          %parallel_loop3A_410 = tpu.vector_load %arg11[%parallel_loop3A_408, %parallel_loop3A_409] {strides = array<i32>} : memref<80x128xf32, #tpu.memory_space<vmem>>, vector<1x16xf32>,
          %parallel_loop3A_411 = vector.shape_cast %parallel_loop3A_410 : vector<1x16xf32> to vector<16xf32>
          %parallel_loop3A_412 = arith.index_cast %parallel_loop3A_279 : i32 to index
          %parallel_loop3A_413 = arith.constant 112 : index
          %parallel_loop3A_414 = tpu.vector_load %arg12[%parallel_loop3A_412, %parallel_loop3A_413] {strides = array<i32>} : memref<80x128xf32, #tpu.memory_space<vmem>>, vector<1x16xf32>,
          %parallel_loop3A_415 = vector.shape_cast %parallel_loop3A_414 : vector<1x16xf32> to vector<16xf32>
          %parallel_loop3A_416 = arith.addf %parallel_loop3A_411, %parallel_loop3A_415 : vector<16xf32>
          %parallel_loop3A_417 = arith.constant 0.000000e+00 : f32
          %parallel_loop3A_418 = vector.broadcast %parallel_loop3A_417 : f32 to vector<16xf32>
          %parallel_loop3A_419 = arith.cmpf ogt, %parallel_loop3A_416, %parallel_loop3A_418 : vector<16xf32>
          %parallel_loop3A_420 = arith.constant 2.000000e-01 : f32
          %parallel_loop3A_421 = vector.broadcast %parallel_loop3A_420 : f32 to vector<16xf32>
          %parallel_loop3A_422 = arith.mulf %parallel_loop3A_421, %parallel_loop3A_416 : vector<16xf32>
          %parallel_loop3A_423 = arith.select %parallel_loop3A_419, %parallel_loop3A_416, %parallel_loop3A_422 : vector<16xi1>, vector<16xf32>
          %parallel_loop3A_424 = arith.mulf %parallel_loop3A_423, %get3A_48 : vector<16xf32>
          %parallel_loop3A_425 = arith.addf %parallel_loop3A_407, %parallel_loop3A_424 : vector<16xf32>
          %parallel_loop3A_426 = arith.constant 8 : i32
          %parallel_loop3A_427 = vector.broadcast %parallel_loop3A_426 : i32 to vector<16xi32>
          %parallel_loop3A_428 = arith.xori %iota3A, %parallel_loop3A_427 : vector<16xi32>
          %parallel_loop3A_429 = vector.shape_cast %parallel_loop3A_428 : vector<16xi32> to vector<16x1xi32>
          %parallel_loop3A_430 = vector.shape_cast %parallel_loop3A_429 : vector<16x1xi32> to vector<16xi32>
          %parallel_loop3A_431 = tpu.dynamic_gather %parallel_loop3A_425[%parallel_loop3A_430] in [0] : vector<16xf32>, vector<16xi32> -> vector<16xf32>
          %parallel_loop3A_432 = arith.addf %parallel_loop3A_425, %parallel_loop3A_431 : vector<16xf32>
          %parallel_loop3A_433 = arith.constant 4 : i32
          %parallel_loop3A_434 = vector.broadcast %parallel_loop3A_433 : i32 to vector<16xi32>
          %parallel_loop3A_435 = arith.xori %iota3A, %parallel_loop3A_434 : vector<16xi32>
          %parallel_loop3A_436 = vector.shape_cast %parallel_loop3A_435 : vector<16xi32> to vector<16x1xi32>
          %parallel_loop3A_437 = vector.shape_cast %parallel_loop3A_436 : vector<16x1xi32> to vector<16xi32>
          %parallel_loop3A_438 = tpu.dynamic_gather %parallel_loop3A_432[%parallel_loop3A_437] in [0] : vector<16xf32>, vector<16xi32> -> vector<16xf32>
          %parallel_loop3A_439 = arith.addf %parallel_loop3A_432, %parallel_loop3A_438 : vector<16xf32>
          %parallel_loop3A_440 = arith.constant 2 : i32
          %parallel_loop3A_441 = vector.broadcast %parallel_loop3A_440 : i32 to vector<16xi32>
          %parallel_loop3A_442 = arith.xori %iota3A, %parallel_loop3A_441 : vector<16xi32>
          %parallel_loop3A_443 = vector.shape_cast %parallel_loop3A_442 : vector<16xi32> to vector<16x1xi32>
          %parallel_loop3A_444 = vector.shape_cast %parallel_loop3A_443 : vector<16x1xi32> to vector<16xi32>
          %parallel_loop3A_445 = tpu.dynamic_gather %parallel_loop3A_439[%parallel_loop3A_444] in [0] : vector<16xf32>, vector<16xi32> -> vector<16xf32>
          %parallel_loop3A_446 = arith.addf %parallel_loop3A_439, %parallel_loop3A_445 : vector<16xf32>
          %parallel_loop3A_447 = arith.constant 1 : i32
          %parallel_loop3A_448 = vector.broadcast %parallel_loop3A_447 : i32 to vector<16xi32>
          %parallel_loop3A_449 = arith.xori %iota3A, %parallel_loop3A_448 : vector<16xi32>
          %parallel_loop3A_450 = vector.shape_cast %parallel_loop3A_449 : vector<16xi32> to vector<16x1xi32>
          %parallel_loop3A_451 = vector.shape_cast %parallel_loop3A_450 : vector<16x1xi32> to vector<16xi32>
          %parallel_loop3A_452 = tpu.dynamic_gather %parallel_loop3A_446[%parallel_loop3A_451] in [0] : vector<16xf32>, vector<16xi32> -> vector<16xf32>
          %parallel_loop3A_453 = arith.addf %parallel_loop3A_446, %parallel_loop3A_452 : vector<16xf32>
          %parallel_loop3A_454 = math.exp %parallel_loop3A_453 : vector<16xf32>
          %parallel_loop3A_455 = arith.mulf %parallel_loop3A_285, %parallel_loop3A_454 : vector<16xf32>
          %parallel_loop3A_456 = arith.index_cast %parallel_loop3A_279 : i32 to index
          %parallel_loop3A_457 = arith.constant 0 : index
          %parallel_loop3A_458 = tpu.vector_load %arg13[%parallel_loop3A_456, %parallel_loop3A_457] {strides = array<i32>} : memref<160x128xf32, #tpu.memory_space<vmem>>, vector<1x16xf32>,
          %parallel_loop3A_459 = vector.shape_cast %parallel_loop3A_458 : vector<1x16xf32> to vector<16xf32>
          %parallel_loop3A_460 = vector.shape_cast %parallel_loop3A_455 : vector<16xf32> to vector<1x16xf32>
          tpu.vector_store %arg13[%parallel_loop3A_456, %parallel_loop3A_457], %parallel_loop3A_460 {strides = array<i32>} : memref<160x128xf32, #tpu.memory_space<vmem>>, vector<1x16xf32>,
          %parallel_loop3A_461 = arith.mulf %parallel_loop3A_303, %parallel_loop3A_454 : vector<16xf32>
          %parallel_loop3A_462 = arith.index_cast %parallel_loop3A_279 : i32 to index
          %parallel_loop3A_463 = arith.constant 16 : index
          %parallel_loop3A_464 = tpu.vector_load %arg13[%parallel_loop3A_462, %parallel_loop3A_463] {strides = array<i32>} : memref<160x128xf32, #tpu.memory_space<vmem>>, vector<1x16xf32>,
          %parallel_loop3A_465 = vector.shape_cast %parallel_loop3A_464 : vector<1x16xf32> to vector<16xf32>
          %parallel_loop3A_466 = vector.shape_cast %parallel_loop3A_461 : vector<16xf32> to vector<1x16xf32>
          tpu.vector_store %arg13[%parallel_loop3A_462, %parallel_loop3A_463], %parallel_loop3A_466 {strides = array<i32>} : memref<160x128xf32, #tpu.memory_space<vmem>>, vector<1x16xf32>,
          %parallel_loop3A_467 = arith.mulf %parallel_loop3A_321, %parallel_loop3A_454 : vector<16xf32>
          %parallel_loop3A_468 = arith.index_cast %parallel_loop3A_279 : i32 to index
          %parallel_loop3A_469 = arith.constant 32 : index
          %parallel_loop3A_470 = tpu.vector_load %arg13[%parallel_loop3A_468, %parallel_loop3A_469] {strides = array<i32>} : memref<160x128xf32, #tpu.memory_space<vmem>>, vector<1x16xf32>,
          %parallel_loop3A_471 = vector.shape_cast %parallel_loop3A_470 : vector<1x16xf32> to vector<16xf32>
          %parallel_loop3A_472 = vector.shape_cast %parallel_loop3A_467 : vector<16xf32> to vector<1x16xf32>
          tpu.vector_store %arg13[%parallel_loop3A_468, %parallel_loop3A_469], %parallel_loop3A_472 {strides = array<i32>} : memref<160x128xf32, #tpu.memory_space<vmem>>, vector<1x16xf32>,
          %parallel_loop3A_473 = arith.mulf %parallel_loop3A_339, %parallel_loop3A_454 : vector<16xf32>
          %parallel_loop3A_474 = arith.index_cast %parallel_loop3A_279 : i32 to index
          %parallel_loop3A_475 = arith.constant 48 : index
          %parallel_loop3A_476 = tpu.vector_load %arg13[%parallel_loop3A_474, %parallel_loop3A_475] {strides = array<i32>} : memref<160x128xf32, #tpu.memory_space<vmem>>, vector<1x16xf32>,
          %parallel_loop3A_477 = vector.shape_cast %parallel_loop3A_476 : vector<1x16xf32> to vector<16xf32>
          %parallel_loop3A_478 = vector.shape_cast %parallel_loop3A_473 : vector<16xf32> to vector<1x16xf32>
          tpu.vector_store %arg13[%parallel_loop3A_474, %parallel_loop3A_475], %parallel_loop3A_478 {strides = array<i32>} : memref<160x128xf32, #tpu.memory_space<vmem>>, vector<1x16xf32>,
          %parallel_loop3A_479 = arith.mulf %parallel_loop3A_357, %parallel_loop3A_454 : vector<16xf32>
          %parallel_loop3A_480 = arith.index_cast %parallel_loop3A_279 : i32 to index
          %parallel_loop3A_481 = arith.constant 64 : index
          %parallel_loop3A_482 = tpu.vector_load %arg13[%parallel_loop3A_480, %parallel_loop3A_481] {strides = array<i32>} : memref<160x128xf32, #tpu.memory_space<vmem>>, vector<1x16xf32>,
          %parallel_loop3A_483 = vector.shape_cast %parallel_loop3A_482 : vector<1x16xf32> to vector<16xf32>
          %parallel_loop3A_484 = vector.shape_cast %parallel_loop3A_479 : vector<16xf32> to vector<1x16xf32>
          tpu.vector_store %arg13[%parallel_loop3A_480, %parallel_loop3A_481], %parallel_loop3A_484 {strides = array<i32>} : memref<160x128xf32, #tpu.memory_space<vmem>>, vector<1x16xf32>,
          %parallel_loop3A_485 = arith.mulf %parallel_loop3A_375, %parallel_loop3A_454 : vector<16xf32>
          %parallel_loop3A_486 = arith.index_cast %parallel_loop3A_279 : i32 to index
          %parallel_loop3A_487 = arith.constant 80 : index
          %parallel_loop3A_488 = tpu.vector_load %arg13[%parallel_loop3A_486, %parallel_loop3A_487] {strides = array<i32>} : memref<160x128xf32, #tpu.memory_space<vmem>>, vector<1x16xf32>,
          %parallel_loop3A_489 = vector.shape_cast %parallel_loop3A_488 : vector<1x16xf32> to vector<16xf32>
          %parallel_loop3A_490 = vector.shape_cast %parallel_loop3A_485 : vector<16xf32> to vector<1x16xf32>
          tpu.vector_store %arg13[%parallel_loop3A_486, %parallel_loop3A_487], %parallel_loop3A_490 {strides = array<i32>} : memref<160x128xf32, #tpu.memory_space<vmem>>, vector<1x16xf32>,
          %parallel_loop3A_491 = arith.mulf %parallel_loop3A_393, %parallel_loop3A_454 : vector<16xf32>
          %parallel_loop3A_492 = arith.index_cast %parallel_loop3A_279 : i32 to index
          %parallel_loop3A_493 = arith.constant 96 : index
          %parallel_loop3A_494 = tpu.vector_load %arg13[%parallel_loop3A_492, %parallel_loop3A_493] {strides = array<i32>} : memref<160x128xf32, #tpu.memory_space<vmem>>, vector<1x16xf32>,
          %parallel_loop3A_495 = vector.shape_cast %parallel_loop3A_494 : vector<1x16xf32> to vector<16xf32>
          %parallel_loop3A_496 = vector.shape_cast %parallel_loop3A_491 : vector<16xf32> to vector<1x16xf32>
          tpu.vector_store %arg13[%parallel_loop3A_492, %parallel_loop3A_493], %parallel_loop3A_496 {strides = array<i32>} : memref<160x128xf32, #tpu.memory_space<vmem>>, vector<1x16xf32>,
          %parallel_loop3A_497 = arith.mulf %parallel_loop3A_411, %parallel_loop3A_454 : vector<16xf32>
          %parallel_loop3A_498 = arith.index_cast %parallel_loop3A_279 : i32 to index
          %parallel_loop3A_499 = arith.constant 112 : index
          %parallel_loop3A_500 = tpu.vector_load %arg13[%parallel_loop3A_498, %parallel_loop3A_499] {strides = array<i32>} : memref<160x128xf32, #tpu.memory_space<vmem>>, vector<1x16xf32>,
          %parallel_loop3A_501 = vector.shape_cast %parallel_loop3A_500 : vector<1x16xf32> to vector<16xf32>
          %parallel_loop3A_502 = vector.shape_cast %parallel_loop3A_497 : vector<16xf32> to vector<1x16xf32>
          tpu.vector_store %arg13[%parallel_loop3A_498, %parallel_loop3A_499], %parallel_loop3A_502 {strides = array<i32>} : memref<160x128xf32, #tpu.memory_space<vmem>>, vector<1x16xf32>,
          %parallel_loop3A_503 = arith.constant 16 : i32
          %parallel_loop3A_504 = arith.divsi %parallel_loop3A_279, %parallel_loop3A_503 : i32
          %parallel_loop3A_505 = arith.constant 0 : i32
          %parallel_loop3A_506 = arith.cmpi sgt, %parallel_loop3A_279, %parallel_loop3A_505 : i32
          %parallel_loop3A_507 = arith.extui %parallel_loop3A_506 : i1 to i32
          %parallel_loop3A_508 = arith.constant 0 : i32
          %parallel_loop3A_509 = arith.cmpi slt, %parallel_loop3A_279, %parallel_loop3A_508 : i32
          %parallel_loop3A_510 = arith.extui %parallel_loop3A_509 : i1 to i32
          %parallel_loop3A_511 = arith.subi %parallel_loop3A_507, %parallel_loop3A_510 : i32
          %parallel_loop3A_512 = arith.constant 0 : i32
          %parallel_loop3A_513 = arith.cmpi sgt, %parallel_loop3A_503, %parallel_loop3A_512 : i32
          %parallel_loop3A_514 = arith.extui %parallel_loop3A_513 : i1 to i32
          %parallel_loop3A_515 = arith.constant 0 : i32
          %parallel_loop3A_516 = arith.cmpi slt, %parallel_loop3A_503, %parallel_loop3A_515 : i32
          %parallel_loop3A_517 = arith.extui %parallel_loop3A_516 : i1 to i32
          %parallel_loop3A_518 = arith.subi %parallel_loop3A_514, %parallel_loop3A_517 : i32
          %parallel_loop3A_519 = arith.cmpi ne, %parallel_loop3A_511, %parallel_loop3A_518 : i32
          %parallel_loop3A_520 = arith.remsi %parallel_loop3A_279, %parallel_loop3A_503 : i32
          %parallel_loop3A_521 = arith.constant 0 : i32
          %parallel_loop3A_522 = arith.cmpi ne, %parallel_loop3A_520, %parallel_loop3A_521 : i32
          %parallel_loop3A_523 = arith.andi %parallel_loop3A_519, %parallel_loop3A_522 : i1
          %parallel_loop3A_524 = arith.constant 1 : i32
          %parallel_loop3A_525 = arith.subi %parallel_loop3A_504, %parallel_loop3A_524 : i32
          %parallel_loop3A_526 = arith.select %parallel_loop3A_523, %parallel_loop3A_525, %parallel_loop3A_504 : i32
          %parallel_loop3A_527 = arith.constant 16 : i32
          %parallel_loop3A_528 = arith.muli %parallel_loop3A_526, %parallel_loop3A_527 : i32
          %parallel_loop3A_529 = arith.constant 1 : i32
          %parallel_loop3A_530 = arith.index_cast %scan3A_81 : i32 to index
          %parallel_loop3A_531 = arith.index_cast %parallel_loop3A_529 : i32 to index
          %parallel_loop3A_532 = arith.index_cast %parallel_loop3A_528 : i32 to index
          %parallel_loop3A_533 = tpu.vector_load %arg6[%parallel_loop3A_530, %parallel_loop3A_531, %parallel_loop3A_532] {strides = array<i32>} : memref<25x2x80xi32, #tpu.memory_space<vmem>>, vector<1x1x16xi32>,
          %parallel_loop3A_534 = vector.shape_cast %parallel_loop3A_533 : vector<1x1x16xi32> to vector<16xi32>
          %parallel_loop3A_535 = arith.constant 16 : i32
          %parallel_loop3A_536 = arith.constant 0 : i32
          %parallel_loop3A_537 = arith.cmpi eq, %parallel_loop3A_535, %parallel_loop3A_536 : i32
          %parallel_loop3A_538 = arith.constant 1 : i32
          %parallel_loop3A_539 = arith.select %parallel_loop3A_537, %parallel_loop3A_538, %parallel_loop3A_535 : i32
          %parallel_loop3A_540 = arith.remsi %parallel_loop3A_279, %parallel_loop3A_539 : i32
          %parallel_loop3A_541 = arith.constant 0 : i32
          %parallel_loop3A_542 = arith.cmpi ne, %parallel_loop3A_540, %parallel_loop3A_541 : i32
          %parallel_loop3A_543 = arith.constant 0 : i32
          %parallel_loop3A_544 = arith.cmpi slt, %parallel_loop3A_540, %parallel_loop3A_543 : i32
          %parallel_loop3A_545 = arith.constant 0 : i32
          %parallel_loop3A_546 = arith.cmpi slt, %parallel_loop3A_539, %parallel_loop3A_545 : i32
          %parallel_loop3A_547 = arith.xori %parallel_loop3A_544, %parallel_loop3A_546 : i1
          %parallel_loop3A_548 = arith.andi %parallel_loop3A_547, %parallel_loop3A_542 : i1
          %parallel_loop3A_549 = arith.addi %parallel_loop3A_540, %parallel_loop3A_539 : i32
          %parallel_loop3A_550 = arith.select %parallel_loop3A_548, %parallel_loop3A_549, %parallel_loop3A_540 : i32
          %parallel_loop3A_551 = vector.broadcast %parallel_loop3A_550 : i32 to vector<16xi32>
          %parallel_loop3A_552 = vector.shape_cast %parallel_loop3A_551 : vector<16xi32> to vector<16x1xi32>
          %parallel_loop3A_553 = vector.shape_cast %parallel_loop3A_552 : vector<16x1xi32> to vector<16xi32>
          %parallel_loop3A_554 = tpu.dynamic_gather %parallel_loop3A_534[%parallel_loop3A_553] in [0] : vector<16xi32>, vector<16xi32> -> vector<16xi32>
          %parallel_loop3A_555 = arith.constant 127 : i32
          %parallel_loop3A_556 = vector.broadcast %parallel_loop3A_555 : i32 to vector<16xi32>
          %parallel_loop3A_557 = arith.andi %parallel_loop3A_554, %parallel_loop3A_556 : vector<16xi32>
          %parallel_loop3A_558 = arith.constant 0 : i32
          %parallel_loop3A_559 = vector.broadcast %parallel_loop3A_558 : i32 to vector<16xi32>
          %parallel_loop3A_560 = arith.addi %iota3A, %parallel_loop3A_559 : vector<16xi32>
          %parallel_loop3A_561 = arith.cmpi eq, %parallel_loop3A_560, %parallel_loop3A_557 : vector<16xi32>
          %parallel_loop3A_562 = arith.constant 0.000000e+00 : f32
          %parallel_loop3A_563 = vector.broadcast %parallel_loop3A_562 : f32 to vector<16xf32>
          %parallel_loop3A_564 = arith.select %parallel_loop3A_561, %parallel_loop3A_454, %parallel_loop3A_563 : vector<16xi1>, vector<16xf32>
          %parallel_loop3A_565 = arith.constant 80 : i32
          %parallel_loop3A_566 = arith.addi %parallel_loop3A_565, %parallel_loop3A_279 : i32
          %parallel_loop3A_567 = arith.index_cast %parallel_loop3A_566 : i32 to index
          %parallel_loop3A_568 = arith.constant 0 : index
          %parallel_loop3A_569 = tpu.vector_load %arg13[%parallel_loop3A_567, %parallel_loop3A_568] {strides = array<i32>} : memref<160x128xf32, #tpu.memory_space<vmem>>, vector<1x16xf32>,
          %parallel_loop3A_570 = vector.shape_cast %parallel_loop3A_569 : vector<1x16xf32> to vector<16xf32>
          %parallel_loop3A_571 = vector.shape_cast %parallel_loop3A_564 : vector<16xf32> to vector<1x16xf32>
          tpu.vector_store %arg13[%parallel_loop3A_567, %parallel_loop3A_568], %parallel_loop3A_571 {strides = array<i32>} : memref<160x128xf32, #tpu.memory_space<vmem>>, vector<1x16xf32>,
          %parallel_loop3A_572 = arith.constant 16 : i32
          %parallel_loop3A_573 = vector.broadcast %parallel_loop3A_572 : i32 to vector<16xi32>
          %parallel_loop3A_574 = arith.addi %iota3A, %parallel_loop3A_573 : vector<16xi32>
          %parallel_loop3A_575 = arith.cmpi eq, %parallel_loop3A_574, %parallel_loop3A_557 : vector<16xi32>
          %parallel_loop3A_576 = arith.constant 0.000000e+00 : f32
          %parallel_loop3A_577 = vector.broadcast %parallel_loop3A_576 : f32 to vector<16xf32>
          %parallel_loop3A_578 = arith.select %parallel_loop3A_575, %parallel_loop3A_454, %parallel_loop3A_577 : vector<16xi1>, vector<16xf32>
          %parallel_loop3A_579 = arith.constant 80 : i32
          %parallel_loop3A_580 = arith.addi %parallel_loop3A_579, %parallel_loop3A_279 : i32
          %parallel_loop3A_581 = arith.index_cast %parallel_loop3A_580 : i32 to index
          %parallel_loop3A_582 = arith.constant 16 : index
          %parallel_loop3A_583 = tpu.vector_load %arg13[%parallel_loop3A_581, %parallel_loop3A_582] {strides = array<i32>} : memref<160x128xf32, #tpu.memory_space<vmem>>, vector<1x16xf32>,
          %parallel_loop3A_584 = vector.shape_cast %parallel_loop3A_583 : vector<1x16xf32> to vector<16xf32>
          %parallel_loop3A_585 = vector.shape_cast %parallel_loop3A_578 : vector<16xf32> to vector<1x16xf32>
          tpu.vector_store %arg13[%parallel_loop3A_581, %parallel_loop3A_582], %parallel_loop3A_585 {strides = array<i32>} : memref<160x128xf32, #tpu.memory_space<vmem>>, vector<1x16xf32>,
          %parallel_loop3A_586 = arith.constant 32 : i32
          %parallel_loop3A_587 = vector.broadcast %parallel_loop3A_586 : i32 to vector<16xi32>
          %parallel_loop3A_588 = arith.addi %iota3A, %parallel_loop3A_587 : vector<16xi32>
          %parallel_loop3A_589 = arith.cmpi eq, %parallel_loop3A_588, %parallel_loop3A_557 : vector<16xi32>
          %parallel_loop3A_590 = arith.constant 0.000000e+00 : f32
          %parallel_loop3A_591 = vector.broadcast %parallel_loop3A_590 : f32 to vector<16xf32>
          %parallel_loop3A_592 = arith.select %parallel_loop3A_589, %parallel_loop3A_454, %parallel_loop3A_591 : vector<16xi1>, vector<16xf32>
          %parallel_loop3A_593 = arith.constant 80 : i32
          %parallel_loop3A_594 = arith.addi %parallel_loop3A_593, %parallel_loop3A_279 : i32
          %parallel_loop3A_595 = arith.index_cast %parallel_loop3A_594 : i32 to index
          %parallel_loop3A_596 = arith.constant 32 : index
          %parallel_loop3A_597 = tpu.vector_load %arg13[%parallel_loop3A_595, %parallel_loop3A_596] {strides = array<i32>} : memref<160x128xf32, #tpu.memory_space<vmem>>, vector<1x16xf32>,
          %parallel_loop3A_598 = vector.shape_cast %parallel_loop3A_597 : vector<1x16xf32> to vector<16xf32>
          %parallel_loop3A_599 = vector.shape_cast %parallel_loop3A_592 : vector<16xf32> to vector<1x16xf32>
          tpu.vector_store %arg13[%parallel_loop3A_595, %parallel_loop3A_596], %parallel_loop3A_599 {strides = array<i32>} : memref<160x128xf32, #tpu.memory_space<vmem>>, vector<1x16xf32>,
          %parallel_loop3A_600 = arith.constant 48 : i32
          %parallel_loop3A_601 = vector.broadcast %parallel_loop3A_600 : i32 to vector<16xi32>
          %parallel_loop3A_602 = arith.addi %iota3A, %parallel_loop3A_601 : vector<16xi32>
          %parallel_loop3A_603 = arith.cmpi eq, %parallel_loop3A_602, %parallel_loop3A_557 : vector<16xi32>
          %parallel_loop3A_604 = arith.constant 0.000000e+00 : f32
          %parallel_loop3A_605 = vector.broadcast %parallel_loop3A_604 : f32 to vector<16xf32>
          %parallel_loop3A_606 = arith.select %parallel_loop3A_603, %parallel_loop3A_454, %parallel_loop3A_605 : vector<16xi1>, vector<16xf32>
          %parallel_loop3A_607 = arith.constant 80 : i32
          %parallel_loop3A_608 = arith.addi %parallel_loop3A_607, %parallel_loop3A_279 : i32
          %parallel_loop3A_609 = arith.index_cast %parallel_loop3A_608 : i32 to index
          %parallel_loop3A_610 = arith.constant 48 : index
          %parallel_loop3A_611 = tpu.vector_load %arg13[%parallel_loop3A_609, %parallel_loop3A_610] {strides = array<i32>} : memref<160x128xf32, #tpu.memory_space<vmem>>, vector<1x16xf32>,
          %parallel_loop3A_612 = vector.shape_cast %parallel_loop3A_611 : vector<1x16xf32> to vector<16xf32>
          %parallel_loop3A_613 = vector.shape_cast %parallel_loop3A_606 : vector<16xf32> to vector<1x16xf32>
          tpu.vector_store %arg13[%parallel_loop3A_609, %parallel_loop3A_610], %parallel_loop3A_613 {strides = array<i32>} : memref<160x128xf32, #tpu.memory_space<vmem>>, vector<1x16xf32>,
          %parallel_loop3A_614 = arith.constant 64 : i32
          %parallel_loop3A_615 = vector.broadcast %parallel_loop3A_614 : i32 to vector<16xi32>
          %parallel_loop3A_616 = arith.addi %iota3A, %parallel_loop3A_615 : vector<16xi32>
          %parallel_loop3A_617 = arith.cmpi eq, %parallel_loop3A_616, %parallel_loop3A_557 : vector<16xi32>
          %parallel_loop3A_618 = arith.constant 0.000000e+00 : f32
          %parallel_loop3A_619 = vector.broadcast %parallel_loop3A_618 : f32 to vector<16xf32>
          %parallel_loop3A_620 = arith.select %parallel_loop3A_617, %parallel_loop3A_454, %parallel_loop3A_619 : vector<16xi1>, vector<16xf32>
          %parallel_loop3A_621 = arith.constant 80 : i32
          %parallel_loop3A_622 = arith.addi %parallel_loop3A_621, %parallel_loop3A_279 : i32
          %parallel_loop3A_623 = arith.index_cast %parallel_loop3A_622 : i32 to index
          %parallel_loop3A_624 = arith.constant 64 : index
          %parallel_loop3A_625 = tpu.vector_load %arg13[%parallel_loop3A_623, %parallel_loop3A_624] {strides = array<i32>} : memref<160x128xf32, #tpu.memory_space<vmem>>, vector<1x16xf32>,
          %parallel_loop3A_626 = vector.shape_cast %parallel_loop3A_625 : vector<1x16xf32> to vector<16xf32>
          %parallel_loop3A_627 = vector.shape_cast %parallel_loop3A_620 : vector<16xf32> to vector<1x16xf32>
          tpu.vector_store %arg13[%parallel_loop3A_623, %parallel_loop3A_624], %parallel_loop3A_627 {strides = array<i32>} : memref<160x128xf32, #tpu.memory_space<vmem>>, vector<1x16xf32>,
          %parallel_loop3A_628 = arith.constant 80 : i32
          %parallel_loop3A_629 = vector.broadcast %parallel_loop3A_628 : i32 to vector<16xi32>
          %parallel_loop3A_630 = arith.addi %iota3A, %parallel_loop3A_629 : vector<16xi32>
          %parallel_loop3A_631 = arith.cmpi eq, %parallel_loop3A_630, %parallel_loop3A_557 : vector<16xi32>
          %parallel_loop3A_632 = arith.constant 0.000000e+00 : f32
          %parallel_loop3A_633 = vector.broadcast %parallel_loop3A_632 : f32 to vector<16xf32>
          %parallel_loop3A_634 = arith.select %parallel_loop3A_631, %parallel_loop3A_454, %parallel_loop3A_633 : vector<16xi1>, vector<16xf32>
          %parallel_loop3A_635 = arith.constant 80 : i32
          %parallel_loop3A_636 = arith.addi %parallel_loop3A_635, %parallel_loop3A_279 : i32
          %parallel_loop3A_637 = arith.index_cast %parallel_loop3A_636 : i32 to index
          %parallel_loop3A_638 = arith.constant 80 : index
          %parallel_loop3A_639 = tpu.vector_load %arg13[%parallel_loop3A_637, %parallel_loop3A_638] {strides = array<i32>} : memref<160x128xf32, #tpu.memory_space<vmem>>, vector<1x16xf32>,
          %parallel_loop3A_640 = vector.shape_cast %parallel_loop3A_639 : vector<1x16xf32> to vector<16xf32>
          %parallel_loop3A_641 = vector.shape_cast %parallel_loop3A_634 : vector<16xf32> to vector<1x16xf32>
          tpu.vector_store %arg13[%parallel_loop3A_637, %parallel_loop3A_638], %parallel_loop3A_641 {strides = array<i32>} : memref<160x128xf32, #tpu.memory_space<vmem>>, vector<1x16xf32>,
          %parallel_loop3A_642 = arith.constant 96 : i32
          %parallel_loop3A_643 = vector.broadcast %parallel_loop3A_642 : i32 to vector<16xi32>
          %parallel_loop3A_644 = arith.addi %iota3A, %parallel_loop3A_643 : vector<16xi32>
          %parallel_loop3A_645 = arith.cmpi eq, %parallel_loop3A_644, %parallel_loop3A_557 : vector<16xi32>
          %parallel_loop3A_646 = arith.constant 0.000000e+00 : f32
          %parallel_loop3A_647 = vector.broadcast %parallel_loop3A_646 : f32 to vector<16xf32>
          %parallel_loop3A_648 = arith.select %parallel_loop3A_645, %parallel_loop3A_454, %parallel_loop3A_647 : vector<16xi1>, vector<16xf32>
          %parallel_loop3A_649 = arith.constant 80 : i32
          %parallel_loop3A_650 = arith.addi %parallel_loop3A_649, %parallel_loop3A_279 : i32
          %parallel_loop3A_651 = arith.index_cast %parallel_loop3A_650 : i32 to index
          %parallel_loop3A_652 = arith.constant 96 : index
          %parallel_loop3A_653 = tpu.vector_load %arg13[%parallel_loop3A_651, %parallel_loop3A_652] {strides = array<i32>} : memref<160x128xf32, #tpu.memory_space<vmem>>, vector<1x16xf32>,
          %parallel_loop3A_654 = vector.shape_cast %parallel_loop3A_653 : vector<1x16xf32> to vector<16xf32>
          %parallel_loop3A_655 = vector.shape_cast %parallel_loop3A_648 : vector<16xf32> to vector<1x16xf32>
          tpu.vector_store %arg13[%parallel_loop3A_651, %parallel_loop3A_652], %parallel_loop3A_655 {strides = array<i32>} : memref<160x128xf32, #tpu.memory_space<vmem>>, vector<1x16xf32>,
          %parallel_loop3A_656 = arith.constant 112 : i32
          %parallel_loop3A_657 = vector.broadcast %parallel_loop3A_656 : i32 to vector<16xi32>
          %parallel_loop3A_658 = arith.addi %iota3A, %parallel_loop3A_657 : vector<16xi32>
          %parallel_loop3A_659 = arith.cmpi eq, %parallel_loop3A_658, %parallel_loop3A_557 : vector<16xi32>
          %parallel_loop3A_660 = arith.constant 0.000000e+00 : f32
          %parallel_loop3A_661 = vector.broadcast %parallel_loop3A_660 : f32 to vector<16xf32>
          %parallel_loop3A_662 = arith.select %parallel_loop3A_659, %parallel_loop3A_454, %parallel_loop3A_661 : vector<16xi1>, vector<16xf32>
          %parallel_loop3A_663 = arith.constant 80 : i32
          %parallel_loop3A_664 = arith.addi %parallel_loop3A_663, %parallel_loop3A_279 : i32
          %parallel_loop3A_665 = arith.index_cast %parallel_loop3A_664 : i32 to index
          %parallel_loop3A_666 = arith.constant 112 : index
          %parallel_loop3A_667 = tpu.vector_load %arg13[%parallel_loop3A_665, %parallel_loop3A_666] {strides = array<i32>} : memref<160x128xf32, #tpu.memory_space<vmem>>, vector<1x16xf32>,
          %parallel_loop3A_668 = vector.shape_cast %parallel_loop3A_667 : vector<1x16xf32> to vector<16xf32>
          %parallel_loop3A_669 = vector.shape_cast %parallel_loop3A_662 : vector<16xf32> to vector<1x16xf32>
          tpu.vector_store %arg13[%parallel_loop3A_665, %parallel_loop3A_666], %parallel_loop3A_669 {strides = array<i32>} : memref<160x128xf32, #tpu.memory_space<vmem>>, vector<1x16xf32>,
        } {sc.loop_unroll_factor = 2 : i64, sc.parallel_access}
        "tpu.region"() ({
          %run_scoped3A = tpu.sem_alloc : memref<!tpu.dma_semaphore, #tpu.memory_space<semaphore_mem>>
          %dma_start3A_279 = arith.constant 0 : i32
          %dma_start3A_280 = arith.constant 0 : i32
          %dma_start3A_281 = tpu.memref_slice %arg15[%dma_start3A_279, %dma_start3A_280] : memref<10080x128xf32, #tpu.memory_space<vmem_shared>> -> memref<10080x128xf32, #tpu.memory_space<vmem_shared>>
          tpu.enqueue_indirect_dma source(%arg13 : memref<160x128xf32, #tpu.memory_space<vmem>>) target(%dma_start3A_281 : memref<10080x128xf32, #tpu.memory_space<vmem_shared>>) offsets(%arg10 : memref<160xi32, #tpu.memory_space<vmem>>) semaphore(%run_scoped3A : memref<!tpu.dma_semaphore, #tpu.memory_space<semaphore_mem>>) {add = true}
          %dma_wait3A_282 = arith.constant 0 : i32
          %dma_wait3A_283 = arith.constant 0 : i32
          %dma_wait3A_284 = tpu.memref_slice %arg15[%dma_wait3A_282, %dma_wait3A_283] : memref<10080x128xf32, #tpu.memory_space<vmem_shared>> -> memref<10080x128xf32, #tpu.memory_space<vmem_shared>>
          tpu.wait_indirect_dma semaphore(%run_scoped3A : memref<!tpu.dma_semaphore, #tpu.memory_space<semaphore_mem>>) src(%arg13 : memref<160x128xf32, #tpu.memory_space<vmem>>) dst(%dma_wait3A_284 : memref<10080x128xf32, #tpu.memory_space<vmem_shared>>)
          tpu.yield
        }) : () -> ()
        %scan3A_278 = arith.constant 0 : i32
        scf.yield %scan3A_278 : i32
      }
      %scan3A_79 = arith.constant 25 : i32
      %scan3A_80 = arith.constant 0 : i32
      scf.yield %scan3A_80 : i32
    }
    %scan3A_57 = arith.constant 5 : i32
    %barrier3A_58 = arith.constant 0 : index
    tpu.barrier barrier_id(%barrier3A_58)
    %mul3A_59 = arith.constant 624 : i32
    %mul3A_60 = arith.muli %arg1, %mul3A_59 : i32
    %mul3A_61 = arith.constant 624 : i32
    %mul3A_62 = arith.muli %arg1, %mul3A_61 : i32
    "tpu.region"() ({
      %run_scoped3A = tpu.sem_alloc : memref<!tpu.dma_semaphore, #tpu.memory_space<semaphore_mem>>
      %dma_start3A = arith.constant 0 : i32
      %dma_start3A_68 = arith.constant 0 : i32
      %dma_start3A_69 = tpu.memref_slice %arg5[%arg0, %dma_start3A, %dma_start3A_68] : memref<2x10080x128xf32, #tpu.memory_space<hbm>> -> memref<1x10080x128xf32, #tpu.memory_space<hbm>>
      %dma_start3A_70 = tpu.memref_squeeze %dma_start3A_69 : memref<1x10080x128xf32, #tpu.memory_space<hbm>> -> memref<10080x128xf32, #tpu.memory_space<hbm>>
      %dma_start3A_71 = arith.constant 0 : i32
      %dma_start3A_72 = tpu.memref_slice %dma_start3A_70[%mul3A_62, %dma_start3A_71] : memref<10080x128xf32, #tpu.memory_space<hbm>> -> memref<624x128xf32, #tpu.memory_space<hbm>>
      %dma_start3A_73 = arith.constant 0 : i32
      %dma_start3A_74 = tpu.memref_slice %arg15[%mul3A_60, %dma_start3A_73] : memref<10080x128xf32, #tpu.memory_space<vmem_shared>> -> memref<624x128xf32, #tpu.memory_space<vmem_shared>>
      tpu.enqueue_dma source(%dma_start3A_74 : memref<624x128xf32, #tpu.memory_space<vmem_shared>>) target(%dma_start3A_72 : memref<624x128xf32, #tpu.memory_space<hbm>>) target_semaphore(%run_scoped3A : memref<!tpu.dma_semaphore, #tpu.memory_space<semaphore_mem>>)
      %dma_wait3A = arith.constant 0 : i32
      %dma_wait3A_75 = arith.constant 0 : i32
      %dma_wait3A_76 = tpu.memref_slice %arg5[%arg0, %dma_wait3A, %dma_wait3A_75] : memref<2x10080x128xf32, #tpu.memory_space<hbm>> -> memref<1x10080x128xf32, #tpu.memory_space<hbm>>
      %dma_wait3A_77 = tpu.memref_squeeze %dma_wait3A_76 : memref<1x10080x128xf32, #tpu.memory_space<hbm>> -> memref<10080x128xf32, #tpu.memory_space<hbm>>
      %dma_wait3A_78 = arith.constant 0 : i32
      %dma_wait3A_79 = tpu.memref_slice %dma_wait3A_77[%mul3A_62, %dma_wait3A_78] : memref<10080x128xf32, #tpu.memory_space<hbm>> -> memref<624x128xf32, #tpu.memory_space<hbm>>
      %dma_wait3A_80 = arith.constant 0 : i32
      %dma_wait3A_81 = tpu.memref_slice %arg15[%mul3A_60, %dma_wait3A_80] : memref<10080x128xf32, #tpu.memory_space<vmem_shared>> -> memref<624x128xf32, #tpu.memory_space<vmem_shared>>
      tpu.wait_dma2 semaphore(%run_scoped3A : memref<!tpu.dma_semaphore, #tpu.memory_space<semaphore_mem>>) src(%dma_wait3A_81 : memref<624x128xf32, #tpu.memory_space<vmem_shared>>) dst(%dma_wait3A_79 : memref<624x128xf32, #tpu.memory_space<hbm>>)
      tpu.yield
    }) : () -> ()
    %lt3A_63 = arith.constant 12 : i32
    %lt3A_64 = arith.cmpi slt, %arg1, %lt3A_63 : i32
    %convert_element_type3A_65 = arith.extui %lt3A_64 : i1 to i32
    %cond3A_66 = arith.constant 0 : i32
    %cond3A_67 = arith.cmpi ne, %convert_element_type3A_65, %cond3A_66 : i32
    scf.if %cond3A_67 {
      %mul3A_68 = arith.constant 8 : i32
      %mul3A_69 = arith.muli %mul3A_68, %arg1 : i32
      %add3A_70 = arith.constant 9984 : i32
      %add3A_71 = arith.addi %add3A_70, %mul3A_69 : i32
      %mul3A_72 = arith.constant 8 : i32
      %mul3A_73 = arith.muli %mul3A_72, %arg1 : i32
      %add3A_74 = arith.constant 9984 : i32
      %add3A_75 = arith.addi %add3A_74, %mul3A_73 : i32
      "tpu.region"() ({
        %run_scoped3A = tpu.sem_alloc : memref<!tpu.dma_semaphore, #tpu.memory_space<semaphore_mem>>
        %dma_start3A = arith.constant 0 : i32
        %dma_start3A_76 = arith.constant 0 : i32
        %dma_start3A_77 = tpu.memref_slice %arg5[%arg0, %dma_start3A, %dma_start3A_76] : memref<2x10080x128xf32, #tpu.memory_space<hbm>> -> memref<1x10080x128xf32, #tpu.memory_space<hbm>>
        %dma_start3A_78 = tpu.memref_squeeze %dma_start3A_77 : memref<1x10080x128xf32, #tpu.memory_space<hbm>> -> memref<10080x128xf32, #tpu.memory_space<hbm>>
        %dma_start3A_79 = arith.constant 0 : i32
        %dma_start3A_80 = tpu.memref_slice %dma_start3A_78[%add3A_75, %dma_start3A_79] : memref<10080x128xf32, #tpu.memory_space<hbm>> -> memref<8x128xf32, #tpu.memory_space<hbm>>
        %dma_start3A_81 = arith.constant 0 : i32
        %dma_start3A_82 = tpu.memref_slice %arg15[%add3A_71, %dma_start3A_81] : memref<10080x128xf32, #tpu.memory_space<vmem_shared>> -> memref<8x128xf32, #tpu.memory_space<vmem_shared>>
        tpu.enqueue_dma source(%dma_start3A_82 : memref<8x128xf32, #tpu.memory_space<vmem_shared>>) target(%dma_start3A_80 : memref<8x128xf32, #tpu.memory_space<hbm>>) target_semaphore(%run_scoped3A : memref<!tpu.dma_semaphore, #tpu.memory_space<semaphore_mem>>)
        %dma_wait3A = arith.constant 0 : i32
        %dma_wait3A_83 = arith.constant 0 : i32
        %dma_wait3A_84 = tpu.memref_slice %arg5[%arg0, %dma_wait3A, %dma_wait3A_83] : memref<2x10080x128xf32, #tpu.memory_space<hbm>> -> memref<1x10080x128xf32, #tpu.memory_space<hbm>>
        %dma_wait3A_85 = tpu.memref_squeeze %dma_wait3A_84 : memref<1x10080x128xf32, #tpu.memory_space<hbm>> -> memref<10080x128xf32, #tpu.memory_space<hbm>>
        %dma_wait3A_86 = arith.constant 0 : i32
        %dma_wait3A_87 = tpu.memref_slice %dma_wait3A_85[%add3A_75, %dma_wait3A_86] : memref<10080x128xf32, #tpu.memory_space<hbm>> -> memref<8x128xf32, #tpu.memory_space<hbm>>
        %dma_wait3A_88 = arith.constant 0 : i32
        %dma_wait3A_89 = tpu.memref_slice %arg15[%add3A_71, %dma_wait3A_88] : memref<10080x128xf32, #tpu.memory_space<vmem_shared>> -> memref<8x128xf32, #tpu.memory_space<vmem_shared>>
        tpu.wait_dma2 semaphore(%run_scoped3A : memref<!tpu.dma_semaphore, #tpu.memory_space<semaphore_mem>>) src(%dma_wait3A_89 : memref<8x128xf32, #tpu.memory_space<vmem_shared>>) dst(%dma_wait3A_87 : memref<8x128xf32, #tpu.memory_space<hbm>>)
        tpu.yield
      }) : () -> ()
    } else {
    }
    return
  }
}

module attributes {stable_mosaic.version = 14 : i64} {
  func.func @_proj_body(%arg0: i32, %arg1: memref<1000x128xf32, #tpu.memory_space<vmem>>, %arg2: memref<128x512xf32, #tpu.memory_space<vmem>>, %arg3: memref<1x512xf32, #tpu.memory_space<vmem>>, %arg4: memref<3x1000x128xf32, #tpu.memory_space<vmem>>, %arg5: memref<1000x128xf32, #tpu.memory_space<vmem>>) attributes {dimension_semantics = [#tpu.dimension_semantics<arbitrary>], iteration_bounds = array<i64: 10>, scalar_prefetch = 0 : i64, scratch_operands = 0 : i64, tpu.core_type = #tpu.core_type<tc>, window_params = [{transform_indices = @transform_0, window_bounds = array<i64: 1000, 128>}, {pipeline_mode = #tpu.pipeline_mode<synchronous>, transform_indices = @transform_1, window_bounds = array<i64: 128, 512>}, {pipeline_mode = #tpu.pipeline_mode<synchronous>, transform_indices = @transform_2, window_bounds = array<i64: 1, 512>}, {transform_indices = @transform_3, window_bounds = array<i64: 3, 1000, 128>}, {transform_indices = @transform_4, window_bounds = array<i64: 1000, 128>}]} {
    %get3A = arith.constant 0 : index
    %get3A_0 = arith.constant 0 : index
    %get3A_1 = vector.load %arg1[%get3A, %get3A_0] : memref<1000x128xf32, #tpu.memory_space<vmem>>, vector<1000x128xf32>
    %get3A_2 = arith.constant 0 : index
    %get3A_3 = arith.constant 0 : index
    %get3A_4 = vector.load %arg2[%get3A_2, %get3A_3] : memref<128x512xf32, #tpu.memory_space<vmem>>, vector<128x512xf32>
    %dot_general3A = arith.constant dense<0.000000e+00> : vector<1000x512xf32>
    %dot_general3A_5 = tpu.matmul %get3A_1, %get3A_4, %dot_general3A {dimension_numbers = #tpu.dot_dimension_numbers<[1], [0], [0], [1], [0, 0, 1, 1], [], []>, transpose_lhs_hint = false} : vector<1000x128xf32>, vector<128x512xf32>, vector<1000x512xf32> -> vector<1000x512xf32>
    %get3A_6 = arith.constant 0 : index
    %get3A_7 = arith.constant 0 : index
    %get3A_8 = vector.load %arg3[%get3A_6, %get3A_7] : memref<1x512xf32, #tpu.memory_space<vmem>>, vector<1x512xf32>
    %add3A = vector.broadcast %get3A_8 : vector<1x512xf32> to vector<1000x512xf32>
    %add3A_9 = arith.addf %dot_general3A_5, %add3A : vector<1000x512xf32>
    %slice3A = vector.extract_strided_slice %add3A_9 {offsets = [0, 0], sizes = [1000, 128], strides = [1, 1]} : vector<1000x512xf32> to vector<1000x128xf32>
    %swap3A = arith.constant 0 : index
    %swap3A_10 = arith.constant 0 : index
    %swap3A_11 = arith.constant 0 : index
    %swap3A_12 = vector.load %arg4[%swap3A, %swap3A_10, %swap3A_11] : memref<3x1000x128xf32, #tpu.memory_space<vmem>>, vector<1x1000x128xf32>
    %swap3A_13 = vector.shape_cast %swap3A_12 : vector<1x1000x128xf32> to vector<1000x128xf32>
    %swap3A_14 = vector.shape_cast %slice3A : vector<1000x128xf32> to vector<1x1000x128xf32>
    tpu.vector_store %arg4[%swap3A, %swap3A_10, %swap3A_11], %swap3A_14 {strides = array<i32>} : memref<3x1000x128xf32, #tpu.memory_space<vmem>>, vector<1x1000x128xf32>,
    %slice3A_15 = vector.extract_strided_slice %add3A_9 {offsets = [0, 128], sizes = [1000, 128], strides = [1, 1]} : vector<1000x512xf32> to vector<1000x128xf32>
    %swap3A_16 = arith.constant 1 : index
    %swap3A_17 = arith.constant 0 : index
    %swap3A_18 = arith.constant 0 : index
    %swap3A_19 = vector.load %arg4[%swap3A_16, %swap3A_17, %swap3A_18] : memref<3x1000x128xf32, #tpu.memory_space<vmem>>, vector<1x1000x128xf32>
    %swap3A_20 = vector.shape_cast %swap3A_19 : vector<1x1000x128xf32> to vector<1000x128xf32>
    %swap3A_21 = vector.shape_cast %slice3A_15 : vector<1000x128xf32> to vector<1x1000x128xf32>
    tpu.vector_store %arg4[%swap3A_16, %swap3A_17, %swap3A_18], %swap3A_21 {strides = array<i32>} : memref<3x1000x128xf32, #tpu.memory_space<vmem>>, vector<1x1000x128xf32>,
    %slice3A_22 = vector.extract_strided_slice %add3A_9 {offsets = [0, 256], sizes = [1000, 128], strides = [1, 1]} : vector<1000x512xf32> to vector<1000x128xf32>
    %swap3A_23 = arith.constant 2 : index
    %swap3A_24 = arith.constant 0 : index
    %swap3A_25 = arith.constant 0 : index
    %swap3A_26 = vector.load %arg4[%swap3A_23, %swap3A_24, %swap3A_25] : memref<3x1000x128xf32, #tpu.memory_space<vmem>>, vector<1x1000x128xf32>
    %swap3A_27 = vector.shape_cast %swap3A_26 : vector<1x1000x128xf32> to vector<1000x128xf32>
    %swap3A_28 = vector.shape_cast %slice3A_22 : vector<1000x128xf32> to vector<1x1000x128xf32>
    tpu.vector_store %arg4[%swap3A_23, %swap3A_24, %swap3A_25], %swap3A_28 {strides = array<i32>} : memref<3x1000x128xf32, #tpu.memory_space<vmem>>, vector<1x1000x128xf32>,
    %slice3A_29 = vector.extract_strided_slice %add3A_9 {offsets = [0, 384], sizes = [1000, 128], strides = [1, 1]} : vector<1000x512xf32> to vector<1000x128xf32>
    %swap3A_30 = arith.constant 0 : index
    %swap3A_31 = arith.constant 0 : index
    %swap3A_32 = vector.load %arg5[%swap3A_30, %swap3A_31] : memref<1000x128xf32, #tpu.memory_space<vmem>>, vector<1000x128xf32>
    tpu.vector_store %arg5[%swap3A_30, %swap3A_31], %slice3A_29 {strides = array<i32>} : memref<1000x128xf32, #tpu.memory_space<vmem>>, vector<1000x128xf32>,
    return
  }
  func.func @transform_0(%arg0: i32) -> (i32, i32) {
    %c0_i32 = arith.constant 0 : i32
    %c0_i32_0 = arith.constant 0 : i32
    return %arg0, %c0_i32 : i32, i32
  }
  func.func @transform_1(%arg0: i32) -> (i32, i32) {
    %c0_i32 = arith.constant 0 : i32
    %c0_i32_0 = arith.constant 0 : i32
    %c0_i32_1 = arith.constant 0 : i32
    return %c0_i32, %c0_i32_0 : i32, i32
  }
  func.func @transform_2(%arg0: i32) -> (i32, i32) {
    %c0_i32 = arith.constant 0 : i32
    %c0_i32_0 = arith.constant 0 : i32
    %c0_i32_1 = arith.constant 0 : i32
    return %c0_i32, %c0_i32_0 : i32, i32
  }
  func.func @transform_3(%arg0: i32) -> (i32, i32, i32) {
    %c0_i32 = arith.constant 0 : i32
    %c0_i32_0 = arith.constant 0 : i32
    %c0_i32_1 = arith.constant 0 : i32
    return %c0_i32, %arg0, %c0_i32_0 : i32, i32, i32
  }
  func.func @transform_4(%arg0: i32) -> (i32, i32) {
    %c0_i32 = arith.constant 0 : i32
    %c0_i32_0 = arith.constant 0 : i32
    return %arg0, %c0_i32 : i32, i32
  }
}

module attributes {stable_mosaic.version = 14 : i64} {
  func.func @_norm_proj_body(%arg0: i32, %arg1: memref<1000x128xf32, #tpu.memory_space<vmem>>, %arg2: memref<1000x1xf32, #tpu.memory_space<vmem>>, %arg3: memref<1000x128xf32, #tpu.memory_space<vmem>>, %arg4: memref<128x256xf32, #tpu.memory_space<vmem>>, %arg5: memref<1x256xf32, #tpu.memory_space<vmem>>, %arg6: memref<2x1000x128xf32, #tpu.memory_space<vmem>>, %arg7: memref<1000x128xf32, #tpu.memory_space<vmem>>) attributes {dimension_semantics = [#tpu.dimension_semantics<arbitrary>], iteration_bounds = array<i64: 10>, scalar_prefetch = 0 : i64, scratch_operands = 0 : i64, tpu.core_type = #tpu.core_type<tc>, window_params = [{transform_indices = @transform_0, window_bounds = array<i64: 1000, 128>}, {transform_indices = @transform_1, window_bounds = array<i64: 1000, 1>}, {transform_indices = @transform_2, window_bounds = array<i64: 1000, 128>}, {pipeline_mode = #tpu.pipeline_mode<synchronous>, transform_indices = @transform_3, window_bounds = array<i64: 128, 256>}, {pipeline_mode = #tpu.pipeline_mode<synchronous>, transform_indices = @transform_4, window_bounds = array<i64: 1, 256>}, {transform_indices = @transform_5, window_bounds = array<i64: 2, 1000, 128>}, {transform_indices = @transform_6, window_bounds = array<i64: 1000, 128>}]} {
    %get3A = arith.constant 0 : index
    %get3A_0 = arith.constant 0 : index
    %get3A_1 = vector.load %arg1[%get3A, %get3A_0] : memref<1000x128xf32, #tpu.memory_space<vmem>>, vector<1000x128xf32>
    %get3A_2 = arith.constant 0 : index
    %get3A_3 = arith.constant 0 : index
    %get3A_4 = vector.load %arg2[%get3A_2, %get3A_3] : memref<1000x1xf32, #tpu.memory_space<vmem>>, vector<1000x1xf32>
    %add3A = arith.constant 1.000000e-16 : f32
    %add3A_5 = vector.broadcast %add3A : f32 to vector<1000x1xf32>
    %add3A_6 = arith.addf %get3A_4, %add3A_5 : vector<1000x1xf32>
    %div3A = vector.broadcast %add3A_6 : vector<1000x1xf32> to vector<1000x128xf32>
    %div3A_7 = arith.divf %get3A_1, %div3A : vector<1000x128xf32>
    %get3A_8 = arith.constant 0 : index
    %get3A_9 = arith.constant 0 : index
    %get3A_10 = vector.load %arg3[%get3A_8, %get3A_9] : memref<1000x128xf32, #tpu.memory_space<vmem>>, vector<1000x128xf32>
    %add3A_11 = arith.addf %div3A_7, %get3A_10 : vector<1000x128xf32>
    %max3A = arith.constant 0.000000e+00 : f32
    %max3A_12 = vector.broadcast %max3A : f32 to vector<1000x128xf32>
    %max3A_13 = arith.maximumf %add3A_11, %max3A_12 : vector<1000x128xf32>
    %swap3A = arith.constant 0 : index
    %swap3A_14 = arith.constant 0 : index
    %swap3A_15 = vector.load %arg7[%swap3A, %swap3A_14] : memref<1000x128xf32, #tpu.memory_space<vmem>>, vector<1000x128xf32>
    tpu.vector_store %arg7[%swap3A, %swap3A_14], %max3A_13 {strides = array<i32>} : memref<1000x128xf32, #tpu.memory_space<vmem>>, vector<1000x128xf32>,
    %get3A_16 = arith.constant 0 : index
    %get3A_17 = arith.constant 0 : index
    %get3A_18 = vector.load %arg4[%get3A_16, %get3A_17] : memref<128x256xf32, #tpu.memory_space<vmem>>, vector<128x256xf32>
    %dot_general3A = arith.constant dense<0.000000e+00> : vector<1000x256xf32>
    %dot_general3A_19 = tpu.matmul %max3A_13, %get3A_18, %dot_general3A {dimension_numbers = #tpu.dot_dimension_numbers<[1], [0], [0], [1], [0, 0, 1, 1], [], []>, transpose_lhs_hint = false} : vector<1000x128xf32>, vector<128x256xf32>, vector<1000x256xf32> -> vector<1000x256xf32>
    %get3A_20 = arith.constant 0 : index
    %get3A_21 = arith.constant 0 : index
    %get3A_22 = vector.load %arg5[%get3A_20, %get3A_21] : memref<1x256xf32, #tpu.memory_space<vmem>>, vector<1x256xf32>
    %add3A_23 = vector.broadcast %get3A_22 : vector<1x256xf32> to vector<1000x256xf32>
    %add3A_24 = arith.addf %dot_general3A_19, %add3A_23 : vector<1000x256xf32>
    %slice3A = vector.extract_strided_slice %add3A_24 {offsets = [0, 0], sizes = [1000, 128], strides = [1, 1]} : vector<1000x256xf32> to vector<1000x128xf32>
    %swap3A_25 = arith.constant 0 : index
    %swap3A_26 = arith.constant 0 : index
    %swap3A_27 = arith.constant 0 : index
    %swap3A_28 = vector.load %arg6[%swap3A_25, %swap3A_26, %swap3A_27] : memref<2x1000x128xf32, #tpu.memory_space<vmem>>, vector<1x1000x128xf32>
    %swap3A_29 = vector.shape_cast %swap3A_28 : vector<1x1000x128xf32> to vector<1000x128xf32>
    %swap3A_30 = vector.shape_cast %slice3A : vector<1000x128xf32> to vector<1x1000x128xf32>
    tpu.vector_store %arg6[%swap3A_25, %swap3A_26, %swap3A_27], %swap3A_30 {strides = array<i32>} : memref<2x1000x128xf32, #tpu.memory_space<vmem>>, vector<1x1000x128xf32>,
    %slice3A_31 = vector.extract_strided_slice %add3A_24 {offsets = [0, 128], sizes = [1000, 128], strides = [1, 1]} : vector<1000x256xf32> to vector<1000x128xf32>
    %swap3A_32 = arith.constant 1 : index
    %swap3A_33 = arith.constant 0 : index
    %swap3A_34 = arith.constant 0 : index
    %swap3A_35 = vector.load %arg6[%swap3A_32, %swap3A_33, %swap3A_34] : memref<2x1000x128xf32, #tpu.memory_space<vmem>>, vector<1x1000x128xf32>
    %swap3A_36 = vector.shape_cast %swap3A_35 : vector<1x1000x128xf32> to vector<1000x128xf32>
    %swap3A_37 = vector.shape_cast %slice3A_31 : vector<1000x128xf32> to vector<1x1000x128xf32>
    tpu.vector_store %arg6[%swap3A_32, %swap3A_33, %swap3A_34], %swap3A_37 {strides = array<i32>} : memref<2x1000x128xf32, #tpu.memory_space<vmem>>, vector<1x1000x128xf32>,
    return
  }
  func.func @transform_0(%arg0: i32) -> (i32, i32) {
    %c0_i32 = arith.constant 0 : i32
    %c0_i32_0 = arith.constant 0 : i32
    return %arg0, %c0_i32 : i32, i32
  }
  func.func @transform_1(%arg0: i32) -> (i32, i32) {
    %c0_i32 = arith.constant 0 : i32
    %c0_i32_0 = arith.constant 0 : i32
    return %arg0, %c0_i32 : i32, i32
  }
  func.func @transform_2(%arg0: i32) -> (i32, i32) {
    %c0_i32 = arith.constant 0 : i32
    %c0_i32_0 = arith.constant 0 : i32
    return %arg0, %c0_i32 : i32, i32
  }
  func.func @transform_3(%arg0: i32) -> (i32, i32) {
    %c0_i32 = arith.constant 0 : i32
    %c0_i32_0 = arith.constant 0 : i32
    %c0_i32_1 = arith.constant 0 : i32
    return %c0_i32, %c0_i32_0 : i32, i32
  }
  func.func @transform_4(%arg0: i32) -> (i32, i32) {
    %c0_i32 = arith.constant 0 : i32
    %c0_i32_0 = arith.constant 0 : i32
    %c0_i32_1 = arith.constant 0 : i32
    return %c0_i32, %c0_i32_0 : i32, i32
  }
  func.func @transform_5(%arg0: i32) -> (i32, i32, i32) {
    %c0_i32 = arith.constant 0 : i32
    %c0_i32_0 = arith.constant 0 : i32
    %c0_i32_1 = arith.constant 0 : i32
    return %c0_i32, %arg0, %c0_i32_0 : i32, i32, i32
  }
  func.func @transform_6(%arg0: i32) -> (i32, i32) {
    %c0_i32 = arith.constant 0 : i32
    %c0_i32_0 = arith.constant 0 : i32
    return %arg0, %c0_i32 : i32, i32
  }
}

module attributes {stable_mosaic.version = 14 : i64} {
  func.func @_mlp_body(%arg0: i32, %arg1: memref<2000x16xf32, #tpu.memory_space<vmem>>, %arg2: memref<16x128xf32, #tpu.memory_space<vmem>>, %arg3: memref<1x128xf32, #tpu.memory_space<vmem>>, %arg4: memref<1x128xf32, #tpu.memory_space<vmem>>, %arg5: memref<1x128xf32, #tpu.memory_space<vmem>>, %arg6: memref<128x128xf32, #tpu.memory_space<vmem>>, %arg7: memref<1x128xf32, #tpu.memory_space<vmem>>, %arg8: memref<2000x128xf32, #tpu.memory_space<vmem>>) attributes {dimension_semantics = [#tpu.dimension_semantics<arbitrary>], iteration_bounds = array<i64: 160>, scalar_prefetch = 0 : i64, scratch_operands = 0 : i64, tpu.core_type = #tpu.core_type<tc>, window_params = [{transform_indices = @transform_0, window_bounds = array<i64: 2000, 16>}, {pipeline_mode = #tpu.pipeline_mode<synchronous>, transform_indices = @transform_1, window_bounds = array<i64: 16, 128>}, {pipeline_mode = #tpu.pipeline_mode<synchronous>, transform_indices = @transform_2, window_bounds = array<i64: 1, 128>}, {pipeline_mode = #tpu.pipeline_mode<synchronous>, transform_indices = @transform_3, window_bounds = array<i64: 1, 128>}, {pipeline_mode = #tpu.pipeline_mode<synchronous>, transform_indices = @transform_4, window_bounds = array<i64: 1, 128>}, {pipeline_mode = #tpu.pipeline_mode<synchronous>, transform_indices = @transform_5, window_bounds = array<i64: 128, 128>}, {pipeline_mode = #tpu.pipeline_mode<synchronous>, transform_indices = @transform_6, window_bounds = array<i64: 1, 128>}, {transform_indices = @transform_7, window_bounds = array<i64: 2000, 128>}]} {
    %get3A = arith.constant 0 : index
    %get3A_0 = arith.constant 0 : index
    %get3A_1 = vector.load %arg1[%get3A, %get3A_0] : memref<2000x16xf32, #tpu.memory_space<vmem>>, vector<2000x16xf32>
    %get3A_2 = arith.constant 0 : index
    %get3A_3 = arith.constant 0 : index
    %get3A_4 = vector.load %arg2[%get3A_2, %get3A_3] : memref<16x128xf32, #tpu.memory_space<vmem>>, vector<16x128xf32>
    %dot_general3A = arith.constant dense<0.000000e+00> : vector<2000x128xf32>
    %dot_general3A_5 = tpu.matmul %get3A_1, %get3A_4, %dot_general3A {dimension_numbers = #tpu.dot_dimension_numbers<[1], [0], [0], [1], [0, 0, 1, 1], [], []>, transpose_lhs_hint = false} : vector<2000x16xf32>, vector<16x128xf32>, vector<2000x128xf32> -> vector<2000x128xf32>
    %get3A_6 = arith.constant 0 : index
    %get3A_7 = arith.constant 0 : index
    %get3A_8 = vector.load %arg3[%get3A_6, %get3A_7] : memref<1x128xf32, #tpu.memory_space<vmem>>, vector<1x128xf32>
    %add3A = vector.broadcast %get3A_8 : vector<1x128xf32> to vector<2000x128xf32>
    %add3A_9 = arith.addf %dot_general3A_5, %add3A : vector<2000x128xf32>
    %reduce_sum3A = arith.constant dense<0.000000e+00> : vector<2000xf32>
    %reduce_sum3A_10 = vector.multi_reduction <add>, %add3A_9, %reduce_sum3A [1] : vector<2000x128xf32> to vector<2000xf32>
    %broadcast_in_dim3A = vector.shape_cast %reduce_sum3A_10 : vector<2000xf32> to vector<2000x1xf32>
    %div3A = arith.constant 1.280000e+02 : f32
    %div3A_11 = vector.broadcast %div3A : f32 to vector<2000x1xf32>
    %div3A_12 = arith.divf %broadcast_in_dim3A, %div3A_11 : vector<2000x1xf32>
    %sub3A = vector.broadcast %div3A_12 : vector<2000x1xf32> to vector<2000x128xf32>
    %sub3A_13 = arith.subf %add3A_9, %sub3A : vector<2000x128xf32>
    %integer_pow3A = arith.mulf %sub3A_13, %sub3A_13 : vector<2000x128xf32>
    %reduce_sum3A_14 = arith.constant dense<0.000000e+00> : vector<2000xf32>
    %reduce_sum3A_15 = vector.multi_reduction <add>, %integer_pow3A, %reduce_sum3A_14 [1] : vector<2000x128xf32> to vector<2000xf32>
    %broadcast_in_dim3A_16 = vector.shape_cast %reduce_sum3A_15 : vector<2000xf32> to vector<2000x1xf32>
    %div3A_17 = arith.constant 1.280000e+02 : f32
    %div3A_18 = vector.broadcast %div3A_17 : f32 to vector<2000x1xf32>
    %div3A_19 = arith.divf %broadcast_in_dim3A_16, %div3A_18 : vector<2000x1xf32>
    %sub3A_20 = vector.broadcast %div3A_12 : vector<2000x1xf32> to vector<2000x128xf32>
    %sub3A_21 = arith.subf %add3A_9, %sub3A_20 : vector<2000x128xf32>
    %add3A_22 = arith.constant 9.99999974E-6 : f32
    %add3A_23 = vector.broadcast %add3A_22 : f32 to vector<2000x1xf32>
    %add3A_24 = arith.addf %div3A_19, %add3A_23 : vector<2000x1xf32>
    %rsqrt3A = math.rsqrt %add3A_24 : vector<2000x1xf32>
    %mul3A = vector.broadcast %rsqrt3A : vector<2000x1xf32> to vector<2000x128xf32>
    %mul3A_25 = arith.mulf %sub3A_21, %mul3A : vector<2000x128xf32>
    %get3A_26 = arith.constant 0 : index
    %get3A_27 = arith.constant 0 : index
    %get3A_28 = vector.load %arg4[%get3A_26, %get3A_27] : memref<1x128xf32, #tpu.memory_space<vmem>>, vector<1x128xf32>
    %mul3A_29 = vector.broadcast %get3A_28 : vector<1x128xf32> to vector<2000x128xf32>
    %mul3A_30 = arith.mulf %mul3A_25, %mul3A_29 : vector<2000x128xf32>
    %get3A_31 = arith.constant 0 : index
    %get3A_32 = arith.constant 0 : index
    %get3A_33 = vector.load %arg5[%get3A_31, %get3A_32] : memref<1x128xf32, #tpu.memory_space<vmem>>, vector<1x128xf32>
    %add3A_34 = vector.broadcast %get3A_33 : vector<1x128xf32> to vector<2000x128xf32>
    %add3A_35 = arith.addf %mul3A_30, %add3A_34 : vector<2000x128xf32>
    %max3A = arith.constant 0.000000e+00 : f32
    %max3A_36 = vector.broadcast %max3A : f32 to vector<2000x128xf32>
    %max3A_37 = arith.maximumf %add3A_35, %max3A_36 : vector<2000x128xf32>
    %get3A_38 = arith.constant 0 : index
    %get3A_39 = arith.constant 0 : index
    %get3A_40 = vector.load %arg6[%get3A_38, %get3A_39] : memref<128x128xf32, #tpu.memory_space<vmem>>, vector<128x128xf32>
    %dot_general3A_41 = arith.constant dense<0.000000e+00> : vector<2000x128xf32>
    %dot_general3A_42 = tpu.matmul %max3A_37, %get3A_40, %dot_general3A_41 {dimension_numbers = #tpu.dot_dimension_numbers<[1], [0], [0], [1], [0, 0, 1, 1], [], []>, transpose_lhs_hint = false} : vector<2000x128xf32>, vector<128x128xf32>, vector<2000x128xf32> -> vector<2000x128xf32>
    %get3A_43 = arith.constant 0 : index
    %get3A_44 = arith.constant 0 : index
    %get3A_45 = vector.load %arg7[%get3A_43, %get3A_44] : memref<1x128xf32, #tpu.memory_space<vmem>>, vector<1x128xf32>
    %add3A_46 = vector.broadcast %get3A_45 : vector<1x128xf32> to vector<2000x128xf32>
    %add3A_47 = arith.addf %dot_general3A_42, %add3A_46 : vector<2000x128xf32>
    %swap3A = arith.constant 0 : index
    %swap3A_48 = arith.constant 0 : index
    %swap3A_49 = vector.load %arg8[%swap3A, %swap3A_48] : memref<2000x128xf32, #tpu.memory_space<vmem>>, vector<2000x128xf32>
    tpu.vector_store %arg8[%swap3A, %swap3A_48], %add3A_47 {strides = array<i32>} : memref<2000x128xf32, #tpu.memory_space<vmem>>, vector<2000x128xf32>,
    return
  }
  func.func @transform_0(%arg0: i32) -> (i32, i32) {
    %c0_i32 = arith.constant 0 : i32
    %c0_i32_0 = arith.constant 0 : i32
    return %arg0, %c0_i32 : i32, i32
  }
  func.func @transform_1(%arg0: i32) -> (i32, i32) {
    %c0_i32 = arith.constant 0 : i32
    %c0_i32_0 = arith.constant 0 : i32
    %c0_i32_1 = arith.constant 0 : i32
    return %c0_i32, %c0_i32_0 : i32, i32
  }
  func.func @transform_2(%arg0: i32) -> (i32, i32) {
    %c0_i32 = arith.constant 0 : i32
    %c0_i32_0 = arith.constant 0 : i32
    %c0_i32_1 = arith.constant 0 : i32
    return %c0_i32, %c0_i32_0 : i32, i32
  }
  func.func @transform_3(%arg0: i32) -> (i32, i32) {
    %c0_i32 = arith.constant 0 : i32
    %c0_i32_0 = arith.constant 0 : i32
    %c0_i32_1 = arith.constant 0 : i32
    return %c0_i32, %c0_i32_0 : i32, i32
  }
  func.func @transform_4(%arg0: i32) -> (i32, i32) {
    %c0_i32 = arith.constant 0 : i32
    %c0_i32_0 = arith.constant 0 : i32
    %c0_i32_1 = arith.constant 0 : i32
    return %c0_i32, %c0_i32_0 : i32, i32
  }
  func.func @transform_5(%arg0: i32) -> (i32, i32) {
    %c0_i32 = arith.constant 0 : i32
    %c0_i32_0 = arith.constant 0 : i32
    %c0_i32_1 = arith.constant 0 : i32
    return %c0_i32, %c0_i32_0 : i32, i32
  }
  func.func @transform_6(%arg0: i32) -> (i32, i32) {
    %c0_i32 = arith.constant 0 : i32
    %c0_i32_0 = arith.constant 0 : i32
    %c0_i32_1 = arith.constant 0 : i32
    return %c0_i32, %c0_i32_0 : i32, i32
  }
  func.func @transform_7(%arg0: i32) -> (i32, i32) {
    %c0_i32 = arith.constant 0 : i32
    %c0_i32_0 = arith.constant 0 : i32
    return %arg0, %c0_i32 : i32, i32
  }
}

module attributes {stable_mosaic.version = 14 : i64} {
  func.func @_fin_body(%arg0: i32, %arg1: memref<1000x128xf32, #tpu.memory_space<vmem>>, %arg2: memref<1000x1xf32, #tpu.memory_space<vmem>>, %arg3: memref<1000x128xf32, #tpu.memory_space<vmem>>, %arg4: memref<1000x128xf32, #tpu.memory_space<vmem>>, %arg5: memref<1x128xf32, #tpu.memory_space<vmem>>, %arg6: memref<1x128xf32, #tpu.memory_space<vmem>>, %arg7: memref<1000x128xf32, #tpu.memory_space<vmem>>) attributes {dimension_semantics = [#tpu.dimension_semantics<arbitrary>], iteration_bounds = array<i64: 10>, scalar_prefetch = 0 : i64, scratch_operands = 0 : i64, tpu.core_type = #tpu.core_type<tc>, window_params = [{transform_indices = @transform_0, window_bounds = array<i64: 1000, 128>}, {transform_indices = @transform_1, window_bounds = array<i64: 1000, 1>}, {transform_indices = @transform_2, window_bounds = array<i64: 1000, 128>}, {transform_indices = @transform_3, window_bounds = array<i64: 1000, 128>}, {pipeline_mode = #tpu.pipeline_mode<synchronous>, transform_indices = @transform_4, window_bounds = array<i64: 1, 128>}, {pipeline_mode = #tpu.pipeline_mode<synchronous>, transform_indices = @transform_5, window_bounds = array<i64: 1, 128>}, {transform_indices = @transform_6, window_bounds = array<i64: 1000, 128>}]} {
    %get3A = arith.constant 0 : index
    %get3A_0 = arith.constant 0 : index
    %get3A_1 = vector.load %arg3[%get3A, %get3A_0] : memref<1000x128xf32, #tpu.memory_space<vmem>>, vector<1000x128xf32>
    %get3A_2 = arith.constant 0 : index
    %get3A_3 = arith.constant 0 : index
    %get3A_4 = vector.load %arg4[%get3A_2, %get3A_3] : memref<1000x128xf32, #tpu.memory_space<vmem>>, vector<1000x128xf32>
    %add3A = arith.addf %get3A_1, %get3A_4 : vector<1000x128xf32>
    %gt3A = arith.constant 0.000000e+00 : f32
    %gt3A_5 = vector.broadcast %gt3A : f32 to vector<1000x128xf32>
    %gt3A_6 = arith.cmpf ogt, %add3A, %gt3A_5 : vector<1000x128xf32>
    %mul3A = arith.constant 2.000000e-01 : f32
    %mul3A_7 = vector.broadcast %mul3A : f32 to vector<1000x128xf32>
    %mul3A_8 = arith.mulf %mul3A_7, %add3A : vector<1000x128xf32>
    %select_n3A = arith.select %gt3A_6, %add3A, %mul3A_8 : vector<1000x128xi1>, vector<1000x128xf32>
    %get3A_9 = arith.constant 0 : index
    %get3A_10 = arith.constant 0 : index
    %get3A_11 = vector.load %arg5[%get3A_9, %get3A_10] : memref<1x128xf32, #tpu.memory_space<vmem>>, vector<1x128xf32>
    %mul3A_12 = vector.broadcast %get3A_11 : vector<1x128xf32> to vector<1000x128xf32>
    %mul3A_13 = arith.mulf %select_n3A, %mul3A_12 : vector<1000x128xf32>
    %reduce_sum3A = arith.constant dense<0.000000e+00> : vector<1000xf32>
    %reduce_sum3A_14 = vector.multi_reduction <add>, %mul3A_13, %reduce_sum3A [1] : vector<1000x128xf32> to vector<1000xf32>
    %broadcast_in_dim3A = vector.shape_cast %reduce_sum3A_14 : vector<1000xf32> to vector<1000x1xf32>
    %exp3A = math.exp %broadcast_in_dim3A : vector<1000x1xf32>
    %get3A_15 = arith.constant 0 : index
    %get3A_16 = arith.constant 0 : index
    %get3A_17 = vector.load %arg1[%get3A_15, %get3A_16] : memref<1000x128xf32, #tpu.memory_space<vmem>>, vector<1000x128xf32>
    %mul3A_18 = vector.broadcast %exp3A : vector<1000x1xf32> to vector<1000x128xf32>
    %mul3A_19 = arith.mulf %mul3A_18, %get3A_1 : vector<1000x128xf32>
    %add3A_20 = arith.addf %get3A_17, %mul3A_19 : vector<1000x128xf32>
    %get3A_21 = arith.constant 0 : index
    %get3A_22 = arith.constant 0 : index
    %get3A_23 = vector.load %arg2[%get3A_21, %get3A_22] : memref<1000x1xf32, #tpu.memory_space<vmem>>, vector<1000x1xf32>
    %add3A_24 = arith.addf %get3A_23, %exp3A : vector<1000x1xf32>
    %add3A_25 = arith.constant 1.000000e-16 : f32
    %add3A_26 = vector.broadcast %add3A_25 : f32 to vector<1000x1xf32>
    %add3A_27 = arith.addf %add3A_24, %add3A_26 : vector<1000x1xf32>
    %div3A = vector.broadcast %add3A_27 : vector<1000x1xf32> to vector<1000x128xf32>
    %div3A_28 = arith.divf %add3A_20, %div3A : vector<1000x128xf32>
    %get3A_29 = arith.constant 0 : index
    %get3A_30 = arith.constant 0 : index
    %get3A_31 = vector.load %arg6[%get3A_29, %get3A_30] : memref<1x128xf32, #tpu.memory_space<vmem>>, vector<1x128xf32>
    %add3A_32 = vector.broadcast %get3A_31 : vector<1x128xf32> to vector<1000x128xf32>
    %add3A_33 = arith.addf %div3A_28, %add3A_32 : vector<1000x128xf32>
    %swap3A = arith.constant 0 : index
    %swap3A_34 = arith.constant 0 : index
    %swap3A_35 = vector.load %arg7[%swap3A, %swap3A_34] : memref<1000x128xf32, #tpu.memory_space<vmem>>, vector<1000x128xf32>
    tpu.vector_store %arg7[%swap3A, %swap3A_34], %add3A_33 {strides = array<i32>} : memref<1000x128xf32, #tpu.memory_space<vmem>>, vector<1000x128xf32>,
    return
  }
  func.func @transform_0(%arg0: i32) -> (i32, i32) {
    %c0_i32 = arith.constant 0 : i32
    %c0_i32_0 = arith.constant 0 : i32
    return %arg0, %c0_i32 : i32, i32
  }
  func.func @transform_1(%arg0: i32) -> (i32, i32) {
    %c0_i32 = arith.constant 0 : i32
    %c0_i32_0 = arith.constant 0 : i32
    return %arg0, %c0_i32 : i32, i32
  }
  func.func @transform_2(%arg0: i32) -> (i32, i32) {
    %c0_i32 = arith.constant 0 : i32
    %c0_i32_0 = arith.constant 0 : i32
    return %arg0, %c0_i32 : i32, i32
  }
  func.func @transform_3(%arg0: i32) -> (i32, i32) {
    %c0_i32 = arith.constant 0 : i32
    %c0_i32_0 = arith.constant 0 : i32
    return %arg0, %c0_i32 : i32, i32
  }
  func.func @transform_4(%arg0: i32) -> (i32, i32) {
    %c0_i32 = arith.constant 0 : i32
    %c0_i32_0 = arith.constant 0 : i32
    %c0_i32_1 = arith.constant 0 : i32
    return %c0_i32, %c0_i32_0 : i32, i32
  }
  func.func @transform_5(%arg0: i32) -> (i32, i32) {
    %c0_i32 = arith.constant 0 : i32
    %c0_i32_0 = arith.constant 0 : i32
    %c0_i32_1 = arith.constant 0 : i32
    return %c0_i32, %c0_i32_0 : i32, i32
  }
  func.func @transform_6(%arg0: i32) -> (i32, i32) {
    %c0_i32 = arith.constant 0 : i32
    %c0_i32_0 = arith.constant 0 : i32
    return %arg0, %c0_i32 : i32, i32
  }
}

</mosaic_0001>

<sc_bundles>
// kernel: kernel.11.cloned.1.call-start
scs
__scs_entry_jumppad:
0x0: {  	(pc) =	sbr.rel $0x88, $3  }
0x1: {  	(tag) =	ssettag $0x0;
	lr =	simm.s32 $0x1  }
0x2: {  	[smem:$0x3F8A] =	sst lr;
	_ =	strace $0xD0000000  }
0x3: {  	_ = 	snop  }
0x4: {  	_ = 	snop  }
0x5: {  	_ = 	snop  }
0x6: {  	_ = 	snop  }
0x7: {  	_ = 	snop  }
__scs_overlays_trampoline_lowered:
0x8: {  	[smem:$0x3F99] =	sst s0  }
0x9: {  	[smem:$0x3F9A] =	sst s1  }
0xa: {  	[smem:$0x3F9B] =	sst s2  }
0xb: {  	[smem:$0x3F9C] =	sst s3  }
0xc: {  	[smem:$0x3F9D] =	sst s4  }
0xd: {  	[smem:$0x3F9E] =	sst s5  }
0xe: {  	[smem:$0x3F9F] =	sst s6  }
0xf: {  	[smem:$0x3FA0] =	sst s7  }
0x10: {  	[smem:$0x3FA1] =	sst s8  }
0x11: {  	[smem:$0x3FA2] =	sst s9;
	s0 =	simm.s32 @!p0 $0x0  }
0x12: {  	s1 =	sld [smem:$0x3F88];
	s0 =	simm.s32 @p0 $0x1  }
0x13: {  	[smem:$0x3FA3] =	sst s0;
	s0 =	simm.s32 @!p1 $0x0  }
0x14: {  	s2 =	sld [smem:$0x3F87];
	s0 =	simm.s32 @p1 $0x1  }
0x15: {  	[smem:$0x3FA4] =	sst s0;
	s0 =	simm.s32 @!p2 $0x0  }
0x16: {  	s3 =	sld [smem:$0x3FDB];
	s0 =	simm.s32 @p2 $0x1  }
0x17: {  	s4 =	simm.s32 $0x1BF5;
	[smem:$0x3FA6] =	sst s0  }
0x18: {  	s0 =	sld [smem:$0x3F89];
	_ =	swait.ge [sflag:s4], $0x0  }
0x19: {  	s7 =	sld [smem:$0x3F8A]  }
0x1a: {  	s8 =	sadd.s32 $0xFFFFE003, lr  }
0x1b: {  	s9 =	sadd.s32 $0xFFFFFEF7, lr;
	s5 =	simm.s32 $0xFFFFFFFF;
	p2 =	slt.u32 s8, $0xFFFFF086  }
0x1c: {  	p1 =	slt.u32 s9, $0xF7A;
	s5 =	simm.s32 @!p2 $0x0  }
0x1d: {  	s5 =	simm.s32 @p1 $0x1;
	p0 =	seq.s32 s7, s2  }
0x1e: {  	s7 =	smul.u32 @!p0 $0xF7A, s2;
	p2 =	seq.s32 @!p0 s5, $0x0  }
0x1f: {  	s9 =	smul.u32 $0xF7A, s1;
	s8 =	simm.s32 @!p0 $0x1BF5;
	p2 =	por !p2, p0  }
0x20: {  	[sflag:s8] =	ssyncset.s32 @!p0 $0xFFFFF086;
	s6 =	sadd.s32 @!p0 s3, s7;
	s7 =	simm.s32 @!p0 $0x108  }
0x21: {  	s3 =	sadd.s32 s3, s9;
	s6 =	sadd.s32 @!p0 $0x88, s6;
	s7 =	simm.s32 @p2 $0x1082  }
0x22: {  	[simem:s7], [sflag:s8] =	dma.local @!p0 [hbm:s6], $0xF7A  }
0x23: {  	s9 =	sor.u32 $0xD0000000, s2;
	s6 =	simm.s32 $0x108;
	_ =	swait.ge @!p0 [sflag:s8], $0x0  }
0x24: {  	s3 =	sadd.s32 $0x88, s3;
	s6 =	simm.s32 @!p1 $0x1082;
	[sflag:s4] =	ssyncset.s32 $0xFFFFF086  }
0x25: {  	[simem:s6], [sflag:s4] =	dma.local [hbm:s3], $0xF7A  }
0x26: {  	[smem:$0x3F8A] =	sst s1;
	(tag) =	ssettag s2;
	_ =	strace s9  }
0x27: {  	s1 =	sld [smem:$0x3F9A]  }
0x28: {  	s2 =	sld [smem:$0x3F9B]  }
0x29: {  	s4 =	sld [smem:$0x3F9D]  }
0x2a: {  	p0 =	seq.s32 s5, $0x0;
	s5 =	sld [smem:$0x3F9E]  }
0x2b: {  	s6 =	sld [smem:$0x3F9F]  }
0x2c: {  	s7 =	sld [smem:$0x3FA0]  }
0x2d: {  	s3 =	simm.s32 $0x108;
	s8 =	sld [smem:$0x3FA1]  }
0x2e: {  	s3 =	simm.s32 @!p0 $0x1082;
	s9 =	sld [smem:$0x3FA2]  }
0x2f: {  	lr =	sadd.s32 s0, s3;
	s0 =	sld [smem:$0x3F99]  }
0x30: {  	s3 =	sld [smem:$0x3F9C]  }
0x31: {  	[smem:$0x3FA5] =	sst s10  }
0x32: {  	s10 =	sld [smem:$0x3FA3];
	_ =	sdelay $0x3  }
0x33: {  	p0 =	seq.s32 s10, $0x1;
	s10 =	sld [smem:$0x3FA5];
	_ =	sdelay $0x3  }
0x34: {  	[smem:$0x3FA5] =	sst s10  }
0x35: {  	s10 =	sld [smem:$0x3FA4];
	_ =	sdelay $0x3  }
0x36: {  	p1 =	seq.s32 s10, $0x1;
	s10 =	sld [smem:$0x3FA5];
	_ =	sdelay $0x3  }
0x37: {  	[smem:$0x3FA5] =	sst s10  }
0x38: {  	s10 =	sld [smem:$0x3FA6]  }
0x39: {  	_ = 	snop;
	(pc) =	sbr.ind lr, $3  }
0x3a: {  	_ = 	snop  }
0x3b: {  	_ = 	snop  }
0x3c: {  	p2 =	seq.s32 s10, $0x1;
	s10 =	sld [smem:$0x3FA5]  }
0x3d: {  	_ =	shalt  }
0x3e: {  	_ =	shalt  }
0x3f: {  	_ =	shalt  }
0x40: {  	_ =	shalt  }
0x41: {  	_ =	shalt  }
0x42: {  	_ =	shalt  }
0x43: {  	_ =	shalt  }
0x44: {  	_ =	shalt  }
0x45: {  	_ =	shalt  }
0x46: {  	_ =	shalt  }
0x47: {  	_ =	shalt  }
0x48: {  	_ =	shalt  }
0x49: {  	_ =	shalt  }
0x4a: {  	_ =	shalt  }
0x4b: {  	_ =	shalt  }
0x4c: {  	_ =	shalt  }
0x4d: {  	_ =	shalt  }
0x4e: {  	_ =	shalt  }
0x4f: {  	_ =	shalt  }
0x50: {  	_ =	shalt  }
0x51: {  	_ =	shalt  }
0x52: {  	_ =	shalt  }
0x53: {  	_ =	shalt  }
0x54: {  	_ =	shalt  }
0x55: {  	_ =	shalt  }
0x56: {  	_ =	shalt  }
0x57: {  	_ =	shalt  }
0x58: {  	_ =	shalt  }
0x59: {  	_ =	shalt  }
0x5a: {  	_ =	shalt  }
0x5b: {  	_ =	shalt  }
0x5c: {  	_ =	shalt  }
0x5d: {  	_ =	shalt  }
0x5e: {  	_ =	shalt  }
0x5f: {  	_ =	shalt  }
0x60: {  	_ =	shalt  }
0x61: {  	_ =	shalt  }
0x62: {  	_ =	shalt  }
0x63: {  	_ =	shalt  }
0x64: {  	_ =	shalt  }
0x65: {  	_ =	shalt  }
0x66: {  	_ =	shalt  }
0x67: {  	_ =	shalt  }
0x68: {  	_ =	shalt  }
0x69: {  	_ =	shalt  }
0x6a: {  	_ =	shalt  }
0x6b: {  	_ =	shalt  }
0x6c: {  	_ =	shalt  }
0x6d: {  	_ =	shalt  }
0x6e: {  	_ =	shalt  }
0x6f: {  	_ =	shalt  }
0x70: {  	_ =	shalt  }
0x71: {  	_ =	shalt  }
0x72: {  	_ =	shalt  }
0x73: {  	_ =	shalt  }
0x74: {  	_ =	shalt  }
0x75: {  	_ =	shalt  }
0x76: {  	_ =	shalt  }
0x77: {  	_ =	shalt  }
0x78: {  	_ =	shalt  }
0x79: {  	_ =	shalt  }
0x7a: {  	_ =	shalt  }
0x7b: {  	_ =	shalt  }
0x7c: {  	_ =	shalt  }
0x7d: {  	_ =	shalt  }
0x7e: {  	_ =	shalt  }
0x7f: {  	_ =	shalt  }
0x80: {  	_ =	shalt  }
0x81: {  	_ =	shalt  }
0x82: {  	_ =	shalt  }
0x83: {  	_ =	shalt  }
0x84: {  	_ =	shalt  }
0x85: {  	_ =	shalt  }
0x86: {  	_ =	shalt  }
0x87: {  	_ =	shalt  }
.Lfunc_end0:
.L_simem_size_0:
called_computation.1_lowered:
.L_overlay_start_0:
0x88: {  	s2 =	sld [smem:$0x3FD9]  }
0x89: {  	s3 =	sld [smem:$0x3FFE];
	_ =	sdelay $0x1  }
0x8a: {  	s1 =	srdreg.scid  }
0x8b: {  	s0 =	sand.u32 $0x1, s1  }
0x8c: {  	s17 =	sshll.u32 s0, $0xA;
	s2 =	sadd.s32 s3, s2  }
0x8d: {  	s2 =	sadd.s32 s2, s17  }
0x8e: {  	[smem:$0x3FB1] =	sst s2  }
0x8f: {  	_ = 	snop  }
0x90: {  	s2 =	sld [smem:$0x3FBA];
	(tm) =	ssettm $0x1  }
0x91: {  	s18 =	sld [smem:$0x3FFB];
	_ =	sdelay $0x3  }
0x92: {  	_ =	strace s18  }
0x93: {  	s3 =	sld [smem:$0x3FFC];
	_ =	sdelay $0x3  }
0x94: {  	_ =	strace s3  }
0x95: {  	s3 =	sld [smem:$0x3FFD];
	_ =	sdelay $0x3  }
0x96: {  	_ =	strace s3  }
0x97: {  	_ =	strace $0x8FFFFFFF  }
0x98: {  	s19 =	sld [smem:$0x3FDB];
	_ =	sdelay $0x1  }
0x99: {  	s4 =	simm.s32 $_scs_section_size  }
0x9a: {  	s5 =	simm.s32 $_size__tile_overlayer_lowered;
	s6 =	simm.s32 $_tile_overlayer_lowered  }
0x9b: {  	s22 =	simm.s32 $0x1BFF;
	s21 =	sshll.u32 s6, $0x1;
	s3 =	sadd.s32 s4, s19  }
0x9c: {  	s7 =	simm.s32 $0x0;
	s20 =	sshll.u32 s5, $0x1;
	s5 =	sadd.s32 s21, s3  }
0x9d: {  	[timem:s7], [sflag:s22] =	dma.local [hbm:s5], s20  }
0x9e: {  	_ =	swait.ge [sflag:s22], s20  }
0x9f: {  	s4 =	ssub.s32 $0x0, s20;
	[sflag:s22] =	ssyncset.done $0x0  }
0xa0: {  	[sflag:s22] =	ssyncadd.s32 s4;
	_ =	sdelay $0x1  }
0xa1: {  	s23 =	simm.s32 $0x1B8B  }
0xa2: {  	_ =	swait.ge [sflag:s23], $0x1  }
0xa3: {  	[sflag:s23] =	ssyncset.done $0x0  }
0xa4: {  	s25 =	simm.s32 $0x1B8E;
	s24 =	sld [smem:$0x3FFE];
	[sflag:s23] =	ssyncadd.s32 $0xFFFFFFFF  }
0xa5: {  	s26 =	simm.s32 $execute0_lowered;
	[smem:$0x3FD2] =	sst s25  }
0xa6: {  	s5 =	sshll.u32 s26, $0x1;
	_ =	strace $0x80000049;
	[dreg:$0x1] =	wrdreg $0xFFFFFFFF  }
0xa7: {  	s28 =	simm.s32 $_size_execute0_lowered;
	s3 =	sadd.s32 s3, s5;
	[dreg:$0x0] =	wrdreg $0x0  }
0xa8: {  	s5 =	sshll.u32 s28, $0x1;
	[dreg:$0x2] =	wrdreg s3  }
0xa9: {  	[dreg:$0x3] =	wrdreg s5  }
0xaa: {  	[dreg:$0x4] =	wrdreg $0xC0  }
0xab: {  	_ =	task [dreg:s7], $0x5FFFF  }
0xac: {  	[dreg:$0x1] =	wrdreg $0xFFFFFFFF  }
0xad: {  	[dreg:$0x0] =	wrdreg $0x60  }
0xae: {  	[dreg:$0x2] =	wrdreg s24  }
0xaf: {  	[dreg:$0x3] =	wrdreg s2  }
0xb0: {  	[dreg:$0x4] =	wrdreg $0xBB800  }
0xb1: {  	[dreg:$0x5] =	wrdreg $0x9  }
0xb2: {  	_ =	task.clear_ibuf [dreg:s7], $0x6FFFF;
	_ =	strace $0x90000049  }
0xb3: {  	s29 =	simm.s32 $0x9;
	_ =	strace $0x8000004B  }
0xb4: {  	_ =	swait.ge [sflag:s29], $0x1  }
0xb5: {  	[sflag:s29] =	ssyncadd.s32 $0xFFFFFFFF  }
0xb6: {  	_ =	strace $0x9000004B  }
0xb7: {  	_ =	sfence  }
0xb8: {  	s30 =	sld [smem:$0x0];
	_ =	sdelay $0x2  }
0xb9: {  	s31 =	sshll.u32 s1, $0xD;
	s1 =	sshrl.u32 s1, $0x2  }
0xba: {  	s3 =	sand.u32 $0x4000, s31;
	s1 =	sadd.s32 s1, s30  }
0xbb: {  	s0 =	sor.u32 s3, s0;
	s1 =	sshll.u32 s1, $0x11  }
0xbc: {  	s0 =	sor.u32 s1, s0  }
0xbd: {  	s0 =	sadd.s32 $0x8F2B, s0  }
0xbe: {  	[sflag:s0] =	ssyncadd.remote.s32 $0x1  }
0xbf: {  	_ =	sfence.sel $0xFFFF  }
0xc0: {  	[dreg:$0x0] =	wrdreg $0xFFFFFFFF;
	(pc) =	sbr.abs _section_cstart, $3  }
0xc1: {  	[dreg:$0x1] =	wrdreg $0xFFFFFFFF  }
0xc2: {  	_ =	task.clear_ibuf [dreg:s7], $0x2FFFF;
	_ =	strace $0x9FFFFFFF  }
0xc3: {  	(tm) =	ssettm $0x7FFFFFFF  }
tec
execute0_lowered:
.L_overlay_start_1:
0x0: {  	(tag) =	ssettag $0x1  }
0x1: {  	s0 =	rddreg [dreg:$0x0]  }
0x2: {  	s2 =	rddreg [dreg:$0x2]  }
0x3: {  	s1 =	srdreg.scid;
	s4 =	simm.s32 $0x0;
	s11 =	stileid.u32  }
0x4: {  	s14 =	simm.s32 $0x6B00;
	s15 =	simm.s32 $0x3;
	s17 =	simm.s32 $0x50  }
0x5: {  	s18 =	simm.s32 $0x1900;
	s19 =	simm.s32 $0x1B00;
	s28 =	simm.s32 $0xA0  }
0x6: {  	v0 =	vimm.s32 $0xFEDCBA98;
	v1 =	vimm.s32 $0x76543210;
	s29 =	simm.s32 $0x1A00;
	s30 =	simm.s32 $0x0;
	s1 =	sand.u32 $0x1, s1  }
0x7: {  	v3 =	vimm.s32 $0x32107654;
	[smem:$0x7FF] =	sst s4;
	s7 =	smul.u32 $0x4E000, s11;
	s5 =	sadd.s32 $0x4600, s0  }
0x8: {  	v4 =	vimm.s32 $0xDCFE98BA;
	v5 =	vimm.s32 $0x54761032;
	v0 =	vunpack.c.l.s4.s8 v0;
	s6 =	sadd.s32 $0x71C00, s0;
	s9 =	sshll.u32 s11, $0x1;
	s22 =	sshll.u32 s11, $0xA  }
0x9: {  	v6 =	vimm.s32 $0xEFCDAB89;
	v7 =	vimm.s32 $0x67452301;
	s23 =	sshll.u32 s11, $0x3;
	s31 =	smul.u32 $0x2700, s11;
	p0 =	sgt.u32 s11, $0xB  }
0xa: {  	v1 =	vunpack.c.l.s4.s8 v1;
	s3 =	smul.u32 $0x27600, s1;
	_ =	strace $0x8000004A;
	s20 =	ssub.s32 $0x2, s1;
	v2 =	vunpack.c.0.s8.s32 v0;
	v0 =	vimm.s32 $0xBA98FEDC  }
0xb: {  	v3 =	vunpack.c.l.s4.s8 v3;
	v4 =	vunpack.c.l.s4.s8 v4;
	s1 =	sor.u32 s1, s9;
	s25 =	sadd.s32 s22, s2;
	s7 =	sshrl.u32 s7, $0x2;
	v0 =	vunpack.c.l.s4.s8 v0  }
0xc: {  	v5 =	vunpack.c.l.s4.s8 v5;
	v6 =	vunpack.c.l.s4.s8 v6;
	v7 =	vunpack.c.l.s4.s8 v7;
	s8 =	sshrl.u32 s20, $0x1;
	s9 =	sadd.s32 $0x138000, s25;
	s12 =	smul.u32 $0x7D, s1  }
0xd: {  	v3 =	vunpack.c.0.s8.s32 v3;
	v4 =	vunpack.c.0.s8.s32 v4;
	s0 =	sadd.s32 s3, s0;
	s7 =	sadd.s32 s7, s2;
	s3 =	ssub.s32 s20, s8;
	v8 =	vunpack.c.0.s8.s32 v0  }
0xe: {  	v5 =	vunpack.c.0.s8.s32 v5;
	v6 =	vunpack.c.0.s8.s32 v6;
	v7 =	vunpack.c.0.s8.s32 v7;
	s8 =	sor.u32 $0x2700, s23;
	[dreg:$0x7] =	wrdreg s9;
	s10 =	sadd.s32 $0x5000, s7  }
0xf: {  	v1 =	vunpack.c.0.s8.s32 v1;
	s20 =	simm.s32 $0x1980;
	s21 =	sadd.s32 $0xA000, s7;
	v2 =	vand.u32 $0xF, v2;
	[dreg:$0x4] =	wrdreg s10;
	v3 =	vcombine.low v3, v8  }
0x10: {  	s24 =	sadd.s32 $0xF000, s7;
	s26 =	sshll.u32 s8, $0x7;
	v4 =	vcombine.low v5, v4;
	v5 =	vcombine.low v7, v6;
	[dreg:$0x5] =	wrdreg s21;
	v0 =	vimm.f32 $0.0e+00  }
0x11: {  	s0 =	sadd.s32 $0xE7000, s0;
	s3 =	smax.u32 s3, $0x1;
	[dreg:$0x6] =	wrdreg s24;
	v1 =	vcombine.low v2, v1;
	v2 =	vand.u32 $0xF, v3;
	v3 =	vlaneseq.u32  }
0x12: {  	s8 =	sshll.u32 s8, $0x4;
	s1 =	sadd.s32 s26, s2;
	[dreg:$0x8] =	wrdreg s3;
	v4 =	vand.u32 $0xF, v4;
	v5 =	vand.u32 $0xF, v5;
	v6 =	vor.u32 $0x10, v3  }
0x13: {  	s21 =	simm.s32 $0x4300;
	s22 =	sadd.s32 s31, s0;
	s23 =	sadd.s32 @!p0 s8, s0;
	v7 =	vor.u32 $0x20, v3;
	v8 =	vor.u32 $0x30, v3;
	v9 =	vor.u32 $0x40, v3  }
0x14: {  	s24 =	simm.s32 $0x1;
	s26 =	simm.s32 $0x2;
	s25 =	sshrl.u32 @!p0 s1, $0x3;
	v10 =	vor.u32 $0x50, v3;
	v11 =	vor.u32 $0x60, v3;
	v12 =	vor.u32 $0x70, v3  }
.LBB2_1:
0x15: {  	s0 =	simm.s32 $0x0;
	s1 =	simm.s32 $0x200  }
.LBB2_2:
0x16: {  	p1 =	sne.s32 s1, $0x13E00;
	[tilespmem:s0+$0x6B70] =	vst v0  }
0x17: {  	[tilespmem:s0+$0x6B00] =	vst v0  }
0x18: {  	[tilespmem:s0+$0x6B10] =	vst v0  }
.Ltmp0:
0x19: {  	[tilespmem:s0+$0x6B20] =	vst v0;
	(pc) =	sbr.rel @p1 .LBB2_2-.Ltmp0, $4  }
0x1a: {  	[tilespmem:s0+$0x6B30] =	vst v0  }
0x1b: {  	[tilespmem:s0+$0x6B40] =	vst v0  }
0x1c: {  	[tilespmem:s0+$0x6B50] =	vst v0  }
0x1d: {  	[tilespmem:s0+$0x6B60] =	vst v0;
	s0 =	sshra.s32 s1, $0x2;
	s1 =	sadd.s32 $0x200, s1  }
0x1e: {  	[tilespmem:s0+$0x6B70] =	vst v0  }
0x1f: {  	[tilespmem:s0+$0x6B00] =	vst v0  }
0x20: {  	[tilespmem:s0+$0x6B10] =	vst v0  }
0x21: {  	[tilespmem:s0+$0x6B20] =	vst v0  }
0x22: {  	[tilespmem:s0+$0x6B30] =	vst v0  }
0x23: {  	[tilespmem:s0+$0x6B40] =	vst v0  }
0x24: {  	[tilespmem:s0+$0x6B50] =	vst v0  }
0x25: {  	[tilespmem:s0+$0x6B60] =	vst v0  }
0x26: {  	[spmem:s7] =	stream.linear.scatter [tilespmem:s14], [sflag:$0x3], $0x5000, $0x38;
	[tilespmem:$0x1F680] =	vst v63  }
0x27: {  	_ =	swait.ge [sflag:s15], $0x5000  }
0x28: {  	[sflag:s15] =	ssyncset.done $0x0  }
0x29: {  	s10 =	rddreg [dreg:$0x4];
	[sflag:s15] =	ssyncadd.s32 $0xFFFFB000  }
0x2a: {  	[spmem:s10] =	stream.linear.scatter [tilespmem:s14], [sflag:$0x3], $0x5000, $0x38;
	[tilespmem:$0x1F680] =	vst v63  }
0x2b: {  	_ =	swait.ge [sflag:s15], $0x5000  }
0x2c: {  	[sflag:s15] =	ssyncset.done $0x0  }
0x2d: {  	s11 =	rddreg [dreg:$0x5];
	[sflag:s15] =	ssyncadd.s32 $0xFFFFB000  }
0x2e: {  	[spmem:s11] =	stream.linear.scatter [tilespmem:s14], [sflag:$0x3], $0x5000, $0x38;
	[tilespmem:$0x1F680] =	vst v63  }
0x2f: {  	_ =	swait.ge [sflag:s15], $0x5000  }
0x30: {  	[sflag:s15] =	ssyncset.done $0x0  }
0x31: {  	s13 =	rddreg [dreg:$0x6];
	[sflag:s15] =	ssyncadd.s32 $0xFFFFB000  }
0x32: {  	[spmem:s13] =	stream.linear.scatter [tilespmem:s14], [sflag:$0x3], $0x4800, $0x38;
	[tilespmem:$0x1F680] =	vst v63  }
0x33: {  	_ =	swait.ge [sflag:s15], $0x4800  }
0x34: {  	[sflag:s15] =	ssyncset.done $0x0  }
0x35: {  	s0 =	simm.s32 @!p0 $0x6B00;
	s1 =	rddreg [dreg:$0x7];
	[sflag:s15] =	ssyncadd.s32 $0xFFFFB800  }
0x36: {  	[spmem:s1] =	stream.linear.scatter @!p0 [tilespmem:s0], [sflag:$0x3], $0x400, $0x38;
	[tilespmem:$0x1F680] =	vst v63  }
0x37: {  	s0 =	simm.s32 @!p0 $0x3  }
0x38: {  	_ =	swait.ge @!p0 [sflag:s0], $0x400  }
0x39: {  	[sflag:s0] =	ssyncset.done @!p0 $0x0  }
0x3a: {  	[sflag:s0] =	ssyncadd.s32 @!p0 $0xFFFFFC00  }
0x3b: {  	s16 =	simm.s32 $0xBB00;
	s0 =	rddreg [dreg:$0x1]  }
0x3c: {  	[tilespmem:s16], [sflag:$0x3] =	stream.linear.gather [hbm4b:s0+s30], $0x80, $0x38;
	[tilespmem:$0x1F680] =	vst v63  }
0x3d: {  	_ =	swait.ge [sflag:s15], $0x80  }
0x3e: {  	[sflag:s15] =	ssyncset.done $0x0  }
0x3f: {  	[sflag:s15] =	ssyncadd.s32 $0xFFFFFF80  }
0x40: {  	[bflag:$0x0] =	sbarrier.arrive $0xFFFF  }
0x41: {  	v13 =	vld [tilespmem:$0xBB00]  }
0x42: {  	v14 =	vld [tilespmem:$0xBB10]  }
0x43: {  	v15 =	vld [tilespmem:$0xBB20]  }
0x44: {  	v16 =	vld [tilespmem:$0xBB30]  }
0x45: {  	v17 =	vld [tilespmem:$0xBB40]  }
0x46: {  	v18 =	vld [tilespmem:$0xBB50]  }
0x47: {  	v19 =	vld [tilespmem:$0xBB60]  }
0x48: {  	s31 =	simm.s32 $0x0;
	v20 =	vld [tilespmem:$0xBB70]  }
.LBB2_4:
0x49: {  	s0 =	smul.u32 $0x19, s31;
	_ =	sdelay $0x1  }
0x4a: {  	s0 =	sadd.s32 s12, s0  }
0x4b: {  	s0 =	sshll.u32 s0, $0x5  }
0x4c: {  	s0 =	sadd.s32 s5, s0  }
0x4d: {  	[tilespmem:s30], [sflag:$0x3] =	stream.linear.gather [hbm4b:s0+s30], $0x1900, $0x38;
	[tilespmem:$0x1F680] =	vst v63  }
0x4e: {  	_ =	swait.ge [sflag:s15], $0x1900  }
0x4f: {  	[sflag:s15] =	ssyncset.done $0x0  }
0x50: {  	s0 =	simm.s32 $0x0;
	[sflag:s15] =	ssyncadd.s32 $0xFFFFE700  }
.LBB2_5:
0x51: {  	s1 =	sshll.u32 s0, $0xA  }
0x52: {  	s3 =	sshra.s32 s1, $0x2  }
0x53: {  	v21 =	vld [tilespmem:s3+$0x0]  }
0x54: {  	v22 =	vld [tilespmem:s3+$0x80];
	_ =	sdelay $0x4  }
0x55: {  	[tilespmem:$0x1900] =	vst v21;
	v21 =	vadd.s32 $0x2710, v22  }
0x56: {  	[tilespmem:$0x1980] =	vst v21;
	v21 =	vshrl.u32 v22, $0x7  }
0x57: {  	[tilespmem:$0x1A00] =	vst v22;
	v21 =	vadd.s32 $0x2710, v21  }
0x58: {  	[tilespmem:$0x1A50] =	vst v21  }
0x59: {  	v21 =	vld [tilespmem:s3+$0x10]  }
0x5a: {  	v22 =	vld [tilespmem:s3+$0x90];
	_ =	sdelay $0x4  }
0x5b: {  	[tilespmem:$0x1910] =	vst v21;
	v21 =	vadd.s32 $0x2710, v22  }
0x5c: {  	[tilespmem:$0x1990] =	vst v21;
	v21 =	vshrl.u32 v22, $0x7  }
0x5d: {  	[tilespmem:$0x1A10] =	vst v22;
	v21 =	vadd.s32 $0x2710, v21  }
0x5e: {  	[tilespmem:$0x1A60] =	vst v21  }
0x5f: {  	v21 =	vld [tilespmem:s3+$0x20]  }
0x60: {  	v22 =	vld [tilespmem:s3+$0xA0];
	_ =	sdelay $0x4  }
0x61: {  	[tilespmem:$0x1920] =	vst v21;
	v21 =	vadd.s32 $0x2710, v22  }
0x62: {  	[tilespmem:$0x19A0] =	vst v21;
	v21 =	vshrl.u32 v22, $0x7  }
0x63: {  	[tilespmem:$0x1A20] =	vst v22;
	v21 =	vadd.s32 $0x2710, v21  }
0x64: {  	[tilespmem:$0x1A70] =	vst v21  }
0x65: {  	v21 =	vld [tilespmem:s3+$0x30]  }
0x66: {  	v22 =	vld [tilespmem:s3+$0xB0];
	_ =	sdelay $0x4  }
0x67: {  	[tilespmem:$0x1930] =	vst v21;
	v21 =	vadd.s32 $0x2710, v22  }
0x68: {  	[tilespmem:$0x19B0] =	vst v21;
	v21 =	vshrl.u32 v22, $0x7  }
0x69: {  	[tilespmem:$0x1A30] =	vst v22;
	v21 =	vadd.s32 $0x2710, v21  }
0x6a: {  	[tilespmem:$0x1A80] =	vst v21  }
0x6b: {  	v21 =	vld [tilespmem:s3+$0x40]  }
0x6c: {  	v22 =	vld [tilespmem:s3+$0xC0];
	_ =	sdelay $0x4  }
0x6d: {  	[tilespmem:$0x1940] =	vst v21;
	v21 =	vadd.s32 $0x2710, v22  }
0x6e: {  	[tilespmem:$0x19C0] =	vst v21;
	v21 =	vshrl.u32 v22, $0x7  }
0x6f: {  	[tilespmem:$0x1A40] =	vst v22;
	v21 =	vadd.s32 $0x2710, v21  }
0x70: {  	[tilespmem:$0x1A90] =	vst v21  }
0x71: {  	[tilespmem:s19], [sflag:$0x1] =	stream.indirect.gather [hbm4b:s6+s17], $0x80, s18, s17, $0xb8;
	[tilespmem:$0x1F680] =	vst v63  }
0x72: {  	_ = 	snop  }
0x73: {  	[tilespmem:s21], [sflag:$0x2] =	stream.indirect.gather [hbm4b:s6+s17], $0x80, s20, s17, $0xb8;
	[tilespmem:$0x1F680] =	vst v63  }
0x74: {  	_ =	swait.ge [sflag:s24], $0x2800  }
0x75: {  	[sflag:s24] =	ssyncset.done $0x0  }
0x76: {  	[sflag:s24] =	ssyncadd.s32 $0xFFFFD800  }
0x77: {  	_ =	swait.ge [sflag:s26], $0x2800  }
0x78: {  	[sflag:s26] =	ssyncset.done $0x0  }
0x79: {  	s8 =	simm.s32 $0x1B80;
	[sflag:s26] =	ssyncadd.s32 $0xFFFFD800  }
0x7a: {  	s9 =	simm.s32 $0x4380;
	v23 =	vld [tilespmem:s8+$0x0]  }
0x7b: {  	v22 =	vld [tilespmem:s9+$0x0]  }
0x7c: {  	v21 =	vld [tilespmem:s8+$0x10]  }
0x7d: {  	v25 =	vld [tilespmem:s9+$0x10]  }
0x7e: {  	v24 =	vld [tilespmem:s8+$0x20]  }
0x7f: {  	v28 =	vld [tilespmem:s9+$0x20]  }
0x80: {  	v26 =	vld [tilespmem:s8+$0x30]  }
0x81: {  	v29 =	vld [tilespmem:s9+$0x30]  }
0x82: {  	v27 =	vld [tilespmem:s8+$0x40]  }
0x83: {  	v31 =	vld [tilespmem:s9+$0x40]  }
0x84: {  	v33 =	vld [tilespmem:s9+$0x50]  }
0x85: {  	v35 =	vld [tilespmem:s8+$0x70];
	v22 =	vadd.f32 v22, v23  }
0x86: {  	v52 =	vld [tilespmem:s9+$0x70];
	v25 =	vadd.f32 v25, v21  }
0x87: {  	v37 =	vld [tilespmem:s9+$0x60];
	v28 =	vadd.f32 v28, v24;
	v29 =	vadd.f32 v29, v26;
	v30 =	vmul.f32 $2.000000030e-01, v22  }
0x88: {  	v39 =	vld [tilespmem:s9+$0xFFFFFF80];
	v31 =	vadd.f32 v31, v27;
	vm0 =	vgt.f32 v22, $0.0e+00;
	v32 =	vmul.f32 $2.000000030e-01, v25  }
0x89: {  	vm11 =	vgt.f32 v25, $0.0e+00;
	v34 =	vmul.f32 $2.000000030e-01, v28;
	v30 =	vsel vm0, v22, v30;
	v22 =	vld [tilespmem:s8+$0x50]  }
0x8a: {  	vm12 =	vgt.f32 v28, $0.0e+00;
	v32 =	vsel vm11, v25, v32;
	v25 =	vld [tilespmem:s8+$0x60];
	v30 =	vmul.f32 v30, v13  }
0x8b: {  	v40 =	vadd.f32 v52, v35;
	v36 =	vmul.f32 $2.000000030e-01, v29;
	v28 =	vsel vm12, v28, v34;
	v34 =	vld [tilespmem:s8+$0xFFFFFF80]  }
0x8c: {  	vm13 =	vgt.f32 v29, $0.0e+00;
	v32 =	vmul.f32 v32, v14;
	v30 =	vadd.f32 $0.0e+00, v30  }
0x8d: {  	v53 =	vld [tilespmem:s9+$0xFFFFFF90];
	v38 =	vmul.f32 $2.000000030e-01, v31;
	vm14 =	vgt.f32 v31, $0.0e+00;
	v56 =	vmul.f32 $2.000000030e-01, v40  }
0x8e: {  	v29 =	vsel vm13, v29, v36;
	v36 =	vld [tilespmem:s8+$0xFFFFFF90];
	v28 =	vmul.f32 v28, v15;
	v30 =	vadd.f32 v32, v30  }
0x8f: {  	vm5 =	vgt.f32 v40, $0.0e+00;
	v33 =	vadd.f32 v33, v22;
	v37 =	vadd.f32 v37, v25  }
0x90: {  	v41 =	vld [tilespmem:s9+$0xFFFFFFA0];
	v29 =	vmul.f32 v29, v16;
	v39 =	vadd.f32 v39, v34;
	v28 =	vadd.f32 v28, v30  }
0x91: {  	v57 =	vld [tilespmem:s9+$0xFFFFFFB0];
	v30 =	vsel vm14, v31, v38;
	v31 =	vmul.f32 $2.000000030e-01, v33;
	vm15 =	vgt.f32 v33, $0.0e+00  }
0x92: {  	v60 =	vld [tilespmem:s9+$0xFFFFFFD0];
	v54 =	vmul.f32 $2.000000030e-01, v37;
	vm4 =	vgt.f32 v37, $0.0e+00;
	v42 =	vmul.f32 $2.000000030e-01, v39  }
0x93: {  	v45 =	vld [tilespmem:s9+$0xFFFFFFE0];
	v38 =	vadd.f32 v53, v36;
	v28 =	vadd.f32 v29, v28;
	v29 =	vmul.f32 v30, v17  }
0x94: {  	v32 =	vld [tilespmem:s8+$0xFFFFFFC0];
	vm6 =	vgt.f32 v39, $0.0e+00;
	v31 =	vsel vm15, v33, v31;
	v55 =	vsel vm4, v37, v54  }
0x95: {  	v30 =	vld [tilespmem:s8+$0xFFFFFFA0];
	v33 =	vsel vm5, v40, v56;
	v28 =	vadd.f32 v29, v28;
	v29 =	vmul.f32 v31, v18  }
0x96: {  	v58 =	vsel vm6, v39, v42;
	v59 =	vmul.f32 $2.000000030e-01, v38;
	vm7 =	vgt.f32 v38, $0.0e+00;
	v31 =	vld [tilespmem:s8+$0xFFFFFFB0]  }
0x97: {  	v37 =	vld [tilespmem:s8+$0xFFFFFFE0];
	v42 =	vmul.f32 v58, v13;
	v28 =	vadd.f32 v29, v28;
	v29 =	vmul.f32 v55, v19  }
0x98: {  	v40 =	vmul.f32 v33, v20;
	v33 =	vld [tilespmem:s8+$0xFFFFFFD0];
	v38 =	vsel vm7, v38, v59  }
0x99: {  	v42 =	vadd.f32 $0.0e+00, v42;
	v38 =	vmul.f32 v38, v14;
	v28 =	vadd.f32 v29, v28;
	v29 =	vld [tilespmem:s9+$0xFFFFFFC0]  }
0x9a: {  	v41 =	vadd.f32 v41, v30  }
0x9b: {  	v42 =	vadd.f32 v38, v42;
	v61 =	vadd.f32 v57, v31  }
0x9c: {  	v50 =	vadd.f32 v45, v37;
	v43 =	vmul.f32 $2.000000030e-01, v41;
	v28 =	vadd.f32 v40, v28  }
0x9d: {  	v39 =	vadd.f32 v60, v33;
	vm8 =	vgt.f32 v41, $0.0e+00;
	v46 =	vmul.f32 $2.000000030e-01, v61  }
0x9e: {  	v62 =	vld [tilespmem:s9+$0xFFFFFFF0];
	v41 =	vsel vm8, v41, v43;
	v44 =	vperm.xlane v28, v1;
	v29 =	vadd.f32 v29, v32  }
0x9f: {  	v38 =	vld [tilespmem:s8+$0xFFFFFFF0];
	v52 =	vmul.f32 $2.000000030e-01, v50;
	vm9 =	vgt.f32 v61, $0.0e+00;
	v41 =	vmul.f32 v41, v15  }
0xa0: {  	v40 =	vsel vm9, v61, v46;
	v28 =	vadd.f32 v28, v44;
	v63 =	vmul.f32 $2.000000030e-01, v29  }
0xa1: {  	v41 =	vadd.f32 v41, v42;
	v40 =	vmul.f32 v40, v16;
	vm10 =	vgt.f32 v29, $0.0e+00  }
0xa2: {  	v49 =	vmul.f32 $2.000000030e-01, v39;
	v48 =	vperm.xlane v28, v2;
	v29 =	vsel vm10, v29, v63  }
0xa3: {  	vm11 =	vgt.f32 v39, $0.0e+00;
	v40 =	vadd.f32 v40, v41;
	v29 =	vmul.f32 v29, v17  }
0xa4: {  	v51 =	vadd.f32 v62, v38;
	v39 =	vsel vm11, v39, v49;
	v28 =	vadd.f32 v28, v48  }
0xa5: {  	vm12 =	vgt.f32 v50, $0.0e+00;
	v39 =	vmul.f32 v39, v18;
	v29 =	vadd.f32 v29, v40  }
0xa6: {  	v42 =	vsel vm12, v50, v52;
	v43 =	vmul.f32 $2.000000030e-01, v51;
	v53 =	vperm.xlane v28, v4  }
0xa7: {  	vm13 =	vgt.f32 v51, $0.0e+00;
	v54 =	vmul.f32 v42, v19;
	v29 =	vadd.f32 v39, v29  }
0xa8: {  	v55 =	vsel vm13, v51, v43;
	v28 =	vadd.f32 v28, v53  }
0xa9: {  	v56 =	vmul.f32 v55, v20;
	v29 =	vadd.f32 v54, v29  }
0xaa: {  	v57 =	vperm.xlane v28, v5  }
0xab: {  	v29 =	vadd.f32 v56, v29  }
0xac: {  	v28 =	vadd.f32 v28, v57  }
0xad: {  	v39 =	vperm.xlane v29, v1  }
0xae: {  	v28 =	vmul.f32 $1.442695020e+00, v28  }
0xaf: {  	s10 =	simm.s32 $0x1C80;
	v29 =	vadd.f32 v29, v39  }
0xb0: {  	v47 =	vld [tilespmem:s10+$0x70];
	(erf) = vpow2.f32 v28  }
0xb1: {  	s1 =	simm.s32 $0x4480;
	v44 =	vld [tilespmem:s10+$0x50];
	v28 =	vperm.xlane v29, v2  }
0xb2: {  	v53 =	vld [tilespmem:s1+$0x50]  }
0xb3: {  	v58 =	vld [tilespmem:s1+$0x0];
	v28 =	vadd.f32 v29, v28  }
0xb4: {  	v40 =	vld [tilespmem:s10+$0x0]  }
0xb5: {  	v54 =	vld [tilespmem:s1+$0x70];
	v29 =	vperm.xlane v28, v4  }
0xb6: {  	v41 =	vld [tilespmem:s10+$0x10]  }
0xb7: {  	v53 =	vadd.f32 v53, v44;
	v28 =	vadd.f32 v28, v29;
	v29 =	vld [tilespmem:s1+$0x10]  }
0xb8: {  	v60 =	vld [tilespmem:s1+$0x20]  }
0xb9: {  	vm7 =	vgt.f32 v53, $0.0e+00;
	v39 =	vld [tilespmem:s10+$0x20];
	v45 =	vpop (erf);
	v59 =	vperm.xlane v28, v5  }
0xba: {  	v42 =	vld [tilespmem:s10+$0x30];
	v54 =	vadd.f32 v54, v47;
	v48 =	vmul.f32 v45, v23;
	v23 =	vadd.f32 v58, v40  }
0xbb: {  	v49 =	vmul.f32 v45, v21;
	v50 =	vmul.f32 v45, v24;
	v24 =	vld [tilespmem:s1+$0x30];
	v21 =	vadd.f32 v28, v59  }
0xbc: {  	v43 =	vld [tilespmem:s10+$0x40];
	v51 =	vmul.f32 v45, v26;
	v26 =	vmul.f32 $2.000000030e-01, v23;
	v28 =	vadd.f32 v29, v41  }
0xbd: {  	v52 =	vmul.f32 v45, v27;
	v27 =	vld [tilespmem:s1+$0x40];
	vm14 =	vgt.f32 v23, $0.0e+00;
	v21 =	vmul.f32 $1.442695020e+00, v21  }
0xbe: {  	v29 =	vadd.f32 v60, v39;
	v23 =	vsel vm14, v23, v26;
	v26 =	vmul.f32 $2.000000030e-01, v28  }
0xbf: {  	vm15 =	vgt.f32 v28, $0.0e+00;
	(erf) = vpow2.f32 v21;
	v21 =	vmul.f32 v23, v13  }
0xc0: {  	v46 =	vld [tilespmem:s10+$0x60];
	v24 =	vadd.f32 v24, v42;
	v23 =	vsel vm15, v28, v26;
	v26 =	vmul.f32 $2.000000030e-01, v29  }
0xc1: {  	vm4 =	vgt.f32 v29, $0.0e+00;
	v28 =	vld [tilespmem:s1+$0x60];
	v21 =	vadd.f32 $0.0e+00, v21;
	v23 =	vmul.f32 v23, v14  }
0xc2: {  	v55 =	vld [tilespmem:s1+$0xFFFFFF80];
	v27 =	vadd.f32 v27, v43;
	v26 =	vsel vm4, v29, v26;
	v29 =	vmul.f32 $2.000000030e-01, v24  }
0xc3: {  	v57 =	vld [tilespmem:s1+$0xFFFFFF90];
	vm5 =	vgt.f32 v24, $0.0e+00;
	v21 =	vadd.f32 v23, v21;
	v26 =	vmul.f32 v26, v15  }
0xc4: {  	v62 =	vmul.f32 $2.000000030e-01, v54;
	v58 =	vld [tilespmem:s1+$0xFFFFFFA0];
	v24 =	vsel vm5, v24, v29;
	v29 =	vmul.f32 $2.000000030e-01, v27  }
0xc5: {  	vm6 =	vgt.f32 v27, $0.0e+00;
	v23 =	vld [tilespmem:s10+$0xFFFFFF80];
	v21 =	vadd.f32 v26, v21;
	v24 =	vmul.f32 v24, v16  }
0xc6: {  	vm9 =	vgt.f32 v54, $0.0e+00;
	v26 =	vld [tilespmem:s10+$0xFFFFFF90];
	v56 =	vadd.f32 v28, v46;
	v27 =	vsel vm6, v27, v29  }
0xc7: {  	s16 =	simm.s32 $0x93F0;
	v28 =	vld [tilespmem:s10+$0xFFFFFFA0];
	v29 =	vmul.f32 $2.000000030e-01, v53;
	v21 =	vadd.f32 v24, v21;
	v24 =	vmul.f32 v27, v17  }
0xc8: {  	v54 =	vsel vm9, v54, v62;
	[tilespmem:s16+$0xFFFFD790] =	vst v48;
	v48 =	vmul.f32 v45, v25;
	v61 =	vmul.f32 $2.000000030e-01, v56  }
0xc9: {  	vm8 =	vgt.f32 v56, $0.0e+00;
	v27 =	vsel vm7, v53, v29;
	v21 =	vadd.f32 v24, v21  }
0xca: {  	v63 =	vld [tilespmem:s1+$0xFFFFFFB0];
	v24 =	vmul.f32 v27, v18;
	v27 =	vadd.f32 v55, v23;
	v53 =	vsel vm8, v56, v61  }
0xcb: {  	v60 =	vmul.f32 v54, v20;
	v29 =	vld [tilespmem:s10+$0xFFFFFFB0];
	v53 =	vmul.f32 v53, v19;
	v57 =	vadd.f32 v57, v26  }
0xcc: {  	v55 =	vld [tilespmem:s1+$0xFFFFFFC0];
	v58 =	vadd.f32 v58, v28;
	v24 =	vadd.f32 v24, v21;
	v59 =	vmul.f32 $2.000000030e-01, v27  }
0xcd: {  	v21 =	vld [tilespmem:s10+$0xFFFFFFC0];
	vm10 =	vgt.f32 v27, $0.0e+00;
	v61 =	vmul.f32 $2.000000030e-01, v57;
	vm11 =	vgt.f32 v57, $0.0e+00  }
0xce: {  	v54 =	vmul.f32 $2.000000030e-01, v58;
	v24 =	vadd.f32 v53, v24;
	v27 =	vsel vm10, v27, v59  }
0xcf: {  	vm12 =	vgt.f32 v58, $0.0e+00;
	v59 =	vmul.f32 v45, v22;
	v22 =	vld [tilespmem:s10+$0xFFFFFFD0];
	v27 =	vmul.f32 v27, v13  }
0xd0: {  	v54 =	vsel vm12, v58, v54;
	v58 =	vld [tilespmem:s1+$0xFFFFFFE0];
	v53 =	vadd.f32 v60, v24;
	v24 =	vsel vm11, v57, v61  }
0xd1: {  	v56 =	vadd.f32 v63, v29;
	v60 =	vld [tilespmem:s1+$0xFFFFFFD0];
	v27 =	vadd.f32 $0.0e+00, v27;
	v57 =	vmul.f32 v24, v14  }
0xd2: {  	[tilespmem:s16+$0xFFFFD7A0] =	vst v49;
	v49 =	vmul.f32 v45, v35;
	v55 =	vadd.f32 v55, v21;
	v24 =	vld [tilespmem:s10+$0xFFFFFFE0];
	v61 =	vperm.xlane v53, v1  }
0xd3: {  	v54 =	vmul.f32 v54, v15;
	v57 =	vadd.f32 v57, v27;
	v27 =	vmul.f32 $2.000000030e-01, v56  }
0xd4: {  	vm13 =	vgt.f32 v56, $0.0e+00;
	v53 =	vadd.f32 v53, v61;
	v61 =	vmul.f32 $2.000000030e-01, v55  }
0xd5: {  	vm14 =	vgt.f32 v55, $0.0e+00;
	v56 =	vsel vm13, v56, v27;
	v27 =	vld [tilespmem:s10+$0xFFFFFFF0];
	v54 =	vadd.f32 v54, v57  }
0xd6: {  	v35 =	vpop (erf);
	v57 =	vadd.f32 v60, v22;
	v55 =	vsel vm14, v55, v61;
	v61 =	vld [tilespmem:s1+$0xFFFFFFF0];
	v25 =	vperm.xlane v53, v2  }
0xd7: {  	[tilespmem:s16+$0xFFFFD7D0] =	vst v52;
	v34 =	vmul.f32 v35, v34;
	v62 =	vmul.f32 v56, v16;
	v52 =	vadd.f32 v58, v24  }
0xd8: {  	s3 =	sor.u32 $0x80, s3;
	v63 =	vmul.f32 $2.000000030e-01, v57;
	v55 =	vmul.f32 v55, v17;
	v53 =	vadd.f32 v53, v25  }
0xd9: {  	[tilespmem:s16+$0xFFFFD7B0] =	vst v50;
	vm15 =	vgt.f32 v57, $0.0e+00;
	v25 =	vmov s3;
	v50 =	vadd.f32 v62, v54  }
0xda: {  	[tilespmem:s16+$0xFFFFD7C0] =	vst v51;
	v63 =	vsel vm15, v57, v63;
	v57 =	vmul.f32 $2.000000030e-01, v52;
	v60 =	vperm.xlane v53, v4  }
0xdb: {  	[tilespmem:s16+$0xFFFFD7F0] =	vst v48;
	v58 =	vadd.f32 v55, v50;
	v48 =	vmul.f32 v63, v18;
	v62 =	vadd.f32 v61, v27  }
0xdc: {  	[tilespmem:s16+$0xFFFFD800] =	vst v49;
	v30 =	vmul.f32 v35, v30;
	s3 =	simm.s32 $0x0;
	vm4 =	vgt.f32 v52, $0.0e+00;
	v53 =	vadd.f32 v53, v60  }
0xdd: {  	[tilespmem:s16+$0xFFFFD7E0] =	vst v59;
	s11 =	sand.u32 $0x70, s3;
	v51 =	vsel vm4, v52, v57;
	v48 =	vadd.f32 v48, v58;
	v60 =	vmul.f32 $2.000000030e-01, v62  }
0xde: {  	v61 =	vmul.f32 v51, v19;
	v59 =	vld.idx.msk [tilespmem:v25+s11+$0x0 ss:$0x1], $0xffff;
	vm5 =	vgt.f32 v62, $0.0e+00;
	v54 =	vperm.xlane v53, v5  }
0xdf: {  	v36 =	vmul.f32 v35, v36;
	v31 =	vmul.f32 v35, v31;
	[tilespmem:s16+$0xFFFFD710] =	vst v34;
	v62 =	vsel vm5, v62, v60  }
0xe0: {  	[tilespmem:s16+$0xFFFFD730] =	vst v30;
	v63 =	vadd.f32 v53, v54;
	v53 =	vadd.f32 v61, v48;
	v34 =	vmul.f32 v62, v20  }
0xe1: {  	s9 =	simm.s32 $0x1;
	v30 =	vmul.f32 v35, v32;
	[tilespmem:s16+$0xFFFFD740] =	vst v31;
	v31 =	vmul.f32 v35, v33  }
0xe2: {  	v54 =	vmov s9;
	v55 =	vmul.f32 $1.442695020e+00, v63;
	v56 =	vadd.f32 v34, v53  }
0xe3: {  	[tilespmem:s16+$0xFFFFD750] =	vst v30;
	v30 =	vmul.f32 v35, v37;
	v48 =	vperm.xlane v59, v54  }
0xe4: {  	[tilespmem:s16+$0xFFFFD760] =	vst v31;
	(erf) = vpow2.f32 v55;
	v31 =	vperm.xlane v56, v1  }
0xe5: {  	[tilespmem:s16+$0xFFFFD720] =	vst v36;
	v58 =	vmul.f32 v35, v38;
	v57 =	vand.u32 $0x7F, v48  }
0xe6: {  	[tilespmem:s16+$0xFFFFD770] =	vst v30;
	vm6 =	veq.s32 v57, v12;
	v31 =	vadd.f32 v56, v31  }
0xe7: {  	[tilespmem:s16+$0xFFFFD780] =	vst v58;
	vm7 =	veq.s32 v57, v3;
	v30 =	vnsel vm6, $0x0, v45  }
0xe8: {  	s13 =	sand.u32 $0xE, s3;
	vm1 =	veq.s32 v57, v6;
	v59 =	vnsel vm7, $0x0, v45;
	[tilespmem:s16+$0x0] =	vst v30;
	v30 =	vld.idx.msk [tilespmem:v25+s11+$0x0 ss:$0x1], $0xffff;
	v61 =	vperm.xlane v31, v2  }
0xe9: {  	v62 =	vmov s13;
	vm8 =	veq.s32 v57, v7;
	v60 =	vnsel vm1, $0x0, v45;
	[tilespmem:s16+$0xFFFFFF90] =	vst v59  }
0xea: {  	vm9 =	veq.s32 v57, v8;
	v63 =	vnsel vm8, $0x0, v45;
	[tilespmem:s16+$0xFFFFFFA0] =	vst v60;
	v31 =	vadd.f32 v31, v61  }
0xeb: {  	vm10 =	veq.s32 v57, v9;
	vm11 =	veq.s32 v57, v10;
	v48 =	vnsel vm9, $0x0, v45;
	[tilespmem:s16+$0xFFFFFFB0] =	vst v63  }
0xec: {  	vm2 =	veq.s32 v57, v11;
	v49 =	vnsel vm10, $0x0, v45;
	[tilespmem:s16+$0xFFFFFFC0] =	vst v48;
	v52 =	vperm.xlane v31, v4  }
0xed: {  	v50 =	vnsel vm11, $0x0, v45;
	v53 =	vnsel vm2, $0x0, v45;
	[tilespmem:s16+$0xFFFFFFD0] =	vst v49;
	v51 =	vperm.xlane v30, v62;
	v30 =	vpop (erf)  }
0xee: {  	[tilespmem:s16+$0xFFFFFFE0] =	vst v50;
	v54 =	vmul.f32 v30, v40;
	v31 =	vadd.f32 v31, v52;
	v55 =	vmul.f32 v30, v41  }
0xef: {  	s8 =	simm.s32 $0x94F0;
	[tilespmem:s16+$0xFFFFFFF0] =	vst v53;
	v56 =	vmul.f32 v30, v39;
	v58 =	vmul.f32 v30, v42  }
0xf0: {  	v59 =	vmul.f32 v30, v43;
	[tilespmem:s8+$0xFFFFD790] =	vst v54;
	v57 =	vperm.xlane v31, v5  }
0xf1: {  	v32 =	vand.u32 $0x7F, v51;
	v60 =	vmul.f32 v30, v44;
	v62 =	vmul.f32 v30, v46;
	[tilespmem:s8+$0xFFFFD7A0] =	vst v55  }
0xf2: {  	v63 =	vmul.f32 v30, v47;
	vm12 =	veq.s32 v32, v3;
	[tilespmem:s8+$0xFFFFD7B0] =	vst v56;
	v31 =	vadd.f32 v31, v57  }
0xf3: {  	vm13 =	veq.s32 v32, v6;
	vm14 =	veq.s32 v32, v7;
	vm3 =	veq.s32 v32, v8;
	[tilespmem:s8+$0xFFFFD7C0] =	vst v58  }
0xf4: {  	vm4 =	veq.s32 v32, v9;
	vm5 =	veq.s32 v32, v10;
	[tilespmem:s8+$0xFFFFD7D0] =	vst v59;
	v31 =	vmul.f32 $1.442695020e+00, v31  }
0xf5: {  	vm6 =	veq.s32 v32, v11;
	vm15 =	veq.s32 v32, v12;
	v61 =	vnsel vm12, $0x0, v35;
	[tilespmem:s8+$0xFFFFD7E0] =	vst v60  }
0xf6: {  	s9 =	simm.s32 $0x2;
	v34 =	vnsel vm13, $0x0, v35;
	v40 =	vnsel vm14, $0x0, v35;
	[tilespmem:s8+$0xFFFFD7F0] =	vst v62;
	(erf) = vpow2.f32 v31  }
0xf7: {  	s10 =	sand.u32 $0xE, s9;
	s11 =	sand.u32 $0x70, s9;
	v39 =	vnsel vm3, $0x0, v35;
	v41 =	vnsel vm4, $0x0, v35;
	v38 =	vnsel vm5, $0x0, v35;
	[tilespmem:s8+$0xFFFFD800] =	vst v63  }
0xf8: {  	v36 =	vnsel vm6, $0x0, v35;
	v37 =	vnsel vm15, $0x0, v35;
	v32 =	vld.idx.msk [tilespmem:v25+s11+$0x0 ss:$0x1], $0xffff;
	[tilespmem:s16+$0xFFFFFF10] =	vst v61;
	v31 =	vmov s10;
	s10 =	simm.s32 $0x1D80  }
.LBB2_6:
0xf9: {  	v33 =	vld [tilespmem:s10+$0x0];
	s1 =	sadd.s32 $0x100, s1;
	[tilespmem:s16+$0xFFFFFF20] =	vst v34  }
0xfa: {  	v42 =	vld [tilespmem:s1+$0x0];
	[tilespmem:s16+$0xFFFFFF30] =	vst v40  }
0xfb: {  	v34 =	vld [tilespmem:s10+$0x10];
	[tilespmem:s16+$0xFFFFFF40] =	vst v39  }
0xfc: {  	s13 =	sadd.s32 $0x3, s3;
	s3 =	smov.u32 s9;
	v39 =	vld [tilespmem:s1+$0x10];
	[tilespmem:s16+$0xFFFFFF50] =	vst v41  }
0xfd: {  	v40 =	vmov s13;
	v35 =	vld [tilespmem:s10+$0x20];
	[tilespmem:s16+$0xFFFFFF60] =	vst v38  }
0xfe: {  	v40 =	vperm.xlane v32, v40;
	v38 =	vld [tilespmem:s1+$0x20];
	[tilespmem:s16+$0xFFFFFF70] =	vst v36  }
0xff: {  	v42 =	vadd.f32 v42, v33;
	v36 =	vld [tilespmem:s10+$0x30];
	v32 =	vpop (erf);
	[tilespmem:s16+$0xFFFFFF80] =	vst v37;
	s16 =	smov.u32 s8  }
0x100: {  	v41 =	vand.u32 $0x7F, v40;
	v43 =	vld [tilespmem:s1+$0x30];
	v23 =	vmul.f32 v32, v23;
	v26 =	vmul.f32 v32, v26  }
0x101: {  	vm0 =	veq.s32 v41, v12;
	v40 =	vmul.f32 $2.000000030e-01, v42;
	v39 =	vadd.f32 v39, v34;
	v37 =	vld [tilespmem:s10+$0x40]  }
0x102: {  	vm1 =	vgt.f32 v42, $0.0e+00;
	v44 =	vld [tilespmem:s1+$0x40];
	[tilespmem:s8+$0xFFFFD710] =	vst v23;
	v23 =	vmul.f32 v32, v28;
	v28 =	vnsel vm0, $0x0, v30  }
0x103: {  	v40 =	vsel vm1, v42, v40;
	v42 =	vmul.f32 $2.000000030e-01, v39;
	v45 =	vadd.f32 v38, v35;
	v38 =	vld [tilespmem:s10+$0x50];
	[tilespmem:s8+$0x0] =	vst v28  }
0x104: {  	vm0 =	vgt.f32 v39, $0.0e+00;
	v28 =	vmul.f32 v40, v13;
	v46 =	vld [tilespmem:s1+$0x50];
	[tilespmem:s8+$0xFFFFD720] =	vst v26;
	v26 =	vmul.f32 v32, v29  }
0x105: {  	v29 =	vsel vm0, v39, v42;
	v40 =	vmul.f32 $2.000000030e-01, v45;
	v42 =	vadd.f32 v43, v36;
	v39 =	vld [tilespmem:s10+$0x60];
	[tilespmem:s8+$0xFFFFD730] =	vst v23  }
0x106: {  	vm0 =	vgt.f32 v45, $0.0e+00;
	v23 =	vadd.f32 $0.0e+00, v28;
	v28 =	vmul.f32 v29, v14;
	v29 =	vld [tilespmem:s1+$0x60];
	[tilespmem:s8+$0xFFFFD740] =	vst v26  }
0x107: {  	v26 =	vsel vm0, v45, v40;
	v43 =	vmul.f32 $2.000000030e-01, v42;
	v44 =	vadd.f32 v44, v37;
	v40 =	vld [tilespmem:s10+$0x70]  }
0x108: {  	vm0 =	vgt.f32 v42, $0.0e+00;
	v28 =	vadd.f32 v28, v23;
	v26 =	vmul.f32 v26, v15;
	v45 =	vld [tilespmem:s1+$0x70]  }
0x109: {  	v23 =	vld [tilespmem:s10+$0xFFFFFF80];
	v42 =	vsel vm0, v42, v43;
	v43 =	vmul.f32 $2.000000030e-01, v44;
	v46 =	vadd.f32 v46, v38  }
0x10a: {  	vm0 =	vgt.f32 v44, $0.0e+00;
	v47 =	vld [tilespmem:s1+$0xFFFFFF80];
	v28 =	vadd.f32 v26, v28;
	v42 =	vmul.f32 v42, v16  }
0x10b: {  	v26 =	vld [tilespmem:s10+$0xFFFFFF90];
	v43 =	vsel vm0, v44, v43;
	v44 =	vmul.f32 $2.000000030e-01, v46;
	v48 =	vadd.f32 v29, v39  }
0x10c: {  	vm0 =	vgt.f32 v46, $0.0e+00;
	v49 =	vld [tilespmem:s1+$0xFFFFFF90];
	v29 =	vadd.f32 v42, v28;
	v42 =	vmul.f32 v43, v17  }
0x10d: {  	v28 =	vld [tilespmem:s10+$0xFFFFFFA0];
	v43 =	vsel vm0, v46, v44;
	v44 =	vmul.f32 $2.000000030e-01, v48;
	v45 =	vadd.f32 v45, v40  }
0x10e: {  	vm0 =	vgt.f32 v48, $0.0e+00;
	v46 =	vld [tilespmem:s1+$0xFFFFFFA0];
	v42 =	vadd.f32 v42, v29;
	v43 =	vmul.f32 v43, v18  }
0x10f: {  	v47 =	vadd.f32 v47, v23;
	v29 =	vld [tilespmem:s10+$0xFFFFFFB0];
	v44 =	vsel vm0, v48, v44;
	v48 =	vmul.f32 $2.000000030e-01, v45  }
0x110: {  	vm0 =	vgt.f32 v45, $0.0e+00;
	v50 =	vld [tilespmem:s1+$0xFFFFFFB0];
	v42 =	vadd.f32 v43, v42;
	v43 =	vmul.f32 v44, v19  }
0x111: {  	v44 =	vmul.f32 $2.000000030e-01, v47;
	v49 =	vadd.f32 v49, v26;
	v51 =	vld [tilespmem:s10+$0xFFFFFFC0];
	v45 =	vsel vm0, v45, v48  }
0x112: {  	vm0 =	vgt.f32 v47, $0.0e+00;
	v48 =	vld [tilespmem:s1+$0xFFFFFFC0];
	v42 =	vadd.f32 v43, v42;
	v43 =	vmul.f32 v45, v20  }
0x113: {  	v44 =	vsel vm0, v47, v44;
	v45 =	vmul.f32 $2.000000030e-01, v49;
	v46 =	vadd.f32 v46, v28;
	v47 =	vld [tilespmem:s10+$0xFFFFFFD0]  }
0x114: {  	vm0 =	vgt.f32 v49, $0.0e+00;
	v44 =	vmul.f32 v44, v13;
	v52 =	vld [tilespmem:s1+$0xFFFFFFD0];
	v42 =	vadd.f32 v43, v42  }
0x115: {  	v43 =	vsel vm0, v49, v45;
	v45 =	vmul.f32 $2.000000030e-01, v46;
	v49 =	vadd.f32 v50, v29;
	v50 =	vld [tilespmem:s10+$0xFFFFFFE0]  }
0x116: {  	v44 =	vadd.f32 $0.0e+00, v44;
	v43 =	vmul.f32 v43, v14;
	v53 =	vld [tilespmem:s1+$0xFFFFFFE0];
	v54 =	vperm.xlane v42, v1  }
0x117: {  	vm0 =	vgt.f32 v46, $0.0e+00;
	v55 =	vmul.f32 $2.000000030e-01, v49;
	v48 =	vadd.f32 v48, v51;
	v56 =	vld [tilespmem:s10+$0xFFFFFFF0]  }
0x118: {  	v43 =	vadd.f32 v43, v44;
	v44 =	vsel vm0, v46, v45;
	v45 =	vld [tilespmem:s1+$0xFFFFFFF0];
	v42 =	vadd.f32 v42, v54  }
0x119: {  	vm0 =	vgt.f32 v49, $0.0e+00;
	v44 =	vmul.f32 v44, v15;
	v46 =	vmul.f32 $2.000000030e-01, v48  }
0x11a: {  	v49 =	vsel vm0, v49, v55;
	v52 =	vadd.f32 v52, v47;
	v54 =	vperm.xlane v42, v2  }
0x11b: {  	vm0 =	vgt.f32 v48, $0.0e+00;
	v43 =	vadd.f32 v44, v43;
	v44 =	vmul.f32 v49, v16  }
0x11c: {  	v46 =	vsel vm0, v48, v46;
	v48 =	vmul.f32 $2.000000030e-01, v52;
	v42 =	vadd.f32 v42, v54  }
0x11d: {  	v43 =	vadd.f32 v44, v43;
	v44 =	vmul.f32 v46, v17;
	v46 =	vadd.f32 v53, v50  }
0x11e: {  	vm0 =	vgt.f32 v52, $0.0e+00;
	v45 =	vadd.f32 v45, v56;
	v49 =	vperm.xlane v42, v4  }
0x11f: {  	v43 =	vadd.f32 v44, v43;
	v44 =	vsel vm0, v52, v48;
	v48 =	vmul.f32 $2.000000030e-01, v46  }
0x120: {  	vm0 =	vgt.f32 v46, $0.0e+00;
	v44 =	vmul.f32 v44, v18;
	v42 =	vadd.f32 v42, v49  }
0x121: {  	v46 =	vsel vm0, v46, v48;
	vm0 =	vgt.f32 v45, $0.0e+00;
	v48 =	vmul.f32 $2.000000030e-01, v45  }
0x122: {  	v43 =	vadd.f32 v44, v43;
	v44 =	vmul.f32 v46, v19;
	v46 =	vperm.xlane v42, v5  }
0x123: {  	v49 =	vmul.f32 v32, v22;
	v45 =	vsel vm0, v45, v48;
	v48 =	vmul.f32 v32, v21;
	v21 =	vmovc v51  }
0x124: {  	v22 =	vmovc v47;
	v43 =	vadd.f32 v44, v43;
	v44 =	vmul.f32 v45, v20;
	v42 =	vadd.f32 v42, v46  }
0x125: {  	vm0 =	veq.s32 v41, v3;
	v45 =	vmul.f32 v32, v24;
	v46 =	vmul.f32 v32, v27;
	[tilespmem:s8+$0xFFFFD750] =	vst v48  }
0x126: {  	vm1 =	veq.s32 v41, v6;
	v24 =	vmovc v50;
	v43 =	vadd.f32 v44, v43;
	v42 =	vmul.f32 $1.442695020e+00, v42;
	[tilespmem:s8+$0xFFFFD760] =	vst v49  }
0x127: {  	vm2 =	veq.s32 v41, v7;
	vm3 =	veq.s32 v41, v8;
	vm4 =	veq.s32 v41, v9;
	[tilespmem:s8+$0xFFFFD770] =	vst v45  }
0x128: {  	vm5 =	veq.s32 v41, v10;
	v27 =	vmovc v56;
	v44 =	vperm.xlane v43, v1;
	(erf) = vpow2.f32 v42;
	[tilespmem:s8+$0xFFFFD780] =	vst v46  }
0x129: {  	v45 =	vnsel vm0, $0x0, v30;
	vm0 =	veq.s32 v41, v11;
	v46 =	vnsel vm1, $0x0, v30;
	v42 =	vld.idx.msk [tilespmem:v25+s11+$0x0 ss:$0x1], $0xffff  }
0x12a: {  	v41 =	vadd.f32 v43, v44;
	[tilespmem:s8+$0xFFFFFF90] =	vst v45;
	v43 =	vnsel vm2, $0x0, v30;
	v44 =	vnsel vm3, $0x0, v30  }
0x12b: {  	v45 =	vnsel vm4, $0x0, v30;
	[tilespmem:s8+$0xFFFFFFA0] =	vst v46;
	v46 =	vnsel vm5, $0x0, v30;
	v30 =	vnsel vm0, $0x0, v30  }
0x12c: {  	v47 =	vperm.xlane v41, v2;
	[tilespmem:s8+$0xFFFFFFB0] =	vst v43  }
0x12d: {  	[tilespmem:s8+$0xFFFFFFC0] =	vst v44  }
0x12e: {  	v41 =	vadd.f32 v41, v47;
	[tilespmem:s8+$0xFFFFFFD0] =	vst v45  }
0x12f: {  	v31 =	vperm.xlane v42, v31;
	[tilespmem:s8+$0xFFFFFFE0] =	vst v46  }
0x130: {  	v42 =	vperm.xlane v41, v4;
	[tilespmem:s8+$0xFFFFFFF0] =	vst v30  }
0x131: {  	v31 =	vand.u32 $0x7F, v31;
	v30 =	vpop (erf)  }
0x132: {  	vm0 =	veq.s32 v31, v3;
	v41 =	vadd.f32 v41, v42;
	v33 =	vmul.f32 v30, v33  }
0x133: {  	s8 =	sadd.s32 $0x100, s8;
	vm1 =	veq.s32 v31, v6;
	vm2 =	veq.s32 v31, v7;
	v34 =	vmul.f32 v30, v34  }
0x134: {  	vm3 =	veq.s32 v31, v8;
	v42 =	vperm.xlane v41, v5;
	[tilespmem:s8+$0xFFFFD790] =	vst v33;
	v33 =	vmul.f32 v30, v35  }
0x135: {  	vm4 =	veq.s32 v31, v9;
	vm5 =	veq.s32 v31, v10;
	[tilespmem:s8+$0xFFFFD7A0] =	vst v34;
	v34 =	vmul.f32 v30, v36  }
0x136: {  	s9 =	sadd.s32 $0x2, s9;
	vm6 =	veq.s32 v31, v11;
	v35 =	vadd.f32 v41, v42;
	[tilespmem:s8+$0xFFFFD7B0] =	vst v33;
	v33 =	vmul.f32 v30, v37  }
0x137: {  	p1 =	slt.u32 s9, $0x4E;
	v36 =	vmul.f32 v30, v38;
	v42 =	vnsel vm0, $0x0, v32;
	vm0 =	veq.s32 v31, v12;
	[tilespmem:s8+$0xFFFFD7C0] =	vst v34  }
.Ltmp1:
0x138: {  	v34 =	vnsel vm1, $0x0, v32;
	v31 =	vmul.f32 $1.442695020e+00, v35;
	[tilespmem:s8+$0xFFFFD7D0] =	vst v33;
	v33 =	vmul.f32 v30, v39;
	(pc) =	sbr.rel @p1 .LBB2_6-.Ltmp1, $4  }
0x139: {  	v35 =	vmul.f32 v30, v40;
	v40 =	vnsel vm2, $0x0, v32;
	v39 =	vnsel vm3, $0x0, v32;
	[tilespmem:s8+$0xFFFFD7E0] =	vst v36  }
0x13a: {  	v38 =	vnsel vm5, $0x0, v32;
	v41 =	vnsel vm4, $0x0, v32;
	[tilespmem:s8+$0xFFFFD7F0] =	vst v33;
	(erf) = vpow2.f32 v31  }
0x13b: {  	s13 =	sand.u32 $0xE, s9;
	s11 =	sand.u32 $0x70, s9;
	v37 =	vnsel vm0, $0x0, v32;
	v36 =	vnsel vm6, $0x0, v32;
	[tilespmem:s8+$0xFFFFD800] =	vst v35  }
0x13c: {  	s10 =	sadd.s32 $0x100, s10;
	v31 =	vmov s13;
	v32 =	vld.idx.msk [tilespmem:v25+s11+$0x0 ss:$0x1], $0xffff;
	[tilespmem:s16+$0xFFFFFF10] =	vst v42  }
0x13d: {  	_ =	sdelay $0x3  }
0x13e: {  	[tilespmem:s16+$0xFFFFFF20] =	vst v34  }
0x13f: {  	[tilespmem:s16+$0xFFFFFF30] =	vst v40  }
0x140: {  	[tilespmem:s16+$0xFFFFFF40] =	vst v39;
	v33 =	vpop (erf)  }
0x141: {  	[tilespmem:s16+$0xFFFFFF50] =	vst v41;
	v23 =	vmul.f32 v33, v23  }
0x142: {  	[tilespmem:s16+$0xFFFFFF60] =	vst v38;
	v26 =	vmul.f32 v33, v26  }
0x143: {  	v60 =	vmul.f32 v33, v29;
	[tilespmem:s8+$0xFFFFD710] =	vst v23  }
0x144: {  	v21 =	vmul.f32 v33, v21;
	[tilespmem:s8+$0xFFFFD720] =	vst v26  }
0x145: {  	v23 =	vmul.f32 v33, v28;
	[tilespmem:s8+$0xFFFFD740] =	vst v60  }
0x146: {  	s1 =	sadd.s32 $0x3, s3;
	v22 =	vmul.f32 v33, v22;
	[tilespmem:s8+$0xFFFFD750] =	vst v21  }
0x147: {  	v61 =	vmul.f32 v33, v27;
	[tilespmem:s8+$0xFFFFD730] =	vst v23;
	v23 =	vmov s1  }
0x148: {  	v21 =	vmul.f32 v33, v24;
	[tilespmem:s8+$0xFFFFD760] =	vst v22;
	v23 =	vperm.xlane v32, v23  }
0x149: {  	[tilespmem:s8+$0xFFFFD780] =	vst v61  }
0x14a: {  	[tilespmem:s8+$0xFFFFD770] =	vst v21;
	v21 =	vand.u32 $0x7F, v23  }
0x14b: {  	[tilespmem:s16+$0xFFFFFF70] =	vst v36;
	v22 =	vld.idx.msk [tilespmem:v25+s11+$0x0 ss:$0x1], $0xffff;
	vm0 =	veq.s32 v21, v12  }
0x14c: {  	[tilespmem:s16+$0xFFFFFF80] =	vst v37;
	vm1 =	veq.s32 v21, v6;
	v23 =	vnsel vm0, $0x0, v30  }
0x14d: {  	vm14 =	veq.s32 v21, v3;
	vm4 =	veq.s32 v21, v8;
	v62 =	vnsel vm1, $0x0, v30;
	[tilespmem:s8+$0x0] =	vst v23  }
0x14e: {  	vm15 =	veq.s32 v21, v7;
	vm6 =	veq.s32 v21, v10;
	v63 =	vnsel vm4, $0x0, v30;
	[tilespmem:s8+$0xFFFFFFA0] =	vst v62  }
0x14f: {  	vm5 =	veq.s32 v21, v9;
	vm7 =	veq.s32 v21, v11;
	v21 =	vnsel vm6, $0x0, v30;
	[tilespmem:s8+$0xFFFFFFC0] =	vst v63  }
0x150: {  	v23 =	vnsel vm14, $0x0, v30;
	v22 =	vperm.xlane v22, v31;
	[tilespmem:s8+$0xFFFFFFE0] =	vst v21  }
0x151: {  	[tilespmem:s8+$0xFFFFFF90] =	vst v23;
	v23 =	vnsel vm15, $0x0, v30  }
0x152: {  	[tilespmem:s8+$0xFFFFFFB0] =	vst v23;
	v23 =	vnsel vm5, $0x0, v30;
	v22 =	vand.u32 $0x7F, v22  }
0x153: {  	[tilespmem:s8+$0xFFFFFFD0] =	vst v23;
	v23 =	vnsel vm7, $0x0, v30;
	vm8 =	veq.s32 v22, v3;
	vm9 =	veq.s32 v22, v6  }
0x154: {  	vm10 =	veq.s32 v22, v7;
	vm11 =	veq.s32 v22, v8;
	[tilespmem:s8+$0xFFFFFFF0] =	vst v23;
	v21 =	vnsel vm8, $0x0, v33  }
0x155: {  	vm12 =	veq.s32 v22, v9;
	vm15 =	veq.s32 v22, v12;
	v23 =	vnsel vm9, $0x0, v33;
	[tilespmem:s8+$0xFFFFFF10] =	vst v21  }
0x156: {  	vm13 =	veq.s32 v22, v10;
	vm14 =	veq.s32 v22, v11;
	v22 =	vnsel vm15, $0x0, v33;
	[tilespmem:s8+$0xFFFFFF20] =	vst v23  }
0x157: {  	v21 =	vnsel vm10, $0x0, v33;
	[tilespmem:s8+$0xFFFFFF80] =	vst v22  }
0x158: {  	v23 =	vnsel vm11, $0x0, v33;
	[tilespmem:s8+$0xFFFFFF30] =	vst v21  }
0x159: {  	v21 =	vnsel vm12, $0x0, v33;
	[tilespmem:s8+$0xFFFFFF40] =	vst v23  }
0x15a: {  	s0 =	sadd.s32 $0x1, s0;
	v23 =	vnsel vm13, $0x0, v33;
	[tilespmem:s8+$0xFFFFFF50] =	vst v21  }
0x15b: {  	p1 =	sne.s32 s0, $0x19;
	v21 =	vnsel vm14, $0x0, v33;
	[tilespmem:s8+$0xFFFFFF60] =	vst v23  }
.Ltmp2:
0x15c: {  	[tilespmem:s8+$0xFFFFFF70] =	vst v21;
	(pc) =	sbr.rel @p1 .LBB2_5-.Ltmp2, $4  }
0x15d: {  	[spmem:s2] =	stream.indirect.scatter.add.f32 [tilespmem:s14], [sflag:$0x3], $0x80, s29, s28, $0xb8;
	[tilespmem:$0x1F680] =	vst v63  }
0x15e: {  	_ =	swait.ge [sflag:s15], $0x5000  }
0x15f: {  	[sflag:s15] =	ssyncset.done $0x0  }
0x160: {  	[sflag:s15] =	ssyncadd.s32 $0xFFFFB000  }
0x161: {  	s31 =	sadd.s32 $0x1, s31  }
0x162: {  	p1 =	sne.s32 s31, $0x5  }
.Ltmp3:
0x163: {  	_ = 	snop;
	(pc) =	sbr.rel @p1 .LBB2_4-.Ltmp3, $1  }
0x164: {  	_ =	sdelay $0x3  }
0x165: {  	s0 =	stileid.u32  }
0x166: {  	s0 =	sshll.u32 s0, $0x6  }
0x167: {  	[bflag:$0x0] =	sbarrier.arrive $0xFFFF;
	s1 =	sshrl.u32 s7, $0x3;
	s0 =	sor.u32 $0x1C03, s0  }
0x168: {  	[hbm:s22], [sflag:s0] =	dma.local [spmem:s1], $0x2700  }
0x169: {  	_ =	swait.ge [sflag:s15], $0x2700  }
0x16a: {  	[sflag:s15] =	ssyncset.done $0x0  }
0x16b: {  	[sflag:s15] =	ssyncadd.s32 $0xFFFFD900  }
0x16c: {  	[hbm:s23], [sflag:s0] =	dma.local @!p0 [spmem:s25], $0x80  }
0x16d: {  	s0 =	simm.s32 @!p0 $0x3  }
0x16e: {  	_ =	swait.ge @!p0 [sflag:s0], $0x80  }
0x16f: {  	s4 =	sadd.s32 $0x1, s4;
	s31 =	rddreg [dreg:$0x8]  }
0x170: {  	p1 =	sne.s32 s4, s31  }
.Ltmp4:
0x171: {  	_ = 	snop;
	(pc) =	sbr.rel @p1 .LBB2_1-.Ltmp4, $3  }
0x172: {  	_ =	sdelay $0x1  }
0x173: {  	[sflag:s0] =	ssyncset.done @!p0 $0x0  }
0x174: {  	[sflag:s0] =	ssyncadd.s32 @!p0 $0xFFFFFF80  }
0x175: {  	_ =	sfence.sel $0x180000  }
0x176: {  	[bflag:$0x0] =	sbarrier.arrive $0xFFFF  }
0x177: {  	_ =	strace $0x9000004A  }
0x178: {  	s0 =	stileid.u32;
	[bflag:$0x2] =	sbarrier.arrive $0xFFFF  }
0x179: {  	p0 =	sne.s32 s0, $0x0;
	s0 =	rddreg [dreg:$0x3]  }
0x17a: {  	s0 =	sadd.s32 @!p0 $0x100000, s0  }
0x17b: {  	[sflag:s0] =	ssyncadd.tile.s32 @!p0 $0x1;
	_ =	shalt  }
.Lfunc_end2:
_tile_overlayer_lowered:
.L_overlay_start_2:
0x17c: {  	(tag) =	ssettag $0x2  }
0x17d: {  	s0 =	rddreg [dreg:$0x0];
	s2 =	stileid.u32  }
0x17e: {  	s1 =	rddreg [dreg:$0x1];
	p0 =	sne.s32 s2, $0x0  }
0x17f: {  	s3 =	rddreg [dreg:$0x2];
	[bflag:$0x3] =	sbarrier.arrive $0xFFFF;
	s2 =	simm.s32 @!p0 $0x1C03  }
0x180: {  	[timem:s3], [sflag:s2] =	dma.local @!p0 [hbm:s0], s1  }
0x181: {  	s0 =	simm.s32 @!p0 $0x3  }
0x182: {  	_ =	swait.ge @!p0 [sflag:s0], s1  }
0x183: {  	s1 =	ssub.s32 @!p0 $0x0, s1;
	[sflag:s0] =	ssyncset.done @!p0 $0x0  }
0x184: {  	[sflag:s0] =	ssyncadd.s32 @!p0 s1  }
0x185: {  	[bflag:$0x3] =	sbarrier.arrive $0xFFFF  }
0x186: {  	_ =	shalt  }

// kernel: kernel.8.cloned.1.call-start
scs
__scs_entry_jumppad:
0x0: {  	(pc) =	sbr.rel $0x88, $3  }
0x1: {  	(tag) =	ssettag $0x0;
	lr =	simm.s32 $0x1  }
0x2: {  	[smem:$0x3F8A] =	sst lr;
	_ =	strace $0xD0000000  }
0x3: {  	_ = 	snop  }
0x4: {  	_ = 	snop  }
0x5: {  	_ = 	snop  }
0x6: {  	_ = 	snop  }
0x7: {  	_ = 	snop  }
__scs_overlays_trampoline_lowered:
0x8: {  	[smem:$0x3F99] =	sst s0  }
0x9: {  	[smem:$0x3F9A] =	sst s1  }
0xa: {  	[smem:$0x3F9B] =	sst s2  }
0xb: {  	[smem:$0x3F9C] =	sst s3  }
0xc: {  	[smem:$0x3F9D] =	sst s4  }
0xd: {  	[smem:$0x3F9E] =	sst s5  }
0xe: {  	[smem:$0x3F9F] =	sst s6  }
0xf: {  	[smem:$0x3FA0] =	sst s7  }
0x10: {  	[smem:$0x3FA1] =	sst s8  }
0x11: {  	[smem:$0x3FA2] =	sst s9;
	s0 =	simm.s32 @!p0 $0x0  }
0x12: {  	s1 =	sld [smem:$0x3F88];
	s0 =	simm.s32 @p0 $0x1  }
0x13: {  	[smem:$0x3FA3] =	sst s0;
	s0 =	simm.s32 @!p1 $0x0  }
0x14: {  	s2 =	sld [smem:$0x3F87];
	s0 =	simm.s32 @p1 $0x1  }
0x15: {  	[smem:$0x3FA4] =	sst s0;
	s0 =	simm.s32 @!p2 $0x0  }
0x16: {  	s3 =	sld [smem:$0x3FDB];
	s0 =	simm.s32 @p2 $0x1  }
0x17: {  	s4 =	simm.s32 $0x1BF5;
	[smem:$0x3FA6] =	sst s0  }
0x18: {  	s0 =	sld [smem:$0x3F89];
	_ =	swait.ge [sflag:s4], $0x0  }
0x19: {  	s7 =	sld [smem:$0x3F8A]  }
0x1a: {  	s8 =	sadd.s32 $0xFFFFE003, lr  }
0x1b: {  	s9 =	sadd.s32 $0xFFFFFEF7, lr;
	s5 =	simm.s32 $0xFFFFFFFF;
	p2 =	slt.u32 s8, $0xFFFFF086  }
0x1c: {  	p1 =	slt.u32 s9, $0xF7A;
	s5 =	simm.s32 @!p2 $0x0  }
0x1d: {  	s5 =	simm.s32 @p1 $0x1;
	p0 =	seq.s32 s7, s2  }
0x1e: {  	s7 =	smul.u32 @!p0 $0xF7A, s2;
	p2 =	seq.s32 @!p0 s5, $0x0  }
0x1f: {  	s9 =	smul.u32 $0xF7A, s1;
	s8 =	simm.s32 @!p0 $0x1BF5;
	p2 =	por !p2, p0  }
0x20: {  	[sflag:s8] =	ssyncset.s32 @!p0 $0xFFFFF086;
	s6 =	sadd.s32 @!p0 s3, s7;
	s7 =	simm.s32 @!p0 $0x108  }
0x21: {  	s3 =	sadd.s32 s3, s9;
	s6 =	sadd.s32 @!p0 $0x88, s6;
	s7 =	simm.s32 @p2 $0x1082  }
0x22: {  	[simem:s7], [sflag:s8] =	dma.local @!p0 [hbm:s6], $0xF7A  }
0x23: {  	s9 =	sor.u32 $0xD0000000, s2;
	s6 =	simm.s32 $0x108;
	_ =	swait.ge @!p0 [sflag:s8], $0x0  }
0x24: {  	s3 =	sadd.s32 $0x88, s3;
	s6 =	simm.s32 @!p1 $0x1082;
	[sflag:s4] =	ssyncset.s32 $0xFFFFF086  }
0x25: {  	[simem:s6], [sflag:s4] =	dma.local [hbm:s3], $0xF7A  }
0x26: {  	[smem:$0x3F8A] =	sst s1;
	(tag) =	ssettag s2;
	_ =	strace s9  }
0x27: {  	s1 =	sld [smem:$0x3F9A]  }
0x28: {  	s2 =	sld [smem:$0x3F9B]  }
0x29: {  	s4 =	sld [smem:$0x3F9D]  }
0x2a: {  	p0 =	seq.s32 s5, $0x0;
	s5 =	sld [smem:$0x3F9E]  }
0x2b: {  	s6 =	sld [smem:$0x3F9F]  }
0x2c: {  	s7 =	sld [smem:$0x3FA0]  }
0x2d: {  	s3 =	simm.s32 $0x108;
	s8 =	sld [smem:$0x3FA1]  }
0x2e: {  	s3 =	simm.s32 @!p0 $0x1082;
	s9 =	sld [smem:$0x3FA2]  }
0x2f: {  	lr =	sadd.s32 s0, s3;
	s0 =	sld [smem:$0x3F99]  }
0x30: {  	s3 =	sld [smem:$0x3F9C]  }
0x31: {  	[smem:$0x3FA5] =	sst s10  }
0x32: {  	s10 =	sld [smem:$0x3FA3];
	_ =	sdelay $0x3  }
0x33: {  	p0 =	seq.s32 s10, $0x1;
	s10 =	sld [smem:$0x3FA5];
	_ =	sdelay $0x3  }
0x34: {  	[smem:$0x3FA5] =	sst s10  }
0x35: {  	s10 =	sld [smem:$0x3FA4];
	_ =	sdelay $0x3  }
0x36: {  	p1 =	seq.s32 s10, $0x1;
	s10 =	sld [smem:$0x3FA5];
	_ =	sdelay $0x3  }
0x37: {  	[smem:$0x3FA5] =	sst s10  }
0x38: {  	s10 =	sld [smem:$0x3FA6]  }
0x39: {  	_ = 	snop;
	(pc) =	sbr.ind lr, $3  }
0x3a: {  	_ = 	snop  }
0x3b: {  	_ = 	snop  }
0x3c: {  	p2 =	seq.s32 s10, $0x1;
	s10 =	sld [smem:$0x3FA5]  }
0x3d: {  	_ =	shalt  }
0x3e: {  	_ =	shalt  }
0x3f: {  	_ =	shalt  }
0x40: {  	_ =	shalt  }
0x41: {  	_ =	shalt  }
0x42: {  	_ =	shalt  }
0x43: {  	_ =	shalt  }
0x44: {  	_ =	shalt  }
0x45: {  	_ =	shalt  }
0x46: {  	_ =	shalt  }
0x47: {  	_ =	shalt  }
0x48: {  	_ =	shalt  }
0x49: {  	_ =	shalt  }
0x4a: {  	_ =	shalt  }
0x4b: {  	_ =	shalt  }
0x4c: {  	_ =	shalt  }
0x4d: {  	_ =	shalt  }
0x4e: {  	_ =	shalt  }
0x4f: {  	_ =	shalt  }
0x50: {  	_ =	shalt  }
0x51: {  	_ =	shalt  }
0x52: {  	_ =	shalt  }
0x53: {  	_ =	shalt  }
0x54: {  	_ =	shalt  }
0x55: {  	_ =	shalt  }
0x56: {  	_ =	shalt  }
0x57: {  	_ =	shalt  }
0x58: {  	_ =	shalt  }
0x59: {  	_ =	shalt  }
0x5a: {  	_ =	shalt  }
0x5b: {  	_ =	shalt  }
0x5c: {  	_ =	shalt  }
0x5d: {  	_ =	shalt  }
0x5e: {  	_ =	shalt  }
0x5f: {  	_ =	shalt  }
0x60: {  	_ =	shalt  }
0x61: {  	_ =	shalt  }
0x62: {  	_ =	shalt  }
0x63: {  	_ =	shalt  }
0x64: {  	_ =	shalt  }
0x65: {  	_ =	shalt  }
0x66: {  	_ =	shalt  }
0x67: {  	_ =	shalt  }
0x68: {  	_ =	shalt  }
0x69: {  	_ =	shalt  }
0x6a: {  	_ =	shalt  }
0x6b: {  	_ =	shalt  }
0x6c: {  	_ =	shalt  }
0x6d: {  	_ =	shalt  }
0x6e: {  	_ =	shalt  }
0x6f: {  	_ =	shalt  }
0x70: {  	_ =	shalt  }
0x71: {  	_ =	shalt  }
0x72: {  	_ =	shalt  }
0x73: {  	_ =	shalt  }
0x74: {  	_ =	shalt  }
0x75: {  	_ =	shalt  }
0x76: {  	_ =	shalt  }
0x77: {  	_ =	shalt  }
0x78: {  	_ =	shalt  }
0x79: {  	_ =	shalt  }
0x7a: {  	_ =	shalt  }
0x7b: {  	_ =	shalt  }
0x7c: {  	_ =	shalt  }
0x7d: {  	_ =	shalt  }
0x7e: {  	_ =	shalt  }
0x7f: {  	_ =	shalt  }
0x80: {  	_ =	shalt  }
0x81: {  	_ =	shalt  }
0x82: {  	_ =	shalt  }
0x83: {  	_ =	shalt  }
0x84: {  	_ =	shalt  }
0x85: {  	_ =	shalt  }
0x86: {  	_ =	shalt  }
0x87: {  	_ =	shalt  }
.Lfunc_end0:
.L_simem_size_0:
called_computation_lowered:
.L_overlay_start_0:
0x88: {  	s2 =	sld [smem:$0x3FD9]  }
0x89: {  	s3 =	sld [smem:$0x3FFE];
	_ =	sdelay $0x1  }
0x8a: {  	s1 =	srdreg.scid  }
0x8b: {  	s0 =	sand.u32 $0x1, s1  }
0x8c: {  	s14 =	sshll.u32 s0, $0xA;
	s2 =	sadd.s32 s3, s2  }
0x8d: {  	s2 =	sadd.s32 s2, s14  }
0x8e: {  	[smem:$0x3FB1] =	sst s2  }
0x8f: {  	_ = 	snop  }
0x90: {  	s2 =	sld [smem:$0x3FD0];
	_ =	sdelay $0x2  }
0x91: {  	s4 =	simm.s32 $0xA;
	s5 =	simm.s32 $0x10;
	s15 =	sld [smem:$0x3FBA]  }
0x92: {  	[smem:s5], [sflag:s4] =	dma.local [hbm:s2], $0x1  }
0x93: {  	_ =	swait.eq [sflag:s4], $0x1  }
0x94: {  	[sflag:s4] =	ssyncset.done $0x0  }
0x95: {  	[sflag:s4] =	ssyncadd.s32 $0xFFFFFFFF  }
0x96: {  	s16 =	sld [smem:$0x11];
	(tm) =	ssettm $0x1  }
0x97: {  	s17 =	sld [smem:$0x3FFB];
	_ =	sdelay $0x3  }
0x98: {  	_ =	strace s17  }
0x99: {  	s4 =	sld [smem:$0x3FFC];
	_ =	sdelay $0x3  }
0x9a: {  	_ =	strace s4  }
0x9b: {  	s4 =	sld [smem:$0x3FFD];
	_ =	sdelay $0x3  }
0x9c: {  	_ =	strace s4  }
0x9d: {  	_ =	strace $0x8FFFFFFF  }
0x9e: {  	s18 =	sld [smem:$0x3FDB];
	_ =	sdelay $0x1  }
0x9f: {  	s19 =	simm.s32 $_scs_section_size  }
0xa0: {  	s6 =	simm.s32 $_size__tile_overlayer_lowered;
	s7 =	simm.s32 $_tile_overlayer_lowered  }
0xa1: {  	s22 =	simm.s32 $0x1BFF;
	s21 =	sshll.u32 s7, $0x1;
	s4 =	sadd.s32 s19, s18  }
0xa2: {  	s8 =	simm.s32 $0x0;
	s20 =	sshll.u32 s6, $0x1;
	s6 =	sadd.s32 s21, s4  }
0xa3: {  	[timem:s8], [sflag:s22] =	dma.local [hbm:s6], s20  }
0xa4: {  	_ =	swait.ge [sflag:s22], s20  }
0xa5: {  	s5 =	ssub.s32 $0x0, s20;
	[sflag:s22] =	ssyncset.done $0x0  }
0xa6: {  	[sflag:s22] =	ssyncadd.s32 s5;
	_ =	sdelay $0x1  }
0xa7: {  	s23 =	simm.s32 $0x1B8B  }
0xa8: {  	_ =	swait.ge [sflag:s23], $0x1  }
0xa9: {  	[sflag:s23] =	ssyncset.done $0x0  }
0xaa: {  	s25 =	simm.s32 $0x1B8E;
	s24 =	sld [smem:$0x3FFE];
	[sflag:s23] =	ssyncadd.s32 $0xFFFFFFFF  }
0xab: {  	s26 =	simm.s32 $execute0_lowered;
	[smem:$0x3FD2] =	sst s25  }
0xac: {  	s6 =	sshll.u32 s26, $0x1;
	_ =	strace $0x80000046;
	[dreg:$0x1] =	wrdreg $0xFFFFFFFF  }
0xad: {  	s28 =	simm.s32 $_size_execute0_lowered;
	s4 =	sadd.s32 s4, s6;
	[dreg:$0x0] =	wrdreg $0x0  }
0xae: {  	s6 =	sshll.u32 s28, $0x1;
	[dreg:$0x2] =	wrdreg s4  }
0xaf: {  	[dreg:$0x3] =	wrdreg s6  }
0xb0: {  	[dreg:$0x4] =	wrdreg $0xC0  }
0xb1: {  	_ =	task [dreg:s8], $0x5FFFF  }
0xb2: {  	[dreg:$0x1] =	wrdreg $0xFFFFFFFF  }
0xb3: {  	[dreg:$0x0] =	wrdreg $0x60  }
0xb4: {  	[dreg:$0x2] =	wrdreg s24  }
0xb5: {  	[dreg:$0x3] =	wrdreg s16  }
0xb6: {  	[dreg:$0x4] =	wrdreg s15  }
0xb7: {  	[dreg:$0x5] =	wrdreg $0xBC000  }
0xb8: {  	[dreg:$0x6] =	wrdreg $0x9  }
0xb9: {  	_ =	task.clear_ibuf [dreg:s8], $0x7FFFF;
	_ =	strace $0x90000046  }
0xba: {  	s29 =	simm.s32 $0x9;
	_ =	strace $0x80000048  }
0xbb: {  	_ =	swait.ge [sflag:s29], $0x1  }
0xbc: {  	[sflag:s29] =	ssyncadd.s32 $0xFFFFFFFF  }
0xbd: {  	_ =	strace $0x90000048  }
0xbe: {  	_ =	sfence  }
0xbf: {  	s30 =	sld [smem:$0x0];
	_ =	sdelay $0x2  }
0xc0: {  	s31 =	sshll.u32 s1, $0xD;
	s1 =	sshrl.u32 s1, $0x2  }
0xc1: {  	s3 =	sand.u32 $0x4000, s31;
	s1 =	sadd.s32 s1, s30  }
0xc2: {  	s0 =	sor.u32 s3, s0;
	s1 =	sshll.u32 s1, $0x11  }
0xc3: {  	s0 =	sor.u32 s1, s0  }
0xc4: {  	s0 =	sadd.s32 $0x8F2B, s0  }
0xc5: {  	[sflag:s0] =	ssyncadd.remote.s32 $0x1  }
0xc6: {  	_ =	sfence.sel $0xFFFF  }
0xc7: {  	[dreg:$0x0] =	wrdreg $0xFFFFFFFF;
	(pc) =	sbr.abs _section_cstart, $3  }
0xc8: {  	[dreg:$0x1] =	wrdreg $0xFFFFFFFF  }
0xc9: {  	_ =	task.clear_ibuf [dreg:s8], $0x2FFFF;
	_ =	strace $0x9FFFFFFF  }
0xca: {  	(tm) =	ssettm $0x7FFFFFFF  }
0xcb: {  	_ =	shalt  }
tec
execute0_lowered:
.L_overlay_start_1:
0x0: {  	(tag) =	ssettag $0x1  }
0x1: {  	s0 =	rddreg [dreg:$0x0]  }
0x2: {  	s2 =	rddreg [dreg:$0x1]  }
0x3: {  	s4 =	rddreg [dreg:$0x3];
	s7 =	stileid.u32;
	s8 =	simm.s32 $0x0  }
0x4: {  	s3 =	srdreg.scid;
	s14 =	simm.s32 $0x6B80;
	s15 =	simm.s32 $0x4  }
0x5: {  	s28 =	simm.s32 $0x2;
	s29 =	simm.s32 $0x3;
	s30 =	simm.s32 $0xA0  }
0x6: {  	s31 =	simm.s32 $0x1A80;
	s1 =	smul.u32 $0x4E000, s7;
	[smem:$0x7FF] =	sst s8  }
0x7: {  	s3 =	sand.u32 $0x1, s3;
	s16 =	sadd.s32 $0x4600, s0;
	s18 =	sshll.u32 s7, $0x1  }
0x8: {  	v0 =	vimm.s32 $0xFEDCBA98;
	v1 =	vimm.s32 $0x76543210;
	s21 =	sshll.u32 s7, $0xA;
	s23 =	sshll.u32 s7, $0x3;
	s25 =	smul.u32 $0x2700, s7  }
0x9: {  	v3 =	vimm.s32 $0x32107654;
	p0 =	sgt.u32 s7, $0xB;
	_ =	strace $0x80000047;
	s5 =	smul.u32 $0x27600, s3  }
0xa: {  	v4 =	vimm.s32 $0xDCFE98BA;
	v5 =	vimm.s32 $0x54761032;
	v0 =	vunpack.c.l.s4.s8 v0;
	s6 =	ssub.s32 $0x2, s3;
	[dreg:$0x7] =	wrdreg s16;
	s3 =	sor.u32 s3, s18  }
0xb: {  	v6 =	vimm.s32 $0xEFCDAB89;
	v7 =	vimm.s32 $0x67452301;
	s22 =	sadd.s32 s21, s4;
	s24 =	sor.u32 $0x2700, s23;
	s18 =	simm.s32 $0x1900  }
0xc: {  	v1 =	vunpack.c.l.s4.s8 v1;
	s21 =	simm.s32 $0x4380;
	s1 =	sshrl.u32 s1, $0x2;
	s17 =	sshrl.u32 s6, $0x1;
	v2 =	vunpack.c.0.s8.s32 v0;
	v0 =	vimm.s32 $0xBA98FEDC  }
0xd: {  	v3 =	vunpack.c.l.s4.s8 v3;
	v4 =	vunpack.c.l.s4.s8 v4;
	s12 =	smul.u32 $0x7D, s3;
	s0 =	sadd.s32 s5, s0;
	v0 =	vunpack.c.l.s4.s8 v0;
	s5 =	sadd.s32 $0x138000, s22  }
0xe: {  	v5 =	vunpack.c.l.s4.s8 v5;
	v6 =	vunpack.c.l.s4.s8 v6;
	v7 =	vunpack.c.l.s4.s8 v7;
	s3 =	sshll.u32 s24, $0x4;
	s9 =	sadd.s32 s1, s4;
	[dreg:$0xb] =	wrdreg s5  }
0xf: {  	v3 =	vunpack.c.0.s8.s32 v3;
	v4 =	vunpack.c.0.s8.s32 v4;
	s1 =	ssub.s32 s6, s17;
	s10 =	sadd.s32 $0x5000, s9;
	[dreg:$0x6] =	wrdreg s9;
	v8 =	vunpack.c.0.s8.s32 v0  }
0x10: {  	v5 =	vunpack.c.0.s8.s32 v5;
	v6 =	vunpack.c.0.s8.s32 v6;
	v7 =	vunpack.c.0.s8.s32 v7;
	s6 =	sshll.u32 s24, $0x7;
	s19 =	sadd.s32 $0xA000, s9;
	[dreg:$0x8] =	wrdreg s10  }
0x11: {  	v1 =	vunpack.c.0.s8.s32 v1;
	s17 =	simm.s32 $0x50;
	s20 =	sadd.s32 $0xF000, s9;
	v2 =	vand.u32 $0xF, v2;
	[dreg:$0x9] =	wrdreg s19;
	v3 =	vcombine.low v3, v8  }
0x12: {  	s0 =	sadd.s32 $0x23A00, s0;
	s1 =	smax.u32 s1, $0x1;
	v4 =	vcombine.low v5, v4;
	v5 =	vcombine.low v7, v6;
	[dreg:$0xa] =	wrdreg s20;
	v0 =	vimm.f32 $0.0e+00  }
0x13: {  	s24 =	simm.s32 $0x1980;
	[dreg:$0xc] =	wrdreg s1;
	v1 =	vcombine.low v2, v1;
	s26 =	sadd.s32 s25, s0;
	v2 =	vand.u32 $0xF, v3;
	v3 =	vlaneseq.u32  }
0x14: {  	s6 =	sadd.s32 s6, s4;
	s0 =	sadd.s32 @!p0 s3, s0;
	[dreg:$0xd] =	wrdreg s26;
	v4 =	vand.u32 $0xF, v4;
	v5 =	vand.u32 $0xF, v5;
	v6 =	vor.u32 $0x10, v3  }
0x15: {  	s19 =	simm.s32 $0x1B80;
	[dreg:$0xe] =	wrdreg s0;
	s0 =	sshrl.u32 @!p0 s6, $0x3;
	v7 =	vor.u32 $0x20, v3;
	v8 =	vor.u32 $0x30, v3;
	v9 =	vor.u32 $0x40, v3  }
0x16: {  	s20 =	simm.s32 $0x1A00;
	s26 =	simm.s32 $0x1;
	[dreg:$0xf] =	wrdreg s0;
	v10 =	vor.u32 $0x50, v3;
	v11 =	vor.u32 $0x60, v3;
	v12 =	vor.u32 $0x70, v3  }
.LBB2_1:
0x17: {  	[dreg:$0x5] =	wrdreg s8;
	s0 =	simm.s32 $0x0;
	s1 =	simm.s32 $0x200  }
.LBB2_2:
0x18: {  	p1 =	sne.s32 s1, $0x13E00;
	[tilespmem:s0+$0x6BF0] =	vst v0  }
0x19: {  	[tilespmem:s0+$0x6B80] =	vst v0  }
0x1a: {  	[tilespmem:s0+$0x6B90] =	vst v0  }
.Ltmp0:
0x1b: {  	[tilespmem:s0+$0x6BA0] =	vst v0;
	(pc) =	sbr.rel @p1 .LBB2_2-.Ltmp0, $4  }
0x1c: {  	[tilespmem:s0+$0x6BB0] =	vst v0  }
0x1d: {  	[tilespmem:s0+$0x6BC0] =	vst v0  }
0x1e: {  	[tilespmem:s0+$0x6BD0] =	vst v0  }
0x1f: {  	[tilespmem:s0+$0x6BE0] =	vst v0;
	s0 =	sshra.s32 s1, $0x2;
	s1 =	sadd.s32 $0x200, s1  }
0x20: {  	[tilespmem:s0+$0x6BF0] =	vst v0  }
0x21: {  	[tilespmem:s0+$0x6B80] =	vst v0  }
0x22: {  	[tilespmem:s0+$0x6B90] =	vst v0  }
0x23: {  	[tilespmem:s0+$0x6BA0] =	vst v0  }
0x24: {  	[tilespmem:s0+$0x6BB0] =	vst v0  }
0x25: {  	[tilespmem:s0+$0x6BC0] =	vst v0  }
0x26: {  	[tilespmem:s0+$0x6BD0] =	vst v0  }
0x27: {  	[tilespmem:s0+$0x6BE0] =	vst v0  }
0x28: {  	[spmem:s9] =	stream.linear.scatter [tilespmem:s14], [sflag:$0x4], $0x5000, $0x38;
	[tilespmem:$0x1F700] =	vst v63  }
0x29: {  	_ =	swait.ge [sflag:s15], $0x5000  }
0x2a: {  	[sflag:s15] =	ssyncset.done $0x0  }
0x2b: {  	s16 =	rddreg [dreg:$0x8];
	[sflag:s15] =	ssyncadd.s32 $0xFFFFB000  }
0x2c: {  	[spmem:s16] =	stream.linear.scatter [tilespmem:s14], [sflag:$0x4], $0x5000, $0x38;
	[tilespmem:$0x1F700] =	vst v63  }
0x2d: {  	_ =	swait.ge [sflag:s15], $0x5000  }
0x2e: {  	[sflag:s15] =	ssyncset.done $0x0  }
0x2f: {  	s22 =	rddreg [dreg:$0x9];
	[sflag:s15] =	ssyncadd.s32 $0xFFFFB000  }
0x30: {  	[spmem:s22] =	stream.linear.scatter [tilespmem:s14], [sflag:$0x4], $0x5000, $0x38;
	[tilespmem:$0x1F700] =	vst v63  }
0x31: {  	_ =	swait.ge [sflag:s15], $0x5000  }
0x32: {  	[sflag:s15] =	ssyncset.done $0x0  }
0x33: {  	s23 =	rddreg [dreg:$0xa];
	[sflag:s15] =	ssyncadd.s32 $0xFFFFB000  }
0x34: {  	[spmem:s23] =	stream.linear.scatter [tilespmem:s14], [sflag:$0x4], $0x4800, $0x38;
	[tilespmem:$0x1F700] =	vst v63  }
0x35: {  	_ =	swait.ge [sflag:s15], $0x4800  }
0x36: {  	[sflag:s15] =	ssyncset.done $0x0  }
0x37: {  	s0 =	simm.s32 @!p0 $0x6B80;
	s1 =	rddreg [dreg:$0xb];
	[sflag:s15] =	ssyncadd.s32 $0xFFFFB800  }
0x38: {  	[spmem:s1] =	stream.linear.scatter @!p0 [tilespmem:s0], [sflag:$0x4], $0x400, $0x38;
	[tilespmem:$0x1F700] =	vst v63  }
0x39: {  	s0 =	simm.s32 @!p0 $0x4  }
0x3a: {  	_ =	swait.ge @!p0 [sflag:s0], $0x400  }
0x3b: {  	[sflag:s0] =	ssyncset.done @!p0 $0x0  }
0x3c: {  	[sflag:s0] =	ssyncadd.s32 @!p0 $0xFFFFFC00  }
0x3d: {  	s3 =	simm.s32 $0x0;
	s25 =	simm.s32 $0xBB80;
	s0 =	rddreg [dreg:$0x2]  }
0x3e: {  	[tilespmem:s25], [sflag:$0x4] =	stream.linear.gather [hbm4b:s0+s3], $0x80, $0x38;
	[tilespmem:$0x1F700] =	vst v63  }
0x3f: {  	_ =	swait.ge [sflag:s15], $0x80  }
0x40: {  	[sflag:s15] =	ssyncset.done $0x0  }
0x41: {  	[sflag:s15] =	ssyncadd.s32 $0xFFFFFF80  }
0x42: {  	s3 =	simm.s32 $0x0;
	[bflag:$0x0] =	sbarrier.arrive $0xFFFF  }
.LBB2_4:
0x43: {  	s1 =	smul.u32 $0x19, s3;
	_ =	sdelay $0x1  }
0x44: {  	s1 =	sadd.s32 s12, s1  }
0x45: {  	s0 =	rddreg [dreg:$0x7];
	s1 =	sshll.u32 s1, $0x5  }
0x46: {  	s25 =	simm.s32 $0x0;
	s1 =	sadd.s32 s0, s1  }
0x47: {  	[tilespmem:s25], [sflag:$0x4] =	stream.linear.gather [hbm4b:s1+s25], $0x1900, $0x38;
	[tilespmem:$0x1F700] =	vst v63  }
0x48: {  	_ =	swait.ge [sflag:s15], $0x1900  }
0x49: {  	[sflag:s15] =	ssyncset.done $0x0  }
0x4a: {  	s16 =	simm.s32 $0x0;
	[sflag:s15] =	ssyncadd.s32 $0xFFFFE700  }
.LBB2_5:
0x4b: {  	s1 =	sshll.u32 s16, $0xA  }
0x4c: {  	s6 =	sshra.s32 s1, $0x2  }
0x4d: {  	v14 =	vld [tilespmem:s6+$0x80]  }
0x4e: {  	v13 =	vld [tilespmem:s6+$0x0];
	_ =	sdelay $0x3  }
0x4f: {  	[tilespmem:$0x1A00] =	vst v14  }
0x50: {  	v15 =	vadd.s32 $0x2710, v13;
	v13 =	vadd.s32 $0x4E20, v13;
	[tilespmem:$0x1A80] =	vst v14  }
0x51: {  	[tilespmem:$0x1980] =	vst v13;
	v13 =	vshrl.u32 v14, $0x7  }
0x52: {  	[tilespmem:$0x1900] =	vst v15;
	v13 =	vadd.s32 $0x2710, v13  }
0x53: {  	[tilespmem:$0x1AD0] =	vst v13  }
0x54: {  	v14 =	vld [tilespmem:s6+$0x90]  }
0x55: {  	v13 =	vld [tilespmem:s6+$0x10];
	_ =	sdelay $0x3  }
0x56: {  	[tilespmem:$0x1A10] =	vst v14  }
0x57: {  	v15 =	vadd.s32 $0x2710, v13;
	v13 =	vadd.s32 $0x4E20, v13;
	[tilespmem:$0x1A90] =	vst v14  }
0x58: {  	[tilespmem:$0x1990] =	vst v13;
	v13 =	vshrl.u32 v14, $0x7  }
0x59: {  	[tilespmem:$0x1910] =	vst v15;
	v13 =	vadd.s32 $0x2710, v13  }
0x5a: {  	[tilespmem:$0x1AE0] =	vst v13  }
0x5b: {  	v14 =	vld [tilespmem:s6+$0xA0]  }
0x5c: {  	v13 =	vld [tilespmem:s6+$0x20];
	_ =	sdelay $0x3  }
0x5d: {  	[tilespmem:$0x1A20] =	vst v14  }
0x5e: {  	v15 =	vadd.s32 $0x2710, v13;
	v13 =	vadd.s32 $0x4E20, v13;
	[tilespmem:$0x1AA0] =	vst v14  }
0x5f: {  	[tilespmem:$0x19A0] =	vst v13;
	v13 =	vshrl.u32 v14, $0x7  }
0x60: {  	[tilespmem:$0x1920] =	vst v15;
	v13 =	vadd.s32 $0x2710, v13  }
0x61: {  	[tilespmem:$0x1AF0] =	vst v13  }
0x62: {  	v14 =	vld [tilespmem:s6+$0xB0]  }
0x63: {  	v13 =	vld [tilespmem:s6+$0x30];
	_ =	sdelay $0x3  }
0x64: {  	[tilespmem:$0x1A30] =	vst v14  }
0x65: {  	v15 =	vadd.s32 $0x2710, v13;
	v13 =	vadd.s32 $0x4E20, v13;
	[tilespmem:$0x1AB0] =	vst v14  }
0x66: {  	[tilespmem:$0x19B0] =	vst v13;
	v13 =	vshrl.u32 v14, $0x7  }
0x67: {  	[tilespmem:$0x1930] =	vst v15;
	v13 =	vadd.s32 $0x2710, v13  }
0x68: {  	[tilespmem:$0x1B00] =	vst v13  }
0x69: {  	v14 =	vld [tilespmem:s6+$0xC0]  }
0x6a: {  	v13 =	vld [tilespmem:s6+$0x40];
	_ =	sdelay $0x3  }
0x6b: {  	[tilespmem:$0x1A40] =	vst v14  }
0x6c: {  	v15 =	vadd.s32 $0x2710, v13;
	v13 =	vadd.s32 $0x4E20, v13;
	[tilespmem:$0x1AC0] =	vst v14  }
0x6d: {  	[tilespmem:$0x19C0] =	vst v13;
	v13 =	vshrl.u32 v14, $0x7  }
0x6e: {  	[tilespmem:$0x1940] =	vst v15;
	v13 =	vadd.s32 $0x2710, v13  }
0x6f: {  	[tilespmem:$0x1B10] =	vst v13  }
0x70: {  	[tilespmem:s19], [sflag:$0x1] =	stream.indirect.gather [hbm4b:s2+s17], $0x80, s18, s17, $0xb8;
	[tilespmem:$0x1F700] =	vst v63  }
0x71: {  	_ = 	snop  }
0x72: {  	[tilespmem:s21], [sflag:$0x2] =	stream.indirect.gather [hbm4b:s2+s17], $0x80, s20, s17, $0xb8;
	[tilespmem:$0x1F700] =	vst v63  }
0x73: {  	s1 =	simm.s32 $0x6B80  }
0x74: {  	[tilespmem:s1], [sflag:$0x3] =	stream.indirect.gather [hbm4b:s2+s17], $0x80, s24, s17, $0xb8;
	[tilespmem:$0x1F700] =	vst v63  }
0x75: {  	_ =	swait.ge [sflag:s26], $0x2800  }
0x76: {  	[sflag:s26] =	ssyncset.done $0x0  }
0x77: {  	[sflag:s26] =	ssyncadd.s32 $0xFFFFD800  }
0x78: {  	_ =	swait.ge [sflag:s28], $0x2800  }
0x79: {  	[sflag:s28] =	ssyncset.done $0x0  }
0x7a: {  	[sflag:s28] =	ssyncadd.s32 $0xFFFFD800  }
0x7b: {  	_ =	swait.ge [sflag:s29], $0x2800  }
0x7c: {  	[sflag:s29] =	ssyncset.done $0x0  }
0x7d: {  	s5 =	simm.s32 $0x4400;
	[sflag:s29] =	ssyncadd.s32 $0xFFFFD800  }
0x7e: {  	v13 =	vld [tilespmem:s5+$0xFFFFFFF0]  }
0x7f: {  	v14 =	vld [tilespmem:s5+$0x70]  }
0x80: {  	v15 =	vld [tilespmem:s5+$0xFFFFFFD0]  }
0x81: {  	v16 =	vld [tilespmem:s5+$0x60]  }
0x82: {  	v17 =	vld [tilespmem:s5+$0xFFFFFFC0]  }
0x83: {  	v18 =	vld [tilespmem:s5+$0x50]  }
0x84: {  	v19 =	vld [tilespmem:s5+$0xFFFFFFB0]  }
0x85: {  	s8 =	simm.s32 $0x1C00;
	v20 =	vld [tilespmem:s5+$0x30]  }
0x86: {  	v21 =	vld [tilespmem:s8+$0x30]  }
0x87: {  	v22 =	vld [tilespmem:s5+$0x20]  }
0x88: {  	v23 =	vld [tilespmem:s8+$0x20]  }
0x89: {  	v24 =	vld [tilespmem:s5+$0x10]  }
0x8a: {  	v25 =	vld [tilespmem:s5+$0x0]  }
0x8b: {  	v26 =	vld [tilespmem:s8+$0x0]  }
0x8c: {  	v27 =	vld [tilespmem:s8+$0x10]  }
0x8d: {  	v28 =	vld [tilespmem:s5+$0xFFFFFF80]  }
0x8e: {  	v29 =	vld [tilespmem:s8+$0xFFFFFF80]  }
0x8f: {  	v30 =	vld [tilespmem:s5+$0xFFFFFF90]  }
0x90: {  	v31 =	vld [tilespmem:s8+$0xFFFFFF90];
	v25 =	vmul.f32 v25, v26  }
0x91: {  	v32 =	vld [tilespmem:s8+$0x40]  }
0x92: {  	v26 =	vld [tilespmem:s5+$0xFFFFFFA0];
	v24 =	vmul.f32 v24, v27;
	v25 =	vadd.f32 $0.0e+00, v25  }
0x93: {  	v27 =	vld [tilespmem:s5+$0x40]  }
0x94: {  	v22 =	vmul.f32 v22, v23;
	v23 =	vld [tilespmem:s8+$0xFFFFFFA0];
	v24 =	vadd.f32 v24, v25  }
0x95: {  	v25 =	vmul.f32 v28, v29;
	v28 =	vld [tilespmem:s8+$0x50]  }
0x96: {  	v20 =	vmul.f32 v20, v21;
	v29 =	vld [tilespmem:s8+$0xFFFFFFB0];
	v22 =	vadd.f32 v22, v24  }
0x97: {  	v21 =	vadd.f32 $0.0e+00, v25;
	v24 =	vmul.f32 v30, v31;
	v25 =	vld [tilespmem:s8+$0x60]  }
0x98: {  	v30 =	vld [tilespmem:s8+$0xFFFFFFC0];
	v20 =	vadd.f32 v20, v22;
	v22 =	vmul.f32 v27, v32  }
0x99: {  	v21 =	vadd.f32 v24, v21;
	v24 =	vld [tilespmem:s8+$0x70]  }
0x9a: {  	v61 =	vld [tilespmem:s1+$0xA0];
	v23 =	vmul.f32 v26, v23;
	v18 =	vmul.f32 v18, v28;
	v20 =	vadd.f32 v22, v20  }
0x9b: {  	v26 =	vld [tilespmem:s8+$0xFFFFFFD0];
	v19 =	vmul.f32 v19, v29  }
0x9c: {  	v22 =	vld [tilespmem:s5+$0xFFFFFFE0];
	v21 =	vadd.f32 v23, v21;
	v18 =	vadd.f32 v18, v20;
	v20 =	vmul.f32 v16, v25  }
0x9d: {  	v23 =	vld [tilespmem:s8+$0xFFFFFFE0];
	v17 =	vmul.f32 v17, v30  }
0x9e: {  	v33 =	vld [tilespmem:s1+$0x80];
	v19 =	vadd.f32 v19, v21;
	v14 =	vmul.f32 v14, v24;
	v18 =	vadd.f32 v20, v18  }
0x9f: {  	s11 =	simm.s32 $0x4500;
	v21 =	vld [tilespmem:s8+$0xFFFFFFF0]  }
0xa0: {  	v37 =	vld [tilespmem:s11+$0xFFFFFFC0];
	v15 =	vmul.f32 v15, v26;
	v17 =	vadd.f32 v17, v19;
	v14 =	vadd.f32 v14, v18  }
0xa1: {  	v38 =	vld [tilespmem:s11+$0x50]  }
0xa2: {  	s22 =	simm.s32 $0x1D00;
	v39 =	vld [tilespmem:s11+$0x30];
	v15 =	vadd.f32 v15, v17;
	v17 =	vmul.f32 v22, v23;
	v18 =	vperm.xlane v14, v1  }
0xa3: {  	v40 =	vld [tilespmem:s22+$0x30]  }
0xa4: {  	v41 =	vld [tilespmem:s22+$0x20];
	v13 =	vmul.f32 v13, v21;
	v15 =	vadd.f32 v17, v15;
	v14 =	vadd.f32 v14, v18  }
0xa5: {  	v42 =	vld [tilespmem:s11+$0x10]  }
0xa6: {  	v43 =	vld [tilespmem:s22+$0x10];
	v13 =	vadd.f32 v13, v15;
	v15 =	vperm.xlane v14, v2  }
0xa7: {  	v44 =	vld [tilespmem:s11+$0x0]  }
0xa8: {  	v45 =	vld [tilespmem:s22+$0x0];
	v17 =	vperm.xlane v13, v1;
	v14 =	vadd.f32 v14, v15  }
0xa9: {  	v46 =	vld [tilespmem:s11+$0xFFFFFF80]  }
0xaa: {  	v47 =	vld [tilespmem:s22+$0xFFFFFF80];
	v13 =	vadd.f32 v13, v17;
	v17 =	vperm.xlane v14, v4  }
0xab: {  	v48 =	vld [tilespmem:s11+$0xFFFFFF90]  }
0xac: {  	v49 =	vld [tilespmem:s22+$0xFFFFFF90];
	v18 =	vperm.xlane v13, v2;
	v14 =	vadd.f32 v14, v17  }
0xad: {  	v62 =	vld [tilespmem:s11+$0xFFFFFFA0]  }
0xae: {  	v52 =	vld [tilespmem:s22+$0xFFFFFFA0];
	v13 =	vadd.f32 v13, v18;
	v34 =	vperm.xlane v14, v5  }
0xaf: {  	v54 =	vld [tilespmem:s11+$0x40]  }
0xb0: {  	v55 =	vld [tilespmem:s22+$0x40];
	v35 =	vperm.xlane v13, v4;
	v14 =	vadd.f32 v14, v34  }
0xb1: {  	v58 =	vld [tilespmem:s22+$0x50]  }
0xb2: {  	v60 =	vld [tilespmem:s22+$0x60];
	v13 =	vadd.f32 v13, v35;
	v14 =	vmul.f32 $8.838834610e-02, v14  }
0xb3: {  	v31 =	vld [tilespmem:s1+$0xF0]  }
0xb4: {  	v27 =	vld [tilespmem:s1+$0x0];
	v36 =	vperm.xlane v13, v5;
	v14 =	vmul.f32 $1.442695020e+00, v14  }
0xb5: {  	v28 =	vld [tilespmem:s1+$0xB0]  }
0xb6: {  	v29 =	vld [tilespmem:s1+$0x70];
	v13 =	vadd.f32 v13, v36;
	(erf) = vpow2.f32 v14  }
0xb7: {  	v26 =	vld [tilespmem:s1+$0x60]  }
0xb8: {  	v30 =	vld [tilespmem:s1+$0xE0];
	v13 =	vmul.f32 $8.838834610e-02, v13  }
0xb9: {  	v16 =	vld [tilespmem:s1+$0x20]  }
0xba: {  	v25 =	vld [tilespmem:s1+$0x30];
	v13 =	vmul.f32 $1.442695020e+00, v13  }
0xbb: {  	v24 =	vld [tilespmem:s1+$0x40]  }
0xbc: {  	v20 =	vld [tilespmem:s1+$0x10];
	(erf) = vpow2.f32 v13  }
0xbd: {  	v15 =	vld [tilespmem:s1+$0xD0]  }
0xbe: {  	v14 =	vld [tilespmem:s11+$0x20]  }
0xbf: {  	v19 =	vld [tilespmem:s11+$0x70];
	v13 =	vpop (erf)  }
0xc0: {  	v44 =	vmul.f32 v44, v45;
	v22 =	vld [tilespmem:s1+$0x90];
	v33 =	vmul.f32 v13, v33  }
0xc1: {  	v57 =	vmul.f32 v48, v49;
	v23 =	vld [tilespmem:s1+$0x50];
	v31 =	vmul.f32 v31, v13  }
0xc2: {  	v59 =	vmul.f32 v39, v40;
	v21 =	vld [tilespmem:s1+$0xC0];
	v30 =	vmul.f32 v30, v13;
	[tilespmem:s1+$0x80] =	vst v33  }
0xc3: {  	v17 =	vld [tilespmem:s11+$0xFFFFFFF0];
	v63 =	vmul.f32 v14, v41;
	v50 =	vmul.f32 v15, v13;
	[tilespmem:s1+$0xF0] =	vst v31  }
0xc4: {  	v53 =	vadd.f32 $0.0e+00, v44;
	v18 =	vld [tilespmem:s11+$0xFFFFFFE0];
	v32 =	vmul.f32 v13, v61;
	v31 =	vmul.f32 v42, v43;
	[tilespmem:s1+$0xE0] =	vst v30  }
0xc5: {  	v36 =	vld [tilespmem:s11+$0xFFFFFFB0];
	v28 =	vmul.f32 v28, v13;
	v30 =	vmul.f32 v46, v47;
	[tilespmem:s1+$0xD0] =	vst v50;
	v15 =	vpop (erf)  }
0xc6: {  	s25 =	sor.u32 $0x80, s6;
	[tilespmem:s1+$0xA0] =	vst v32;
	v26 =	vmul.f32 v26, v15;
	v56 =	vmul.f32 v29, v15;
	v29 =	vld [tilespmem:s22+$0xFFFFFFB0];
	v31 =	vadd.f32 v31, v53  }
0xc7: {  	v34 =	vld [tilespmem:s11+$0xFFFFFFD0];
	v14 =	vmov s25;
	v21 =	vmul.f32 v21, v13;
	[tilespmem:s1+$0xB0] =	vst v28;
	v30 =	vadd.f32 $0.0e+00, v30  }
0xc8: {  	v61 =	vmul.f32 v13, v22;
	[tilespmem:s1+$0x60] =	vst v26;
	v26 =	vmul.f32 v15, v27;
	v27 =	vld [tilespmem:s22+$0xFFFFFFC0];
	v31 =	vadd.f32 v63, v31  }
0xc9: {  	v35 =	vld [tilespmem:s11+$0x60];
	v28 =	vmul.f32 v62, v52;
	[tilespmem:s1+$0xC0] =	vst v21;
	v30 =	vadd.f32 v57, v30  }
0xca: {  	v62 =	vld [tilespmem:s22+$0xFFFFFFD0];
	[tilespmem:s1+$0x90] =	vst v61;
	v23 =	vmul.f32 v23, v15;
	v63 =	vmul.f32 v54, v55;
	v31 =	vadd.f32 v59, v31  }
0xcb: {  	s9 =	simm.s32 $0x0;
	v22 =	vld [tilespmem:s22+$0x70];
	v24 =	vmul.f32 v24, v15;
	[tilespmem:s1+$0x0] =	vst v26;
	v26 =	vadd.f32 v28, v30;
	v28 =	vmul.f32 v36, v29  }
0xcc: {  	s5 =	sand.u32 $0x70, s9;
	v21 =	vld [tilespmem:s22+$0xFFFFFFE0];
	v20 =	vmul.f32 v15, v20;
	[tilespmem:s1+$0x50] =	vst v23;
	v30 =	vmul.f32 v38, v58;
	v29 =	vadd.f32 v63, v31  }
0xcd: {  	[tilespmem:s1+$0x40] =	vst v24;
	v23 =	vld.idx.msk [tilespmem:v14+s5+$0x0 ss:$0x1], $0xffff;
	v28 =	vadd.f32 v28, v26;
	v31 =	vmul.f32 v37, v27  }
0xce: {  	s13 =	simm.s32 $0x2;
	s6 =	simm.s32 $0x2;
	s8 =	simm.s32 $0x6C80;
	v24 =	vmul.f32 v25, v15;
	v25 =	vld [tilespmem:s22+$0xFFFFFFF0];
	[tilespmem:s1+$0x70] =	vst v56;
	v27 =	vadd.f32 v30, v29;
	v29 =	vmul.f32 v35, v60  }
0xcf: {  	s23 =	sand.u32 $0xE, s9;
	s10 =	sand.u32 $0xE, s6;
	s25 =	simm.s32 $0xFFFFFFFE;
	[tilespmem:s1+$0x10] =	vst v20;
	v26 =	vmul.f32 v15, v16;
	v16 =	vld [tilespmem:s8+$0x20];
	v30 =	vadd.f32 v31, v28;
	v28 =	vmul.f32 v34, v62  }
.LBB2_6:
0xd0: {  	v20 =	vld [tilespmem:s8+$0x10];
	v27 =	vadd.f32 v29, v27;
	v19 =	vmul.f32 v19, v22;
	[tilespmem:s1+$0x30] =	vst v24;
	s0 =	smov.u32 s6;
	s6 =	sadd.s32 $0x2, s6  }
0xd1: {  	s25 =	sadd.s32 $0x3, s25;
	s7 =	sand.u32 $0xE, s6;
	p1 =	slt.u32 s6, $0x4E;
	v22 =	vadd.f32 v28, v30;
	v18 =	vmul.f32 v18, v21;
	v21 =	vld [tilespmem:s8+$0x40];
	[tilespmem:s1+$0x20] =	vst v26  }
0xd2: {  	v24 =	vmov s25;
	s25 =	smov.u32 s9;
	s9 =	smov.u32 s0;
	v19 =	vadd.f32 v19, v27;
	v28 =	vld.idx.msk [tilespmem:v14+s5+$0x0 ss:$0x1], $0xffff  }
0xd3: {  	v18 =	vadd.f32 v18, v22;
	v17 =	vmul.f32 v17, v25;
	v22 =	vld [tilespmem:s8+$0x90];
	v25 =	vperm.xlane v23, v24  }
0xd4: {  	v23 =	vld [tilespmem:s8+$0x50];
	v26 =	vperm.xlane v19, v1  }
0xd5: {  	v17 =	vadd.f32 v17, v18;
	v24 =	vld [tilespmem:s8+$0x30];
	v18 =	vmov s23;
	v30 =	vand.u32 $0x7F, v25;
	s23 =	smov.u32 s10;
	s10 =	smov.u32 s7  }
0xd6: {  	v19 =	vadd.f32 v19, v26;
	v25 =	vld [tilespmem:s8+$0xC0];
	vm2 =	veq.s32 v30, v3;
	vm0 =	veq.s32 v30, v6  }
0xd7: {  	vm1 =	veq.s32 v30, v7;
	vm4 =	veq.s32 v30, v9;
	v29 =	vperm.xlane v17, v1;
	v26 =	vld [tilespmem:s8+$0x60]  }
0xd8: {  	vm3 =	veq.s32 v30, v8;
	v18 =	vperm.xlane v28, v18;
	v27 =	vld [tilespmem:s8+$0x0];
	v31 =	vperm.xlane v19, v2  }
0xd9: {  	v28 =	vnsel vm3, $0x0, v13;
	vm3 =	veq.s32 v30, v10;
	v17 =	vadd.f32 v17, v29;
	v29 =	vld [tilespmem:s8+$0xB0]  }
0xda: {  	v18 =	vand.u32 $0x7F, v18;
	v19 =	vadd.f32 v19, v31;
	v31 =	vld [tilespmem:s8+$0xD0];
	[tilespmem:s1+$0x28B0] =	vst v28;
	v28 =	vnsel vm4, $0x0, v13  }
0xdb: {  	vm4 =	veq.s32 v18, v3;
	vm5 =	veq.s32 v18, v6;
	v32 =	vperm.xlane v17, v2;
	v33 =	vld [tilespmem:s8+$0x70];
	[tilespmem:s1+$0x28C0] =	vst v28  }
0xdc: {  	vm6 =	veq.s32 v18, v7;
	vm7 =	veq.s32 v18, v8;
	v28 =	vperm.xlane v19, v4;
	v34 =	vld [tilespmem:s8+$0xE0]  }
0xdd: {  	v32 =	vadd.f32 v17, v32;
	v35 =	vld [tilespmem:s8+$0xF0];
	v17 =	vnsel vm6, $0x0, v15;
	vm6 =	veq.s32 v18, v9  }
0xde: {  	v28 =	vadd.f32 v19, v28;
	v36 =	vld [tilespmem:s8+$0xA0];
	[tilespmem:s1+$0x2820] =	vst v17;
	v19 =	vnsel vm7, $0x0, v15;
	v17 =	vnsel vm6, $0x0, v15  }
0xdf: {  	s11 =	sadd.s32 $0x100, s11;
	vm6 =	veq.s32 v18, v10;
	vm7 =	veq.s32 v18, v11;
	v37 =	vperm.xlane v32, v4;
	v38 =	vld [tilespmem:s8+$0x80];
	[tilespmem:s1+$0x2840] =	vst v17  }
0xe0: {  	v17 =	vld [tilespmem:s11+$0xFFFFFFF0];
	v39 =	vperm.xlane v28, v5;
	[tilespmem:s1+$0x2830] =	vst v19;
	v19 =	vnsel vm6, $0x0, v15;
	vm6 =	veq.s32 v18, v12  }
0xe1: {  	v18 =	vld [tilespmem:s11+$0xFFFFFFE0];
	v32 =	vadd.f32 v32, v37;
	[tilespmem:s1+$0x2850] =	vst v19;
	v37 =	vnsel vm7, $0x0, v15;
	v40 =	vnsel vm6, $0x0, v15  }
0xe2: {  	v41 =	vnsel vm4, $0x0, v15;
	v15 =	vnsel vm5, $0x0, v15;
	v19 =	vld [tilespmem:s11+$0x70];
	v39 =	vadd.f32 v28, v39;
	[tilespmem:s1+$0x2860] =	vst v37  }
0xe3: {  	vm4 =	veq.s32 v30, v11;
	vm5 =	veq.s32 v30, v12;
	v28 =	vld [tilespmem:s11+$0xFFFFFFD0];
	v37 =	vperm.xlane v32, v5;
	[tilespmem:s1+$0x2800] =	vst v41  }
0xe4: {  	v41 =	vnsel vm5, $0x0, v13;
	v30 =	vld [tilespmem:s11+$0x60];
	v39 =	vmul.f32 $8.838834610e-02, v39;
	[tilespmem:s1+$0x2810] =	vst v15;
	v15 =	vnsel vm3, $0x0, v13  }
0xe5: {  	v42 =	vld [tilespmem:s11+$0xFFFFFFC0];
	v32 =	vadd.f32 v32, v37;
	[tilespmem:s1+$0x2870] =	vst v40;
	v37 =	vnsel vm2, $0x0, v13;
	v40 =	vnsel vm4, $0x0, v13  }
0xe6: {  	v44 =	vnsel vm0, $0x0, v13;
	v13 =	vnsel vm1, $0x0, v13;
	v43 =	vld [tilespmem:s11+$0x50];
	v39 =	vmul.f32 $1.442695020e+00, v39;
	[tilespmem:s1+$0x28E0] =	vst v40  }
0xe7: {  	v40 =	vld [tilespmem:s11+$0xFFFFFFB0];
	v32 =	vmul.f32 $8.838834610e-02, v32;
	[tilespmem:s1+$0x28F0] =	vst v41  }
0xe8: {  	s22 =	sadd.s32 $0x100, s22;
	v41 =	vld [tilespmem:s11+$0x30];
	(erf) = vpow2.f32 v39;
	[tilespmem:s1+$0x28D0] =	vst v15  }
0xe9: {  	v39 =	vld [tilespmem:s22+$0x30];
	v15 =	vmul.f32 $1.442695020e+00, v32;
	[tilespmem:s1+$0x2890] =	vst v44  }
0xea: {  	v32 =	vld [tilespmem:s11+$0x20];
	[tilespmem:s1+$0x2880] =	vst v37  }
0xeb: {  	v37 =	vld [tilespmem:s22+$0x20];
	(erf) = vpow2.f32 v15;
	[tilespmem:s1+$0x28A0] =	vst v13;
	s1 =	smov.u32 s8  }
0xec: {  	v15 =	vld [tilespmem:s11+$0x10]  }
0xed: {  	v44 =	vld [tilespmem:s22+$0x10]  }
0xee: {  	v45 =	vld [tilespmem:s11+$0x0]  }
0xef: {  	v46 =	vld [tilespmem:s22+$0x0]  }
0xf0: {  	v47 =	vld [tilespmem:s11+$0xFFFFFF80];
	v32 =	vmul.f32 v32, v37  }
0xf1: {  	v37 =	vld [tilespmem:s22+$0xFFFFFF80];
	v13 =	vpop (erf)  }
0xf2: {  	v48 =	vld [tilespmem:s11+$0xFFFFFF90];
	v44 =	vmul.f32 v15, v44;
	v50 =	vmul.f32 v13, v38  }
0xf3: {  	v36 =	vmul.f32 v13, v36;
	v35 =	vmul.f32 v35, v13;
	v38 =	vld [tilespmem:s22+$0xFFFFFF90]  }
0xf4: {  	v34 =	vmul.f32 v34, v13;
	v49 =	vld [tilespmem:s11+$0xFFFFFFA0];
	v45 =	vmul.f32 v45, v46;
	[tilespmem:s8+$0x80] =	vst v50;
	v15 =	vpop (erf)  }
0xf5: {  	v31 =	vmul.f32 v31, v13;
	v46 =	vld [tilespmem:s22+$0xFFFFFFA0];
	v33 =	vmul.f32 v33, v15;
	[tilespmem:s8+$0xF0] =	vst v35  }
0xf6: {  	v29 =	vmul.f32 v29, v13;
	v35 =	vmul.f32 v47, v37;
	v37 =	vadd.f32 $0.0e+00, v45;
	v45 =	vld [tilespmem:s11+$0x40];
	[tilespmem:s8+$0xE0] =	vst v34  }
0xf7: {  	v27 =	vmul.f32 v15, v27;
	v26 =	vmul.f32 v26, v15;
	v34 =	vld [tilespmem:s22+$0x40];
	[tilespmem:s8+$0xD0] =	vst v31  }
0xf8: {  	v25 =	vmul.f32 v25, v13;
	v31 =	vadd.f32 $0.0e+00, v35;
	v35 =	vld [tilespmem:s22+$0xFFFFFFB0];
	v37 =	vadd.f32 v44, v37;
	[tilespmem:s8+$0xA0] =	vst v36  }
0xf9: {  	v24 =	vmul.f32 v24, v15;
	v36 =	vmul.f32 v48, v38;
	v38 =	vld [tilespmem:s22+$0x50];
	[tilespmem:s8+$0x60] =	vst v26  }
0xfa: {  	v26 =	vmul.f32 v49, v46;
	v44 =	vld [tilespmem:s22+$0xFFFFFFC0];
	v32 =	vadd.f32 v32, v37;
	v37 =	vmul.f32 v41, v39;
	[tilespmem:s8+$0xB0] =	vst v29  }
0xfb: {  	v23 =	vmul.f32 v23, v15;
	v29 =	vadd.f32 v36, v31;
	v36 =	vmul.f32 v13, v22;
	v31 =	vld [tilespmem:s22+$0x60];
	[tilespmem:s8+$0xC0] =	vst v25  }
0xfc: {  	v39 =	vld [tilespmem:s22+$0xFFFFFFD0];
	v25 =	vadd.f32 v37, v32;
	v32 =	vmul.f32 v45, v34;
	[tilespmem:s8+$0x0] =	vst v27;
	v27 =	vmul.f32 v21, v15  }
.Ltmp1:
0xfd: {  	v20 =	vmul.f32 v15, v20;
	v26 =	vadd.f32 v26, v29;
	v29 =	vmul.f32 v40, v35;
	v22 =	vld [tilespmem:s22+$0x70];
	[tilespmem:s8+$0x50] =	vst v23;
	(pc) =	sbr.rel @p1 .LBB2_6-.Ltmp1, $4  }
0xfe: {  	s5 =	sand.u32 $0x70, s13;
	s13 =	smov.u32 s6;
	v21 =	vld [tilespmem:s22+$0xFFFFFFE0];
	v32 =	vadd.f32 v32, v25;
	v34 =	vmul.f32 v43, v38;
	[tilespmem:s8+$0x90] =	vst v36  }
0xff: {  	v35 =	vadd.f32 v29, v26;
	v36 =	vmul.f32 v42, v44;
	[tilespmem:s8+$0x40] =	vst v27;
	v23 =	vld.idx.msk [tilespmem:v14+s5+$0x0 ss:$0x1], $0xffff  }
0x100: {  	v26 =	vmul.f32 v15, v16;
	s8 =	sadd.s32 $0x100, s8;
	v25 =	vld [tilespmem:s22+$0xFFFFFFF0];
	v27 =	vadd.f32 v34, v32;
	v29 =	vmul.f32 v30, v31;
	[tilespmem:s1+$0x70] =	vst v33  }
0x101: {  	v30 =	vadd.f32 v36, v35;
	v28 =	vmul.f32 v28, v39;
	v16 =	vld [tilespmem:s8+$0x20];
	[tilespmem:s1+$0x10] =	vst v20  }
0x102: {  	v20 =	vadd.f32 v29, v27;
	v19 =	vmul.f32 v19, v22;
	_ =	sdelay $0x1  }
0x103: {  	v19 =	vadd.f32 v19, v20;
	_ =	sdelay $0x1  }
0x104: {  	v53 =	vperm.xlane v19, v1;
	_ =	sdelay $0x1  }
0x105: {  	v52 =	vadd.f32 v28, v30;
	v18 =	vmul.f32 v18, v21;
	v19 =	vadd.f32 v19, v53;
	_ =	sdelay $0x1  }
0x106: {  	v18 =	vadd.f32 v18, v52;
	v17 =	vmul.f32 v17, v25;
	v54 =	vperm.xlane v19, v2;
	_ =	sdelay $0x1  }
0x107: {  	v17 =	vadd.f32 v17, v18;
	v18 =	vadd.f32 v19, v54;
	_ =	sdelay $0x1  }
0x108: {  	v55 =	vperm.xlane v17, v1;
	v19 =	vperm.xlane v18, v4;
	_ =	sdelay $0x1  }
0x109: {  	v17 =	vadd.f32 v17, v55;
	v18 =	vadd.f32 v18, v19;
	_ =	sdelay $0x1  }
0x10a: {  	v20 =	vperm.xlane v17, v2;
	v19 =	vperm.xlane v18, v5;
	_ =	sdelay $0x1  }
0x10b: {  	v17 =	vadd.f32 v17, v20;
	v18 =	vadd.f32 v18, v19;
	_ =	sdelay $0x1  }
0x10c: {  	[tilespmem:s1+$0x30] =	vst v24;
	v20 =	vperm.xlane v17, v4;
	v18 =	vmul.f32 $8.838834610e-02, v18  }
0x10d: {  	[tilespmem:s1+$0x20] =	vst v26;
	s0 =	sadd.s32 $0x3, s25  }
0x10e: {  	v56 =	vld.idx.msk [tilespmem:v14+s5+$0x0 ss:$0x1], $0xffff;
	v57 =	vmov s0;
	v17 =	vadd.f32 v17, v20;
	v18 =	vmul.f32 $1.442695020e+00, v18  }
0x10f: {  	v21 =	vperm.xlane v23, v57  }
0x110: {  	v20 =	vperm.xlane v17, v5;
	(erf) = vpow2.f32 v18  }
0x111: {  	v59 =	vand.u32 $0x7F, v21  }
0x112: {  	v58 =	vmov s23;
	vm1 =	veq.s32 v59, v8;
	v17 =	vadd.f32 v17, v20  }
0x113: {  	vm0 =	veq.s32 v59, v9;
	v62 =	vnsel vm1, $0x0, v13;
	v19 =	vperm.xlane v56, v58  }
0x114: {  	vm2 =	veq.s32 v59, v12;
	v31 =	vnsel vm0, $0x0, v13;
	[tilespmem:s1+$0x28B0] =	vst v62;
	v17 =	vmul.f32 $8.838834610e-02, v17  }
0x115: {  	v33 =	vld [tilespmem:s8+$0x80];
	vm9 =	veq.s32 v59, v10;
	v57 =	vnsel vm2, $0x0, v13;
	[tilespmem:s1+$0x28C0] =	vst v31;
	v19 =	vand.u32 $0x7F, v19  }
0x116: {  	v34 =	vld [tilespmem:s8+$0xF0];
	[tilespmem:s1+$0x28F0] =	vst v57;
	v58 =	vnsel vm9, $0x0, v13;
	vm11 =	veq.s32 v19, v7;
	v17 =	vmul.f32 $1.442695020e+00, v17  }
0x117: {  	v36 =	vld [tilespmem:s8+$0xE0];
	[tilespmem:s1+$0x28D0] =	vst v58;
	vm12 =	veq.s32 v19, v9;
	v32 =	vnsel vm11, $0x0, v15  }
0x118: {  	v38 =	vld [tilespmem:s8+$0xD0];
	vm13 =	veq.s32 v19, v8;
	v35 =	vnsel vm12, $0x0, v15;
	[tilespmem:s1+$0x2820] =	vst v32;
	(erf) = vpow2.f32 v17  }
0x119: {  	v40 =	vld [tilespmem:s8+$0xA0];
	vm14 =	veq.s32 v19, v10;
	v37 =	vnsel vm13, $0x0, v15;
	[tilespmem:s1+$0x2840] =	vst v35;
	v42 =	vpop (erf)  }
0x11a: {  	v45 =	vld [tilespmem:s8+$0xB0];
	v39 =	vnsel vm14, $0x0, v15;
	[tilespmem:s1+$0x2830] =	vst v37;
	v24 =	vmul.f32 v42, v33  }
0x11b: {  	v63 =	vld [tilespmem:s8+$0xC0];
	[tilespmem:s1+$0x2850] =	vst v39;
	v17 =	vmul.f32 v34, v42  }
0x11c: {  	v61 =	vld [tilespmem:s8+$0x90];
	v47 =	vmul.f32 v36, v42;
	[tilespmem:s8+$0x80] =	vst v24  }
0x11d: {  	v43 =	vld [tilespmem:s8+$0x60];
	v22 =	vmul.f32 v38, v42;
	[tilespmem:s8+$0xF0] =	vst v17  }
0x11e: {  	v48 =	vld [tilespmem:s8+$0x0];
	v27 =	vmul.f32 v42, v40;
	[tilespmem:s8+$0xE0] =	vst v47  }
0x11f: {  	v49 =	vld [tilespmem:s8+$0x50];
	v26 =	vmul.f32 v45, v42;
	[tilespmem:s8+$0xD0] =	vst v22  }
0x120: {  	v46 =	vld [tilespmem:s8+$0x40];
	v23 =	vmul.f32 v63, v42;
	[tilespmem:s8+$0xA0] =	vst v27  }
0x121: {  	v51 =	vld [tilespmem:s8+$0x70];
	v21 =	vmul.f32 v42, v61;
	v31 =	vpop (erf);
	[tilespmem:s8+$0xB0] =	vst v26  }
0x122: {  	v60 =	vld [tilespmem:s8+$0x10];
	[tilespmem:s8+$0xC0] =	vst v23;
	v29 =	vmul.f32 v43, v31  }
0x123: {  	v50 =	vld [tilespmem:s8+$0x30];
	[tilespmem:s8+$0x90] =	vst v21;
	v25 =	vmul.f32 v31, v48  }
0x124: {  	v17 =	vmul.f32 v49, v31;
	[tilespmem:s8+$0x60] =	vst v29  }
0x125: {  	v52 =	vmul.f32 v46, v31;
	[tilespmem:s8+$0x0] =	vst v25  }
0x126: {  	v53 =	vmul.f32 v51, v31;
	[tilespmem:s8+$0x50] =	vst v17  }
0x127: {  	v20 =	vmul.f32 v31, v60;
	[tilespmem:s8+$0x40] =	vst v52  }
0x128: {  	v54 =	vmul.f32 v50, v31;
	[tilespmem:s8+$0x70] =	vst v53  }
0x129: {  	s23 =	sand.u32 $0x70, s13;
	vm7 =	veq.s32 v59, v11;
	v16 =	vmul.f32 v31, v16;
	[tilespmem:s8+$0x10] =	vst v20  }
0x12a: {  	vm15 =	veq.s32 v19, v11;
	vm4 =	veq.s32 v19, v3;
	v55 =	vld.idx.msk [tilespmem:v14+s23+$0x0 ss:$0x1], $0xffff;
	[tilespmem:s8+$0x30] =	vst v54  }
0x12b: {  	vm5 =	veq.s32 v19, v6;
	vm6 =	veq.s32 v19, v12;
	v41 =	vnsel vm15, $0x0, v15;
	[tilespmem:s8+$0x20] =	vst v16  }
0x12c: {  	v44 =	vnsel vm4, $0x0, v15;
	v56 =	vnsel vm5, $0x0, v15;
	v15 =	vnsel vm6, $0x0, v15;
	[tilespmem:s1+$0x2860] =	vst v41;
	v14 =	vld.idx.msk [tilespmem:v14+s23+$0x0 ss:$0x1], $0xffff  }
0x12d: {  	s25 =	sadd.s32 $0x3, s9;
	[tilespmem:s1+$0x2870] =	vst v15;
	v15 =	vnsel vm7, $0x0, v13  }
0x12e: {  	[tilespmem:s1+$0x28E0] =	vst v15;
	v15 =	vmov s25  }
0x12f: {  	vm8 =	veq.s32 v59, v3;
	vm10 =	veq.s32 v59, v6;
	[tilespmem:s1+$0x2800] =	vst v44;
	v15 =	vperm.xlane v55, v15  }
0x130: {  	vm11 =	veq.s32 v59, v7;
	v59 =	vnsel vm10, $0x0, v13;
	[tilespmem:s1+$0x2810] =	vst v56;
	v60 =	vmov s10  }
0x131: {  	[tilespmem:s1+$0x2890] =	vst v59;
	v61 =	vnsel vm8, $0x0, v13;
	v15 =	vand.u32 $0x7F, v15;
	v14 =	vperm.xlane v14, v60  }
0x132: {  	v13 =	vnsel vm11, $0x0, v13;
	[tilespmem:s1+$0x2880] =	vst v61;
	vm12 =	veq.s32 v15, v8  }
0x133: {  	[tilespmem:s1+$0x28A0] =	vst v13;
	vm13 =	veq.s32 v15, v9;
	v13 =	vnsel vm12, $0x0, v42;
	v14 =	vand.u32 $0x7F, v14  }
0x134: {  	[tilespmem:s8+$0x28B0] =	vst v13;
	v13 =	vnsel vm13, $0x0, v42;
	vm14 =	veq.s32 v14, v7  }
0x135: {  	[tilespmem:s8+$0x28C0] =	vst v13;
	vm4 =	veq.s32 v14, v8;
	v13 =	vnsel vm14, $0x0, v31  }
0x136: {  	vm15 =	veq.s32 v14, v9;
	vm7 =	veq.s32 v14, v3;
	v62 =	vnsel vm4, $0x0, v31;
	[tilespmem:s8+$0x2820] =	vst v13  }
0x137: {  	vm5 =	veq.s32 v14, v10;
	vm9 =	veq.s32 v14, v12;
	v63 =	vnsel vm7, $0x0, v31;
	[tilespmem:s8+$0x2830] =	vst v62  }
0x138: {  	vm6 =	veq.s32 v14, v11;
	vm8 =	veq.s32 v14, v6;
	v14 =	vnsel vm9, $0x0, v31;
	[tilespmem:s8+$0x2800] =	vst v63  }
0x139: {  	vm11 =	veq.s32 v15, v12;
	v13 =	vnsel vm15, $0x0, v31;
	[tilespmem:s8+$0x2870] =	vst v14  }
0x13a: {  	v14 =	vnsel vm11, $0x0, v42;
	[tilespmem:s8+$0x2840] =	vst v13  }
0x13b: {  	vm13 =	veq.s32 v15, v6;
	v13 =	vnsel vm5, $0x0, v31;
	[tilespmem:s8+$0x28F0] =	vst v14  }
0x13c: {  	v14 =	vnsel vm13, $0x0, v42;
	[tilespmem:s8+$0x2850] =	vst v13  }
0x13d: {  	vm15 =	veq.s32 v15, v7;
	v13 =	vnsel vm6, $0x0, v31;
	[tilespmem:s8+$0x2890] =	vst v14  }
0x13e: {  	v14 =	vnsel vm15, $0x0, v42;
	[tilespmem:s8+$0x2860] =	vst v13  }
0x13f: {  	vm10 =	veq.s32 v15, v11;
	v13 =	vnsel vm8, $0x0, v31;
	[tilespmem:s8+$0x28A0] =	vst v14  }
0x140: {  	vm12 =	veq.s32 v15, v10;
	[tilespmem:s8+$0x2810] =	vst v13;
	v13 =	vnsel vm10, $0x0, v42  }
0x141: {  	s16 =	sadd.s32 $0x1, s16;
	vm14 =	veq.s32 v15, v3;
	[tilespmem:s8+$0x28E0] =	vst v13;
	v13 =	vnsel vm12, $0x0, v42  }
0x142: {  	p1 =	sne.s32 s16, $0x19;
	[tilespmem:s8+$0x28D0] =	vst v13;
	v13 =	vnsel vm14, $0x0, v42  }
.Ltmp2:
0x143: {  	[tilespmem:s8+$0x2880] =	vst v13;
	(pc) =	sbr.rel @p1 .LBB2_5-.Ltmp2, $4  }
0x144: {  	[spmem:s4] =	stream.indirect.scatter.add.f32 [tilespmem:s14], [sflag:$0x4], $0x80, s31, s30, $0xb8;
	[tilespmem:$0x1F700] =	vst v63  }
0x145: {  	_ =	swait.ge [sflag:s15], $0x5000  }
0x146: {  	[sflag:s15] =	ssyncset.done $0x0  }
0x147: {  	[sflag:s15] =	ssyncadd.s32 $0xFFFFB000  }
0x148: {  	s3 =	sadd.s32 $0x1, s3  }
0x149: {  	p1 =	sne.s32 s3, $0x5  }
.Ltmp3:
0x14a: {  	_ = 	snop;
	(pc) =	sbr.rel @p1 .LBB2_4-.Ltmp3, $1  }
0x14b: {  	_ =	sdelay $0x3  }
0x14c: {  	s0 =	stileid.u32;
	[bflag:$0x0] =	sbarrier.arrive $0xFFFF  }
0x14d: {  	s0 =	sshll.u32 s0, $0x6;
	s9 =	rddreg [dreg:$0x6]  }
0x14e: {  	s3 =	rddreg [dreg:$0xd];
	s0 =	sor.u32 $0x1C04, s0;
	s1 =	sshrl.u32 s9, $0x3  }
0x14f: {  	[hbm:s3], [sflag:s0] =	dma.local [spmem:s1], $0x2700  }
0x150: {  	_ =	swait.ge [sflag:s15], $0x2700  }
0x151: {  	[sflag:s15] =	ssyncset.done $0x0;
	s1 =	rddreg [dreg:$0xe]  }
0x152: {  	s3 =	rddreg [dreg:$0xf];
	[sflag:s15] =	ssyncadd.s32 $0xFFFFD900  }
0x153: {  	[hbm:s1], [sflag:s0] =	dma.local @!p0 [spmem:s3], $0x80  }
0x154: {  	s0 =	simm.s32 @!p0 $0x4  }
0x155: {  	_ =	swait.ge @!p0 [sflag:s0], $0x80  }
0x156: {  	s8 =	rddreg [dreg:$0x5]  }
0x157: {  	s25 =	rddreg [dreg:$0xc];
	s8 =	sadd.s32 $0x1, s8  }
0x158: {  	p1 =	sne.s32 s8, s25  }
.Ltmp4:
0x159: {  	_ = 	snop;
	(pc) =	sbr.rel @p1 .LBB2_1-.Ltmp4, $3  }
0x15a: {  	_ =	sdelay $0x1  }
0x15b: {  	[sflag:s0] =	ssyncset.done @!p0 $0x0  }
0x15c: {  	[sflag:s0] =	ssyncadd.s32 @!p0 $0xFFFFFF80  }
0x15d: {  	_ =	sfence.sel $0x180000  }
0x15e: {  	[bflag:$0x0] =	sbarrier.arrive $0xFFFF  }
0x15f: {  	_ =	strace $0x90000047  }
0x160: {  	s0 =	stileid.u32;
	[bflag:$0x2] =	sbarrier.arrive $0xFFFF  }
0x161: {  	p0 =	sne.s32 s0, $0x0;
	s0 =	rddreg [dreg:$0x4]  }
0x162: {  	s0 =	sadd.s32 @!p0 $0x100000, s0  }
0x163: {  	[sflag:s0] =	ssyncadd.tile.s32 @!p0 $0x1;
	_ =	shalt  }
.Lfunc_end2:
_tile_overlayer_lowered:
.L_overlay_start_2:
0x164: {  	(tag) =	ssettag $0x2  }
0x165: {  	s0 =	rddreg [dreg:$0x0];
	s2 =	stileid.u32  }
0x166: {  	s1 =	rddreg [dreg:$0x1];
	p0 =	sne.s32 s2, $0x0  }
0x167: {  	s3 =	rddreg [dreg:$0x2];
	[bflag:$0x3] =	sbarrier.arrive $0xFFFF;
	s2 =	simm.s32 @!p0 $0x1C04  }
0x168: {  	[timem:s3], [sflag:s2] =	dma.local @!p0 [hbm:s0], s1  }
0x169: {  	s0 =	simm.s32 @!p0 $0x4  }
0x16a: {  	_ =	swait.ge @!p0 [sflag:s0], s1  }
0x16b: {  	s1 =	ssub.s32 @!p0 $0x0, s1;
	[sflag:s0] =	ssyncset.done @!p0 $0x0  }
0x16c: {  	[sflag:s0] =	ssyncadd.s32 @!p0 s1  }
0x16d: {  	[bflag:$0x3] =	sbarrier.arrive $0xFFFF  }
0x16e: {  	_ =	shalt  }

</sc_bundles>
